<compile_context>
chip_gen: v7x
topology: tpu7x:2x2x1
jax: 0.10.2.dev20260603
libtpu: 0.0.44.dev20260713+nightly
codegen_flags: <defaults>
</compile_context>

<pallas_src>
import functools

import jax
import jax.numpy as jnp
from jax import lax
from jax.experimental import pallas as pl
from jax.experimental.pallas import tpu as pltpu
from jax.experimental.pallas import tpu_sc as plsc

_TEMP_INV = 1.0 / 2.5
_K = 10
_ROWS = 64
_COLS = 32768
_LANES = 16
_GROUP = 16
_NGROUPS = _COLS // (_LANES * _GROUP)
_NWORK = 32
_ROWS_PER = _ROWS // _NWORK


def _scalar0(x):
    return lax.squeeze(lax.slice(x, (0,), (1,)), dimensions=(0,))


def _tree(x, lane, op):
    for sh in (8, 4, 2, 1):
        x = op(x, jnp.take(x, lane ^ sh))
    return x


def _bsort_asc(x, lane):
    for lk in (1, 2, 3, 4):
        for lj in range(lk - 1, -1, -1):
            j = 1 << lj
            p = jnp.take(x, lane ^ j)
            lo = jnp.minimum(x, p)
            hi = jnp.maximum(x, p)
            m = ((lane >> lk) ^ (lane >> lj)) & 1
            x = jnp.where(m == 0, lo, hi)
    return x


def _bmerge_asc(x, lane):
    for j in (8, 4, 2, 1):
        p = jnp.take(x, lane ^ j)
        lo = jnp.minimum(x, p)
        hi = jnp.maximum(x, p)
        x = jnp.where((lane & j) == 0, lo, hi)
    return x


def _colmax16(vs, lane):
    d = 1
    while len(vs) > 1:
        nvs = []
        for i in range(0, len(vs), 2):
            a, b = vs[i], vs[i + 1]
            ra = jnp.maximum(a, jnp.take(a, lane ^ d))
            rb = jnp.maximum(b, jnp.take(b, lane ^ d))
            nvs.append(jnp.where((lane & d) == 0, ra, rb))
        vs = nvs
        d *= 2
    return vs[0]


_mesh = plsc.VectorSubcoreMesh(core_axis_name="c", subcore_axis_name="s")


@functools.partial(
    pl.kernel,
    mesh=_mesh,
    out_type=jax.ShapeDtypeStruct((_ROWS, _LANES), jnp.float32),
    scratch_types=[
        pltpu.VMEM((_ROWS_PER, _COLS), jnp.float32),
        pltpu.VMEM((_ROWS_PER * _NGROUPS * _LANES,), jnp.float32),
        pltpu.VMEM((_LANES,), jnp.float32),
        pltpu.VMEM((_ROWS_PER, _LANES), jnp.float32),
        pltpu.SemaphoreType.DMA,
        pltpu.SemaphoreType.DMA,
    ],
)
def _sc_topk(s_hbm, out_hbm, rows_v, gmax_buf, top_ref, out_v, sem0, sem1):
    wid = lax.axis_index("s") * 2 + lax.axis_index("c")
    cps = [pltpu.make_async_copy(
        s_hbm.at[pl.ds(wid * _ROWS_PER + r, 1)],
        rows_v.at[pl.ds(r, 1)], sem)
        for r, sem in ((0, sem0), (1, sem1))]
    for cp in cps:
        cp.start()

    lane = lax.iota(jnp.int32, _LANES)
    neg_inf_v = jnp.full((_LANES,), -jnp.inf, jnp.float32)

    _NCH = 4

    def p1_row(r):
        def p1_body(g, gall):
            base = g * (_GROUP * _LANES)
            gms = [None] * _NCH
            for jj in range(_GROUP):
                c = jj % _NCH
                v = rows_v[r, pl.ds(base + jj * _LANES, _LANES)]
                gms[c] = v if gms[c] is None else jnp.maximum(gms[c], v)
            gmax_g = jnp.maximum(jnp.maximum(gms[0], gms[1]),
                                 jnp.maximum(gms[2], gms[3]))
            gmax_buf[pl.ds(r * (_NGROUPS * _LANES) + g * _LANES, _LANES)] \
                = gmax_g
            return jnp.maximum(gall, gmax_g)

        return lax.fori_loop(0, _NGROUPS, p1_body, neg_inf_v)

    for r in range(_ROWS_PER):
        cps[r].wait()
        gall = p1_row(r)

        gall_sorted = _bsort_asc(gall, lane)
        t0 = _scalar0(lax.slice(gall_sorted, (_LANES - _K,),
                                (_LANES - _K + 1,)))

        top_ref[...] = neg_inf_v
        lane_bit = jnp.left_shift(jnp.int32(1), lane)

        def merge_chunk(v):
            v_desc = lax.rev(_bsort_asc(v, lane), (0,))
            cand = jnp.maximum(top_ref[...], v_desc)
            top_ref[...] = _bmerge_asc(cand, lane)

        def bitmask_ge(vecs):
            cm = _colmax16(vecs, lane)
            bits = jnp.where(cm >= t0, lane_bit, jnp.int32(0))
            return _scalar0(_tree(bits, lane, jnp.bitwise_or))

        def p2_super(s, c):
            gbase = s * (_GROUP * _LANES * _LANES)
            gms = [gmax_buf[pl.ds(r * (_NGROUPS * _LANES)
                                  + s * (_LANES * _LANES) + j * _LANES,
                                  _LANES)] for j in range(_LANES)]
            gbm = bitmask_ge(gms)

            @pl.when(gbm != 0)
            def _():
                def g_body(j, cc):
                    @pl.when(((gbm >> j) & 1) != 0)
                    def _():
                        cbase = gbase + j * (_GROUP * _LANES)
                        vs = [rows_v[r, pl.ds(cbase + jj * _LANES, _LANES)]
                              for jj in range(_GROUP)]
                        cbm = bitmask_ge(vs)

                        def c_body(jj, ccc):
                            @pl.when(((cbm >> jj) & 1) != 0)
                            def _():
                                merge_chunk(
                                    rows_v[r, pl.ds(cbase + jj * _LANES,
                                                    _LANES)])
                            return ccc

                        lax.fori_loop(0, _GROUP, c_body, 0)
                    return cc

                lax.fori_loop(0, _LANES, g_body, 0)

            return c

        lax.fori_loop(0, _NGROUPS // _LANES, p2_super, 0)

        out_v[r, :] = top_ref[...]

    pltpu.sync_copy(out_v, out_hbm.at[pl.ds(wid * _ROWS_PER, _ROWS_PER)])


def _row_sums_body(x_ref, o_ref):
    x = x_ref[...]
    sig = 1.0 / (1.0 + jnp.exp(x * (-_TEMP_INV)))
    o_ref[...] = jnp.sum(sig, axis=1, keepdims=True)


def _loss_body(top_ref, sums_ref, o_ref):
    top = top_ref[...][:, _LANES - _K:]
    sig_top = 1.0 / (1.0 + jnp.exp(top * (-_TEMP_INV)))
    stk = jnp.sum(sig_top, axis=1, keepdims=True) / sums_ref[...]
    t = stk * jnp.log(stk + 1e-10)
    o_ref[...] = jnp.reshape(-jnp.sum(t) / _ROWS, (1, 1))


def kernel(S):
    sums = pl.pallas_call(
        _row_sums_body,
        out_shape=jax.ShapeDtypeStruct((_ROWS, 1), jnp.float32),
    )(S)
    top = _sc_topk(S)
    loss = pl.pallas_call(
        _loss_body,
        out_shape=jax.ShapeDtypeStruct((1, 1), jnp.float32),
    )(top, sums)
    return loss[0, 0]

# --- scband reference (transcript-rebuilt; emitter-appended) ---
"""Pipeline reference for scband-ttacont-27127013441911 (READ-ONLY COPY).

The authoritative reference and input builder live on the scoring server;
editing this copy changes nothing except your own understanding.
"""

import jax, jax.numpy as jnp
import numpy as np

K = 10
TEMPERATURE = 2.5

def setup_inputs(seed: int = 0):
    key = jax.random.key(seed)
    S = jax.random.normal(key, (64, 32768), dtype=jnp.float32)
    return {"S": S}

def reference(S):
    # sigmoid with temperature
    Ssig = 1.0 / (1.0 + jnp.exp(-S / TEMPERATURE))
    # row-normalize
    S_soft = Ssig / jnp.sum(Ssig, axis=1, keepdims=True)
    # ascending sort along candidate axis
    S_sorted = jnp.sort(S_soft, axis=1)
    # sum of top-k (largest k values are at the end after ascending sort)
    sum_top_k = jnp.sum(S_sorted[:, -K:], axis=1)
    epsilon = 1e-10
    loss = -jnp.mean(sum_top_k * jnp.log(sum_top_k + epsilon))
    return loss

if __name__ == "__main__":
    import jax
    _d = setup_inputs()
    print(jax.jit(kernel)(*tuple(_d.values())))

</pallas_src>

<mosaic_0001>
#map = affine_map<(d0, d1) -> (0, 0)>
module attributes {stable_mosaic.version = 14 : i64} {
  func.func @_sc_topk(%arg0: i32, %arg1: i32, %arg2: memref<64x32768xf32, #tpu.memory_space<hbm>>, %arg3: memref<64x16xf32, #tpu.memory_space<hbm>>, %arg4: memref<2x32768xf32, #tpu.memory_space<vmem>>, %arg5: memref<4096xf32, #tpu.memory_space<vmem>>, %arg6: memref<16xf32, #tpu.memory_space<vmem>>, %arg7: memref<2x16xf32, #tpu.memory_space<vmem>>, %arg8: memref<!tpu.dma_semaphore, #tpu.memory_space<semaphore_mem>>, %arg9: memref<!tpu.dma_semaphore, #tpu.memory_space<semaphore_mem>>) attributes {dimension_semantics = [#tpu.dimension_semantics<core_parallel>, #tpu.dimension_semantics<subcore_parallel>], iteration_bounds = array<i64: 2, 16>, scalar_prefetch = 0 : i64, scratch_operands = 6 : i64, tpu.core_type = #tpu.core_type<sc_vector_subcore>, window_params = [{transform_indices = #map}, {transform_indices = #map}]} {
    %mul3A = arith.constant 2 : i32
    %mul3A_0 = arith.muli %arg1, %mul3A : i32
    %add3A = arith.addi %mul3A_0, %arg0 : i32
    %mul3A_1 = arith.constant 2 : i32
    %mul3A_2 = arith.muli %add3A, %mul3A_1 : i32
    %add3A_3 = arith.constant 0 : i32
    %add3A_4 = arith.addi %mul3A_2, %add3A_3 : i32
    %mul3A_5 = arith.constant 2 : i32
    %mul3A_6 = arith.muli %add3A, %mul3A_5 : i32
    %add3A_7 = arith.constant 1 : i32
    %add3A_8 = arith.addi %mul3A_6, %add3A_7 : i32
    %dma_start3A = arith.constant 0 : i32
    %dma_start3A_9 = arith.constant 0 : i32
    %dma_start3A_10 = tpu.memref_slice %arg4[%dma_start3A, %dma_start3A_9] : memref<2x32768xf32, #tpu.memory_space<vmem>> -> memref<1x32768xf32, #tpu.memory_space<vmem>>
    %dma_start3A_11 = arith.constant 0 : i32
    %dma_start3A_12 = tpu.memref_slice %arg2[%add3A_4, %dma_start3A_11] : memref<64x32768xf32, #tpu.memory_space<hbm>> -> memref<1x32768xf32, #tpu.memory_space<hbm>>
    %dma_start3A_13 = arith.constant 0 : i32
    %dma_start3A_14 = arith.constant 0 : i32
    %dma_start3A_15 = tpu.memref_slice %arg4[%dma_start3A_13, %dma_start3A_14] : memref<2x32768xf32, #tpu.memory_space<vmem>> -> memref<1x32768xf32, #tpu.memory_space<vmem>>
    %dma_start3A_16 = arith.constant 0 : i32
    %dma_start3A_17 = tpu.memref_slice %arg2[%add3A_4, %dma_start3A_16] : memref<64x32768xf32, #tpu.memory_space<hbm>> -> memref<1x32768xf32, #tpu.memory_space<hbm>>
    tpu.enqueue_dma source(%dma_start3A_17 : memref<1x32768xf32, #tpu.memory_space<hbm>>) target(%dma_start3A_15 : memref<1x32768xf32, #tpu.memory_space<vmem>>) target_semaphore(%arg8 : memref<!tpu.dma_semaphore, #tpu.memory_space<semaphore_mem>>)
    %dma_start3A_18 = arith.constant 1 : i32
    %dma_start3A_19 = arith.constant 0 : i32
    %dma_start3A_20 = tpu.memref_slice %arg4[%dma_start3A_18, %dma_start3A_19] : memref<2x32768xf32, #tpu.memory_space<vmem>> -> memref<1x32768xf32, #tpu.memory_space<vmem>>
    %dma_start3A_21 = arith.constant 0 : i32
    %dma_start3A_22 = tpu.memref_slice %arg2[%add3A_8, %dma_start3A_21] : memref<64x32768xf32, #tpu.memory_space<hbm>> -> memref<1x32768xf32, #tpu.memory_space<hbm>>
    %dma_start3A_23 = arith.constant 1 : i32
    %dma_start3A_24 = arith.constant 0 : i32
    %dma_start3A_25 = tpu.memref_slice %arg4[%dma_start3A_23, %dma_start3A_24] : memref<2x32768xf32, #tpu.memory_space<vmem>> -> memref<1x32768xf32, #tpu.memory_space<vmem>>
    %dma_start3A_26 = arith.constant 0 : i32
    %dma_start3A_27 = tpu.memref_slice %arg2[%add3A_8, %dma_start3A_26] : memref<64x32768xf32, #tpu.memory_space<hbm>> -> memref<1x32768xf32, #tpu.memory_space<hbm>>
    tpu.enqueue_dma source(%dma_start3A_27 : memref<1x32768xf32, #tpu.memory_space<hbm>>) target(%dma_start3A_25 : memref<1x32768xf32, #tpu.memory_space<vmem>>) target_semaphore(%arg9 : memref<!tpu.dma_semaphore, #tpu.memory_space<semaphore_mem>>)
    %iota3A = tpu.iota {dimensions = array<i32: 0>} : vector<16xi32>
    %broadcast_in_dim3A = arith.constant 0xFF800000 : f32
    %broadcast_in_dim3A_28 = vector.broadcast %broadcast_in_dim3A : f32 to vector<16xf32>
    %dma_wait3A = arith.constant 0 : i32
    %dma_wait3A_29 = arith.constant 0 : i32
    %dma_wait3A_30 = tpu.memref_slice %arg4[%dma_wait3A, %dma_wait3A_29] : memref<2x32768xf32, #tpu.memory_space<vmem>> -> memref<1x32768xf32, #tpu.memory_space<vmem>>
    %dma_wait3A_31 = arith.constant 0 : i32
    %dma_wait3A_32 = tpu.memref_slice %arg2[%add3A_4, %dma_wait3A_31] : memref<64x32768xf32, #tpu.memory_space<hbm>> -> memref<1x32768xf32, #tpu.memory_space<hbm>>
    %dma_wait3A_33 = arith.constant 0 : i32
    %dma_wait3A_34 = arith.constant 0 : i32
    %dma_wait3A_35 = tpu.memref_slice %arg4[%dma_wait3A_33, %dma_wait3A_34] : memref<2x32768xf32, #tpu.memory_space<vmem>> -> memref<1x32768xf32, #tpu.memory_space<vmem>>
    %dma_wait3A_36 = arith.constant 0 : i32
    %dma_wait3A_37 = tpu.memref_slice %arg2[%add3A_4, %dma_wait3A_36] : memref<64x32768xf32, #tpu.memory_space<hbm>> -> memref<1x32768xf32, #tpu.memory_space<hbm>>
    tpu.wait_dma2 semaphore(%arg8 : memref<!tpu.dma_semaphore, #tpu.memory_space<semaphore_mem>>) src(%dma_wait3A_37 : memref<1x32768xf32, #tpu.memory_space<hbm>>) dst(%dma_wait3A_35 : memref<1x32768xf32, #tpu.memory_space<vmem>>)
    %scan3A = arith.constant 0 : i32
    %scan3A_38 = arith.constant 128 : i32
    %scan3A_39 = arith.addi %scan3A, %scan3A_38 : i32
    %scan3A_40 = arith.constant 1 : i32
    %scan3A_41 = scf.for %scan3A_677 = %scan3A to %scan3A_39 step %scan3A_40 iter_args(%scan3A_678 = %broadcast_in_dim3A_28) -> (vector<16xf32>)  : i32 {
      %mul3A_679 = arith.constant 256 : i32
      %mul3A_680 = arith.muli %scan3A_677, %mul3A_679 : i32
      %add3A_681 = arith.constant 0 : i32
      %add3A_682 = arith.addi %mul3A_680, %add3A_681 : i32
      %get3A_683 = arith.constant 0 : i32
      %get3A_684 = arith.index_cast %get3A_683 : i32 to index
      %get3A_685 = arith.index_cast %add3A_682 : i32 to index
      %get3A_686 = tpu.vector_load %arg4[%get3A_684, %get3A_685] {strides = array<i32>} : memref<2x32768xf32, #tpu.memory_space<vmem>>, vector<1x16xf32>,
      %get3A_687 = vector.shape_cast %get3A_686 : vector<1x16xf32> to vector<16xf32>
      %add3A_688 = arith.constant 16 : i32
      %add3A_689 = arith.addi %mul3A_680, %add3A_688 : i32
      %get3A_690 = arith.constant 0 : i32
      %get3A_691 = arith.index_cast %get3A_690 : i32 to index
      %get3A_692 = arith.index_cast %add3A_689 : i32 to index
      %get3A_693 = tpu.vector_load %arg4[%get3A_691, %get3A_692] {strides = array<i32>} : memref<2x32768xf32, #tpu.memory_space<vmem>>, vector<1x16xf32>,
      %get3A_694 = vector.shape_cast %get3A_693 : vector<1x16xf32> to vector<16xf32>
      %add3A_695 = arith.constant 32 : i32
      %add3A_696 = arith.addi %mul3A_680, %add3A_695 : i32
      %get3A_697 = arith.constant 0 : i32
      %get3A_698 = arith.index_cast %get3A_697 : i32 to index
      %get3A_699 = arith.index_cast %add3A_696 : i32 to index
      %get3A_700 = tpu.vector_load %arg4[%get3A_698, %get3A_699] {strides = array<i32>} : memref<2x32768xf32, #tpu.memory_space<vmem>>, vector<1x16xf32>,
      %get3A_701 = vector.shape_cast %get3A_700 : vector<1x16xf32> to vector<16xf32>
      %add3A_702 = arith.constant 48 : i32
      %add3A_703 = arith.addi %mul3A_680, %add3A_702 : i32
      %get3A_704 = arith.constant 0 : i32
      %get3A_705 = arith.index_cast %get3A_704 : i32 to index
      %get3A_706 = arith.index_cast %add3A_703 : i32 to index
      %get3A_707 = tpu.vector_load %arg4[%get3A_705, %get3A_706] {strides = array<i32>} : memref<2x32768xf32, #tpu.memory_space<vmem>>, vector<1x16xf32>,
      %get3A_708 = vector.shape_cast %get3A_707 : vector<1x16xf32> to vector<16xf32>
      %add3A_709 = arith.constant 64 : i32
      %add3A_710 = arith.addi %mul3A_680, %add3A_709 : i32
      %get3A_711 = arith.constant 0 : i32
      %get3A_712 = arith.index_cast %get3A_711 : i32 to index
      %get3A_713 = arith.index_cast %add3A_710 : i32 to index
      %get3A_714 = tpu.vector_load %arg4[%get3A_712, %get3A_713] {strides = array<i32>} : memref<2x32768xf32, #tpu.memory_space<vmem>>, vector<1x16xf32>,
      %get3A_715 = vector.shape_cast %get3A_714 : vector<1x16xf32> to vector<16xf32>
      %max3A_716 = arith.maximumf %get3A_687, %get3A_715 : vector<16xf32>
      %add3A_717 = arith.constant 80 : i32
      %add3A_718 = arith.addi %mul3A_680, %add3A_717 : i32
      %get3A_719 = arith.constant 0 : i32
      %get3A_720 = arith.index_cast %get3A_719 : i32 to index
      %get3A_721 = arith.index_cast %add3A_718 : i32 to index
      %get3A_722 = tpu.vector_load %arg4[%get3A_720, %get3A_721] {strides = array<i32>} : memref<2x32768xf32, #tpu.memory_space<vmem>>, vector<1x16xf32>,
      %get3A_723 = vector.shape_cast %get3A_722 : vector<1x16xf32> to vector<16xf32>
      %max3A_724 = arith.maximumf %get3A_694, %get3A_723 : vector<16xf32>
      %add3A_725 = arith.constant 96 : i32
      %add3A_726 = arith.addi %mul3A_680, %add3A_725 : i32
      %get3A_727 = arith.constant 0 : i32
      %get3A_728 = arith.index_cast %get3A_727 : i32 to index
      %get3A_729 = arith.index_cast %add3A_726 : i32 to index
      %get3A_730 = tpu.vector_load %arg4[%get3A_728, %get3A_729] {strides = array<i32>} : memref<2x32768xf32, #tpu.memory_space<vmem>>, vector<1x16xf32>,
      %get3A_731 = vector.shape_cast %get3A_730 : vector<1x16xf32> to vector<16xf32>
      %max3A_732 = arith.maximumf %get3A_701, %get3A_731 : vector<16xf32>
      %add3A_733 = arith.constant 112 : i32
      %add3A_734 = arith.addi %mul3A_680, %add3A_733 : i32
      %get3A_735 = arith.constant 0 : i32
      %get3A_736 = arith.index_cast %get3A_735 : i32 to index
      %get3A_737 = arith.index_cast %add3A_734 : i32 to index
      %get3A_738 = tpu.vector_load %arg4[%get3A_736, %get3A_737] {strides = array<i32>} : memref<2x32768xf32, #tpu.memory_space<vmem>>, vector<1x16xf32>,
      %get3A_739 = vector.shape_cast %get3A_738 : vector<1x16xf32> to vector<16xf32>
      %max3A_740 = arith.maximumf %get3A_708, %get3A_739 : vector<16xf32>
      %add3A_741 = arith.constant 128 : i32
      %add3A_742 = arith.addi %mul3A_680, %add3A_741 : i32
      %get3A_743 = arith.constant 0 : i32
      %get3A_744 = arith.index_cast %get3A_743 : i32 to index
      %get3A_745 = arith.index_cast %add3A_742 : i32 to index
      %get3A_746 = tpu.vector_load %arg4[%get3A_744, %get3A_745] {strides = array<i32>} : memref<2x32768xf32, #tpu.memory_space<vmem>>, vector<1x16xf32>,
      %get3A_747 = vector.shape_cast %get3A_746 : vector<1x16xf32> to vector<16xf32>
      %max3A_748 = arith.maximumf %max3A_716, %get3A_747 : vector<16xf32>
      %add3A_749 = arith.constant 144 : i32
      %add3A_750 = arith.addi %mul3A_680, %add3A_749 : i32
      %get3A_751 = arith.constant 0 : i32
      %get3A_752 = arith.index_cast %get3A_751 : i32 to index
      %get3A_753 = arith.index_cast %add3A_750 : i32 to index
      %get3A_754 = tpu.vector_load %arg4[%get3A_752, %get3A_753] {strides = array<i32>} : memref<2x32768xf32, #tpu.memory_space<vmem>>, vector<1x16xf32>,
      %get3A_755 = vector.shape_cast %get3A_754 : vector<1x16xf32> to vector<16xf32>
      %max3A_756 = arith.maximumf %max3A_724, %get3A_755 : vector<16xf32>
      %add3A_757 = arith.constant 160 : i32
      %add3A_758 = arith.addi %mul3A_680, %add3A_757 : i32
      %get3A_759 = arith.constant 0 : i32
      %get3A_760 = arith.index_cast %get3A_759 : i32 to index
      %get3A_761 = arith.index_cast %add3A_758 : i32 to index
      %get3A_762 = tpu.vector_load %arg4[%get3A_760, %get3A_761] {strides = array<i32>} : memref<2x32768xf32, #tpu.memory_space<vmem>>, vector<1x16xf32>,
      %get3A_763 = vector.shape_cast %get3A_762 : vector<1x16xf32> to vector<16xf32>
      %max3A_764 = arith.maximumf %max3A_732, %get3A_763 : vector<16xf32>
      %add3A_765 = arith.constant 176 : i32
      %add3A_766 = arith.addi %mul3A_680, %add3A_765 : i32
      %get3A_767 = arith.constant 0 : i32
      %get3A_768 = arith.index_cast %get3A_767 : i32 to index
      %get3A_769 = arith.index_cast %add3A_766 : i32 to index
      %get3A_770 = tpu.vector_load %arg4[%get3A_768, %get3A_769] {strides = array<i32>} : memref<2x32768xf32, #tpu.memory_space<vmem>>, vector<1x16xf32>,
      %get3A_771 = vector.shape_cast %get3A_770 : vector<1x16xf32> to vector<16xf32>
      %max3A_772 = arith.maximumf %max3A_740, %get3A_771 : vector<16xf32>
      %add3A_773 = arith.constant 192 : i32
      %add3A_774 = arith.addi %mul3A_680, %add3A_773 : i32
      %get3A_775 = arith.constant 0 : i32
      %get3A_776 = arith.index_cast %get3A_775 : i32 to index
      %get3A_777 = arith.index_cast %add3A_774 : i32 to index
      %get3A_778 = tpu.vector_load %arg4[%get3A_776, %get3A_777] {strides = array<i32>} : memref<2x32768xf32, #tpu.memory_space<vmem>>, vector<1x16xf32>,
      %get3A_779 = vector.shape_cast %get3A_778 : vector<1x16xf32> to vector<16xf32>
      %max3A_780 = arith.maximumf %max3A_748, %get3A_779 : vector<16xf32>
      %add3A_781 = arith.constant 208 : i32
      %add3A_782 = arith.addi %mul3A_680, %add3A_781 : i32
      %get3A_783 = arith.constant 0 : i32
      %get3A_784 = arith.index_cast %get3A_783 : i32 to index
      %get3A_785 = arith.index_cast %add3A_782 : i32 to index
      %get3A_786 = tpu.vector_load %arg4[%get3A_784, %get3A_785] {strides = array<i32>} : memref<2x32768xf32, #tpu.memory_space<vmem>>, vector<1x16xf32>,
      %get3A_787 = vector.shape_cast %get3A_786 : vector<1x16xf32> to vector<16xf32>
      %max3A_788 = arith.maximumf %max3A_756, %get3A_787 : vector<16xf32>
      %add3A_789 = arith.constant 224 : i32
      %add3A_790 = arith.addi %mul3A_680, %add3A_789 : i32
      %get3A_791 = arith.constant 0 : i32
      %get3A_792 = arith.index_cast %get3A_791 : i32 to index
      %get3A_793 = arith.index_cast %add3A_790 : i32 to index
      %get3A_794 = tpu.vector_load %arg4[%get3A_792, %get3A_793] {strides = array<i32>} : memref<2x32768xf32, #tpu.memory_space<vmem>>, vector<1x16xf32>,
      %get3A_795 = vector.shape_cast %get3A_794 : vector<1x16xf32> to vector<16xf32>
      %max3A_796 = arith.maximumf %max3A_764, %get3A_795 : vector<16xf32>
      %add3A_797 = arith.constant 240 : i32
      %add3A_798 = arith.addi %mul3A_680, %add3A_797 : i32
      %get3A_799 = arith.constant 0 : i32
      %get3A_800 = arith.index_cast %get3A_799 : i32 to index
      %get3A_801 = arith.index_cast %add3A_798 : i32 to index
      %get3A_802 = tpu.vector_load %arg4[%get3A_800, %get3A_801] {strides = array<i32>} : memref<2x32768xf32, #tpu.memory_space<vmem>>, vector<1x16xf32>,
      %get3A_803 = vector.shape_cast %get3A_802 : vector<1x16xf32> to vector<16xf32>
      %max3A_804 = arith.maximumf %max3A_772, %get3A_803 : vector<16xf32>
      %max3A_805 = arith.maximumf %max3A_780, %max3A_788 : vector<16xf32>
      %max3A_806 = arith.maximumf %max3A_796, %max3A_804 : vector<16xf32>
      %max3A_807 = arith.maximumf %max3A_805, %max3A_806 : vector<16xf32>
      %mul3A_808 = arith.constant 16 : i32
      %mul3A_809 = arith.muli %scan3A_677, %mul3A_808 : i32
      %add3A_810 = arith.constant 0 : i32
      %add3A_811 = arith.addi %add3A_810, %mul3A_809 : i32
      %swap3A_812 = arith.index_cast %add3A_811 : i32 to index
      %swap3A_813 = tpu.vector_load %arg5[%swap3A_812] {strides = array<i32>} : memref<4096xf32, #tpu.memory_space<vmem>>, vector<16xf32>,
      %swap3A_814 = vector.shape_cast %swap3A_813 : vector<16xf32> to vector<16xf32>
      %swap3A_815 = vector.shape_cast %max3A_807 : vector<16xf32> to vector<16xf32>
      tpu.vector_store %arg5[%swap3A_812], %swap3A_815 {strides = array<i32>} : memref<4096xf32, #tpu.memory_space<vmem>>, vector<16xf32>,
      %max3A_816 = arith.maximumf %scan3A_678, %max3A_807 : vector<16xf32>
      scf.yield %max3A_816 : vector<16xf32>
    }
    %scan3A_42 = arith.constant 128 : i32
    %xor3A = arith.constant 1 : i32
    %xor3A_43 = vector.broadcast %xor3A : i32 to vector<16xi32>
    %xor3A_44 = arith.xori %iota3A, %xor3A_43 : vector<16xi32>
    %lt3A = arith.constant 0 : i32
    %lt3A_45 = vector.broadcast %lt3A : i32 to vector<16xi32>
    %lt3A_46 = arith.cmpi slt, %xor3A_44, %lt3A_45 : vector<16xi32>
    %add3A_47 = arith.constant 16 : i32
    %add3A_48 = vector.broadcast %add3A_47 : i32 to vector<16xi32>
    %add3A_49 = arith.addi %xor3A_44, %add3A_48 : vector<16xi32>
    %select_n3A = arith.select %lt3A_46, %add3A_49, %xor3A_44 : vector<16xi1>, vector<16xi32>
    %broadcast_in_dim3A_50 = vector.shape_cast %select_n3A : vector<16xi32> to vector<16x1xi32>
    %gather3A = vector.shape_cast %broadcast_in_dim3A_50 : vector<16x1xi32> to vector<16xi32>
    %gather3A_51 = tpu.dynamic_gather %scan3A_41[%gather3A] in [0] : vector<16xf32>, vector<16xi32> -> vector<16xf32>
    %min3A = arith.minimumf %scan3A_41, %gather3A_51 : vector<16xf32>
    %max3A = arith.maximumf %scan3A_41, %gather3A_51 : vector<16xf32>
    %shift_right_arithmetic3A = arith.constant 1 : i32
    %shift_right_arithmetic3A_52 = vector.broadcast %shift_right_arithmetic3A : i32 to vector<16xi32>
    %shift_right_arithmetic3A_53 = arith.shrsi %iota3A, %shift_right_arithmetic3A_52 : vector<16xi32>
    %shift_right_arithmetic3A_54 = arith.constant 0 : i32
    %shift_right_arithmetic3A_55 = vector.broadcast %shift_right_arithmetic3A_54 : i32 to vector<16xi32>
    %shift_right_arithmetic3A_56 = arith.shrsi %iota3A, %shift_right_arithmetic3A_55 : vector<16xi32>
    %xor3A_57 = arith.xori %shift_right_arithmetic3A_53, %shift_right_arithmetic3A_56 : vector<16xi32>
    %and3A = arith.constant 1 : i32
    %and3A_58 = vector.broadcast %and3A : i32 to vector<16xi32>
    %and3A_59 = arith.andi %xor3A_57, %and3A_58 : vector<16xi32>
    %eq3A = arith.constant 0 : i32
    %eq3A_60 = vector.broadcast %eq3A : i32 to vector<16xi32>
    %eq3A_61 = arith.cmpi eq, %and3A_59, %eq3A_60 : vector<16xi32>
    %select_n3A_62 = arith.select %eq3A_61, %min3A, %max3A : vector<16xi1>, vector<16xf32>
    %xor3A_63 = arith.constant 2 : i32
    %xor3A_64 = vector.broadcast %xor3A_63 : i32 to vector<16xi32>
    %xor3A_65 = arith.xori %iota3A, %xor3A_64 : vector<16xi32>
    %lt3A_66 = arith.constant 0 : i32
    %lt3A_67 = vector.broadcast %lt3A_66 : i32 to vector<16xi32>
    %lt3A_68 = arith.cmpi slt, %xor3A_65, %lt3A_67 : vector<16xi32>
    %add3A_69 = arith.constant 16 : i32
    %add3A_70 = vector.broadcast %add3A_69 : i32 to vector<16xi32>
    %add3A_71 = arith.addi %xor3A_65, %add3A_70 : vector<16xi32>
    %select_n3A_72 = arith.select %lt3A_68, %add3A_71, %xor3A_65 : vector<16xi1>, vector<16xi32>
    %broadcast_in_dim3A_73 = vector.shape_cast %select_n3A_72 : vector<16xi32> to vector<16x1xi32>
    %gather3A_74 = vector.shape_cast %broadcast_in_dim3A_73 : vector<16x1xi32> to vector<16xi32>
    %gather3A_75 = tpu.dynamic_gather %select_n3A_62[%gather3A_74] in [0] : vector<16xf32>, vector<16xi32> -> vector<16xf32>
    %min3A_76 = arith.minimumf %select_n3A_62, %gather3A_75 : vector<16xf32>
    %max3A_77 = arith.maximumf %select_n3A_62, %gather3A_75 : vector<16xf32>
    %shift_right_arithmetic3A_78 = arith.constant 2 : i32
    %shift_right_arithmetic3A_79 = vector.broadcast %shift_right_arithmetic3A_78 : i32 to vector<16xi32>
    %shift_right_arithmetic3A_80 = arith.shrsi %iota3A, %shift_right_arithmetic3A_79 : vector<16xi32>
    %shift_right_arithmetic3A_81 = arith.constant 1 : i32
    %shift_right_arithmetic3A_82 = vector.broadcast %shift_right_arithmetic3A_81 : i32 to vector<16xi32>
    %shift_right_arithmetic3A_83 = arith.shrsi %iota3A, %shift_right_arithmetic3A_82 : vector<16xi32>
    %xor3A_84 = arith.xori %shift_right_arithmetic3A_80, %shift_right_arithmetic3A_83 : vector<16xi32>
    %and3A_85 = arith.constant 1 : i32
    %and3A_86 = vector.broadcast %and3A_85 : i32 to vector<16xi32>
    %and3A_87 = arith.andi %xor3A_84, %and3A_86 : vector<16xi32>
    %eq3A_88 = arith.constant 0 : i32
    %eq3A_89 = vector.broadcast %eq3A_88 : i32 to vector<16xi32>
    %eq3A_90 = arith.cmpi eq, %and3A_87, %eq3A_89 : vector<16xi32>
    %select_n3A_91 = arith.select %eq3A_90, %min3A_76, %max3A_77 : vector<16xi1>, vector<16xf32>
    %xor3A_92 = arith.constant 1 : i32
    %xor3A_93 = vector.broadcast %xor3A_92 : i32 to vector<16xi32>
    %xor3A_94 = arith.xori %iota3A, %xor3A_93 : vector<16xi32>
    %lt3A_95 = arith.constant 0 : i32
    %lt3A_96 = vector.broadcast %lt3A_95 : i32 to vector<16xi32>
    %lt3A_97 = arith.cmpi slt, %xor3A_94, %lt3A_96 : vector<16xi32>
    %add3A_98 = arith.constant 16 : i32
    %add3A_99 = vector.broadcast %add3A_98 : i32 to vector<16xi32>
    %add3A_100 = arith.addi %xor3A_94, %add3A_99 : vector<16xi32>
    %select_n3A_101 = arith.select %lt3A_97, %add3A_100, %xor3A_94 : vector<16xi1>, vector<16xi32>
    %broadcast_in_dim3A_102 = vector.shape_cast %select_n3A_101 : vector<16xi32> to vector<16x1xi32>
    %gather3A_103 = vector.shape_cast %broadcast_in_dim3A_102 : vector<16x1xi32> to vector<16xi32>
    %gather3A_104 = tpu.dynamic_gather %select_n3A_91[%gather3A_103] in [0] : vector<16xf32>, vector<16xi32> -> vector<16xf32>
    %min3A_105 = arith.minimumf %select_n3A_91, %gather3A_104 : vector<16xf32>
    %max3A_106 = arith.maximumf %select_n3A_91, %gather3A_104 : vector<16xf32>
    %shift_right_arithmetic3A_107 = arith.constant 2 : i32
    %shift_right_arithmetic3A_108 = vector.broadcast %shift_right_arithmetic3A_107 : i32 to vector<16xi32>
    %shift_right_arithmetic3A_109 = arith.shrsi %iota3A, %shift_right_arithmetic3A_108 : vector<16xi32>
    %shift_right_arithmetic3A_110 = arith.constant 0 : i32
    %shift_right_arithmetic3A_111 = vector.broadcast %shift_right_arithmetic3A_110 : i32 to vector<16xi32>
    %shift_right_arithmetic3A_112 = arith.shrsi %iota3A, %shift_right_arithmetic3A_111 : vector<16xi32>
    %xor3A_113 = arith.xori %shift_right_arithmetic3A_109, %shift_right_arithmetic3A_112 : vector<16xi32>
    %and3A_114 = arith.constant 1 : i32
    %and3A_115 = vector.broadcast %and3A_114 : i32 to vector<16xi32>
    %and3A_116 = arith.andi %xor3A_113, %and3A_115 : vector<16xi32>
    %eq3A_117 = arith.constant 0 : i32
    %eq3A_118 = vector.broadcast %eq3A_117 : i32 to vector<16xi32>
    %eq3A_119 = arith.cmpi eq, %and3A_116, %eq3A_118 : vector<16xi32>
    %select_n3A_120 = arith.select %eq3A_119, %min3A_105, %max3A_106 : vector<16xi1>, vector<16xf32>
    %xor3A_121 = arith.constant 4 : i32
    %xor3A_122 = vector.broadcast %xor3A_121 : i32 to vector<16xi32>
    %xor3A_123 = arith.xori %iota3A, %xor3A_122 : vector<16xi32>
    %lt3A_124 = arith.constant 0 : i32
    %lt3A_125 = vector.broadcast %lt3A_124 : i32 to vector<16xi32>
    %lt3A_126 = arith.cmpi slt, %xor3A_123, %lt3A_125 : vector<16xi32>
    %add3A_127 = arith.constant 16 : i32
    %add3A_128 = vector.broadcast %add3A_127 : i32 to vector<16xi32>
    %add3A_129 = arith.addi %xor3A_123, %add3A_128 : vector<16xi32>
    %select_n3A_130 = arith.select %lt3A_126, %add3A_129, %xor3A_123 : vector<16xi1>, vector<16xi32>
    %broadcast_in_dim3A_131 = vector.shape_cast %select_n3A_130 : vector<16xi32> to vector<16x1xi32>
    %gather3A_132 = vector.shape_cast %broadcast_in_dim3A_131 : vector<16x1xi32> to vector<16xi32>
    %gather3A_133 = tpu.dynamic_gather %select_n3A_120[%gather3A_132] in [0] : vector<16xf32>, vector<16xi32> -> vector<16xf32>
    %min3A_134 = arith.minimumf %select_n3A_120, %gather3A_133 : vector<16xf32>
    %max3A_135 = arith.maximumf %select_n3A_120, %gather3A_133 : vector<16xf32>
    %shift_right_arithmetic3A_136 = arith.constant 3 : i32
    %shift_right_arithmetic3A_137 = vector.broadcast %shift_right_arithmetic3A_136 : i32 to vector<16xi32>
    %shift_right_arithmetic3A_138 = arith.shrsi %iota3A, %shift_right_arithmetic3A_137 : vector<16xi32>
    %shift_right_arithmetic3A_139 = arith.constant 2 : i32
    %shift_right_arithmetic3A_140 = vector.broadcast %shift_right_arithmetic3A_139 : i32 to vector<16xi32>
    %shift_right_arithmetic3A_141 = arith.shrsi %iota3A, %shift_right_arithmetic3A_140 : vector<16xi32>
    %xor3A_142 = arith.xori %shift_right_arithmetic3A_138, %shift_right_arithmetic3A_141 : vector<16xi32>
    %and3A_143 = arith.constant 1 : i32
    %and3A_144 = vector.broadcast %and3A_143 : i32 to vector<16xi32>
    %and3A_145 = arith.andi %xor3A_142, %and3A_144 : vector<16xi32>
    %eq3A_146 = arith.constant 0 : i32
    %eq3A_147 = vector.broadcast %eq3A_146 : i32 to vector<16xi32>
    %eq3A_148 = arith.cmpi eq, %and3A_145, %eq3A_147 : vector<16xi32>
    %select_n3A_149 = arith.select %eq3A_148, %min3A_134, %max3A_135 : vector<16xi1>, vector<16xf32>
    %xor3A_150 = arith.constant 2 : i32
    %xor3A_151 = vector.broadcast %xor3A_150 : i32 to vector<16xi32>
    %xor3A_152 = arith.xori %iota3A, %xor3A_151 : vector<16xi32>
    %lt3A_153 = arith.constant 0 : i32
    %lt3A_154 = vector.broadcast %lt3A_153 : i32 to vector<16xi32>
    %lt3A_155 = arith.cmpi slt, %xor3A_152, %lt3A_154 : vector<16xi32>
    %add3A_156 = arith.constant 16 : i32
    %add3A_157 = vector.broadcast %add3A_156 : i32 to vector<16xi32>
    %add3A_158 = arith.addi %xor3A_152, %add3A_157 : vector<16xi32>
    %select_n3A_159 = arith.select %lt3A_155, %add3A_158, %xor3A_152 : vector<16xi1>, vector<16xi32>
    %broadcast_in_dim3A_160 = vector.shape_cast %select_n3A_159 : vector<16xi32> to vector<16x1xi32>
    %gather3A_161 = vector.shape_cast %broadcast_in_dim3A_160 : vector<16x1xi32> to vector<16xi32>
    %gather3A_162 = tpu.dynamic_gather %select_n3A_149[%gather3A_161] in [0] : vector<16xf32>, vector<16xi32> -> vector<16xf32>
    %min3A_163 = arith.minimumf %select_n3A_149, %gather3A_162 : vector<16xf32>
    %max3A_164 = arith.maximumf %select_n3A_149, %gather3A_162 : vector<16xf32>
    %shift_right_arithmetic3A_165 = arith.constant 3 : i32
    %shift_right_arithmetic3A_166 = vector.broadcast %shift_right_arithmetic3A_165 : i32 to vector<16xi32>
    %shift_right_arithmetic3A_167 = arith.shrsi %iota3A, %shift_right_arithmetic3A_166 : vector<16xi32>
    %shift_right_arithmetic3A_168 = arith.constant 1 : i32
    %shift_right_arithmetic3A_169 = vector.broadcast %shift_right_arithmetic3A_168 : i32 to vector<16xi32>
    %shift_right_arithmetic3A_170 = arith.shrsi %iota3A, %shift_right_arithmetic3A_169 : vector<16xi32>
    %xor3A_171 = arith.xori %shift_right_arithmetic3A_167, %shift_right_arithmetic3A_170 : vector<16xi32>
    %and3A_172 = arith.constant 1 : i32
    %and3A_173 = vector.broadcast %and3A_172 : i32 to vector<16xi32>
    %and3A_174 = arith.andi %xor3A_171, %and3A_173 : vector<16xi32>
    %eq3A_175 = arith.constant 0 : i32
    %eq3A_176 = vector.broadcast %eq3A_175 : i32 to vector<16xi32>
    %eq3A_177 = arith.cmpi eq, %and3A_174, %eq3A_176 : vector<16xi32>
    %select_n3A_178 = arith.select %eq3A_177, %min3A_163, %max3A_164 : vector<16xi1>, vector<16xf32>
    %xor3A_179 = arith.constant 1 : i32
    %xor3A_180 = vector.broadcast %xor3A_179 : i32 to vector<16xi32>
    %xor3A_181 = arith.xori %iota3A, %xor3A_180 : vector<16xi32>
    %lt3A_182 = arith.constant 0 : i32
    %lt3A_183 = vector.broadcast %lt3A_182 : i32 to vector<16xi32>
    %lt3A_184 = arith.cmpi slt, %xor3A_181, %lt3A_183 : vector<16xi32>
    %add3A_185 = arith.constant 16 : i32
    %add3A_186 = vector.broadcast %add3A_185 : i32 to vector<16xi32>
    %add3A_187 = arith.addi %xor3A_181, %add3A_186 : vector<16xi32>
    %select_n3A_188 = arith.select %lt3A_184, %add3A_187, %xor3A_181 : vector<16xi1>, vector<16xi32>
    %broadcast_in_dim3A_189 = vector.shape_cast %select_n3A_188 : vector<16xi32> to vector<16x1xi32>
    %gather3A_190 = vector.shape_cast %broadcast_in_dim3A_189 : vector<16x1xi32> to vector<16xi32>
    %gather3A_191 = tpu.dynamic_gather %select_n3A_178[%gather3A_190] in [0] : vector<16xf32>, vector<16xi32> -> vector<16xf32>
    %min3A_192 = arith.minimumf %select_n3A_178, %gather3A_191 : vector<16xf32>
    %max3A_193 = arith.maximumf %select_n3A_178, %gather3A_191 : vector<16xf32>
    %shift_right_arithmetic3A_194 = arith.constant 3 : i32
    %shift_right_arithmetic3A_195 = vector.broadcast %shift_right_arithmetic3A_194 : i32 to vector<16xi32>
    %shift_right_arithmetic3A_196 = arith.shrsi %iota3A, %shift_right_arithmetic3A_195 : vector<16xi32>
    %shift_right_arithmetic3A_197 = arith.constant 0 : i32
    %shift_right_arithmetic3A_198 = vector.broadcast %shift_right_arithmetic3A_197 : i32 to vector<16xi32>
    %shift_right_arithmetic3A_199 = arith.shrsi %iota3A, %shift_right_arithmetic3A_198 : vector<16xi32>
    %xor3A_200 = arith.xori %shift_right_arithmetic3A_196, %shift_right_arithmetic3A_199 : vector<16xi32>
    %and3A_201 = arith.constant 1 : i32
    %and3A_202 = vector.broadcast %and3A_201 : i32 to vector<16xi32>
    %and3A_203 = arith.andi %xor3A_200, %and3A_202 : vector<16xi32>
    %eq3A_204 = arith.constant 0 : i32
    %eq3A_205 = vector.broadcast %eq3A_204 : i32 to vector<16xi32>
    %eq3A_206 = arith.cmpi eq, %and3A_203, %eq3A_205 : vector<16xi32>
    %select_n3A_207 = arith.select %eq3A_206, %min3A_192, %max3A_193 : vector<16xi1>, vector<16xf32>
    %xor3A_208 = arith.constant 8 : i32
    %xor3A_209 = vector.broadcast %xor3A_208 : i32 to vector<16xi32>
    %xor3A_210 = arith.xori %iota3A, %xor3A_209 : vector<16xi32>
    %lt3A_211 = arith.constant 0 : i32
    %lt3A_212 = vector.broadcast %lt3A_211 : i32 to vector<16xi32>
    %lt3A_213 = arith.cmpi slt, %xor3A_210, %lt3A_212 : vector<16xi32>
    %add3A_214 = arith.constant 16 : i32
    %add3A_215 = vector.broadcast %add3A_214 : i32 to vector<16xi32>
    %add3A_216 = arith.addi %xor3A_210, %add3A_215 : vector<16xi32>
    %select_n3A_217 = arith.select %lt3A_213, %add3A_216, %xor3A_210 : vector<16xi1>, vector<16xi32>
    %broadcast_in_dim3A_218 = vector.shape_cast %select_n3A_217 : vector<16xi32> to vector<16x1xi32>
    %gather3A_219 = vector.shape_cast %broadcast_in_dim3A_218 : vector<16x1xi32> to vector<16xi32>
    %gather3A_220 = tpu.dynamic_gather %select_n3A_207[%gather3A_219] in [0] : vector<16xf32>, vector<16xi32> -> vector<16xf32>
    %min3A_221 = arith.minimumf %select_n3A_207, %gather3A_220 : vector<16xf32>
    %max3A_222 = arith.maximumf %select_n3A_207, %gather3A_220 : vector<16xf32>
    %shift_right_arithmetic3A_223 = arith.constant 4 : i32
    %shift_right_arithmetic3A_224 = vector.broadcast %shift_right_arithmetic3A_223 : i32 to vector<16xi32>
    %shift_right_arithmetic3A_225 = arith.shrsi %iota3A, %shift_right_arithmetic3A_224 : vector<16xi32>
    %shift_right_arithmetic3A_226 = arith.constant 3 : i32
    %shift_right_arithmetic3A_227 = vector.broadcast %shift_right_arithmetic3A_226 : i32 to vector<16xi32>
    %shift_right_arithmetic3A_228 = arith.shrsi %iota3A, %shift_right_arithmetic3A_227 : vector<16xi32>
    %xor3A_229 = arith.xori %shift_right_arithmetic3A_225, %shift_right_arithmetic3A_228 : vector<16xi32>
    %and3A_230 = arith.constant 1 : i32
    %and3A_231 = vector.broadcast %and3A_230 : i32 to vector<16xi32>
    %and3A_232 = arith.andi %xor3A_229, %and3A_231 : vector<16xi32>
    %eq3A_233 = arith.constant 0 : i32
    %eq3A_234 = vector.broadcast %eq3A_233 : i32 to vector<16xi32>
    %eq3A_235 = arith.cmpi eq, %and3A_232, %eq3A_234 : vector<16xi32>
    %select_n3A_236 = arith.select %eq3A_235, %min3A_221, %max3A_222 : vector<16xi1>, vector<16xf32>
    %xor3A_237 = arith.constant 4 : i32
    %xor3A_238 = vector.broadcast %xor3A_237 : i32 to vector<16xi32>
    %xor3A_239 = arith.xori %iota3A, %xor3A_238 : vector<16xi32>
    %lt3A_240 = arith.constant 0 : i32
    %lt3A_241 = vector.broadcast %lt3A_240 : i32 to vector<16xi32>
    %lt3A_242 = arith.cmpi slt, %xor3A_239, %lt3A_241 : vector<16xi32>
    %add3A_243 = arith.constant 16 : i32
    %add3A_244 = vector.broadcast %add3A_243 : i32 to vector<16xi32>
    %add3A_245 = arith.addi %xor3A_239, %add3A_244 : vector<16xi32>
    %select_n3A_246 = arith.select %lt3A_242, %add3A_245, %xor3A_239 : vector<16xi1>, vector<16xi32>
    %broadcast_in_dim3A_247 = vector.shape_cast %select_n3A_246 : vector<16xi32> to vector<16x1xi32>
    %gather3A_248 = vector.shape_cast %broadcast_in_dim3A_247 : vector<16x1xi32> to vector<16xi32>
    %gather3A_249 = tpu.dynamic_gather %select_n3A_236[%gather3A_248] in [0] : vector<16xf32>, vector<16xi32> -> vector<16xf32>
    %min3A_250 = arith.minimumf %select_n3A_236, %gather3A_249 : vector<16xf32>
    %max3A_251 = arith.maximumf %select_n3A_236, %gather3A_249 : vector<16xf32>
    %shift_right_arithmetic3A_252 = arith.constant 4 : i32
    %shift_right_arithmetic3A_253 = vector.broadcast %shift_right_arithmetic3A_252 : i32 to vector<16xi32>
    %shift_right_arithmetic3A_254 = arith.shrsi %iota3A, %shift_right_arithmetic3A_253 : vector<16xi32>
    %shift_right_arithmetic3A_255 = arith.constant 2 : i32
    %shift_right_arithmetic3A_256 = vector.broadcast %shift_right_arithmetic3A_255 : i32 to vector<16xi32>
    %shift_right_arithmetic3A_257 = arith.shrsi %iota3A, %shift_right_arithmetic3A_256 : vector<16xi32>
    %xor3A_258 = arith.xori %shift_right_arithmetic3A_254, %shift_right_arithmetic3A_257 : vector<16xi32>
    %and3A_259 = arith.constant 1 : i32
    %and3A_260 = vector.broadcast %and3A_259 : i32 to vector<16xi32>
    %and3A_261 = arith.andi %xor3A_258, %and3A_260 : vector<16xi32>
    %eq3A_262 = arith.constant 0 : i32
    %eq3A_263 = vector.broadcast %eq3A_262 : i32 to vector<16xi32>
    %eq3A_264 = arith.cmpi eq, %and3A_261, %eq3A_263 : vector<16xi32>
    %select_n3A_265 = arith.select %eq3A_264, %min3A_250, %max3A_251 : vector<16xi1>, vector<16xf32>
    %xor3A_266 = arith.constant 2 : i32
    %xor3A_267 = vector.broadcast %xor3A_266 : i32 to vector<16xi32>
    %xor3A_268 = arith.xori %iota3A, %xor3A_267 : vector<16xi32>
    %lt3A_269 = arith.constant 0 : i32
    %lt3A_270 = vector.broadcast %lt3A_269 : i32 to vector<16xi32>
    %lt3A_271 = arith.cmpi slt, %xor3A_268, %lt3A_270 : vector<16xi32>
    %add3A_272 = arith.constant 16 : i32
    %add3A_273 = vector.broadcast %add3A_272 : i32 to vector<16xi32>
    %add3A_274 = arith.addi %xor3A_268, %add3A_273 : vector<16xi32>
    %select_n3A_275 = arith.select %lt3A_271, %add3A_274, %xor3A_268 : vector<16xi1>, vector<16xi32>
    %broadcast_in_dim3A_276 = vector.shape_cast %select_n3A_275 : vector<16xi32> to vector<16x1xi32>
    %gather3A_277 = vector.shape_cast %broadcast_in_dim3A_276 : vector<16x1xi32> to vector<16xi32>
    %gather3A_278 = tpu.dynamic_gather %select_n3A_265[%gather3A_277] in [0] : vector<16xf32>, vector<16xi32> -> vector<16xf32>
    %min3A_279 = arith.minimumf %select_n3A_265, %gather3A_278 : vector<16xf32>
    %max3A_280 = arith.maximumf %select_n3A_265, %gather3A_278 : vector<16xf32>
    %shift_right_arithmetic3A_281 = arith.constant 4 : i32
    %shift_right_arithmetic3A_282 = vector.broadcast %shift_right_arithmetic3A_281 : i32 to vector<16xi32>
    %shift_right_arithmetic3A_283 = arith.shrsi %iota3A, %shift_right_arithmetic3A_282 : vector<16xi32>
    %shift_right_arithmetic3A_284 = arith.constant 1 : i32
    %shift_right_arithmetic3A_285 = vector.broadcast %shift_right_arithmetic3A_284 : i32 to vector<16xi32>
    %shift_right_arithmetic3A_286 = arith.shrsi %iota3A, %shift_right_arithmetic3A_285 : vector<16xi32>
    %xor3A_287 = arith.xori %shift_right_arithmetic3A_283, %shift_right_arithmetic3A_286 : vector<16xi32>
    %and3A_288 = arith.constant 1 : i32
    %and3A_289 = vector.broadcast %and3A_288 : i32 to vector<16xi32>
    %and3A_290 = arith.andi %xor3A_287, %and3A_289 : vector<16xi32>
    %eq3A_291 = arith.constant 0 : i32
    %eq3A_292 = vector.broadcast %eq3A_291 : i32 to vector<16xi32>
    %eq3A_293 = arith.cmpi eq, %and3A_290, %eq3A_292 : vector<16xi32>
    %select_n3A_294 = arith.select %eq3A_293, %min3A_279, %max3A_280 : vector<16xi1>, vector<16xf32>
    %xor3A_295 = arith.constant 1 : i32
    %xor3A_296 = vector.broadcast %xor3A_295 : i32 to vector<16xi32>
    %xor3A_297 = arith.xori %iota3A, %xor3A_296 : vector<16xi32>
    %lt3A_298 = arith.constant 0 : i32
    %lt3A_299 = vector.broadcast %lt3A_298 : i32 to vector<16xi32>
    %lt3A_300 = arith.cmpi slt, %xor3A_297, %lt3A_299 : vector<16xi32>
    %add3A_301 = arith.constant 16 : i32
    %add3A_302 = vector.broadcast %add3A_301 : i32 to vector<16xi32>
    %add3A_303 = arith.addi %xor3A_297, %add3A_302 : vector<16xi32>
    %select_n3A_304 = arith.select %lt3A_300, %add3A_303, %xor3A_297 : vector<16xi1>, vector<16xi32>
    %broadcast_in_dim3A_305 = vector.shape_cast %select_n3A_304 : vector<16xi32> to vector<16x1xi32>
    %gather3A_306 = vector.shape_cast %broadcast_in_dim3A_305 : vector<16x1xi32> to vector<16xi32>
    %gather3A_307 = tpu.dynamic_gather %select_n3A_294[%gather3A_306] in [0] : vector<16xf32>, vector<16xi32> -> vector<16xf32>
    %min3A_308 = arith.minimumf %select_n3A_294, %gather3A_307 : vector<16xf32>
    %max3A_309 = arith.maximumf %select_n3A_294, %gather3A_307 : vector<16xf32>
    %shift_right_arithmetic3A_310 = arith.constant 4 : i32
    %shift_right_arithmetic3A_311 = vector.broadcast %shift_right_arithmetic3A_310 : i32 to vector<16xi32>
    %shift_right_arithmetic3A_312 = arith.shrsi %iota3A, %shift_right_arithmetic3A_311 : vector<16xi32>
    %shift_right_arithmetic3A_313 = arith.constant 0 : i32
    %shift_right_arithmetic3A_314 = vector.broadcast %shift_right_arithmetic3A_313 : i32 to vector<16xi32>
    %shift_right_arithmetic3A_315 = arith.shrsi %iota3A, %shift_right_arithmetic3A_314 : vector<16xi32>
    %xor3A_316 = arith.xori %shift_right_arithmetic3A_312, %shift_right_arithmetic3A_315 : vector<16xi32>
    %and3A_317 = arith.constant 1 : i32
    %and3A_318 = vector.broadcast %and3A_317 : i32 to vector<16xi32>
    %and3A_319 = arith.andi %xor3A_316, %and3A_318 : vector<16xi32>
    %eq3A_320 = arith.constant 0 : i32
    %eq3A_321 = vector.broadcast %eq3A_320 : i32 to vector<16xi32>
    %eq3A_322 = arith.cmpi eq, %and3A_319, %eq3A_321 : vector<16xi32>
    %select_n3A_323 = arith.select %eq3A_322, %min3A_308, %max3A_309 : vector<16xi1>, vector<16xf32>
    %slice3A = vector.extract_strided_slice %select_n3A_323 {offsets = [6], sizes = [1], strides = [1]} : vector<16xf32> to vector<1xf32>
    %slice3A_324 = vector.extract_strided_slice %slice3A {offsets = [0], sizes = [1], strides = [1]} : vector<1xf32> to vector<1xf32>
    %squeeze3A = vector.extract %slice3A_324[0] : f32 from vector<1xf32>
    %swap3A = arith.constant 0 : index
    %swap3A_325 = tpu.vector_load %arg6[%swap3A] {strides = array<i32>} : memref<16xf32, #tpu.memory_space<vmem>>, vector<16xf32>,
    %swap3A_326 = vector.shape_cast %swap3A_325 : vector<16xf32> to vector<16xf32>
    %swap3A_327 = vector.shape_cast %broadcast_in_dim3A_28 : vector<16xf32> to vector<16xf32>
    tpu.vector_store %arg6[%swap3A], %swap3A_327 {strides = array<i32>} : memref<16xf32, #tpu.memory_space<vmem>>, vector<16xf32>,
    %shift_left3A = arith.constant 1 : i32
    %shift_left3A_328 = vector.broadcast %shift_left3A : i32 to vector<16xi32>
    %shift_left3A_329 = arith.shli %shift_left3A_328, %iota3A : vector<16xi32>
    %scan3A_330 = arith.constant 0 : i32
    %scan3A_331 = arith.constant 0 : i32
    %scan3A_332 = arith.constant 8 : i32
    %scan3A_333 = arith.addi %scan3A_331, %scan3A_332 : i32
    %scan3A_334 = arith.constant 1 : i32
    scf.for %scan3A_677 = %scan3A_331 to %scan3A_333 step %scan3A_334  : i32 {
      %mul3A_678 = arith.constant 4096 : i32
      %mul3A_679 = arith.muli %scan3A_677, %mul3A_678 : i32
      %mul3A_680 = arith.constant 256 : i32
      %mul3A_681 = arith.muli %scan3A_677, %mul3A_680 : i32
      %add3A_682 = arith.constant 0 : i32
      %add3A_683 = arith.addi %add3A_682, %mul3A_681 : i32
      %add3A_684 = arith.constant 0 : i32
      %add3A_685 = arith.addi %add3A_683, %add3A_684 : i32
      %get3A_686 = arith.index_cast %add3A_685 : i32 to index
      %get3A_687 = tpu.vector_load %arg5[%get3A_686] {strides = array<i32>} : memref<4096xf32, #tpu.memory_space<vmem>>, vector<16xf32>,
      %get3A_688 = vector.shape_cast %get3A_687 : vector<16xf32> to vector<16xf32>
      %mul3A_689 = arith.constant 256 : i32
      %mul3A_690 = arith.muli %scan3A_677, %mul3A_689 : i32
      %add3A_691 = arith.constant 0 : i32
      %add3A_692 = arith.addi %add3A_691, %mul3A_690 : i32
      %add3A_693 = arith.constant 16 : i32
      %add3A_694 = arith.addi %add3A_692, %add3A_693 : i32
      %get3A_695 = arith.index_cast %add3A_694 : i32 to index
      %get3A_696 = tpu.vector_load %arg5[%get3A_695] {strides = array<i32>} : memref<4096xf32, #tpu.memory_space<vmem>>, vector<16xf32>,
      %get3A_697 = vector.shape_cast %get3A_696 : vector<16xf32> to vector<16xf32>
      %mul3A_698 = arith.constant 256 : i32
      %mul3A_699 = arith.muli %scan3A_677, %mul3A_698 : i32
      %add3A_700 = arith.constant 0 : i32
      %add3A_701 = arith.addi %add3A_700, %mul3A_699 : i32
      %add3A_702 = arith.constant 32 : i32
      %add3A_703 = arith.addi %add3A_701, %add3A_702 : i32
      %get3A_704 = arith.index_cast %add3A_703 : i32 to index
      %get3A_705 = tpu.vector_load %arg5[%get3A_704] {strides = array<i32>} : memref<4096xf32, #tpu.memory_space<vmem>>, vector<16xf32>,
      %get3A_706 = vector.shape_cast %get3A_705 : vector<16xf32> to vector<16xf32>
      %mul3A_707 = arith.constant 256 : i32
      %mul3A_708 = arith.muli %scan3A_677, %mul3A_707 : i32
      %add3A_709 = arith.constant 0 : i32
      %add3A_710 = arith.addi %add3A_709, %mul3A_708 : i32
      %add3A_711 = arith.constant 48 : i32
      %add3A_712 = arith.addi %add3A_710, %add3A_711 : i32
      %get3A_713 = arith.index_cast %add3A_712 : i32 to index
      %get3A_714 = tpu.vector_load %arg5[%get3A_713] {strides = array<i32>} : memref<4096xf32, #tpu.memory_space<vmem>>, vector<16xf32>,
      %get3A_715 = vector.shape_cast %get3A_714 : vector<16xf32> to vector<16xf32>
      %mul3A_716 = arith.constant 256 : i32
      %mul3A_717 = arith.muli %scan3A_677, %mul3A_716 : i32
      %add3A_718 = arith.constant 0 : i32
      %add3A_719 = arith.addi %add3A_718, %mul3A_717 : i32
      %add3A_720 = arith.constant 64 : i32
      %add3A_721 = arith.addi %add3A_719, %add3A_720 : i32
      %get3A_722 = arith.index_cast %add3A_721 : i32 to index
      %get3A_723 = tpu.vector_load %arg5[%get3A_722] {strides = array<i32>} : memref<4096xf32, #tpu.memory_space<vmem>>, vector<16xf32>,
      %get3A_724 = vector.shape_cast %get3A_723 : vector<16xf32> to vector<16xf32>
      %mul3A_725 = arith.constant 256 : i32
      %mul3A_726 = arith.muli %scan3A_677, %mul3A_725 : i32
      %add3A_727 = arith.constant 0 : i32
      %add3A_728 = arith.addi %add3A_727, %mul3A_726 : i32
      %add3A_729 = arith.constant 80 : i32
      %add3A_730 = arith.addi %add3A_728, %add3A_729 : i32
      %get3A_731 = arith.index_cast %add3A_730 : i32 to index
      %get3A_732 = tpu.vector_load %arg5[%get3A_731] {strides = array<i32>} : memref<4096xf32, #tpu.memory_space<vmem>>, vector<16xf32>,
      %get3A_733 = vector.shape_cast %get3A_732 : vector<16xf32> to vector<16xf32>
      %mul3A_734 = arith.constant 256 : i32
      %mul3A_735 = arith.muli %scan3A_677, %mul3A_734 : i32
      %add3A_736 = arith.constant 0 : i32
      %add3A_737 = arith.addi %add3A_736, %mul3A_735 : i32
      %add3A_738 = arith.constant 96 : i32
      %add3A_739 = arith.addi %add3A_737, %add3A_738 : i32
      %get3A_740 = arith.index_cast %add3A_739 : i32 to index
      %get3A_741 = tpu.vector_load %arg5[%get3A_740] {strides = array<i32>} : memref<4096xf32, #tpu.memory_space<vmem>>, vector<16xf32>,
      %get3A_742 = vector.shape_cast %get3A_741 : vector<16xf32> to vector<16xf32>
      %mul3A_743 = arith.constant 256 : i32
      %mul3A_744 = arith.muli %scan3A_677, %mul3A_743 : i32
      %add3A_745 = arith.constant 0 : i32
      %add3A_746 = arith.addi %add3A_745, %mul3A_744 : i32
      %add3A_747 = arith.constant 112 : i32
      %add3A_748 = arith.addi %add3A_746, %add3A_747 : i32
      %get3A_749 = arith.index_cast %add3A_748 : i32 to index
      %get3A_750 = tpu.vector_load %arg5[%get3A_749] {strides = array<i32>} : memref<4096xf32, #tpu.memory_space<vmem>>, vector<16xf32>,
      %get3A_751 = vector.shape_cast %get3A_750 : vector<16xf32> to vector<16xf32>
      %mul3A_752 = arith.constant 256 : i32
      %mul3A_753 = arith.muli %scan3A_677, %mul3A_752 : i32
      %add3A_754 = arith.constant 0 : i32
      %add3A_755 = arith.addi %add3A_754, %mul3A_753 : i32
      %add3A_756 = arith.constant 128 : i32
      %add3A_757 = arith.addi %add3A_755, %add3A_756 : i32
      %get3A_758 = arith.index_cast %add3A_757 : i32 to index
      %get3A_759 = tpu.vector_load %arg5[%get3A_758] {strides = array<i32>} : memref<4096xf32, #tpu.memory_space<vmem>>, vector<16xf32>,
      %get3A_760 = vector.shape_cast %get3A_759 : vector<16xf32> to vector<16xf32>
      %mul3A_761 = arith.constant 256 : i32
      %mul3A_762 = arith.muli %scan3A_677, %mul3A_761 : i32
      %add3A_763 = arith.constant 0 : i32
      %add3A_764 = arith.addi %add3A_763, %mul3A_762 : i32
      %add3A_765 = arith.constant 144 : i32
      %add3A_766 = arith.addi %add3A_764, %add3A_765 : i32
      %get3A_767 = arith.index_cast %add3A_766 : i32 to index
      %get3A_768 = tpu.vector_load %arg5[%get3A_767] {strides = array<i32>} : memref<4096xf32, #tpu.memory_space<vmem>>, vector<16xf32>,
      %get3A_769 = vector.shape_cast %get3A_768 : vector<16xf32> to vector<16xf32>
      %mul3A_770 = arith.constant 256 : i32
      %mul3A_771 = arith.muli %scan3A_677, %mul3A_770 : i32
      %add3A_772 = arith.constant 0 : i32
      %add3A_773 = arith.addi %add3A_772, %mul3A_771 : i32
      %add3A_774 = arith.constant 160 : i32
      %add3A_775 = arith.addi %add3A_773, %add3A_774 : i32
      %get3A_776 = arith.index_cast %add3A_775 : i32 to index
      %get3A_777 = tpu.vector_load %arg5[%get3A_776] {strides = array<i32>} : memref<4096xf32, #tpu.memory_space<vmem>>, vector<16xf32>,
      %get3A_778 = vector.shape_cast %get3A_777 : vector<16xf32> to vector<16xf32>
      %mul3A_779 = arith.constant 256 : i32
      %mul3A_780 = arith.muli %scan3A_677, %mul3A_779 : i32
      %add3A_781 = arith.constant 0 : i32
      %add3A_782 = arith.addi %add3A_781, %mul3A_780 : i32
      %add3A_783 = arith.constant 176 : i32
      %add3A_784 = arith.addi %add3A_782, %add3A_783 : i32
      %get3A_785 = arith.index_cast %add3A_784 : i32 to index
      %get3A_786 = tpu.vector_load %arg5[%get3A_785] {strides = array<i32>} : memref<4096xf32, #tpu.memory_space<vmem>>, vector<16xf32>,
      %get3A_787 = vector.shape_cast %get3A_786 : vector<16xf32> to vector<16xf32>
      %mul3A_788 = arith.constant 256 : i32
      %mul3A_789 = arith.muli %scan3A_677, %mul3A_788 : i32
      %add3A_790 = arith.constant 0 : i32
      %add3A_791 = arith.addi %add3A_790, %mul3A_789 : i32
      %add3A_792 = arith.constant 192 : i32
      %add3A_793 = arith.addi %add3A_791, %add3A_792 : i32
      %get3A_794 = arith.index_cast %add3A_793 : i32 to index
      %get3A_795 = tpu.vector_load %arg5[%get3A_794] {strides = array<i32>} : memref<4096xf32, #tpu.memory_space<vmem>>, vector<16xf32>,
      %get3A_796 = vector.shape_cast %get3A_795 : vector<16xf32> to vector<16xf32>
      %mul3A_797 = arith.constant 256 : i32
      %mul3A_798 = arith.muli %scan3A_677, %mul3A_797 : i32
      %add3A_799 = arith.constant 0 : i32
      %add3A_800 = arith.addi %add3A_799, %mul3A_798 : i32
      %add3A_801 = arith.constant 208 : i32
      %add3A_802 = arith.addi %add3A_800, %add3A_801 : i32
      %get3A_803 = arith.index_cast %add3A_802 : i32 to index
      %get3A_804 = tpu.vector_load %arg5[%get3A_803] {strides = array<i32>} : memref<4096xf32, #tpu.memory_space<vmem>>, vector<16xf32>,
      %get3A_805 = vector.shape_cast %get3A_804 : vector<16xf32> to vector<16xf32>
      %mul3A_806 = arith.constant 256 : i32
      %mul3A_807 = arith.muli %scan3A_677, %mul3A_806 : i32
      %add3A_808 = arith.constant 0 : i32
      %add3A_809 = arith.addi %add3A_808, %mul3A_807 : i32
      %add3A_810 = arith.constant 224 : i32
      %add3A_811 = arith.addi %add3A_809, %add3A_810 : i32
      %get3A_812 = arith.index_cast %add3A_811 : i32 to index
      %get3A_813 = tpu.vector_load %arg5[%get3A_812] {strides = array<i32>} : memref<4096xf32, #tpu.memory_space<vmem>>, vector<16xf32>,
      %get3A_814 = vector.shape_cast %get3A_813 : vector<16xf32> to vector<16xf32>
      %mul3A_815 = arith.constant 256 : i32
      %mul3A_816 = arith.muli %scan3A_677, %mul3A_815 : i32
      %add3A_817 = arith.constant 0 : i32
      %add3A_818 = arith.addi %add3A_817, %mul3A_816 : i32
      %add3A_819 = arith.constant 240 : i32
      %add3A_820 = arith.addi %add3A_818, %add3A_819 : i32
      %get3A_821 = arith.index_cast %add3A_820 : i32 to index
      %get3A_822 = tpu.vector_load %arg5[%get3A_821] {strides = array<i32>} : memref<4096xf32, #tpu.memory_space<vmem>>, vector<16xf32>,
      %get3A_823 = vector.shape_cast %get3A_822 : vector<16xf32> to vector<16xf32>
      %xor3A_824 = arith.constant 1 : i32
      %xor3A_825 = vector.broadcast %xor3A_824 : i32 to vector<16xi32>
      %xor3A_826 = arith.xori %iota3A, %xor3A_825 : vector<16xi32>
      %lt3A_827 = arith.constant 0 : i32
      %lt3A_828 = vector.broadcast %lt3A_827 : i32 to vector<16xi32>
      %lt3A_829 = arith.cmpi slt, %xor3A_826, %lt3A_828 : vector<16xi32>
      %add3A_830 = arith.constant 16 : i32
      %add3A_831 = vector.broadcast %add3A_830 : i32 to vector<16xi32>
      %add3A_832 = arith.addi %xor3A_826, %add3A_831 : vector<16xi32>
      %select_n3A_833 = arith.select %lt3A_829, %add3A_832, %xor3A_826 : vector<16xi1>, vector<16xi32>
      %broadcast_in_dim3A_834 = vector.shape_cast %select_n3A_833 : vector<16xi32> to vector<16x1xi32>
      %gather3A_835 = vector.shape_cast %broadcast_in_dim3A_834 : vector<16x1xi32> to vector<16xi32>
      %gather3A_836 = tpu.dynamic_gather %get3A_688[%gather3A_835] in [0] : vector<16xf32>, vector<16xi32> -> vector<16xf32>
      %max3A_837 = arith.maximumf %get3A_688, %gather3A_836 : vector<16xf32>
      %xor3A_838 = arith.constant 1 : i32
      %xor3A_839 = vector.broadcast %xor3A_838 : i32 to vector<16xi32>
      %xor3A_840 = arith.xori %iota3A, %xor3A_839 : vector<16xi32>
      %lt3A_841 = arith.constant 0 : i32
      %lt3A_842 = vector.broadcast %lt3A_841 : i32 to vector<16xi32>
      %lt3A_843 = arith.cmpi slt, %xor3A_840, %lt3A_842 : vector<16xi32>
      %add3A_844 = arith.constant 16 : i32
      %add3A_845 = vector.broadcast %add3A_844 : i32 to vector<16xi32>
      %add3A_846 = arith.addi %xor3A_840, %add3A_845 : vector<16xi32>
      %select_n3A_847 = arith.select %lt3A_843, %add3A_846, %xor3A_840 : vector<16xi1>, vector<16xi32>
      %broadcast_in_dim3A_848 = vector.shape_cast %select_n3A_847 : vector<16xi32> to vector<16x1xi32>
      %gather3A_849 = vector.shape_cast %broadcast_in_dim3A_848 : vector<16x1xi32> to vector<16xi32>
      %gather3A_850 = tpu.dynamic_gather %get3A_697[%gather3A_849] in [0] : vector<16xf32>, vector<16xi32> -> vector<16xf32>
      %max3A_851 = arith.maximumf %get3A_697, %gather3A_850 : vector<16xf32>
      %and3A_852 = arith.constant 1 : i32
      %and3A_853 = vector.broadcast %and3A_852 : i32 to vector<16xi32>
      %and3A_854 = arith.andi %iota3A, %and3A_853 : vector<16xi32>
      %eq3A_855 = arith.constant 0 : i32
      %eq3A_856 = vector.broadcast %eq3A_855 : i32 to vector<16xi32>
      %eq3A_857 = arith.cmpi eq, %and3A_854, %eq3A_856 : vector<16xi32>
      %select_n3A_858 = arith.select %eq3A_857, %max3A_837, %max3A_851 : vector<16xi1>, vector<16xf32>
      %xor3A_859 = arith.constant 1 : i32
      %xor3A_860 = vector.broadcast %xor3A_859 : i32 to vector<16xi32>
      %xor3A_861 = arith.xori %iota3A, %xor3A_860 : vector<16xi32>
      %lt3A_862 = arith.constant 0 : i32
      %lt3A_863 = vector.broadcast %lt3A_862 : i32 to vector<16xi32>
      %lt3A_864 = arith.cmpi slt, %xor3A_861, %lt3A_863 : vector<16xi32>
      %add3A_865 = arith.constant 16 : i32
      %add3A_866 = vector.broadcast %add3A_865 : i32 to vector<16xi32>
      %add3A_867 = arith.addi %xor3A_861, %add3A_866 : vector<16xi32>
      %select_n3A_868 = arith.select %lt3A_864, %add3A_867, %xor3A_861 : vector<16xi1>, vector<16xi32>
      %broadcast_in_dim3A_869 = vector.shape_cast %select_n3A_868 : vector<16xi32> to vector<16x1xi32>
      %gather3A_870 = vector.shape_cast %broadcast_in_dim3A_869 : vector<16x1xi32> to vector<16xi32>
      %gather3A_871 = tpu.dynamic_gather %get3A_706[%gather3A_870] in [0] : vector<16xf32>, vector<16xi32> -> vector<16xf32>
      %max3A_872 = arith.maximumf %get3A_706, %gather3A_871 : vector<16xf32>
      %xor3A_873 = arith.constant 1 : i32
      %xor3A_874 = vector.broadcast %xor3A_873 : i32 to vector<16xi32>
      %xor3A_875 = arith.xori %iota3A, %xor3A_874 : vector<16xi32>
      %lt3A_876 = arith.constant 0 : i32
      %lt3A_877 = vector.broadcast %lt3A_876 : i32 to vector<16xi32>
      %lt3A_878 = arith.cmpi slt, %xor3A_875, %lt3A_877 : vector<16xi32>
      %add3A_879 = arith.constant 16 : i32
      %add3A_880 = vector.broadcast %add3A_879 : i32 to vector<16xi32>
      %add3A_881 = arith.addi %xor3A_875, %add3A_880 : vector<16xi32>
      %select_n3A_882 = arith.select %lt3A_878, %add3A_881, %xor3A_875 : vector<16xi1>, vector<16xi32>
      %broadcast_in_dim3A_883 = vector.shape_cast %select_n3A_882 : vector<16xi32> to vector<16x1xi32>
      %gather3A_884 = vector.shape_cast %broadcast_in_dim3A_883 : vector<16x1xi32> to vector<16xi32>
      %gather3A_885 = tpu.dynamic_gather %get3A_715[%gather3A_884] in [0] : vector<16xf32>, vector<16xi32> -> vector<16xf32>
      %max3A_886 = arith.maximumf %get3A_715, %gather3A_885 : vector<16xf32>
      %and3A_887 = arith.constant 1 : i32
      %and3A_888 = vector.broadcast %and3A_887 : i32 to vector<16xi32>
      %and3A_889 = arith.andi %iota3A, %and3A_888 : vector<16xi32>
      %eq3A_890 = arith.constant 0 : i32
      %eq3A_891 = vector.broadcast %eq3A_890 : i32 to vector<16xi32>
      %eq3A_892 = arith.cmpi eq, %and3A_889, %eq3A_891 : vector<16xi32>
      %select_n3A_893 = arith.select %eq3A_892, %max3A_872, %max3A_886 : vector<16xi1>, vector<16xf32>
      %xor3A_894 = arith.constant 1 : i32
      %xor3A_895 = vector.broadcast %xor3A_894 : i32 to vector<16xi32>
      %xor3A_896 = arith.xori %iota3A, %xor3A_895 : vector<16xi32>
      %lt3A_897 = arith.constant 0 : i32
      %lt3A_898 = vector.broadcast %lt3A_897 : i32 to vector<16xi32>
      %lt3A_899 = arith.cmpi slt, %xor3A_896, %lt3A_898 : vector<16xi32>
      %add3A_900 = arith.constant 16 : i32
      %add3A_901 = vector.broadcast %add3A_900 : i32 to vector<16xi32>
      %add3A_902 = arith.addi %xor3A_896, %add3A_901 : vector<16xi32>
      %select_n3A_903 = arith.select %lt3A_899, %add3A_902, %xor3A_896 : vector<16xi1>, vector<16xi32>
      %broadcast_in_dim3A_904 = vector.shape_cast %select_n3A_903 : vector<16xi32> to vector<16x1xi32>
      %gather3A_905 = vector.shape_cast %broadcast_in_dim3A_904 : vector<16x1xi32> to vector<16xi32>
      %gather3A_906 = tpu.dynamic_gather %get3A_724[%gather3A_905] in [0] : vector<16xf32>, vector<16xi32> -> vector<16xf32>
      %max3A_907 = arith.maximumf %get3A_724, %gather3A_906 : vector<16xf32>
      %xor3A_908 = arith.constant 1 : i32
      %xor3A_909 = vector.broadcast %xor3A_908 : i32 to vector<16xi32>
      %xor3A_910 = arith.xori %iota3A, %xor3A_909 : vector<16xi32>
      %lt3A_911 = arith.constant 0 : i32
      %lt3A_912 = vector.broadcast %lt3A_911 : i32 to vector<16xi32>
      %lt3A_913 = arith.cmpi slt, %xor3A_910, %lt3A_912 : vector<16xi32>
      %add3A_914 = arith.constant 16 : i32
      %add3A_915 = vector.broadcast %add3A_914 : i32 to vector<16xi32>
      %add3A_916 = arith.addi %xor3A_910, %add3A_915 : vector<16xi32>
      %select_n3A_917 = arith.select %lt3A_913, %add3A_916, %xor3A_910 : vector<16xi1>, vector<16xi32>
      %broadcast_in_dim3A_918 = vector.shape_cast %select_n3A_917 : vector<16xi32> to vector<16x1xi32>
      %gather3A_919 = vector.shape_cast %broadcast_in_dim3A_918 : vector<16x1xi32> to vector<16xi32>
      %gather3A_920 = tpu.dynamic_gather %get3A_733[%gather3A_919] in [0] : vector<16xf32>, vector<16xi32> -> vector<16xf32>
      %max3A_921 = arith.maximumf %get3A_733, %gather3A_920 : vector<16xf32>
      %and3A_922 = arith.constant 1 : i32
      %and3A_923 = vector.broadcast %and3A_922 : i32 to vector<16xi32>
      %and3A_924 = arith.andi %iota3A, %and3A_923 : vector<16xi32>
      %eq3A_925 = arith.constant 0 : i32
      %eq3A_926 = vector.broadcast %eq3A_925 : i32 to vector<16xi32>
      %eq3A_927 = arith.cmpi eq, %and3A_924, %eq3A_926 : vector<16xi32>
      %select_n3A_928 = arith.select %eq3A_927, %max3A_907, %max3A_921 : vector<16xi1>, vector<16xf32>
      %xor3A_929 = arith.constant 1 : i32
      %xor3A_930 = vector.broadcast %xor3A_929 : i32 to vector<16xi32>
      %xor3A_931 = arith.xori %iota3A, %xor3A_930 : vector<16xi32>
      %lt3A_932 = arith.constant 0 : i32
      %lt3A_933 = vector.broadcast %lt3A_932 : i32 to vector<16xi32>
      %lt3A_934 = arith.cmpi slt, %xor3A_931, %lt3A_933 : vector<16xi32>
      %add3A_935 = arith.constant 16 : i32
      %add3A_936 = vector.broadcast %add3A_935 : i32 to vector<16xi32>
      %add3A_937 = arith.addi %xor3A_931, %add3A_936 : vector<16xi32>
      %select_n3A_938 = arith.select %lt3A_934, %add3A_937, %xor3A_931 : vector<16xi1>, vector<16xi32>
      %broadcast_in_dim3A_939 = vector.shape_cast %select_n3A_938 : vector<16xi32> to vector<16x1xi32>
      %gather3A_940 = vector.shape_cast %broadcast_in_dim3A_939 : vector<16x1xi32> to vector<16xi32>
      %gather3A_941 = tpu.dynamic_gather %get3A_742[%gather3A_940] in [0] : vector<16xf32>, vector<16xi32> -> vector<16xf32>
      %max3A_942 = arith.maximumf %get3A_742, %gather3A_941 : vector<16xf32>
      %xor3A_943 = arith.constant 1 : i32
      %xor3A_944 = vector.broadcast %xor3A_943 : i32 to vector<16xi32>
      %xor3A_945 = arith.xori %iota3A, %xor3A_944 : vector<16xi32>
      %lt3A_946 = arith.constant 0 : i32
      %lt3A_947 = vector.broadcast %lt3A_946 : i32 to vector<16xi32>
      %lt3A_948 = arith.cmpi slt, %xor3A_945, %lt3A_947 : vector<16xi32>
      %add3A_949 = arith.constant 16 : i32
      %add3A_950 = vector.broadcast %add3A_949 : i32 to vector<16xi32>
      %add3A_951 = arith.addi %xor3A_945, %add3A_950 : vector<16xi32>
      %select_n3A_952 = arith.select %lt3A_948, %add3A_951, %xor3A_945 : vector<16xi1>, vector<16xi32>
      %broadcast_in_dim3A_953 = vector.shape_cast %select_n3A_952 : vector<16xi32> to vector<16x1xi32>
      %gather3A_954 = vector.shape_cast %broadcast_in_dim3A_953 : vector<16x1xi32> to vector<16xi32>
      %gather3A_955 = tpu.dynamic_gather %get3A_751[%gather3A_954] in [0] : vector<16xf32>, vector<16xi32> -> vector<16xf32>
      %max3A_956 = arith.maximumf %get3A_751, %gather3A_955 : vector<16xf32>
      %and3A_957 = arith.constant 1 : i32
      %and3A_958 = vector.broadcast %and3A_957 : i32 to vector<16xi32>
      %and3A_959 = arith.andi %iota3A, %and3A_958 : vector<16xi32>
      %eq3A_960 = arith.constant 0 : i32
      %eq3A_961 = vector.broadcast %eq3A_960 : i32 to vector<16xi32>
      %eq3A_962 = arith.cmpi eq, %and3A_959, %eq3A_961 : vector<16xi32>
      %select_n3A_963 = arith.select %eq3A_962, %max3A_942, %max3A_956 : vector<16xi1>, vector<16xf32>
      %xor3A_964 = arith.constant 1 : i32
      %xor3A_965 = vector.broadcast %xor3A_964 : i32 to vector<16xi32>
      %xor3A_966 = arith.xori %iota3A, %xor3A_965 : vector<16xi32>
      %lt3A_967 = arith.constant 0 : i32
      %lt3A_968 = vector.broadcast %lt3A_967 : i32 to vector<16xi32>
      %lt3A_969 = arith.cmpi slt, %xor3A_966, %lt3A_968 : vector<16xi32>
      %add3A_970 = arith.constant 16 : i32
      %add3A_971 = vector.broadcast %add3A_970 : i32 to vector<16xi32>
      %add3A_972 = arith.addi %xor3A_966, %add3A_971 : vector<16xi32>
      %select_n3A_973 = arith.select %lt3A_969, %add3A_972, %xor3A_966 : vector<16xi1>, vector<16xi32>
      %broadcast_in_dim3A_974 = vector.shape_cast %select_n3A_973 : vector<16xi32> to vector<16x1xi32>
      %gather3A_975 = vector.shape_cast %broadcast_in_dim3A_974 : vector<16x1xi32> to vector<16xi32>
      %gather3A_976 = tpu.dynamic_gather %get3A_760[%gather3A_975] in [0] : vector<16xf32>, vector<16xi32> -> vector<16xf32>
      %max3A_977 = arith.maximumf %get3A_760, %gather3A_976 : vector<16xf32>
      %xor3A_978 = arith.constant 1 : i32
      %xor3A_979 = vector.broadcast %xor3A_978 : i32 to vector<16xi32>
      %xor3A_980 = arith.xori %iota3A, %xor3A_979 : vector<16xi32>
      %lt3A_981 = arith.constant 0 : i32
      %lt3A_982 = vector.broadcast %lt3A_981 : i32 to vector<16xi32>
      %lt3A_983 = arith.cmpi slt, %xor3A_980, %lt3A_982 : vector<16xi32>
      %add3A_984 = arith.constant 16 : i32
      %add3A_985 = vector.broadcast %add3A_984 : i32 to vector<16xi32>
      %add3A_986 = arith.addi %xor3A_980, %add3A_985 : vector<16xi32>
      %select_n3A_987 = arith.select %lt3A_983, %add3A_986, %xor3A_980 : vector<16xi1>, vector<16xi32>
      %broadcast_in_dim3A_988 = vector.shape_cast %select_n3A_987 : vector<16xi32> to vector<16x1xi32>
      %gather3A_989 = vector.shape_cast %broadcast_in_dim3A_988 : vector<16x1xi32> to vector<16xi32>
      %gather3A_990 = tpu.dynamic_gather %get3A_769[%gather3A_989] in [0] : vector<16xf32>, vector<16xi32> -> vector<16xf32>
      %max3A_991 = arith.maximumf %get3A_769, %gather3A_990 : vector<16xf32>
      %and3A_992 = arith.constant 1 : i32
      %and3A_993 = vector.broadcast %and3A_992 : i32 to vector<16xi32>
      %and3A_994 = arith.andi %iota3A, %and3A_993 : vector<16xi32>
      %eq3A_995 = arith.constant 0 : i32
      %eq3A_996 = vector.broadcast %eq3A_995 : i32 to vector<16xi32>
      %eq3A_997 = arith.cmpi eq, %and3A_994, %eq3A_996 : vector<16xi32>
      %select_n3A_998 = arith.select %eq3A_997, %max3A_977, %max3A_991 : vector<16xi1>, vector<16xf32>
      %xor3A_999 = arith.constant 1 : i32
      %xor3A_1000 = vector.broadcast %xor3A_999 : i32 to vector<16xi32>
      %xor3A_1001 = arith.xori %iota3A, %xor3A_1000 : vector<16xi32>
      %lt3A_1002 = arith.constant 0 : i32
      %lt3A_1003 = vector.broadcast %lt3A_1002 : i32 to vector<16xi32>
      %lt3A_1004 = arith.cmpi slt, %xor3A_1001, %lt3A_1003 : vector<16xi32>
      %add3A_1005 = arith.constant 16 : i32
      %add3A_1006 = vector.broadcast %add3A_1005 : i32 to vector<16xi32>
      %add3A_1007 = arith.addi %xor3A_1001, %add3A_1006 : vector<16xi32>
      %select_n3A_1008 = arith.select %lt3A_1004, %add3A_1007, %xor3A_1001 : vector<16xi1>, vector<16xi32>
      %broadcast_in_dim3A_1009 = vector.shape_cast %select_n3A_1008 : vector<16xi32> to vector<16x1xi32>
      %gather3A_1010 = vector.shape_cast %broadcast_in_dim3A_1009 : vector<16x1xi32> to vector<16xi32>
      %gather3A_1011 = tpu.dynamic_gather %get3A_778[%gather3A_1010] in [0] : vector<16xf32>, vector<16xi32> -> vector<16xf32>
      %max3A_1012 = arith.maximumf %get3A_778, %gather3A_1011 : vector<16xf32>
      %xor3A_1013 = arith.constant 1 : i32
      %xor3A_1014 = vector.broadcast %xor3A_1013 : i32 to vector<16xi32>
      %xor3A_1015 = arith.xori %iota3A, %xor3A_1014 : vector<16xi32>
      %lt3A_1016 = arith.constant 0 : i32
      %lt3A_1017 = vector.broadcast %lt3A_1016 : i32 to vector<16xi32>
      %lt3A_1018 = arith.cmpi slt, %xor3A_1015, %lt3A_1017 : vector<16xi32>
      %add3A_1019 = arith.constant 16 : i32
      %add3A_1020 = vector.broadcast %add3A_1019 : i32 to vector<16xi32>
      %add3A_1021 = arith.addi %xor3A_1015, %add3A_1020 : vector<16xi32>
      %select_n3A_1022 = arith.select %lt3A_1018, %add3A_1021, %xor3A_1015 : vector<16xi1>, vector<16xi32>
      %broadcast_in_dim3A_1023 = vector.shape_cast %select_n3A_1022 : vector<16xi32> to vector<16x1xi32>
      %gather3A_1024 = vector.shape_cast %broadcast_in_dim3A_1023 : vector<16x1xi32> to vector<16xi32>
      %gather3A_1025 = tpu.dynamic_gather %get3A_787[%gather3A_1024] in [0] : vector<16xf32>, vector<16xi32> -> vector<16xf32>
      %max3A_1026 = arith.maximumf %get3A_787, %gather3A_1025 : vector<16xf32>
      %and3A_1027 = arith.constant 1 : i32
      %and3A_1028 = vector.broadcast %and3A_1027 : i32 to vector<16xi32>
      %and3A_1029 = arith.andi %iota3A, %and3A_1028 : vector<16xi32>
      %eq3A_1030 = arith.constant 0 : i32
      %eq3A_1031 = vector.broadcast %eq3A_1030 : i32 to vector<16xi32>
      %eq3A_1032 = arith.cmpi eq, %and3A_1029, %eq3A_1031 : vector<16xi32>
      %select_n3A_1033 = arith.select %eq3A_1032, %max3A_1012, %max3A_1026 : vector<16xi1>, vector<16xf32>
      %xor3A_1034 = arith.constant 1 : i32
      %xor3A_1035 = vector.broadcast %xor3A_1034 : i32 to vector<16xi32>
      %xor3A_1036 = arith.xori %iota3A, %xor3A_1035 : vector<16xi32>
      %lt3A_1037 = arith.constant 0 : i32
      %lt3A_1038 = vector.broadcast %lt3A_1037 : i32 to vector<16xi32>
      %lt3A_1039 = arith.cmpi slt, %xor3A_1036, %lt3A_1038 : vector<16xi32>
      %add3A_1040 = arith.constant 16 : i32
      %add3A_1041 = vector.broadcast %add3A_1040 : i32 to vector<16xi32>
      %add3A_1042 = arith.addi %xor3A_1036, %add3A_1041 : vector<16xi32>
      %select_n3A_1043 = arith.select %lt3A_1039, %add3A_1042, %xor3A_1036 : vector<16xi1>, vector<16xi32>
      %broadcast_in_dim3A_1044 = vector.shape_cast %select_n3A_1043 : vector<16xi32> to vector<16x1xi32>
      %gather3A_1045 = vector.shape_cast %broadcast_in_dim3A_1044 : vector<16x1xi32> to vector<16xi32>
      %gather3A_1046 = tpu.dynamic_gather %get3A_796[%gather3A_1045] in [0] : vector<16xf32>, vector<16xi32> -> vector<16xf32>
      %max3A_1047 = arith.maximumf %get3A_796, %gather3A_1046 : vector<16xf32>
      %xor3A_1048 = arith.constant 1 : i32
      %xor3A_1049 = vector.broadcast %xor3A_1048 : i32 to vector<16xi32>
      %xor3A_1050 = arith.xori %iota3A, %xor3A_1049 : vector<16xi32>
      %lt3A_1051 = arith.constant 0 : i32
      %lt3A_1052 = vector.broadcast %lt3A_1051 : i32 to vector<16xi32>
      %lt3A_1053 = arith.cmpi slt, %xor3A_1050, %lt3A_1052 : vector<16xi32>
      %add3A_1054 = arith.constant 16 : i32
      %add3A_1055 = vector.broadcast %add3A_1054 : i32 to vector<16xi32>
      %add3A_1056 = arith.addi %xor3A_1050, %add3A_1055 : vector<16xi32>
      %select_n3A_1057 = arith.select %lt3A_1053, %add3A_1056, %xor3A_1050 : vector<16xi1>, vector<16xi32>
      %broadcast_in_dim3A_1058 = vector.shape_cast %select_n3A_1057 : vector<16xi32> to vector<16x1xi32>
      %gather3A_1059 = vector.shape_cast %broadcast_in_dim3A_1058 : vector<16x1xi32> to vector<16xi32>
      %gather3A_1060 = tpu.dynamic_gather %get3A_805[%gather3A_1059] in [0] : vector<16xf32>, vector<16xi32> -> vector<16xf32>
      %max3A_1061 = arith.maximumf %get3A_805, %gather3A_1060 : vector<16xf32>
      %and3A_1062 = arith.constant 1 : i32
      %and3A_1063 = vector.broadcast %and3A_1062 : i32 to vector<16xi32>
      %and3A_1064 = arith.andi %iota3A, %and3A_1063 : vector<16xi32>
      %eq3A_1065 = arith.constant 0 : i32
      %eq3A_1066 = vector.broadcast %eq3A_1065 : i32 to vector<16xi32>
      %eq3A_1067 = arith.cmpi eq, %and3A_1064, %eq3A_1066 : vector<16xi32>
      %select_n3A_1068 = arith.select %eq3A_1067, %max3A_1047, %max3A_1061 : vector<16xi1>, vector<16xf32>
      %xor3A_1069 = arith.constant 1 : i32
      %xor3A_1070 = vector.broadcast %xor3A_1069 : i32 to vector<16xi32>
      %xor3A_1071 = arith.xori %iota3A, %xor3A_1070 : vector<16xi32>
      %lt3A_1072 = arith.constant 0 : i32
      %lt3A_1073 = vector.broadcast %lt3A_1072 : i32 to vector<16xi32>
      %lt3A_1074 = arith.cmpi slt, %xor3A_1071, %lt3A_1073 : vector<16xi32>
      %add3A_1075 = arith.constant 16 : i32
      %add3A_1076 = vector.broadcast %add3A_1075 : i32 to vector<16xi32>
      %add3A_1077 = arith.addi %xor3A_1071, %add3A_1076 : vector<16xi32>
      %select_n3A_1078 = arith.select %lt3A_1074, %add3A_1077, %xor3A_1071 : vector<16xi1>, vector<16xi32>
      %broadcast_in_dim3A_1079 = vector.shape_cast %select_n3A_1078 : vector<16xi32> to vector<16x1xi32>
      %gather3A_1080 = vector.shape_cast %broadcast_in_dim3A_1079 : vector<16x1xi32> to vector<16xi32>
      %gather3A_1081 = tpu.dynamic_gather %get3A_814[%gather3A_1080] in [0] : vector<16xf32>, vector<16xi32> -> vector<16xf32>
      %max3A_1082 = arith.maximumf %get3A_814, %gather3A_1081 : vector<16xf32>
      %xor3A_1083 = arith.constant 1 : i32
      %xor3A_1084 = vector.broadcast %xor3A_1083 : i32 to vector<16xi32>
      %xor3A_1085 = arith.xori %iota3A, %xor3A_1084 : vector<16xi32>
      %lt3A_1086 = arith.constant 0 : i32
      %lt3A_1087 = vector.broadcast %lt3A_1086 : i32 to vector<16xi32>
      %lt3A_1088 = arith.cmpi slt, %xor3A_1085, %lt3A_1087 : vector<16xi32>
      %add3A_1089 = arith.constant 16 : i32
      %add3A_1090 = vector.broadcast %add3A_1089 : i32 to vector<16xi32>
      %add3A_1091 = arith.addi %xor3A_1085, %add3A_1090 : vector<16xi32>
      %select_n3A_1092 = arith.select %lt3A_1088, %add3A_1091, %xor3A_1085 : vector<16xi1>, vector<16xi32>
      %broadcast_in_dim3A_1093 = vector.shape_cast %select_n3A_1092 : vector<16xi32> to vector<16x1xi32>
      %gather3A_1094 = vector.shape_cast %broadcast_in_dim3A_1093 : vector<16x1xi32> to vector<16xi32>
      %gather3A_1095 = tpu.dynamic_gather %get3A_823[%gather3A_1094] in [0] : vector<16xf32>, vector<16xi32> -> vector<16xf32>
      %max3A_1096 = arith.maximumf %get3A_823, %gather3A_1095 : vector<16xf32>
      %and3A_1097 = arith.constant 1 : i32
      %and3A_1098 = vector.broadcast %and3A_1097 : i32 to vector<16xi32>
      %and3A_1099 = arith.andi %iota3A, %and3A_1098 : vector<16xi32>
      %eq3A_1100 = arith.constant 0 : i32
      %eq3A_1101 = vector.broadcast %eq3A_1100 : i32 to vector<16xi32>
      %eq3A_1102 = arith.cmpi eq, %and3A_1099, %eq3A_1101 : vector<16xi32>
      %select_n3A_1103 = arith.select %eq3A_1102, %max3A_1082, %max3A_1096 : vector<16xi1>, vector<16xf32>
      %xor3A_1104 = arith.constant 2 : i32
      %xor3A_1105 = vector.broadcast %xor3A_1104 : i32 to vector<16xi32>
      %xor3A_1106 = arith.xori %iota3A, %xor3A_1105 : vector<16xi32>
      %lt3A_1107 = arith.constant 0 : i32
      %lt3A_1108 = vector.broadcast %lt3A_1107 : i32 to vector<16xi32>
      %lt3A_1109 = arith.cmpi slt, %xor3A_1106, %lt3A_1108 : vector<16xi32>
      %add3A_1110 = arith.constant 16 : i32
      %add3A_1111 = vector.broadcast %add3A_1110 : i32 to vector<16xi32>
      %add3A_1112 = arith.addi %xor3A_1106, %add3A_1111 : vector<16xi32>
      %select_n3A_1113 = arith.select %lt3A_1109, %add3A_1112, %xor3A_1106 : vector<16xi1>, vector<16xi32>
      %broadcast_in_dim3A_1114 = vector.shape_cast %select_n3A_1113 : vector<16xi32> to vector<16x1xi32>
      %gather3A_1115 = vector.shape_cast %broadcast_in_dim3A_1114 : vector<16x1xi32> to vector<16xi32>
      %gather3A_1116 = tpu.dynamic_gather %select_n3A_858[%gather3A_1115] in [0] : vector<16xf32>, vector<16xi32> -> vector<16xf32>
      %max3A_1117 = arith.maximumf %select_n3A_858, %gather3A_1116 : vector<16xf32>
      %xor3A_1118 = arith.constant 2 : i32
      %xor3A_1119 = vector.broadcast %xor3A_1118 : i32 to vector<16xi32>
      %xor3A_1120 = arith.xori %iota3A, %xor3A_1119 : vector<16xi32>
      %lt3A_1121 = arith.constant 0 : i32
      %lt3A_1122 = vector.broadcast %lt3A_1121 : i32 to vector<16xi32>
      %lt3A_1123 = arith.cmpi slt, %xor3A_1120, %lt3A_1122 : vector<16xi32>
      %add3A_1124 = arith.constant 16 : i32
      %add3A_1125 = vector.broadcast %add3A_1124 : i32 to vector<16xi32>
      %add3A_1126 = arith.addi %xor3A_1120, %add3A_1125 : vector<16xi32>
      %select_n3A_1127 = arith.select %lt3A_1123, %add3A_1126, %xor3A_1120 : vector<16xi1>, vector<16xi32>
      %broadcast_in_dim3A_1128 = vector.shape_cast %select_n3A_1127 : vector<16xi32> to vector<16x1xi32>
      %gather3A_1129 = vector.shape_cast %broadcast_in_dim3A_1128 : vector<16x1xi32> to vector<16xi32>
      %gather3A_1130 = tpu.dynamic_gather %select_n3A_893[%gather3A_1129] in [0] : vector<16xf32>, vector<16xi32> -> vector<16xf32>
      %max3A_1131 = arith.maximumf %select_n3A_893, %gather3A_1130 : vector<16xf32>
      %and3A_1132 = arith.constant 2 : i32
      %and3A_1133 = vector.broadcast %and3A_1132 : i32 to vector<16xi32>
      %and3A_1134 = arith.andi %iota3A, %and3A_1133 : vector<16xi32>
      %eq3A_1135 = arith.constant 0 : i32
      %eq3A_1136 = vector.broadcast %eq3A_1135 : i32 to vector<16xi32>
      %eq3A_1137 = arith.cmpi eq, %and3A_1134, %eq3A_1136 : vector<16xi32>
      %select_n3A_1138 = arith.select %eq3A_1137, %max3A_1117, %max3A_1131 : vector<16xi1>, vector<16xf32>
      %xor3A_1139 = arith.constant 2 : i32
      %xor3A_1140 = vector.broadcast %xor3A_1139 : i32 to vector<16xi32>
      %xor3A_1141 = arith.xori %iota3A, %xor3A_1140 : vector<16xi32>
      %lt3A_1142 = arith.constant 0 : i32
      %lt3A_1143 = vector.broadcast %lt3A_1142 : i32 to vector<16xi32>
      %lt3A_1144 = arith.cmpi slt, %xor3A_1141, %lt3A_1143 : vector<16xi32>
      %add3A_1145 = arith.constant 16 : i32
      %add3A_1146 = vector.broadcast %add3A_1145 : i32 to vector<16xi32>
      %add3A_1147 = arith.addi %xor3A_1141, %add3A_1146 : vector<16xi32>
      %select_n3A_1148 = arith.select %lt3A_1144, %add3A_1147, %xor3A_1141 : vector<16xi1>, vector<16xi32>
      %broadcast_in_dim3A_1149 = vector.shape_cast %select_n3A_1148 : vector<16xi32> to vector<16x1xi32>
      %gather3A_1150 = vector.shape_cast %broadcast_in_dim3A_1149 : vector<16x1xi32> to vector<16xi32>
      %gather3A_1151 = tpu.dynamic_gather %select_n3A_928[%gather3A_1150] in [0] : vector<16xf32>, vector<16xi32> -> vector<16xf32>
      %max3A_1152 = arith.maximumf %select_n3A_928, %gather3A_1151 : vector<16xf32>
      %xor3A_1153 = arith.constant 2 : i32
      %xor3A_1154 = vector.broadcast %xor3A_1153 : i32 to vector<16xi32>
      %xor3A_1155 = arith.xori %iota3A, %xor3A_1154 : vector<16xi32>
      %lt3A_1156 = arith.constant 0 : i32
      %lt3A_1157 = vector.broadcast %lt3A_1156 : i32 to vector<16xi32>
      %lt3A_1158 = arith.cmpi slt, %xor3A_1155, %lt3A_1157 : vector<16xi32>
      %add3A_1159 = arith.constant 16 : i32
      %add3A_1160 = vector.broadcast %add3A_1159 : i32 to vector<16xi32>
      %add3A_1161 = arith.addi %xor3A_1155, %add3A_1160 : vector<16xi32>
      %select_n3A_1162 = arith.select %lt3A_1158, %add3A_1161, %xor3A_1155 : vector<16xi1>, vector<16xi32>
      %broadcast_in_dim3A_1163 = vector.shape_cast %select_n3A_1162 : vector<16xi32> to vector<16x1xi32>
      %gather3A_1164 = vector.shape_cast %broadcast_in_dim3A_1163 : vector<16x1xi32> to vector<16xi32>
      %gather3A_1165 = tpu.dynamic_gather %select_n3A_963[%gather3A_1164] in [0] : vector<16xf32>, vector<16xi32> -> vector<16xf32>
      %max3A_1166 = arith.maximumf %select_n3A_963, %gather3A_1165 : vector<16xf32>
      %and3A_1167 = arith.constant 2 : i32
      %and3A_1168 = vector.broadcast %and3A_1167 : i32 to vector<16xi32>
      %and3A_1169 = arith.andi %iota3A, %and3A_1168 : vector<16xi32>
      %eq3A_1170 = arith.constant 0 : i32
      %eq3A_1171 = vector.broadcast %eq3A_1170 : i32 to vector<16xi32>
      %eq3A_1172 = arith.cmpi eq, %and3A_1169, %eq3A_1171 : vector<16xi32>
      %select_n3A_1173 = arith.select %eq3A_1172, %max3A_1152, %max3A_1166 : vector<16xi1>, vector<16xf32>
      %xor3A_1174 = arith.constant 2 : i32
      %xor3A_1175 = vector.broadcast %xor3A_1174 : i32 to vector<16xi32>
      %xor3A_1176 = arith.xori %iota3A, %xor3A_1175 : vector<16xi32>
      %lt3A_1177 = arith.constant 0 : i32
      %lt3A_1178 = vector.broadcast %lt3A_1177 : i32 to vector<16xi32>
      %lt3A_1179 = arith.cmpi slt, %xor3A_1176, %lt3A_1178 : vector<16xi32>
      %add3A_1180 = arith.constant 16 : i32
      %add3A_1181 = vector.broadcast %add3A_1180 : i32 to vector<16xi32>
      %add3A_1182 = arith.addi %xor3A_1176, %add3A_1181 : vector<16xi32>
      %select_n3A_1183 = arith.select %lt3A_1179, %add3A_1182, %xor3A_1176 : vector<16xi1>, vector<16xi32>
      %broadcast_in_dim3A_1184 = vector.shape_cast %select_n3A_1183 : vector<16xi32> to vector<16x1xi32>
      %gather3A_1185 = vector.shape_cast %broadcast_in_dim3A_1184 : vector<16x1xi32> to vector<16xi32>
      %gather3A_1186 = tpu.dynamic_gather %select_n3A_998[%gather3A_1185] in [0] : vector<16xf32>, vector<16xi32> -> vector<16xf32>
      %max3A_1187 = arith.maximumf %select_n3A_998, %gather3A_1186 : vector<16xf32>
      %xor3A_1188 = arith.constant 2 : i32
      %xor3A_1189 = vector.broadcast %xor3A_1188 : i32 to vector<16xi32>
      %xor3A_1190 = arith.xori %iota3A, %xor3A_1189 : vector<16xi32>
      %lt3A_1191 = arith.constant 0 : i32
      %lt3A_1192 = vector.broadcast %lt3A_1191 : i32 to vector<16xi32>
      %lt3A_1193 = arith.cmpi slt, %xor3A_1190, %lt3A_1192 : vector<16xi32>
      %add3A_1194 = arith.constant 16 : i32
      %add3A_1195 = vector.broadcast %add3A_1194 : i32 to vector<16xi32>
      %add3A_1196 = arith.addi %xor3A_1190, %add3A_1195 : vector<16xi32>
      %select_n3A_1197 = arith.select %lt3A_1193, %add3A_1196, %xor3A_1190 : vector<16xi1>, vector<16xi32>
      %broadcast_in_dim3A_1198 = vector.shape_cast %select_n3A_1197 : vector<16xi32> to vector<16x1xi32>
      %gather3A_1199 = vector.shape_cast %broadcast_in_dim3A_1198 : vector<16x1xi32> to vector<16xi32>
      %gather3A_1200 = tpu.dynamic_gather %select_n3A_1033[%gather3A_1199] in [0] : vector<16xf32>, vector<16xi32> -> vector<16xf32>
      %max3A_1201 = arith.maximumf %select_n3A_1033, %gather3A_1200 : vector<16xf32>
      %and3A_1202 = arith.constant 2 : i32
      %and3A_1203 = vector.broadcast %and3A_1202 : i32 to vector<16xi32>
      %and3A_1204 = arith.andi %iota3A, %and3A_1203 : vector<16xi32>
      %eq3A_1205 = arith.constant 0 : i32
      %eq3A_1206 = vector.broadcast %eq3A_1205 : i32 to vector<16xi32>
      %eq3A_1207 = arith.cmpi eq, %and3A_1204, %eq3A_1206 : vector<16xi32>
      %select_n3A_1208 = arith.select %eq3A_1207, %max3A_1187, %max3A_1201 : vector<16xi1>, vector<16xf32>
      %xor3A_1209 = arith.constant 2 : i32
      %xor3A_1210 = vector.broadcast %xor3A_1209 : i32 to vector<16xi32>
      %xor3A_1211 = arith.xori %iota3A, %xor3A_1210 : vector<16xi32>
      %lt3A_1212 = arith.constant 0 : i32
      %lt3A_1213 = vector.broadcast %lt3A_1212 : i32 to vector<16xi32>
      %lt3A_1214 = arith.cmpi slt, %xor3A_1211, %lt3A_1213 : vector<16xi32>
      %add3A_1215 = arith.constant 16 : i32
      %add3A_1216 = vector.broadcast %add3A_1215 : i32 to vector<16xi32>
      %add3A_1217 = arith.addi %xor3A_1211, %add3A_1216 : vector<16xi32>
      %select_n3A_1218 = arith.select %lt3A_1214, %add3A_1217, %xor3A_1211 : vector<16xi1>, vector<16xi32>
      %broadcast_in_dim3A_1219 = vector.shape_cast %select_n3A_1218 : vector<16xi32> to vector<16x1xi32>
      %gather3A_1220 = vector.shape_cast %broadcast_in_dim3A_1219 : vector<16x1xi32> to vector<16xi32>
      %gather3A_1221 = tpu.dynamic_gather %select_n3A_1068[%gather3A_1220] in [0] : vector<16xf32>, vector<16xi32> -> vector<16xf32>
      %max3A_1222 = arith.maximumf %select_n3A_1068, %gather3A_1221 : vector<16xf32>
      %xor3A_1223 = arith.constant 2 : i32
      %xor3A_1224 = vector.broadcast %xor3A_1223 : i32 to vector<16xi32>
      %xor3A_1225 = arith.xori %iota3A, %xor3A_1224 : vector<16xi32>
      %lt3A_1226 = arith.constant 0 : i32
      %lt3A_1227 = vector.broadcast %lt3A_1226 : i32 to vector<16xi32>
      %lt3A_1228 = arith.cmpi slt, %xor3A_1225, %lt3A_1227 : vector<16xi32>
      %add3A_1229 = arith.constant 16 : i32
      %add3A_1230 = vector.broadcast %add3A_1229 : i32 to vector<16xi32>
      %add3A_1231 = arith.addi %xor3A_1225, %add3A_1230 : vector<16xi32>
      %select_n3A_1232 = arith.select %lt3A_1228, %add3A_1231, %xor3A_1225 : vector<16xi1>, vector<16xi32>
      %broadcast_in_dim3A_1233 = vector.shape_cast %select_n3A_1232 : vector<16xi32> to vector<16x1xi32>
      %gather3A_1234 = vector.shape_cast %broadcast_in_dim3A_1233 : vector<16x1xi32> to vector<16xi32>
      %gather3A_1235 = tpu.dynamic_gather %select_n3A_1103[%gather3A_1234] in [0] : vector<16xf32>, vector<16xi32> -> vector<16xf32>
      %max3A_1236 = arith.maximumf %select_n3A_1103, %gather3A_1235 : vector<16xf32>
      %and3A_1237 = arith.constant 2 : i32
      %and3A_1238 = vector.broadcast %and3A_1237 : i32 to vector<16xi32>
      %and3A_1239 = arith.andi %iota3A, %and3A_1238 : vector<16xi32>
      %eq3A_1240 = arith.constant 0 : i32
      %eq3A_1241 = vector.broadcast %eq3A_1240 : i32 to vector<16xi32>
      %eq3A_1242 = arith.cmpi eq, %and3A_1239, %eq3A_1241 : vector<16xi32>
      %select_n3A_1243 = arith.select %eq3A_1242, %max3A_1222, %max3A_1236 : vector<16xi1>, vector<16xf32>
      %xor3A_1244 = arith.constant 4 : i32
      %xor3A_1245 = vector.broadcast %xor3A_1244 : i32 to vector<16xi32>
      %xor3A_1246 = arith.xori %iota3A, %xor3A_1245 : vector<16xi32>
      %lt3A_1247 = arith.constant 0 : i32
      %lt3A_1248 = vector.broadcast %lt3A_1247 : i32 to vector<16xi32>
      %lt3A_1249 = arith.cmpi slt, %xor3A_1246, %lt3A_1248 : vector<16xi32>
      %add3A_1250 = arith.constant 16 : i32
      %add3A_1251 = vector.broadcast %add3A_1250 : i32 to vector<16xi32>
      %add3A_1252 = arith.addi %xor3A_1246, %add3A_1251 : vector<16xi32>
      %select_n3A_1253 = arith.select %lt3A_1249, %add3A_1252, %xor3A_1246 : vector<16xi1>, vector<16xi32>
      %broadcast_in_dim3A_1254 = vector.shape_cast %select_n3A_1253 : vector<16xi32> to vector<16x1xi32>
      %gather3A_1255 = vector.shape_cast %broadcast_in_dim3A_1254 : vector<16x1xi32> to vector<16xi32>
      %gather3A_1256 = tpu.dynamic_gather %select_n3A_1138[%gather3A_1255] in [0] : vector<16xf32>, vector<16xi32> -> vector<16xf32>
      %max3A_1257 = arith.maximumf %select_n3A_1138, %gather3A_1256 : vector<16xf32>
      %xor3A_1258 = arith.constant 4 : i32
      %xor3A_1259 = vector.broadcast %xor3A_1258 : i32 to vector<16xi32>
      %xor3A_1260 = arith.xori %iota3A, %xor3A_1259 : vector<16xi32>
      %lt3A_1261 = arith.constant 0 : i32
      %lt3A_1262 = vector.broadcast %lt3A_1261 : i32 to vector<16xi32>
      %lt3A_1263 = arith.cmpi slt, %xor3A_1260, %lt3A_1262 : vector<16xi32>
      %add3A_1264 = arith.constant 16 : i32
      %add3A_1265 = vector.broadcast %add3A_1264 : i32 to vector<16xi32>
      %add3A_1266 = arith.addi %xor3A_1260, %add3A_1265 : vector<16xi32>
      %select_n3A_1267 = arith.select %lt3A_1263, %add3A_1266, %xor3A_1260 : vector<16xi1>, vector<16xi32>
      %broadcast_in_dim3A_1268 = vector.shape_cast %select_n3A_1267 : vector<16xi32> to vector<16x1xi32>
      %gather3A_1269 = vector.shape_cast %broadcast_in_dim3A_1268 : vector<16x1xi32> to vector<16xi32>
      %gather3A_1270 = tpu.dynamic_gather %select_n3A_1173[%gather3A_1269] in [0] : vector<16xf32>, vector<16xi32> -> vector<16xf32>
      %max3A_1271 = arith.maximumf %select_n3A_1173, %gather3A_1270 : vector<16xf32>
      %and3A_1272 = arith.constant 4 : i32
      %and3A_1273 = vector.broadcast %and3A_1272 : i32 to vector<16xi32>
      %and3A_1274 = arith.andi %iota3A, %and3A_1273 : vector<16xi32>
      %eq3A_1275 = arith.constant 0 : i32
      %eq3A_1276 = vector.broadcast %eq3A_1275 : i32 to vector<16xi32>
      %eq3A_1277 = arith.cmpi eq, %and3A_1274, %eq3A_1276 : vector<16xi32>
      %select_n3A_1278 = arith.select %eq3A_1277, %max3A_1257, %max3A_1271 : vector<16xi1>, vector<16xf32>
      %xor3A_1279 = arith.constant 4 : i32
      %xor3A_1280 = vector.broadcast %xor3A_1279 : i32 to vector<16xi32>
      %xor3A_1281 = arith.xori %iota3A, %xor3A_1280 : vector<16xi32>
      %lt3A_1282 = arith.constant 0 : i32
      %lt3A_1283 = vector.broadcast %lt3A_1282 : i32 to vector<16xi32>
      %lt3A_1284 = arith.cmpi slt, %xor3A_1281, %lt3A_1283 : vector<16xi32>
      %add3A_1285 = arith.constant 16 : i32
      %add3A_1286 = vector.broadcast %add3A_1285 : i32 to vector<16xi32>
      %add3A_1287 = arith.addi %xor3A_1281, %add3A_1286 : vector<16xi32>
      %select_n3A_1288 = arith.select %lt3A_1284, %add3A_1287, %xor3A_1281 : vector<16xi1>, vector<16xi32>
      %broadcast_in_dim3A_1289 = vector.shape_cast %select_n3A_1288 : vector<16xi32> to vector<16x1xi32>
      %gather3A_1290 = vector.shape_cast %broadcast_in_dim3A_1289 : vector<16x1xi32> to vector<16xi32>
      %gather3A_1291 = tpu.dynamic_gather %select_n3A_1208[%gather3A_1290] in [0] : vector<16xf32>, vector<16xi32> -> vector<16xf32>
      %max3A_1292 = arith.maximumf %select_n3A_1208, %gather3A_1291 : vector<16xf32>
      %xor3A_1293 = arith.constant 4 : i32
      %xor3A_1294 = vector.broadcast %xor3A_1293 : i32 to vector<16xi32>
      %xor3A_1295 = arith.xori %iota3A, %xor3A_1294 : vector<16xi32>
      %lt3A_1296 = arith.constant 0 : i32
      %lt3A_1297 = vector.broadcast %lt3A_1296 : i32 to vector<16xi32>
      %lt3A_1298 = arith.cmpi slt, %xor3A_1295, %lt3A_1297 : vector<16xi32>
      %add3A_1299 = arith.constant 16 : i32
      %add3A_1300 = vector.broadcast %add3A_1299 : i32 to vector<16xi32>
      %add3A_1301 = arith.addi %xor3A_1295, %add3A_1300 : vector<16xi32>
      %select_n3A_1302 = arith.select %lt3A_1298, %add3A_1301, %xor3A_1295 : vector<16xi1>, vector<16xi32>
      %broadcast_in_dim3A_1303 = vector.shape_cast %select_n3A_1302 : vector<16xi32> to vector<16x1xi32>
      %gather3A_1304 = vector.shape_cast %broadcast_in_dim3A_1303 : vector<16x1xi32> to vector<16xi32>
      %gather3A_1305 = tpu.dynamic_gather %select_n3A_1243[%gather3A_1304] in [0] : vector<16xf32>, vector<16xi32> -> vector<16xf32>
      %max3A_1306 = arith.maximumf %select_n3A_1243, %gather3A_1305 : vector<16xf32>
      %and3A_1307 = arith.constant 4 : i32
      %and3A_1308 = vector.broadcast %and3A_1307 : i32 to vector<16xi32>
      %and3A_1309 = arith.andi %iota3A, %and3A_1308 : vector<16xi32>
      %eq3A_1310 = arith.constant 0 : i32
      %eq3A_1311 = vector.broadcast %eq3A_1310 : i32 to vector<16xi32>
      %eq3A_1312 = arith.cmpi eq, %and3A_1309, %eq3A_1311 : vector<16xi32>
      %select_n3A_1313 = arith.select %eq3A_1312, %max3A_1292, %max3A_1306 : vector<16xi1>, vector<16xf32>
      %xor3A_1314 = arith.constant 8 : i32
      %xor3A_1315 = vector.broadcast %xor3A_1314 : i32 to vector<16xi32>
      %xor3A_1316 = arith.xori %iota3A, %xor3A_1315 : vector<16xi32>
      %lt3A_1317 = arith.constant 0 : i32
      %lt3A_1318 = vector.broadcast %lt3A_1317 : i32 to vector<16xi32>
      %lt3A_1319 = arith.cmpi slt, %xor3A_1316, %lt3A_1318 : vector<16xi32>
      %add3A_1320 = arith.constant 16 : i32
      %add3A_1321 = vector.broadcast %add3A_1320 : i32 to vector<16xi32>
      %add3A_1322 = arith.addi %xor3A_1316, %add3A_1321 : vector<16xi32>
      %select_n3A_1323 = arith.select %lt3A_1319, %add3A_1322, %xor3A_1316 : vector<16xi1>, vector<16xi32>
      %broadcast_in_dim3A_1324 = vector.shape_cast %select_n3A_1323 : vector<16xi32> to vector<16x1xi32>
      %gather3A_1325 = vector.shape_cast %broadcast_in_dim3A_1324 : vector<16x1xi32> to vector<16xi32>
      %gather3A_1326 = tpu.dynamic_gather %select_n3A_1278[%gather3A_1325] in [0] : vector<16xf32>, vector<16xi32> -> vector<16xf32>
      %max3A_1327 = arith.maximumf %select_n3A_1278, %gather3A_1326 : vector<16xf32>
      %xor3A_1328 = arith.constant 8 : i32
      %xor3A_1329 = vector.broadcast %xor3A_1328 : i32 to vector<16xi32>
      %xor3A_1330 = arith.xori %iota3A, %xor3A_1329 : vector<16xi32>
      %lt3A_1331 = arith.constant 0 : i32
      %lt3A_1332 = vector.broadcast %lt3A_1331 : i32 to vector<16xi32>
      %lt3A_1333 = arith.cmpi slt, %xor3A_1330, %lt3A_1332 : vector<16xi32>
      %add3A_1334 = arith.constant 16 : i32
      %add3A_1335 = vector.broadcast %add3A_1334 : i32 to vector<16xi32>
      %add3A_1336 = arith.addi %xor3A_1330, %add3A_1335 : vector<16xi32>
      %select_n3A_1337 = arith.select %lt3A_1333, %add3A_1336, %xor3A_1330 : vector<16xi1>, vector<16xi32>
      %broadcast_in_dim3A_1338 = vector.shape_cast %select_n3A_1337 : vector<16xi32> to vector<16x1xi32>
      %gather3A_1339 = vector.shape_cast %broadcast_in_dim3A_1338 : vector<16x1xi32> to vector<16xi32>
      %gather3A_1340 = tpu.dynamic_gather %select_n3A_1313[%gather3A_1339] in [0] : vector<16xf32>, vector<16xi32> -> vector<16xf32>
      %max3A_1341 = arith.maximumf %select_n3A_1313, %gather3A_1340 : vector<16xf32>
      %and3A_1342 = arith.constant 8 : i32
      %and3A_1343 = vector.broadcast %and3A_1342 : i32 to vector<16xi32>
      %and3A_1344 = arith.andi %iota3A, %and3A_1343 : vector<16xi32>
      %eq3A_1345 = arith.constant 0 : i32
      %eq3A_1346 = vector.broadcast %eq3A_1345 : i32 to vector<16xi32>
      %eq3A_1347 = arith.cmpi eq, %and3A_1344, %eq3A_1346 : vector<16xi32>
      %select_n3A_1348 = arith.select %eq3A_1347, %max3A_1327, %max3A_1341 : vector<16xi1>, vector<16xf32>
      %ge3A = vector.broadcast %squeeze3A : f32 to vector<16xf32>
      %ge3A_1349 = arith.cmpf oge, %select_n3A_1348, %ge3A : vector<16xf32>
      %jit3A = arith.constant 0 : i32
      %broadcast_in_dim3A_1350 = vector.broadcast %jit3A : i32 to vector<16xi32>
      %select_n3A_1351 = arith.select %ge3A_1349, %shift_left3A_329, %broadcast_in_dim3A_1350 : vector<16xi1>, vector<16xi32>
      %xor3A_1352 = arith.constant 8 : i32
      %xor3A_1353 = vector.broadcast %xor3A_1352 : i32 to vector<16xi32>
      %xor3A_1354 = arith.xori %iota3A, %xor3A_1353 : vector<16xi32>
      %lt3A_1355 = arith.constant 0 : i32
      %lt3A_1356 = vector.broadcast %lt3A_1355 : i32 to vector<16xi32>
      %lt3A_1357 = arith.cmpi slt, %xor3A_1354, %lt3A_1356 : vector<16xi32>
      %add3A_1358 = arith.constant 16 : i32
      %add3A_1359 = vector.broadcast %add3A_1358 : i32 to vector<16xi32>
      %add3A_1360 = arith.addi %xor3A_1354, %add3A_1359 : vector<16xi32>
      %select_n3A_1361 = arith.select %lt3A_1357, %add3A_1360, %xor3A_1354 : vector<16xi1>, vector<16xi32>
      %broadcast_in_dim3A_1362 = vector.shape_cast %select_n3A_1361 : vector<16xi32> to vector<16x1xi32>
      %gather3A_1363 = vector.shape_cast %broadcast_in_dim3A_1362 : vector<16x1xi32> to vector<16xi32>
      %gather3A_1364 = tpu.dynamic_gather %select_n3A_1351[%gather3A_1363] in [0] : vector<16xi32>, vector<16xi32> -> vector<16xi32>
      %or3A = arith.ori %select_n3A_1351, %gather3A_1364 : vector<16xi32>
      %xor3A_1365 = arith.constant 4 : i32
      %xor3A_1366 = vector.broadcast %xor3A_1365 : i32 to vector<16xi32>
      %xor3A_1367 = arith.xori %iota3A, %xor3A_1366 : vector<16xi32>
      %lt3A_1368 = arith.constant 0 : i32
      %lt3A_1369 = vector.broadcast %lt3A_1368 : i32 to vector<16xi32>
      %lt3A_1370 = arith.cmpi slt, %xor3A_1367, %lt3A_1369 : vector<16xi32>
      %add3A_1371 = arith.constant 16 : i32
      %add3A_1372 = vector.broadcast %add3A_1371 : i32 to vector<16xi32>
      %add3A_1373 = arith.addi %xor3A_1367, %add3A_1372 : vector<16xi32>
      %select_n3A_1374 = arith.select %lt3A_1370, %add3A_1373, %xor3A_1367 : vector<16xi1>, vector<16xi32>
      %broadcast_in_dim3A_1375 = vector.shape_cast %select_n3A_1374 : vector<16xi32> to vector<16x1xi32>
      %gather3A_1376 = vector.shape_cast %broadcast_in_dim3A_1375 : vector<16x1xi32> to vector<16xi32>
      %gather3A_1377 = tpu.dynamic_gather %or3A[%gather3A_1376] in [0] : vector<16xi32>, vector<16xi32> -> vector<16xi32>
      %or3A_1378 = arith.ori %or3A, %gather3A_1377 : vector<16xi32>
      %xor3A_1379 = arith.constant 2 : i32
      %xor3A_1380 = vector.broadcast %xor3A_1379 : i32 to vector<16xi32>
      %xor3A_1381 = arith.xori %iota3A, %xor3A_1380 : vector<16xi32>
      %lt3A_1382 = arith.constant 0 : i32
      %lt3A_1383 = vector.broadcast %lt3A_1382 : i32 to vector<16xi32>
      %lt3A_1384 = arith.cmpi slt, %xor3A_1381, %lt3A_1383 : vector<16xi32>
      %add3A_1385 = arith.constant 16 : i32
      %add3A_1386 = vector.broadcast %add3A_1385 : i32 to vector<16xi32>
      %add3A_1387 = arith.addi %xor3A_1381, %add3A_1386 : vector<16xi32>
      %select_n3A_1388 = arith.select %lt3A_1384, %add3A_1387, %xor3A_1381 : vector<16xi1>, vector<16xi32>
      %broadcast_in_dim3A_1389 = vector.shape_cast %select_n3A_1388 : vector<16xi32> to vector<16x1xi32>
      %gather3A_1390 = vector.shape_cast %broadcast_in_dim3A_1389 : vector<16x1xi32> to vector<16xi32>
      %gather3A_1391 = tpu.dynamic_gather %or3A_1378[%gather3A_1390] in [0] : vector<16xi32>, vector<16xi32> -> vector<16xi32>
      %or3A_1392 = arith.ori %or3A_1378, %gather3A_1391 : vector<16xi32>
      %xor3A_1393 = arith.constant 1 : i32
      %xor3A_1394 = vector.broadcast %xor3A_1393 : i32 to vector<16xi32>
      %xor3A_1395 = arith.xori %iota3A, %xor3A_1394 : vector<16xi32>
      %lt3A_1396 = arith.constant 0 : i32
      %lt3A_1397 = vector.broadcast %lt3A_1396 : i32 to vector<16xi32>
      %lt3A_1398 = arith.cmpi slt, %xor3A_1395, %lt3A_1397 : vector<16xi32>
      %add3A_1399 = arith.constant 16 : i32
      %add3A_1400 = vector.broadcast %add3A_1399 : i32 to vector<16xi32>
      %add3A_1401 = arith.addi %xor3A_1395, %add3A_1400 : vector<16xi32>
      %select_n3A_1402 = arith.select %lt3A_1398, %add3A_1401, %xor3A_1395 : vector<16xi1>, vector<16xi32>
      %broadcast_in_dim3A_1403 = vector.shape_cast %select_n3A_1402 : vector<16xi32> to vector<16x1xi32>
      %gather3A_1404 = vector.shape_cast %broadcast_in_dim3A_1403 : vector<16x1xi32> to vector<16xi32>
      %gather3A_1405 = tpu.dynamic_gather %or3A_1392[%gather3A_1404] in [0] : vector<16xi32>, vector<16xi32> -> vector<16xi32>
      %or3A_1406 = arith.ori %or3A_1392, %gather3A_1405 : vector<16xi32>
      %slice3A_1407 = vector.extract_strided_slice %or3A_1406 {offsets = [0], sizes = [1], strides = [1]} : vector<16xi32> to vector<1xi32>
      %squeeze3A_1408 = vector.extract %slice3A_1407[0] : i32 from vector<1xi32>
      %ne3A = arith.constant 0 : i32
      %ne3A_1409 = arith.cmpi ne, %squeeze3A_1408, %ne3A : i32
      %convert_element_type3A = arith.extui %ne3A_1409 : i1 to i32
      %cond3A = arith.constant 0 : i32
      %cond3A_1410 = arith.cmpi ne, %convert_element_type3A, %cond3A : i32
      scf.if %cond3A_1410 {
        %scan3A_1411 = arith.constant 0 : i32
        %scan3A_1412 = arith.constant 0 : i32
        %scan3A_1413 = arith.constant 16 : i32
        %scan3A_1414 = arith.addi %scan3A_1412, %scan3A_1413 : i32
        %scan3A_1415 = arith.constant 1 : i32
        scf.for %scan3A_1417 = %scan3A_1412 to %scan3A_1414 step %scan3A_1415  : i32 {
          %shift_right_arithmetic3A_1418 = arith.shrsi %squeeze3A_1408, %scan3A_1417 : i32
          %and3A_1419 = arith.constant 1 : i32
          %and3A_1420 = arith.andi %shift_right_arithmetic3A_1418, %and3A_1419 : i32
          %ne3A_1421 = arith.constant 0 : i32
          %ne3A_1422 = arith.cmpi ne, %and3A_1420, %ne3A_1421 : i32
          %convert_element_type3A_1423 = arith.extui %ne3A_1422 : i1 to i32
          %cond3A_1424 = arith.constant 0 : i32
          %cond3A_1425 = arith.cmpi ne, %convert_element_type3A_1423, %cond3A_1424 : i32
          scf.if %cond3A_1425 {
            %mul3A_1426 = arith.constant 256 : i32
            %mul3A_1427 = arith.muli %scan3A_1417, %mul3A_1426 : i32
            %add3A_1428 = arith.addi %mul3A_679, %mul3A_1427 : i32
            %add3A_1429 = arith.constant 0 : i32
            %add3A_1430 = arith.addi %add3A_1428, %add3A_1429 : i32
            %get3A_1431 = arith.constant 0 : i32
            %get3A_1432 = arith.index_cast %get3A_1431 : i32 to index
            %get3A_1433 = arith.index_cast %add3A_1430 : i32 to index
            %get3A_1434 = tpu.vector_load %arg4[%get3A_1432, %get3A_1433] {strides = array<i32>} : memref<2x32768xf32, #tpu.memory_space<vmem>>, vector<1x16xf32>,
            %get3A_1435 = vector.shape_cast %get3A_1434 : vector<1x16xf32> to vector<16xf32>
            %add3A_1436 = arith.constant 16 : i32
            %add3A_1437 = arith.addi %add3A_1428, %add3A_1436 : i32
            %get3A_1438 = arith.constant 0 : i32
            %get3A_1439 = arith.index_cast %get3A_1438 : i32 to index
            %get3A_1440 = arith.index_cast %add3A_1437 : i32 to index
            %get3A_1441 = tpu.vector_load %arg4[%get3A_1439, %get3A_1440] {strides = array<i32>} : memref<2x32768xf32, #tpu.memory_space<vmem>>, vector<1x16xf32>,
            %get3A_1442 = vector.shape_cast %get3A_1441 : vector<1x16xf32> to vector<16xf32>
            %add3A_1443 = arith.constant 32 : i32
            %add3A_1444 = arith.addi %add3A_1428, %add3A_1443 : i32
            %get3A_1445 = arith.constant 0 : i32
            %get3A_1446 = arith.index_cast %get3A_1445 : i32 to index
            %get3A_1447 = arith.index_cast %add3A_1444 : i32 to index
            %get3A_1448 = tpu.vector_load %arg4[%get3A_1446, %get3A_1447] {strides = array<i32>} : memref<2x32768xf32, #tpu.memory_space<vmem>>, vector<1x16xf32>,
            %get3A_1449 = vector.shape_cast %get3A_1448 : vector<1x16xf32> to vector<16xf32>
            %add3A_1450 = arith.constant 48 : i32
            %add3A_1451 = arith.addi %add3A_1428, %add3A_1450 : i32
            %get3A_1452 = arith.constant 0 : i32
            %get3A_1453 = arith.index_cast %get3A_1452 : i32 to index
            %get3A_1454 = arith.index_cast %add3A_1451 : i32 to index
            %get3A_1455 = tpu.vector_load %arg4[%get3A_1453, %get3A_1454] {strides = array<i32>} : memref<2x32768xf32, #tpu.memory_space<vmem>>, vector<1x16xf32>,
            %get3A_1456 = vector.shape_cast %get3A_1455 : vector<1x16xf32> to vector<16xf32>
            %add3A_1457 = arith.constant 64 : i32
            %add3A_1458 = arith.addi %add3A_1428, %add3A_1457 : i32
            %get3A_1459 = arith.constant 0 : i32
            %get3A_1460 = arith.index_cast %get3A_1459 : i32 to index
            %get3A_1461 = arith.index_cast %add3A_1458 : i32 to index
            %get3A_1462 = tpu.vector_load %arg4[%get3A_1460, %get3A_1461] {strides = array<i32>} : memref<2x32768xf32, #tpu.memory_space<vmem>>, vector<1x16xf32>,
            %get3A_1463 = vector.shape_cast %get3A_1462 : vector<1x16xf32> to vector<16xf32>
            %add3A_1464 = arith.constant 80 : i32
            %add3A_1465 = arith.addi %add3A_1428, %add3A_1464 : i32
            %get3A_1466 = arith.constant 0 : i32
            %get3A_1467 = arith.index_cast %get3A_1466 : i32 to index
            %get3A_1468 = arith.index_cast %add3A_1465 : i32 to index
            %get3A_1469 = tpu.vector_load %arg4[%get3A_1467, %get3A_1468] {strides = array<i32>} : memref<2x32768xf32, #tpu.memory_space<vmem>>, vector<1x16xf32>,
            %get3A_1470 = vector.shape_cast %get3A_1469 : vector<1x16xf32> to vector<16xf32>
            %add3A_1471 = arith.constant 96 : i32
            %add3A_1472 = arith.addi %add3A_1428, %add3A_1471 : i32
            %get3A_1473 = arith.constant 0 : i32
            %get3A_1474 = arith.index_cast %get3A_1473 : i32 to index
            %get3A_1475 = arith.index_cast %add3A_1472 : i32 to index
            %get3A_1476 = tpu.vector_load %arg4[%get3A_1474, %get3A_1475] {strides = array<i32>} : memref<2x32768xf32, #tpu.memory_space<vmem>>, vector<1x16xf32>,
            %get3A_1477 = vector.shape_cast %get3A_1476 : vector<1x16xf32> to vector<16xf32>
            %add3A_1478 = arith.constant 112 : i32
            %add3A_1479 = arith.addi %add3A_1428, %add3A_1478 : i32
            %get3A_1480 = arith.constant 0 : i32
            %get3A_1481 = arith.index_cast %get3A_1480 : i32 to index
            %get3A_1482 = arith.index_cast %add3A_1479 : i32 to index
            %get3A_1483 = tpu.vector_load %arg4[%get3A_1481, %get3A_1482] {strides = array<i32>} : memref<2x32768xf32, #tpu.memory_space<vmem>>, vector<1x16xf32>,
            %get3A_1484 = vector.shape_cast %get3A_1483 : vector<1x16xf32> to vector<16xf32>
            %add3A_1485 = arith.constant 128 : i32
            %add3A_1486 = arith.addi %add3A_1428, %add3A_1485 : i32
            %get3A_1487 = arith.constant 0 : i32
            %get3A_1488 = arith.index_cast %get3A_1487 : i32 to index
            %get3A_1489 = arith.index_cast %add3A_1486 : i32 to index
            %get3A_1490 = tpu.vector_load %arg4[%get3A_1488, %get3A_1489] {strides = array<i32>} : memref<2x32768xf32, #tpu.memory_space<vmem>>, vector<1x16xf32>,
            %get3A_1491 = vector.shape_cast %get3A_1490 : vector<1x16xf32> to vector<16xf32>
            %add3A_1492 = arith.constant 144 : i32
            %add3A_1493 = arith.addi %add3A_1428, %add3A_1492 : i32
            %get3A_1494 = arith.constant 0 : i32
            %get3A_1495 = arith.index_cast %get3A_1494 : i32 to index
            %get3A_1496 = arith.index_cast %add3A_1493 : i32 to index
            %get3A_1497 = tpu.vector_load %arg4[%get3A_1495, %get3A_1496] {strides = array<i32>} : memref<2x32768xf32, #tpu.memory_space<vmem>>, vector<1x16xf32>,
            %get3A_1498 = vector.shape_cast %get3A_1497 : vector<1x16xf32> to vector<16xf32>
            %add3A_1499 = arith.constant 160 : i32
            %add3A_1500 = arith.addi %add3A_1428, %add3A_1499 : i32
            %get3A_1501 = arith.constant 0 : i32
            %get3A_1502 = arith.index_cast %get3A_1501 : i32 to index
            %get3A_1503 = arith.index_cast %add3A_1500 : i32 to index
            %get3A_1504 = tpu.vector_load %arg4[%get3A_1502, %get3A_1503] {strides = array<i32>} : memref<2x32768xf32, #tpu.memory_space<vmem>>, vector<1x16xf32>,
            %get3A_1505 = vector.shape_cast %get3A_1504 : vector<1x16xf32> to vector<16xf32>
            %add3A_1506 = arith.constant 176 : i32
            %add3A_1507 = arith.addi %add3A_1428, %add3A_1506 : i32
            %get3A_1508 = arith.constant 0 : i32
            %get3A_1509 = arith.index_cast %get3A_1508 : i32 to index
            %get3A_1510 = arith.index_cast %add3A_1507 : i32 to index
            %get3A_1511 = tpu.vector_load %arg4[%get3A_1509, %get3A_1510] {strides = array<i32>} : memref<2x32768xf32, #tpu.memory_space<vmem>>, vector<1x16xf32>,
            %get3A_1512 = vector.shape_cast %get3A_1511 : vector<1x16xf32> to vector<16xf32>
            %add3A_1513 = arith.constant 192 : i32
            %add3A_1514 = arith.addi %add3A_1428, %add3A_1513 : i32
            %get3A_1515 = arith.constant 0 : i32
            %get3A_1516 = arith.index_cast %get3A_1515 : i32 to index
            %get3A_1517 = arith.index_cast %add3A_1514 : i32 to index
            %get3A_1518 = tpu.vector_load %arg4[%get3A_1516, %get3A_1517] {strides = array<i32>} : memref<2x32768xf32, #tpu.memory_space<vmem>>, vector<1x16xf32>,
            %get3A_1519 = vector.shape_cast %get3A_1518 : vector<1x16xf32> to vector<16xf32>
            %add3A_1520 = arith.constant 208 : i32
            %add3A_1521 = arith.addi %add3A_1428, %add3A_1520 : i32
            %get3A_1522 = arith.constant 0 : i32
            %get3A_1523 = arith.index_cast %get3A_1522 : i32 to index
            %get3A_1524 = arith.index_cast %add3A_1521 : i32 to index
            %get3A_1525 = tpu.vector_load %arg4[%get3A_1523, %get3A_1524] {strides = array<i32>} : memref<2x32768xf32, #tpu.memory_space<vmem>>, vector<1x16xf32>,
            %get3A_1526 = vector.shape_cast %get3A_1525 : vector<1x16xf32> to vector<16xf32>
            %add3A_1527 = arith.constant 224 : i32
            %add3A_1528 = arith.addi %add3A_1428, %add3A_1527 : i32
            %get3A_1529 = arith.constant 0 : i32
            %get3A_1530 = arith.index_cast %get3A_1529 : i32 to index
            %get3A_1531 = arith.index_cast %add3A_1528 : i32 to index
            %get3A_1532 = tpu.vector_load %arg4[%get3A_1530, %get3A_1531] {strides = array<i32>} : memref<2x32768xf32, #tpu.memory_space<vmem>>, vector<1x16xf32>,
            %get3A_1533 = vector.shape_cast %get3A_1532 : vector<1x16xf32> to vector<16xf32>
            %add3A_1534 = arith.constant 240 : i32
            %add3A_1535 = arith.addi %add3A_1428, %add3A_1534 : i32
            %get3A_1536 = arith.constant 0 : i32
            %get3A_1537 = arith.index_cast %get3A_1536 : i32 to index
            %get3A_1538 = arith.index_cast %add3A_1535 : i32 to index
            %get3A_1539 = tpu.vector_load %arg4[%get3A_1537, %get3A_1538] {strides = array<i32>} : memref<2x32768xf32, #tpu.memory_space<vmem>>, vector<1x16xf32>,
            %get3A_1540 = vector.shape_cast %get3A_1539 : vector<1x16xf32> to vector<16xf32>
            %xor3A_1541 = arith.constant 1 : i32
            %xor3A_1542 = vector.broadcast %xor3A_1541 : i32 to vector<16xi32>
            %xor3A_1543 = arith.xori %iota3A, %xor3A_1542 : vector<16xi32>
            %lt3A_1544 = arith.constant 0 : i32
            %lt3A_1545 = vector.broadcast %lt3A_1544 : i32 to vector<16xi32>
            %lt3A_1546 = arith.cmpi slt, %xor3A_1543, %lt3A_1545 : vector<16xi32>
            %add3A_1547 = arith.constant 16 : i32
            %add3A_1548 = vector.broadcast %add3A_1547 : i32 to vector<16xi32>
            %add3A_1549 = arith.addi %xor3A_1543, %add3A_1548 : vector<16xi32>
            %select_n3A_1550 = arith.select %lt3A_1546, %add3A_1549, %xor3A_1543 : vector<16xi1>, vector<16xi32>
            %broadcast_in_dim3A_1551 = vector.shape_cast %select_n3A_1550 : vector<16xi32> to vector<16x1xi32>
            %gather3A_1552 = vector.shape_cast %broadcast_in_dim3A_1551 : vector<16x1xi32> to vector<16xi32>
            %gather3A_1553 = tpu.dynamic_gather %get3A_1435[%gather3A_1552] in [0] : vector<16xf32>, vector<16xi32> -> vector<16xf32>
            %max3A_1554 = arith.maximumf %get3A_1435, %gather3A_1553 : vector<16xf32>
            %xor3A_1555 = arith.constant 1 : i32
            %xor3A_1556 = vector.broadcast %xor3A_1555 : i32 to vector<16xi32>
            %xor3A_1557 = arith.xori %iota3A, %xor3A_1556 : vector<16xi32>
            %lt3A_1558 = arith.constant 0 : i32
            %lt3A_1559 = vector.broadcast %lt3A_1558 : i32 to vector<16xi32>
            %lt3A_1560 = arith.cmpi slt, %xor3A_1557, %lt3A_1559 : vector<16xi32>
            %add3A_1561 = arith.constant 16 : i32
            %add3A_1562 = vector.broadcast %add3A_1561 : i32 to vector<16xi32>
            %add3A_1563 = arith.addi %xor3A_1557, %add3A_1562 : vector<16xi32>
            %select_n3A_1564 = arith.select %lt3A_1560, %add3A_1563, %xor3A_1557 : vector<16xi1>, vector<16xi32>
            %broadcast_in_dim3A_1565 = vector.shape_cast %select_n3A_1564 : vector<16xi32> to vector<16x1xi32>
            %gather3A_1566 = vector.shape_cast %broadcast_in_dim3A_1565 : vector<16x1xi32> to vector<16xi32>
            %gather3A_1567 = tpu.dynamic_gather %get3A_1442[%gather3A_1566] in [0] : vector<16xf32>, vector<16xi32> -> vector<16xf32>
            %max3A_1568 = arith.maximumf %get3A_1442, %gather3A_1567 : vector<16xf32>
            %and3A_1569 = arith.constant 1 : i32
            %and3A_1570 = vector.broadcast %and3A_1569 : i32 to vector<16xi32>
            %and3A_1571 = arith.andi %iota3A, %and3A_1570 : vector<16xi32>
            %eq3A_1572 = arith.constant 0 : i32
            %eq3A_1573 = vector.broadcast %eq3A_1572 : i32 to vector<16xi32>
            %eq3A_1574 = arith.cmpi eq, %and3A_1571, %eq3A_1573 : vector<16xi32>
            %select_n3A_1575 = arith.select %eq3A_1574, %max3A_1554, %max3A_1568 : vector<16xi1>, vector<16xf32>
            %xor3A_1576 = arith.constant 1 : i32
            %xor3A_1577 = vector.broadcast %xor3A_1576 : i32 to vector<16xi32>
            %xor3A_1578 = arith.xori %iota3A, %xor3A_1577 : vector<16xi32>
            %lt3A_1579 = arith.constant 0 : i32
            %lt3A_1580 = vector.broadcast %lt3A_1579 : i32 to vector<16xi32>
            %lt3A_1581 = arith.cmpi slt, %xor3A_1578, %lt3A_1580 : vector<16xi32>
            %add3A_1582 = arith.constant 16 : i32
            %add3A_1583 = vector.broadcast %add3A_1582 : i32 to vector<16xi32>
            %add3A_1584 = arith.addi %xor3A_1578, %add3A_1583 : vector<16xi32>
            %select_n3A_1585 = arith.select %lt3A_1581, %add3A_1584, %xor3A_1578 : vector<16xi1>, vector<16xi32>
            %broadcast_in_dim3A_1586 = vector.shape_cast %select_n3A_1585 : vector<16xi32> to vector<16x1xi32>
            %gather3A_1587 = vector.shape_cast %broadcast_in_dim3A_1586 : vector<16x1xi32> to vector<16xi32>
            %gather3A_1588 = tpu.dynamic_gather %get3A_1449[%gather3A_1587] in [0] : vector<16xf32>, vector<16xi32> -> vector<16xf32>
            %max3A_1589 = arith.maximumf %get3A_1449, %gather3A_1588 : vector<16xf32>
            %xor3A_1590 = arith.constant 1 : i32
            %xor3A_1591 = vector.broadcast %xor3A_1590 : i32 to vector<16xi32>
            %xor3A_1592 = arith.xori %iota3A, %xor3A_1591 : vector<16xi32>
            %lt3A_1593 = arith.constant 0 : i32
            %lt3A_1594 = vector.broadcast %lt3A_1593 : i32 to vector<16xi32>
            %lt3A_1595 = arith.cmpi slt, %xor3A_1592, %lt3A_1594 : vector<16xi32>
            %add3A_1596 = arith.constant 16 : i32
            %add3A_1597 = vector.broadcast %add3A_1596 : i32 to vector<16xi32>
            %add3A_1598 = arith.addi %xor3A_1592, %add3A_1597 : vector<16xi32>
            %select_n3A_1599 = arith.select %lt3A_1595, %add3A_1598, %xor3A_1592 : vector<16xi1>, vector<16xi32>
            %broadcast_in_dim3A_1600 = vector.shape_cast %select_n3A_1599 : vector<16xi32> to vector<16x1xi32>
            %gather3A_1601 = vector.shape_cast %broadcast_in_dim3A_1600 : vector<16x1xi32> to vector<16xi32>
            %gather3A_1602 = tpu.dynamic_gather %get3A_1456[%gather3A_1601] in [0] : vector<16xf32>, vector<16xi32> -> vector<16xf32>
            %max3A_1603 = arith.maximumf %get3A_1456, %gather3A_1602 : vector<16xf32>
            %and3A_1604 = arith.constant 1 : i32
            %and3A_1605 = vector.broadcast %and3A_1604 : i32 to vector<16xi32>
            %and3A_1606 = arith.andi %iota3A, %and3A_1605 : vector<16xi32>
            %eq3A_1607 = arith.constant 0 : i32
            %eq3A_1608 = vector.broadcast %eq3A_1607 : i32 to vector<16xi32>
            %eq3A_1609 = arith.cmpi eq, %and3A_1606, %eq3A_1608 : vector<16xi32>
            %select_n3A_1610 = arith.select %eq3A_1609, %max3A_1589, %max3A_1603 : vector<16xi1>, vector<16xf32>
            %xor3A_1611 = arith.constant 1 : i32
            %xor3A_1612 = vector.broadcast %xor3A_1611 : i32 to vector<16xi32>
            %xor3A_1613 = arith.xori %iota3A, %xor3A_1612 : vector<16xi32>
            %lt3A_1614 = arith.constant 0 : i32
            %lt3A_1615 = vector.broadcast %lt3A_1614 : i32 to vector<16xi32>
            %lt3A_1616 = arith.cmpi slt, %xor3A_1613, %lt3A_1615 : vector<16xi32>
            %add3A_1617 = arith.constant 16 : i32
            %add3A_1618 = vector.broadcast %add3A_1617 : i32 to vector<16xi32>
            %add3A_1619 = arith.addi %xor3A_1613, %add3A_1618 : vector<16xi32>
            %select_n3A_1620 = arith.select %lt3A_1616, %add3A_1619, %xor3A_1613 : vector<16xi1>, vector<16xi32>
            %broadcast_in_dim3A_1621 = vector.shape_cast %select_n3A_1620 : vector<16xi32> to vector<16x1xi32>
            %gather3A_1622 = vector.shape_cast %broadcast_in_dim3A_1621 : vector<16x1xi32> to vector<16xi32>
            %gather3A_1623 = tpu.dynamic_gather %get3A_1463[%gather3A_1622] in [0] : vector<16xf32>, vector<16xi32> -> vector<16xf32>
            %max3A_1624 = arith.maximumf %get3A_1463, %gather3A_1623 : vector<16xf32>
            %xor3A_1625 = arith.constant 1 : i32
            %xor3A_1626 = vector.broadcast %xor3A_1625 : i32 to vector<16xi32>
            %xor3A_1627 = arith.xori %iota3A, %xor3A_1626 : vector<16xi32>
            %lt3A_1628 = arith.constant 0 : i32
            %lt3A_1629 = vector.broadcast %lt3A_1628 : i32 to vector<16xi32>
            %lt3A_1630 = arith.cmpi slt, %xor3A_1627, %lt3A_1629 : vector<16xi32>
            %add3A_1631 = arith.constant 16 : i32
            %add3A_1632 = vector.broadcast %add3A_1631 : i32 to vector<16xi32>
            %add3A_1633 = arith.addi %xor3A_1627, %add3A_1632 : vector<16xi32>
            %select_n3A_1634 = arith.select %lt3A_1630, %add3A_1633, %xor3A_1627 : vector<16xi1>, vector<16xi32>
            %broadcast_in_dim3A_1635 = vector.shape_cast %select_n3A_1634 : vector<16xi32> to vector<16x1xi32>
            %gather3A_1636 = vector.shape_cast %broadcast_in_dim3A_1635 : vector<16x1xi32> to vector<16xi32>
            %gather3A_1637 = tpu.dynamic_gather %get3A_1470[%gather3A_1636] in [0] : vector<16xf32>, vector<16xi32> -> vector<16xf32>
            %max3A_1638 = arith.maximumf %get3A_1470, %gather3A_1637 : vector<16xf32>
            %and3A_1639 = arith.constant 1 : i32
            %and3A_1640 = vector.broadcast %and3A_1639 : i32 to vector<16xi32>
            %and3A_1641 = arith.andi %iota3A, %and3A_1640 : vector<16xi32>
            %eq3A_1642 = arith.constant 0 : i32
            %eq3A_1643 = vector.broadcast %eq3A_1642 : i32 to vector<16xi32>
            %eq3A_1644 = arith.cmpi eq, %and3A_1641, %eq3A_1643 : vector<16xi32>
            %select_n3A_1645 = arith.select %eq3A_1644, %max3A_1624, %max3A_1638 : vector<16xi1>, vector<16xf32>
            %xor3A_1646 = arith.constant 1 : i32
            %xor3A_1647 = vector.broadcast %xor3A_1646 : i32 to vector<16xi32>
            %xor3A_1648 = arith.xori %iota3A, %xor3A_1647 : vector<16xi32>
            %lt3A_1649 = arith.constant 0 : i32
            %lt3A_1650 = vector.broadcast %lt3A_1649 : i32 to vector<16xi32>
            %lt3A_1651 = arith.cmpi slt, %xor3A_1648, %lt3A_1650 : vector<16xi32>
            %add3A_1652 = arith.constant 16 : i32
            %add3A_1653 = vector.broadcast %add3A_1652 : i32 to vector<16xi32>
            %add3A_1654 = arith.addi %xor3A_1648, %add3A_1653 : vector<16xi32>
            %select_n3A_1655 = arith.select %lt3A_1651, %add3A_1654, %xor3A_1648 : vector<16xi1>, vector<16xi32>
            %broadcast_in_dim3A_1656 = vector.shape_cast %select_n3A_1655 : vector<16xi32> to vector<16x1xi32>
            %gather3A_1657 = vector.shape_cast %broadcast_in_dim3A_1656 : vector<16x1xi32> to vector<16xi32>
            %gather3A_1658 = tpu.dynamic_gather %get3A_1477[%gather3A_1657] in [0] : vector<16xf32>, vector<16xi32> -> vector<16xf32>
            %max3A_1659 = arith.maximumf %get3A_1477, %gather3A_1658 : vector<16xf32>
            %xor3A_1660 = arith.constant 1 : i32
            %xor3A_1661 = vector.broadcast %xor3A_1660 : i32 to vector<16xi32>
            %xor3A_1662 = arith.xori %iota3A, %xor3A_1661 : vector<16xi32>
            %lt3A_1663 = arith.constant 0 : i32
            %lt3A_1664 = vector.broadcast %lt3A_1663 : i32 to vector<16xi32>
            %lt3A_1665 = arith.cmpi slt, %xor3A_1662, %lt3A_1664 : vector<16xi32>
            %add3A_1666 = arith.constant 16 : i32
            %add3A_1667 = vector.broadcast %add3A_1666 : i32 to vector<16xi32>
            %add3A_1668 = arith.addi %xor3A_1662, %add3A_1667 : vector<16xi32>
            %select_n3A_1669 = arith.select %lt3A_1665, %add3A_1668, %xor3A_1662 : vector<16xi1>, vector<16xi32>
            %broadcast_in_dim3A_1670 = vector.shape_cast %select_n3A_1669 : vector<16xi32> to vector<16x1xi32>
            %gather3A_1671 = vector.shape_cast %broadcast_in_dim3A_1670 : vector<16x1xi32> to vector<16xi32>
            %gather3A_1672 = tpu.dynamic_gather %get3A_1484[%gather3A_1671] in [0] : vector<16xf32>, vector<16xi32> -> vector<16xf32>
            %max3A_1673 = arith.maximumf %get3A_1484, %gather3A_1672 : vector<16xf32>
            %and3A_1674 = arith.constant 1 : i32
            %and3A_1675 = vector.broadcast %and3A_1674 : i32 to vector<16xi32>
            %and3A_1676 = arith.andi %iota3A, %and3A_1675 : vector<16xi32>
            %eq3A_1677 = arith.constant 0 : i32
            %eq3A_1678 = vector.broadcast %eq3A_1677 : i32 to vector<16xi32>
            %eq3A_1679 = arith.cmpi eq, %and3A_1676, %eq3A_1678 : vector<16xi32>
            %select_n3A_1680 = arith.select %eq3A_1679, %max3A_1659, %max3A_1673 : vector<16xi1>, vector<16xf32>
            %xor3A_1681 = arith.constant 1 : i32
            %xor3A_1682 = vector.broadcast %xor3A_1681 : i32 to vector<16xi32>
            %xor3A_1683 = arith.xori %iota3A, %xor3A_1682 : vector<16xi32>
            %lt3A_1684 = arith.constant 0 : i32
            %lt3A_1685 = vector.broadcast %lt3A_1684 : i32 to vector<16xi32>
            %lt3A_1686 = arith.cmpi slt, %xor3A_1683, %lt3A_1685 : vector<16xi32>
            %add3A_1687 = arith.constant 16 : i32
            %add3A_1688 = vector.broadcast %add3A_1687 : i32 to vector<16xi32>
            %add3A_1689 = arith.addi %xor3A_1683, %add3A_1688 : vector<16xi32>
            %select_n3A_1690 = arith.select %lt3A_1686, %add3A_1689, %xor3A_1683 : vector<16xi1>, vector<16xi32>
            %broadcast_in_dim3A_1691 = vector.shape_cast %select_n3A_1690 : vector<16xi32> to vector<16x1xi32>
            %gather3A_1692 = vector.shape_cast %broadcast_in_dim3A_1691 : vector<16x1xi32> to vector<16xi32>
            %gather3A_1693 = tpu.dynamic_gather %get3A_1491[%gather3A_1692] in [0] : vector<16xf32>, vector<16xi32> -> vector<16xf32>
            %max3A_1694 = arith.maximumf %get3A_1491, %gather3A_1693 : vector<16xf32>
            %xor3A_1695 = arith.constant 1 : i32
            %xor3A_1696 = vector.broadcast %xor3A_1695 : i32 to vector<16xi32>
            %xor3A_1697 = arith.xori %iota3A, %xor3A_1696 : vector<16xi32>
            %lt3A_1698 = arith.constant 0 : i32
            %lt3A_1699 = vector.broadcast %lt3A_1698 : i32 to vector<16xi32>
            %lt3A_1700 = arith.cmpi slt, %xor3A_1697, %lt3A_1699 : vector<16xi32>
            %add3A_1701 = arith.constant 16 : i32
            %add3A_1702 = vector.broadcast %add3A_1701 : i32 to vector<16xi32>
            %add3A_1703 = arith.addi %xor3A_1697, %add3A_1702 : vector<16xi32>
            %select_n3A_1704 = arith.select %lt3A_1700, %add3A_1703, %xor3A_1697 : vector<16xi1>, vector<16xi32>
            %broadcast_in_dim3A_1705 = vector.shape_cast %select_n3A_1704 : vector<16xi32> to vector<16x1xi32>
            %gather3A_1706 = vector.shape_cast %broadcast_in_dim3A_1705 : vector<16x1xi32> to vector<16xi32>
            %gather3A_1707 = tpu.dynamic_gather %get3A_1498[%gather3A_1706] in [0] : vector<16xf32>, vector<16xi32> -> vector<16xf32>
            %max3A_1708 = arith.maximumf %get3A_1498, %gather3A_1707 : vector<16xf32>
            %and3A_1709 = arith.constant 1 : i32
            %and3A_1710 = vector.broadcast %and3A_1709 : i32 to vector<16xi32>
            %and3A_1711 = arith.andi %iota3A, %and3A_1710 : vector<16xi32>
            %eq3A_1712 = arith.constant 0 : i32
            %eq3A_1713 = vector.broadcast %eq3A_1712 : i32 to vector<16xi32>
            %eq3A_1714 = arith.cmpi eq, %and3A_1711, %eq3A_1713 : vector<16xi32>
            %select_n3A_1715 = arith.select %eq3A_1714, %max3A_1694, %max3A_1708 : vector<16xi1>, vector<16xf32>
            %xor3A_1716 = arith.constant 1 : i32
            %xor3A_1717 = vector.broadcast %xor3A_1716 : i32 to vector<16xi32>
            %xor3A_1718 = arith.xori %iota3A, %xor3A_1717 : vector<16xi32>
            %lt3A_1719 = arith.constant 0 : i32
            %lt3A_1720 = vector.broadcast %lt3A_1719 : i32 to vector<16xi32>
            %lt3A_1721 = arith.cmpi slt, %xor3A_1718, %lt3A_1720 : vector<16xi32>
            %add3A_1722 = arith.constant 16 : i32
            %add3A_1723 = vector.broadcast %add3A_1722 : i32 to vector<16xi32>
            %add3A_1724 = arith.addi %xor3A_1718, %add3A_1723 : vector<16xi32>
            %select_n3A_1725 = arith.select %lt3A_1721, %add3A_1724, %xor3A_1718 : vector<16xi1>, vector<16xi32>
            %broadcast_in_dim3A_1726 = vector.shape_cast %select_n3A_1725 : vector<16xi32> to vector<16x1xi32>
            %gather3A_1727 = vector.shape_cast %broadcast_in_dim3A_1726 : vector<16x1xi32> to vector<16xi32>
            %gather3A_1728 = tpu.dynamic_gather %get3A_1505[%gather3A_1727] in [0] : vector<16xf32>, vector<16xi32> -> vector<16xf32>
            %max3A_1729 = arith.maximumf %get3A_1505, %gather3A_1728 : vector<16xf32>
            %xor3A_1730 = arith.constant 1 : i32
            %xor3A_1731 = vector.broadcast %xor3A_1730 : i32 to vector<16xi32>
            %xor3A_1732 = arith.xori %iota3A, %xor3A_1731 : vector<16xi32>
            %lt3A_1733 = arith.constant 0 : i32
            %lt3A_1734 = vector.broadcast %lt3A_1733 : i32 to vector<16xi32>
            %lt3A_1735 = arith.cmpi slt, %xor3A_1732, %lt3A_1734 : vector<16xi32>
            %add3A_1736 = arith.constant 16 : i32
            %add3A_1737 = vector.broadcast %add3A_1736 : i32 to vector<16xi32>
            %add3A_1738 = arith.addi %xor3A_1732, %add3A_1737 : vector<16xi32>
            %select_n3A_1739 = arith.select %lt3A_1735, %add3A_1738, %xor3A_1732 : vector<16xi1>, vector<16xi32>
            %broadcast_in_dim3A_1740 = vector.shape_cast %select_n3A_1739 : vector<16xi32> to vector<16x1xi32>
            %gather3A_1741 = vector.shape_cast %broadcast_in_dim3A_1740 : vector<16x1xi32> to vector<16xi32>
            %gather3A_1742 = tpu.dynamic_gather %get3A_1512[%gather3A_1741] in [0] : vector<16xf32>, vector<16xi32> -> vector<16xf32>
            %max3A_1743 = arith.maximumf %get3A_1512, %gather3A_1742 : vector<16xf32>
            %and3A_1744 = arith.constant 1 : i32
            %and3A_1745 = vector.broadcast %and3A_1744 : i32 to vector<16xi32>
            %and3A_1746 = arith.andi %iota3A, %and3A_1745 : vector<16xi32>
            %eq3A_1747 = arith.constant 0 : i32
            %eq3A_1748 = vector.broadcast %eq3A_1747 : i32 to vector<16xi32>
            %eq3A_1749 = arith.cmpi eq, %and3A_1746, %eq3A_1748 : vector<16xi32>
            %select_n3A_1750 = arith.select %eq3A_1749, %max3A_1729, %max3A_1743 : vector<16xi1>, vector<16xf32>
            %xor3A_1751 = arith.constant 1 : i32
            %xor3A_1752 = vector.broadcast %xor3A_1751 : i32 to vector<16xi32>
            %xor3A_1753 = arith.xori %iota3A, %xor3A_1752 : vector<16xi32>
            %lt3A_1754 = arith.constant 0 : i32
            %lt3A_1755 = vector.broadcast %lt3A_1754 : i32 to vector<16xi32>
            %lt3A_1756 = arith.cmpi slt, %xor3A_1753, %lt3A_1755 : vector<16xi32>
            %add3A_1757 = arith.constant 16 : i32
            %add3A_1758 = vector.broadcast %add3A_1757 : i32 to vector<16xi32>
            %add3A_1759 = arith.addi %xor3A_1753, %add3A_1758 : vector<16xi32>
            %select_n3A_1760 = arith.select %lt3A_1756, %add3A_1759, %xor3A_1753 : vector<16xi1>, vector<16xi32>
            %broadcast_in_dim3A_1761 = vector.shape_cast %select_n3A_1760 : vector<16xi32> to vector<16x1xi32>
            %gather3A_1762 = vector.shape_cast %broadcast_in_dim3A_1761 : vector<16x1xi32> to vector<16xi32>
            %gather3A_1763 = tpu.dynamic_gather %get3A_1519[%gather3A_1762] in [0] : vector<16xf32>, vector<16xi32> -> vector<16xf32>
            %max3A_1764 = arith.maximumf %get3A_1519, %gather3A_1763 : vector<16xf32>
            %xor3A_1765 = arith.constant 1 : i32
            %xor3A_1766 = vector.broadcast %xor3A_1765 : i32 to vector<16xi32>
            %xor3A_1767 = arith.xori %iota3A, %xor3A_1766 : vector<16xi32>
            %lt3A_1768 = arith.constant 0 : i32
            %lt3A_1769 = vector.broadcast %lt3A_1768 : i32 to vector<16xi32>
            %lt3A_1770 = arith.cmpi slt, %xor3A_1767, %lt3A_1769 : vector<16xi32>
            %add3A_1771 = arith.constant 16 : i32
            %add3A_1772 = vector.broadcast %add3A_1771 : i32 to vector<16xi32>
            %add3A_1773 = arith.addi %xor3A_1767, %add3A_1772 : vector<16xi32>
            %select_n3A_1774 = arith.select %lt3A_1770, %add3A_1773, %xor3A_1767 : vector<16xi1>, vector<16xi32>
            %broadcast_in_dim3A_1775 = vector.shape_cast %select_n3A_1774 : vector<16xi32> to vector<16x1xi32>
            %gather3A_1776 = vector.shape_cast %broadcast_in_dim3A_1775 : vector<16x1xi32> to vector<16xi32>
            %gather3A_1777 = tpu.dynamic_gather %get3A_1526[%gather3A_1776] in [0] : vector<16xf32>, vector<16xi32> -> vector<16xf32>
            %max3A_1778 = arith.maximumf %get3A_1526, %gather3A_1777 : vector<16xf32>
            %and3A_1779 = arith.constant 1 : i32
            %and3A_1780 = vector.broadcast %and3A_1779 : i32 to vector<16xi32>
            %and3A_1781 = arith.andi %iota3A, %and3A_1780 : vector<16xi32>
            %eq3A_1782 = arith.constant 0 : i32
            %eq3A_1783 = vector.broadcast %eq3A_1782 : i32 to vector<16xi32>
            %eq3A_1784 = arith.cmpi eq, %and3A_1781, %eq3A_1783 : vector<16xi32>
            %select_n3A_1785 = arith.select %eq3A_1784, %max3A_1764, %max3A_1778 : vector<16xi1>, vector<16xf32>
            %xor3A_1786 = arith.constant 1 : i32
            %xor3A_1787 = vector.broadcast %xor3A_1786 : i32 to vector<16xi32>
            %xor3A_1788 = arith.xori %iota3A, %xor3A_1787 : vector<16xi32>
            %lt3A_1789 = arith.constant 0 : i32
            %lt3A_1790 = vector.broadcast %lt3A_1789 : i32 to vector<16xi32>
            %lt3A_1791 = arith.cmpi slt, %xor3A_1788, %lt3A_1790 : vector<16xi32>
            %add3A_1792 = arith.constant 16 : i32
            %add3A_1793 = vector.broadcast %add3A_1792 : i32 to vector<16xi32>
            %add3A_1794 = arith.addi %xor3A_1788, %add3A_1793 : vector<16xi32>
            %select_n3A_1795 = arith.select %lt3A_1791, %add3A_1794, %xor3A_1788 : vector<16xi1>, vector<16xi32>
            %broadcast_in_dim3A_1796 = vector.shape_cast %select_n3A_1795 : vector<16xi32> to vector<16x1xi32>
            %gather3A_1797 = vector.shape_cast %broadcast_in_dim3A_1796 : vector<16x1xi32> to vector<16xi32>
            %gather3A_1798 = tpu.dynamic_gather %get3A_1533[%gather3A_1797] in [0] : vector<16xf32>, vector<16xi32> -> vector<16xf32>
            %max3A_1799 = arith.maximumf %get3A_1533, %gather3A_1798 : vector<16xf32>
            %xor3A_1800 = arith.constant 1 : i32
            %xor3A_1801 = vector.broadcast %xor3A_1800 : i32 to vector<16xi32>
            %xor3A_1802 = arith.xori %iota3A, %xor3A_1801 : vector<16xi32>
            %lt3A_1803 = arith.constant 0 : i32
            %lt3A_1804 = vector.broadcast %lt3A_1803 : i32 to vector<16xi32>
            %lt3A_1805 = arith.cmpi slt, %xor3A_1802, %lt3A_1804 : vector<16xi32>
            %add3A_1806 = arith.constant 16 : i32
            %add3A_1807 = vector.broadcast %add3A_1806 : i32 to vector<16xi32>
            %add3A_1808 = arith.addi %xor3A_1802, %add3A_1807 : vector<16xi32>
            %select_n3A_1809 = arith.select %lt3A_1805, %add3A_1808, %xor3A_1802 : vector<16xi1>, vector<16xi32>
            %broadcast_in_dim3A_1810 = vector.shape_cast %select_n3A_1809 : vector<16xi32> to vector<16x1xi32>
            %gather3A_1811 = vector.shape_cast %broadcast_in_dim3A_1810 : vector<16x1xi32> to vector<16xi32>
            %gather3A_1812 = tpu.dynamic_gather %get3A_1540[%gather3A_1811] in [0] : vector<16xf32>, vector<16xi32> -> vector<16xf32>
            %max3A_1813 = arith.maximumf %get3A_1540, %gather3A_1812 : vector<16xf32>
            %and3A_1814 = arith.constant 1 : i32
            %and3A_1815 = vector.broadcast %and3A_1814 : i32 to vector<16xi32>
            %and3A_1816 = arith.andi %iota3A, %and3A_1815 : vector<16xi32>
            %eq3A_1817 = arith.constant 0 : i32
            %eq3A_1818 = vector.broadcast %eq3A_1817 : i32 to vector<16xi32>
            %eq3A_1819 = arith.cmpi eq, %and3A_1816, %eq3A_1818 : vector<16xi32>
            %select_n3A_1820 = arith.select %eq3A_1819, %max3A_1799, %max3A_1813 : vector<16xi1>, vector<16xf32>
            %xor3A_1821 = arith.constant 2 : i32
            %xor3A_1822 = vector.broadcast %xor3A_1821 : i32 to vector<16xi32>
            %xor3A_1823 = arith.xori %iota3A, %xor3A_1822 : vector<16xi32>
            %lt3A_1824 = arith.constant 0 : i32
            %lt3A_1825 = vector.broadcast %lt3A_1824 : i32 to vector<16xi32>
            %lt3A_1826 = arith.cmpi slt, %xor3A_1823, %lt3A_1825 : vector<16xi32>
            %add3A_1827 = arith.constant 16 : i32
            %add3A_1828 = vector.broadcast %add3A_1827 : i32 to vector<16xi32>
            %add3A_1829 = arith.addi %xor3A_1823, %add3A_1828 : vector<16xi32>
            %select_n3A_1830 = arith.select %lt3A_1826, %add3A_1829, %xor3A_1823 : vector<16xi1>, vector<16xi32>
            %broadcast_in_dim3A_1831 = vector.shape_cast %select_n3A_1830 : vector<16xi32> to vector<16x1xi32>
            %gather3A_1832 = vector.shape_cast %broadcast_in_dim3A_1831 : vector<16x1xi32> to vector<16xi32>
            %gather3A_1833 = tpu.dynamic_gather %select_n3A_1575[%gather3A_1832] in [0] : vector<16xf32>, vector<16xi32> -> vector<16xf32>
            %max3A_1834 = arith.maximumf %select_n3A_1575, %gather3A_1833 : vector<16xf32>
            %xor3A_1835 = arith.constant 2 : i32
            %xor3A_1836 = vector.broadcast %xor3A_1835 : i32 to vector<16xi32>
            %xor3A_1837 = arith.xori %iota3A, %xor3A_1836 : vector<16xi32>
            %lt3A_1838 = arith.constant 0 : i32
            %lt3A_1839 = vector.broadcast %lt3A_1838 : i32 to vector<16xi32>
            %lt3A_1840 = arith.cmpi slt, %xor3A_1837, %lt3A_1839 : vector<16xi32>
            %add3A_1841 = arith.constant 16 : i32
            %add3A_1842 = vector.broadcast %add3A_1841 : i32 to vector<16xi32>
            %add3A_1843 = arith.addi %xor3A_1837, %add3A_1842 : vector<16xi32>
            %select_n3A_1844 = arith.select %lt3A_1840, %add3A_1843, %xor3A_1837 : vector<16xi1>, vector<16xi32>
            %broadcast_in_dim3A_1845 = vector.shape_cast %select_n3A_1844 : vector<16xi32> to vector<16x1xi32>
            %gather3A_1846 = vector.shape_cast %broadcast_in_dim3A_1845 : vector<16x1xi32> to vector<16xi32>
            %gather3A_1847 = tpu.dynamic_gather %select_n3A_1610[%gather3A_1846] in [0] : vector<16xf32>, vector<16xi32> -> vector<16xf32>
            %max3A_1848 = arith.maximumf %select_n3A_1610, %gather3A_1847 : vector<16xf32>
            %and3A_1849 = arith.constant 2 : i32
            %and3A_1850 = vector.broadcast %and3A_1849 : i32 to vector<16xi32>
            %and3A_1851 = arith.andi %iota3A, %and3A_1850 : vector<16xi32>
            %eq3A_1852 = arith.constant 0 : i32
            %eq3A_1853 = vector.broadcast %eq3A_1852 : i32 to vector<16xi32>
            %eq3A_1854 = arith.cmpi eq, %and3A_1851, %eq3A_1853 : vector<16xi32>
            %select_n3A_1855 = arith.select %eq3A_1854, %max3A_1834, %max3A_1848 : vector<16xi1>, vector<16xf32>
            %xor3A_1856 = arith.constant 2 : i32
            %xor3A_1857 = vector.broadcast %xor3A_1856 : i32 to vector<16xi32>
            %xor3A_1858 = arith.xori %iota3A, %xor3A_1857 : vector<16xi32>
            %lt3A_1859 = arith.constant 0 : i32
            %lt3A_1860 = vector.broadcast %lt3A_1859 : i32 to vector<16xi32>
            %lt3A_1861 = arith.cmpi slt, %xor3A_1858, %lt3A_1860 : vector<16xi32>
            %add3A_1862 = arith.constant 16 : i32
            %add3A_1863 = vector.broadcast %add3A_1862 : i32 to vector<16xi32>
            %add3A_1864 = arith.addi %xor3A_1858, %add3A_1863 : vector<16xi32>
            %select_n3A_1865 = arith.select %lt3A_1861, %add3A_1864, %xor3A_1858 : vector<16xi1>, vector<16xi32>
            %broadcast_in_dim3A_1866 = vector.shape_cast %select_n3A_1865 : vector<16xi32> to vector<16x1xi32>
            %gather3A_1867 = vector.shape_cast %broadcast_in_dim3A_1866 : vector<16x1xi32> to vector<16xi32>
            %gather3A_1868 = tpu.dynamic_gather %select_n3A_1645[%gather3A_1867] in [0] : vector<16xf32>, vector<16xi32> -> vector<16xf32>
            %max3A_1869 = arith.maximumf %select_n3A_1645, %gather3A_1868 : vector<16xf32>
            %xor3A_1870 = arith.constant 2 : i32
            %xor3A_1871 = vector.broadcast %xor3A_1870 : i32 to vector<16xi32>
            %xor3A_1872 = arith.xori %iota3A, %xor3A_1871 : vector<16xi32>
            %lt3A_1873 = arith.constant 0 : i32
            %lt3A_1874 = vector.broadcast %lt3A_1873 : i32 to vector<16xi32>
            %lt3A_1875 = arith.cmpi slt, %xor3A_1872, %lt3A_1874 : vector<16xi32>
            %add3A_1876 = arith.constant 16 : i32
            %add3A_1877 = vector.broadcast %add3A_1876 : i32 to vector<16xi32>
            %add3A_1878 = arith.addi %xor3A_1872, %add3A_1877 : vector<16xi32>
            %select_n3A_1879 = arith.select %lt3A_1875, %add3A_1878, %xor3A_1872 : vector<16xi1>, vector<16xi32>
            %broadcast_in_dim3A_1880 = vector.shape_cast %select_n3A_1879 : vector<16xi32> to vector<16x1xi32>
            %gather3A_1881 = vector.shape_cast %broadcast_in_dim3A_1880 : vector<16x1xi32> to vector<16xi32>
            %gather3A_1882 = tpu.dynamic_gather %select_n3A_1680[%gather3A_1881] in [0] : vector<16xf32>, vector<16xi32> -> vector<16xf32>
            %max3A_1883 = arith.maximumf %select_n3A_1680, %gather3A_1882 : vector<16xf32>
            %and3A_1884 = arith.constant 2 : i32
            %and3A_1885 = vector.broadcast %and3A_1884 : i32 to vector<16xi32>
            %and3A_1886 = arith.andi %iota3A, %and3A_1885 : vector<16xi32>
            %eq3A_1887 = arith.constant 0 : i32
            %eq3A_1888 = vector.broadcast %eq3A_1887 : i32 to vector<16xi32>
            %eq3A_1889 = arith.cmpi eq, %and3A_1886, %eq3A_1888 : vector<16xi32>
            %select_n3A_1890 = arith.select %eq3A_1889, %max3A_1869, %max3A_1883 : vector<16xi1>, vector<16xf32>
            %xor3A_1891 = arith.constant 2 : i32
            %xor3A_1892 = vector.broadcast %xor3A_1891 : i32 to vector<16xi32>
            %xor3A_1893 = arith.xori %iota3A, %xor3A_1892 : vector<16xi32>
            %lt3A_1894 = arith.constant 0 : i32
            %lt3A_1895 = vector.broadcast %lt3A_1894 : i32 to vector<16xi32>
            %lt3A_1896 = arith.cmpi slt, %xor3A_1893, %lt3A_1895 : vector<16xi32>
            %add3A_1897 = arith.constant 16 : i32
            %add3A_1898 = vector.broadcast %add3A_1897 : i32 to vector<16xi32>
            %add3A_1899 = arith.addi %xor3A_1893, %add3A_1898 : vector<16xi32>
            %select_n3A_1900 = arith.select %lt3A_1896, %add3A_1899, %xor3A_1893 : vector<16xi1>, vector<16xi32>
            %broadcast_in_dim3A_1901 = vector.shape_cast %select_n3A_1900 : vector<16xi32> to vector<16x1xi32>
            %gather3A_1902 = vector.shape_cast %broadcast_in_dim3A_1901 : vector<16x1xi32> to vector<16xi32>
            %gather3A_1903 = tpu.dynamic_gather %select_n3A_1715[%gather3A_1902] in [0] : vector<16xf32>, vector<16xi32> -> vector<16xf32>
            %max3A_1904 = arith.maximumf %select_n3A_1715, %gather3A_1903 : vector<16xf32>
            %xor3A_1905 = arith.constant 2 : i32
            %xor3A_1906 = vector.broadcast %xor3A_1905 : i32 to vector<16xi32>
            %xor3A_1907 = arith.xori %iota3A, %xor3A_1906 : vector<16xi32>
            %lt3A_1908 = arith.constant 0 : i32
            %lt3A_1909 = vector.broadcast %lt3A_1908 : i32 to vector<16xi32>
            %lt3A_1910 = arith.cmpi slt, %xor3A_1907, %lt3A_1909 : vector<16xi32>
            %add3A_1911 = arith.constant 16 : i32
            %add3A_1912 = vector.broadcast %add3A_1911 : i32 to vector<16xi32>
            %add3A_1913 = arith.addi %xor3A_1907, %add3A_1912 : vector<16xi32>
            %select_n3A_1914 = arith.select %lt3A_1910, %add3A_1913, %xor3A_1907 : vector<16xi1>, vector<16xi32>
            %broadcast_in_dim3A_1915 = vector.shape_cast %select_n3A_1914 : vector<16xi32> to vector<16x1xi32>
            %gather3A_1916 = vector.shape_cast %broadcast_in_dim3A_1915 : vector<16x1xi32> to vector<16xi32>
            %gather3A_1917 = tpu.dynamic_gather %select_n3A_1750[%gather3A_1916] in [0] : vector<16xf32>, vector<16xi32> -> vector<16xf32>
            %max3A_1918 = arith.maximumf %select_n3A_1750, %gather3A_1917 : vector<16xf32>
            %and3A_1919 = arith.constant 2 : i32
            %and3A_1920 = vector.broadcast %and3A_1919 : i32 to vector<16xi32>
            %and3A_1921 = arith.andi %iota3A, %and3A_1920 : vector<16xi32>
            %eq3A_1922 = arith.constant 0 : i32
            %eq3A_1923 = vector.broadcast %eq3A_1922 : i32 to vector<16xi32>
            %eq3A_1924 = arith.cmpi eq, %and3A_1921, %eq3A_1923 : vector<16xi32>
            %select_n3A_1925 = arith.select %eq3A_1924, %max3A_1904, %max3A_1918 : vector<16xi1>, vector<16xf32>
            %xor3A_1926 = arith.constant 2 : i32
            %xor3A_1927 = vector.broadcast %xor3A_1926 : i32 to vector<16xi32>
            %xor3A_1928 = arith.xori %iota3A, %xor3A_1927 : vector<16xi32>
            %lt3A_1929 = arith.constant 0 : i32
            %lt3A_1930 = vector.broadcast %lt3A_1929 : i32 to vector<16xi32>
            %lt3A_1931 = arith.cmpi slt, %xor3A_1928, %lt3A_1930 : vector<16xi32>
            %add3A_1932 = arith.constant 16 : i32
            %add3A_1933 = vector.broadcast %add3A_1932 : i32 to vector<16xi32>
            %add3A_1934 = arith.addi %xor3A_1928, %add3A_1933 : vector<16xi32>
            %select_n3A_1935 = arith.select %lt3A_1931, %add3A_1934, %xor3A_1928 : vector<16xi1>, vector<16xi32>
            %broadcast_in_dim3A_1936 = vector.shape_cast %select_n3A_1935 : vector<16xi32> to vector<16x1xi32>
            %gather3A_1937 = vector.shape_cast %broadcast_in_dim3A_1936 : vector<16x1xi32> to vector<16xi32>
            %gather3A_1938 = tpu.dynamic_gather %select_n3A_1785[%gather3A_1937] in [0] : vector<16xf32>, vector<16xi32> -> vector<16xf32>
            %max3A_1939 = arith.maximumf %select_n3A_1785, %gather3A_1938 : vector<16xf32>
            %xor3A_1940 = arith.constant 2 : i32
            %xor3A_1941 = vector.broadcast %xor3A_1940 : i32 to vector<16xi32>
            %xor3A_1942 = arith.xori %iota3A, %xor3A_1941 : vector<16xi32>
            %lt3A_1943 = arith.constant 0 : i32
            %lt3A_1944 = vector.broadcast %lt3A_1943 : i32 to vector<16xi32>
            %lt3A_1945 = arith.cmpi slt, %xor3A_1942, %lt3A_1944 : vector<16xi32>
            %add3A_1946 = arith.constant 16 : i32
            %add3A_1947 = vector.broadcast %add3A_1946 : i32 to vector<16xi32>
            %add3A_1948 = arith.addi %xor3A_1942, %add3A_1947 : vector<16xi32>
            %select_n3A_1949 = arith.select %lt3A_1945, %add3A_1948, %xor3A_1942 : vector<16xi1>, vector<16xi32>
            %broadcast_in_dim3A_1950 = vector.shape_cast %select_n3A_1949 : vector<16xi32> to vector<16x1xi32>
            %gather3A_1951 = vector.shape_cast %broadcast_in_dim3A_1950 : vector<16x1xi32> to vector<16xi32>
            %gather3A_1952 = tpu.dynamic_gather %select_n3A_1820[%gather3A_1951] in [0] : vector<16xf32>, vector<16xi32> -> vector<16xf32>
            %max3A_1953 = arith.maximumf %select_n3A_1820, %gather3A_1952 : vector<16xf32>
            %and3A_1954 = arith.constant 2 : i32
            %and3A_1955 = vector.broadcast %and3A_1954 : i32 to vector<16xi32>
            %and3A_1956 = arith.andi %iota3A, %and3A_1955 : vector<16xi32>
            %eq3A_1957 = arith.constant 0 : i32
            %eq3A_1958 = vector.broadcast %eq3A_1957 : i32 to vector<16xi32>
            %eq3A_1959 = arith.cmpi eq, %and3A_1956, %eq3A_1958 : vector<16xi32>
            %select_n3A_1960 = arith.select %eq3A_1959, %max3A_1939, %max3A_1953 : vector<16xi1>, vector<16xf32>
            %xor3A_1961 = arith.constant 4 : i32
            %xor3A_1962 = vector.broadcast %xor3A_1961 : i32 to vector<16xi32>
            %xor3A_1963 = arith.xori %iota3A, %xor3A_1962 : vector<16xi32>
            %lt3A_1964 = arith.constant 0 : i32
            %lt3A_1965 = vector.broadcast %lt3A_1964 : i32 to vector<16xi32>
            %lt3A_1966 = arith.cmpi slt, %xor3A_1963, %lt3A_1965 : vector<16xi32>
            %add3A_1967 = arith.constant 16 : i32
            %add3A_1968 = vector.broadcast %add3A_1967 : i32 to vector<16xi32>
            %add3A_1969 = arith.addi %xor3A_1963, %add3A_1968 : vector<16xi32>
            %select_n3A_1970 = arith.select %lt3A_1966, %add3A_1969, %xor3A_1963 : vector<16xi1>, vector<16xi32>
            %broadcast_in_dim3A_1971 = vector.shape_cast %select_n3A_1970 : vector<16xi32> to vector<16x1xi32>
            %gather3A_1972 = vector.shape_cast %broadcast_in_dim3A_1971 : vector<16x1xi32> to vector<16xi32>
            %gather3A_1973 = tpu.dynamic_gather %select_n3A_1855[%gather3A_1972] in [0] : vector<16xf32>, vector<16xi32> -> vector<16xf32>
            %max3A_1974 = arith.maximumf %select_n3A_1855, %gather3A_1973 : vector<16xf32>
            %xor3A_1975 = arith.constant 4 : i32
            %xor3A_1976 = vector.broadcast %xor3A_1975 : i32 to vector<16xi32>
            %xor3A_1977 = arith.xori %iota3A, %xor3A_1976 : vector<16xi32>
            %lt3A_1978 = arith.constant 0 : i32
            %lt3A_1979 = vector.broadcast %lt3A_1978 : i32 to vector<16xi32>
            %lt3A_1980 = arith.cmpi slt, %xor3A_1977, %lt3A_1979 : vector<16xi32>
            %add3A_1981 = arith.constant 16 : i32
            %add3A_1982 = vector.broadcast %add3A_1981 : i32 to vector<16xi32>
            %add3A_1983 = arith.addi %xor3A_1977, %add3A_1982 : vector<16xi32>
            %select_n3A_1984 = arith.select %lt3A_1980, %add3A_1983, %xor3A_1977 : vector<16xi1>, vector<16xi32>
            %broadcast_in_dim3A_1985 = vector.shape_cast %select_n3A_1984 : vector<16xi32> to vector<16x1xi32>
            %gather3A_1986 = vector.shape_cast %broadcast_in_dim3A_1985 : vector<16x1xi32> to vector<16xi32>
            %gather3A_1987 = tpu.dynamic_gather %select_n3A_1890[%gather3A_1986] in [0] : vector<16xf32>, vector<16xi32> -> vector<16xf32>
            %max3A_1988 = arith.maximumf %select_n3A_1890, %gather3A_1987 : vector<16xf32>
            %and3A_1989 = arith.constant 4 : i32
            %and3A_1990 = vector.broadcast %and3A_1989 : i32 to vector<16xi32>
            %and3A_1991 = arith.andi %iota3A, %and3A_1990 : vector<16xi32>
            %eq3A_1992 = arith.constant 0 : i32
            %eq3A_1993 = vector.broadcast %eq3A_1992 : i32 to vector<16xi32>
            %eq3A_1994 = arith.cmpi eq, %and3A_1991, %eq3A_1993 : vector<16xi32>
            %select_n3A_1995 = arith.select %eq3A_1994, %max3A_1974, %max3A_1988 : vector<16xi1>, vector<16xf32>
            %xor3A_1996 = arith.constant 4 : i32
            %xor3A_1997 = vector.broadcast %xor3A_1996 : i32 to vector<16xi32>
            %xor3A_1998 = arith.xori %iota3A, %xor3A_1997 : vector<16xi32>
            %lt3A_1999 = arith.constant 0 : i32
            %lt3A_2000 = vector.broadcast %lt3A_1999 : i32 to vector<16xi32>
            %lt3A_2001 = arith.cmpi slt, %xor3A_1998, %lt3A_2000 : vector<16xi32>
            %add3A_2002 = arith.constant 16 : i32
            %add3A_2003 = vector.broadcast %add3A_2002 : i32 to vector<16xi32>
            %add3A_2004 = arith.addi %xor3A_1998, %add3A_2003 : vector<16xi32>
            %select_n3A_2005 = arith.select %lt3A_2001, %add3A_2004, %xor3A_1998 : vector<16xi1>, vector<16xi32>
            %broadcast_in_dim3A_2006 = vector.shape_cast %select_n3A_2005 : vector<16xi32> to vector<16x1xi32>
            %gather3A_2007 = vector.shape_cast %broadcast_in_dim3A_2006 : vector<16x1xi32> to vector<16xi32>
            %gather3A_2008 = tpu.dynamic_gather %select_n3A_1925[%gather3A_2007] in [0] : vector<16xf32>, vector<16xi32> -> vector<16xf32>
            %max3A_2009 = arith.maximumf %select_n3A_1925, %gather3A_2008 : vector<16xf32>
            %xor3A_2010 = arith.constant 4 : i32
            %xor3A_2011 = vector.broadcast %xor3A_2010 : i32 to vector<16xi32>
            %xor3A_2012 = arith.xori %iota3A, %xor3A_2011 : vector<16xi32>
            %lt3A_2013 = arith.constant 0 : i32
            %lt3A_2014 = vector.broadcast %lt3A_2013 : i32 to vector<16xi32>
            %lt3A_2015 = arith.cmpi slt, %xor3A_2012, %lt3A_2014 : vector<16xi32>
            %add3A_2016 = arith.constant 16 : i32
            %add3A_2017 = vector.broadcast %add3A_2016 : i32 to vector<16xi32>
            %add3A_2018 = arith.addi %xor3A_2012, %add3A_2017 : vector<16xi32>
            %select_n3A_2019 = arith.select %lt3A_2015, %add3A_2018, %xor3A_2012 : vector<16xi1>, vector<16xi32>
            %broadcast_in_dim3A_2020 = vector.shape_cast %select_n3A_2019 : vector<16xi32> to vector<16x1xi32>
            %gather3A_2021 = vector.shape_cast %broadcast_in_dim3A_2020 : vector<16x1xi32> to vector<16xi32>
            %gather3A_2022 = tpu.dynamic_gather %select_n3A_1960[%gather3A_2021] in [0] : vector<16xf32>, vector<16xi32> -> vector<16xf32>
            %max3A_2023 = arith.maximumf %select_n3A_1960, %gather3A_2022 : vector<16xf32>
            %and3A_2024 = arith.constant 4 : i32
            %and3A_2025 = vector.broadcast %and3A_2024 : i32 to vector<16xi32>
            %and3A_2026 = arith.andi %iota3A, %and3A_2025 : vector<16xi32>
            %eq3A_2027 = arith.constant 0 : i32
            %eq3A_2028 = vector.broadcast %eq3A_2027 : i32 to vector<16xi32>
            %eq3A_2029 = arith.cmpi eq, %and3A_2026, %eq3A_2028 : vector<16xi32>
            %select_n3A_2030 = arith.select %eq3A_2029, %max3A_2009, %max3A_2023 : vector<16xi1>, vector<16xf32>
            %xor3A_2031 = arith.constant 8 : i32
            %xor3A_2032 = vector.broadcast %xor3A_2031 : i32 to vector<16xi32>
            %xor3A_2033 = arith.xori %iota3A, %xor3A_2032 : vector<16xi32>
            %lt3A_2034 = arith.constant 0 : i32
            %lt3A_2035 = vector.broadcast %lt3A_2034 : i32 to vector<16xi32>
            %lt3A_2036 = arith.cmpi slt, %xor3A_2033, %lt3A_2035 : vector<16xi32>
            %add3A_2037 = arith.constant 16 : i32
            %add3A_2038 = vector.broadcast %add3A_2037 : i32 to vector<16xi32>
            %add3A_2039 = arith.addi %xor3A_2033, %add3A_2038 : vector<16xi32>
            %select_n3A_2040 = arith.select %lt3A_2036, %add3A_2039, %xor3A_2033 : vector<16xi1>, vector<16xi32>
            %broadcast_in_dim3A_2041 = vector.shape_cast %select_n3A_2040 : vector<16xi32> to vector<16x1xi32>
            %gather3A_2042 = vector.shape_cast %broadcast_in_dim3A_2041 : vector<16x1xi32> to vector<16xi32>
            %gather3A_2043 = tpu.dynamic_gather %select_n3A_1995[%gather3A_2042] in [0] : vector<16xf32>, vector<16xi32> -> vector<16xf32>
            %max3A_2044 = arith.maximumf %select_n3A_1995, %gather3A_2043 : vector<16xf32>
            %xor3A_2045 = arith.constant 8 : i32
            %xor3A_2046 = vector.broadcast %xor3A_2045 : i32 to vector<16xi32>
            %xor3A_2047 = arith.xori %iota3A, %xor3A_2046 : vector<16xi32>
            %lt3A_2048 = arith.constant 0 : i32
            %lt3A_2049 = vector.broadcast %lt3A_2048 : i32 to vector<16xi32>
            %lt3A_2050 = arith.cmpi slt, %xor3A_2047, %lt3A_2049 : vector<16xi32>
            %add3A_2051 = arith.constant 16 : i32
            %add3A_2052 = vector.broadcast %add3A_2051 : i32 to vector<16xi32>
            %add3A_2053 = arith.addi %xor3A_2047, %add3A_2052 : vector<16xi32>
            %select_n3A_2054 = arith.select %lt3A_2050, %add3A_2053, %xor3A_2047 : vector<16xi1>, vector<16xi32>
            %broadcast_in_dim3A_2055 = vector.shape_cast %select_n3A_2054 : vector<16xi32> to vector<16x1xi32>
            %gather3A_2056 = vector.shape_cast %broadcast_in_dim3A_2055 : vector<16x1xi32> to vector<16xi32>
            %gather3A_2057 = tpu.dynamic_gather %select_n3A_2030[%gather3A_2056] in [0] : vector<16xf32>, vector<16xi32> -> vector<16xf32>
            %max3A_2058 = arith.maximumf %select_n3A_2030, %gather3A_2057 : vector<16xf32>
            %and3A_2059 = arith.constant 8 : i32
            %and3A_2060 = vector.broadcast %and3A_2059 : i32 to vector<16xi32>
            %and3A_2061 = arith.andi %iota3A, %and3A_2060 : vector<16xi32>
            %eq3A_2062 = arith.constant 0 : i32
            %eq3A_2063 = vector.broadcast %eq3A_2062 : i32 to vector<16xi32>
            %eq3A_2064 = arith.cmpi eq, %and3A_2061, %eq3A_2063 : vector<16xi32>
            %select_n3A_2065 = arith.select %eq3A_2064, %max3A_2044, %max3A_2058 : vector<16xi1>, vector<16xf32>
            %ge3A_2066 = vector.broadcast %squeeze3A : f32 to vector<16xf32>
            %ge3A_2067 = arith.cmpf oge, %select_n3A_2065, %ge3A_2066 : vector<16xf32>
            %jit3A_2068 = arith.constant 0 : i32
            %broadcast_in_dim3A_2069 = vector.broadcast %jit3A_2068 : i32 to vector<16xi32>
            %select_n3A_2070 = arith.select %ge3A_2067, %shift_left3A_329, %broadcast_in_dim3A_2069 : vector<16xi1>, vector<16xi32>
            %xor3A_2071 = arith.constant 8 : i32
            %xor3A_2072 = vector.broadcast %xor3A_2071 : i32 to vector<16xi32>
            %xor3A_2073 = arith.xori %iota3A, %xor3A_2072 : vector<16xi32>
            %lt3A_2074 = arith.constant 0 : i32
            %lt3A_2075 = vector.broadcast %lt3A_2074 : i32 to vector<16xi32>
            %lt3A_2076 = arith.cmpi slt, %xor3A_2073, %lt3A_2075 : vector<16xi32>
            %add3A_2077 = arith.constant 16 : i32
            %add3A_2078 = vector.broadcast %add3A_2077 : i32 to vector<16xi32>
            %add3A_2079 = arith.addi %xor3A_2073, %add3A_2078 : vector<16xi32>
            %select_n3A_2080 = arith.select %lt3A_2076, %add3A_2079, %xor3A_2073 : vector<16xi1>, vector<16xi32>
            %broadcast_in_dim3A_2081 = vector.shape_cast %select_n3A_2080 : vector<16xi32> to vector<16x1xi32>
            %gather3A_2082 = vector.shape_cast %broadcast_in_dim3A_2081 : vector<16x1xi32> to vector<16xi32>
            %gather3A_2083 = tpu.dynamic_gather %select_n3A_2070[%gather3A_2082] in [0] : vector<16xi32>, vector<16xi32> -> vector<16xi32>
            %or3A_2084 = arith.ori %select_n3A_2070, %gather3A_2083 : vector<16xi32>
            %xor3A_2085 = arith.constant 4 : i32
            %xor3A_2086 = vector.broadcast %xor3A_2085 : i32 to vector<16xi32>
            %xor3A_2087 = arith.xori %iota3A, %xor3A_2086 : vector<16xi32>
            %lt3A_2088 = arith.constant 0 : i32
            %lt3A_2089 = vector.broadcast %lt3A_2088 : i32 to vector<16xi32>
            %lt3A_2090 = arith.cmpi slt, %xor3A_2087, %lt3A_2089 : vector<16xi32>
            %add3A_2091 = arith.constant 16 : i32
            %add3A_2092 = vector.broadcast %add3A_2091 : i32 to vector<16xi32>
            %add3A_2093 = arith.addi %xor3A_2087, %add3A_2092 : vector<16xi32>
            %select_n3A_2094 = arith.select %lt3A_2090, %add3A_2093, %xor3A_2087 : vector<16xi1>, vector<16xi32>
            %broadcast_in_dim3A_2095 = vector.shape_cast %select_n3A_2094 : vector<16xi32> to vector<16x1xi32>
            %gather3A_2096 = vector.shape_cast %broadcast_in_dim3A_2095 : vector<16x1xi32> to vector<16xi32>
            %gather3A_2097 = tpu.dynamic_gather %or3A_2084[%gather3A_2096] in [0] : vector<16xi32>, vector<16xi32> -> vector<16xi32>
            %or3A_2098 = arith.ori %or3A_2084, %gather3A_2097 : vector<16xi32>
            %xor3A_2099 = arith.constant 2 : i32
            %xor3A_2100 = vector.broadcast %xor3A_2099 : i32 to vector<16xi32>
            %xor3A_2101 = arith.xori %iota3A, %xor3A_2100 : vector<16xi32>
            %lt3A_2102 = arith.constant 0 : i32
            %lt3A_2103 = vector.broadcast %lt3A_2102 : i32 to vector<16xi32>
            %lt3A_2104 = arith.cmpi slt, %xor3A_2101, %lt3A_2103 : vector<16xi32>
            %add3A_2105 = arith.constant 16 : i32
            %add3A_2106 = vector.broadcast %add3A_2105 : i32 to vector<16xi32>
            %add3A_2107 = arith.addi %xor3A_2101, %add3A_2106 : vector<16xi32>
            %select_n3A_2108 = arith.select %lt3A_2104, %add3A_2107, %xor3A_2101 : vector<16xi1>, vector<16xi32>
            %broadcast_in_dim3A_2109 = vector.shape_cast %select_n3A_2108 : vector<16xi32> to vector<16x1xi32>
            %gather3A_2110 = vector.shape_cast %broadcast_in_dim3A_2109 : vector<16x1xi32> to vector<16xi32>
            %gather3A_2111 = tpu.dynamic_gather %or3A_2098[%gather3A_2110] in [0] : vector<16xi32>, vector<16xi32> -> vector<16xi32>
            %or3A_2112 = arith.ori %or3A_2098, %gather3A_2111 : vector<16xi32>
            %xor3A_2113 = arith.constant 1 : i32
            %xor3A_2114 = vector.broadcast %xor3A_2113 : i32 to vector<16xi32>
            %xor3A_2115 = arith.xori %iota3A, %xor3A_2114 : vector<16xi32>
            %lt3A_2116 = arith.constant 0 : i32
            %lt3A_2117 = vector.broadcast %lt3A_2116 : i32 to vector<16xi32>
            %lt3A_2118 = arith.cmpi slt, %xor3A_2115, %lt3A_2117 : vector<16xi32>
            %add3A_2119 = arith.constant 16 : i32
            %add3A_2120 = vector.broadcast %add3A_2119 : i32 to vector<16xi32>
            %add3A_2121 = arith.addi %xor3A_2115, %add3A_2120 : vector<16xi32>
            %select_n3A_2122 = arith.select %lt3A_2118, %add3A_2121, %xor3A_2115 : vector<16xi1>, vector<16xi32>
            %broadcast_in_dim3A_2123 = vector.shape_cast %select_n3A_2122 : vector<16xi32> to vector<16x1xi32>
            %gather3A_2124 = vector.shape_cast %broadcast_in_dim3A_2123 : vector<16x1xi32> to vector<16xi32>
            %gather3A_2125 = tpu.dynamic_gather %or3A_2112[%gather3A_2124] in [0] : vector<16xi32>, vector<16xi32> -> vector<16xi32>
            %or3A_2126 = arith.ori %or3A_2112, %gather3A_2125 : vector<16xi32>
            %slice3A_2127 = vector.extract_strided_slice %or3A_2126 {offsets = [0], sizes = [1], strides = [1]} : vector<16xi32> to vector<1xi32>
            %squeeze3A_2128 = vector.extract %slice3A_2127[0] : i32 from vector<1xi32>
            %scan3A_2129 = arith.constant 0 : i32
            %scan3A_2130 = arith.constant 0 : i32
            %scan3A_2131 = arith.constant 16 : i32
            %scan3A_2132 = arith.addi %scan3A_2130, %scan3A_2131 : i32
            %scan3A_2133 = arith.constant 1 : i32
            scf.for %scan3A_2135 = %scan3A_2130 to %scan3A_2132 step %scan3A_2133  : i32 {
              %shift_right_arithmetic3A_2136 = arith.shrsi %squeeze3A_2128, %scan3A_2135 : i32
              %and3A_2137 = arith.constant 1 : i32
              %and3A_2138 = arith.andi %shift_right_arithmetic3A_2136, %and3A_2137 : i32
              %ne3A_2139 = arith.constant 0 : i32
              %ne3A_2140 = arith.cmpi ne, %and3A_2138, %ne3A_2139 : i32
              %convert_element_type3A_2141 = arith.extui %ne3A_2140 : i1 to i32
              %cond3A_2142 = arith.constant 0 : i32
              %cond3A_2143 = arith.cmpi ne, %convert_element_type3A_2141, %cond3A_2142 : i32
              scf.if %cond3A_2143 {
                %mul3A_2144 = arith.constant 16 : i32
                %mul3A_2145 = arith.muli %scan3A_2135, %mul3A_2144 : i32
                %add3A_2146 = arith.addi %add3A_1428, %mul3A_2145 : i32
                %get3A_2147 = arith.constant 0 : i32
                %get3A_2148 = arith.index_cast %get3A_2147 : i32 to index
                %get3A_2149 = arith.index_cast %add3A_2146 : i32 to index
                %get3A_2150 = tpu.vector_load %arg4[%get3A_2148, %get3A_2149] {strides = array<i32>} : memref<2x32768xf32, #tpu.memory_space<vmem>>, vector<1x16xf32>,
                %get3A_2151 = vector.shape_cast %get3A_2150 : vector<1x16xf32> to vector<16xf32>
                %xor3A_2152 = arith.constant 1 : i32
                %xor3A_2153 = vector.broadcast %xor3A_2152 : i32 to vector<16xi32>
                %xor3A_2154 = arith.xori %iota3A, %xor3A_2153 : vector<16xi32>
                %lt3A_2155 = arith.constant 0 : i32
                %lt3A_2156 = vector.broadcast %lt3A_2155 : i32 to vector<16xi32>
                %lt3A_2157 = arith.cmpi slt, %xor3A_2154, %lt3A_2156 : vector<16xi32>
                %add3A_2158 = arith.constant 16 : i32
                %add3A_2159 = vector.broadcast %add3A_2158 : i32 to vector<16xi32>
                %add3A_2160 = arith.addi %xor3A_2154, %add3A_2159 : vector<16xi32>
                %select_n3A_2161 = arith.select %lt3A_2157, %add3A_2160, %xor3A_2154 : vector<16xi1>, vector<16xi32>
                %broadcast_in_dim3A_2162 = vector.shape_cast %select_n3A_2161 : vector<16xi32> to vector<16x1xi32>
                %gather3A_2163 = vector.shape_cast %broadcast_in_dim3A_2162 : vector<16x1xi32> to vector<16xi32>
                %gather3A_2164 = tpu.dynamic_gather %get3A_2151[%gather3A_2163] in [0] : vector<16xf32>, vector<16xi32> -> vector<16xf32>
                %min3A_2165 = arith.minimumf %get3A_2151, %gather3A_2164 : vector<16xf32>
                %max3A_2166 = arith.maximumf %get3A_2151, %gather3A_2164 : vector<16xf32>
                %shift_right_arithmetic3A_2167 = arith.constant 1 : i32
                %shift_right_arithmetic3A_2168 = vector.broadcast %shift_right_arithmetic3A_2167 : i32 to vector<16xi32>
                %shift_right_arithmetic3A_2169 = arith.shrsi %iota3A, %shift_right_arithmetic3A_2168 : vector<16xi32>
                %shift_right_arithmetic3A_2170 = arith.constant 0 : i32
                %shift_right_arithmetic3A_2171 = vector.broadcast %shift_right_arithmetic3A_2170 : i32 to vector<16xi32>
                %shift_right_arithmetic3A_2172 = arith.shrsi %iota3A, %shift_right_arithmetic3A_2171 : vector<16xi32>
                %xor3A_2173 = arith.xori %shift_right_arithmetic3A_2169, %shift_right_arithmetic3A_2172 : vector<16xi32>
                %and3A_2174 = arith.constant 1 : i32
                %and3A_2175 = vector.broadcast %and3A_2174 : i32 to vector<16xi32>
                %and3A_2176 = arith.andi %xor3A_2173, %and3A_2175 : vector<16xi32>
                %eq3A_2177 = arith.constant 0 : i32
                %eq3A_2178 = vector.broadcast %eq3A_2177 : i32 to vector<16xi32>
                %eq3A_2179 = arith.cmpi eq, %and3A_2176, %eq3A_2178 : vector<16xi32>
                %select_n3A_2180 = arith.select %eq3A_2179, %min3A_2165, %max3A_2166 : vector<16xi1>, vector<16xf32>
                %xor3A_2181 = arith.constant 2 : i32
                %xor3A_2182 = vector.broadcast %xor3A_2181 : i32 to vector<16xi32>
                %xor3A_2183 = arith.xori %iota3A, %xor3A_2182 : vector<16xi32>
                %lt3A_2184 = arith.constant 0 : i32
                %lt3A_2185 = vector.broadcast %lt3A_2184 : i32 to vector<16xi32>
                %lt3A_2186 = arith.cmpi slt, %xor3A_2183, %lt3A_2185 : vector<16xi32>
                %add3A_2187 = arith.constant 16 : i32
                %add3A_2188 = vector.broadcast %add3A_2187 : i32 to vector<16xi32>
                %add3A_2189 = arith.addi %xor3A_2183, %add3A_2188 : vector<16xi32>
                %select_n3A_2190 = arith.select %lt3A_2186, %add3A_2189, %xor3A_2183 : vector<16xi1>, vector<16xi32>
                %broadcast_in_dim3A_2191 = vector.shape_cast %select_n3A_2190 : vector<16xi32> to vector<16x1xi32>
                %gather3A_2192 = vector.shape_cast %broadcast_in_dim3A_2191 : vector<16x1xi32> to vector<16xi32>
                %gather3A_2193 = tpu.dynamic_gather %select_n3A_2180[%gather3A_2192] in [0] : vector<16xf32>, vector<16xi32> -> vector<16xf32>
                %min3A_2194 = arith.minimumf %select_n3A_2180, %gather3A_2193 : vector<16xf32>
                %max3A_2195 = arith.maximumf %select_n3A_2180, %gather3A_2193 : vector<16xf32>
                %shift_right_arithmetic3A_2196 = arith.constant 2 : i32
                %shift_right_arithmetic3A_2197 = vector.broadcast %shift_right_arithmetic3A_2196 : i32 to vector<16xi32>
                %shift_right_arithmetic3A_2198 = arith.shrsi %iota3A, %shift_right_arithmetic3A_2197 : vector<16xi32>
                %shift_right_arithmetic3A_2199 = arith.constant 1 : i32
                %shift_right_arithmetic3A_2200 = vector.broadcast %shift_right_arithmetic3A_2199 : i32 to vector<16xi32>
                %shift_right_arithmetic3A_2201 = arith.shrsi %iota3A, %shift_right_arithmetic3A_2200 : vector<16xi32>
                %xor3A_2202 = arith.xori %shift_right_arithmetic3A_2198, %shift_right_arithmetic3A_2201 : vector<16xi32>
                %and3A_2203 = arith.constant 1 : i32
                %and3A_2204 = vector.broadcast %and3A_2203 : i32 to vector<16xi32>
                %and3A_2205 = arith.andi %xor3A_2202, %and3A_2204 : vector<16xi32>
                %eq3A_2206 = arith.constant 0 : i32
                %eq3A_2207 = vector.broadcast %eq3A_2206 : i32 to vector<16xi32>
                %eq3A_2208 = arith.cmpi eq, %and3A_2205, %eq3A_2207 : vector<16xi32>
                %select_n3A_2209 = arith.select %eq3A_2208, %min3A_2194, %max3A_2195 : vector<16xi1>, vector<16xf32>
                %xor3A_2210 = arith.constant 1 : i32
                %xor3A_2211 = vector.broadcast %xor3A_2210 : i32 to vector<16xi32>
                %xor3A_2212 = arith.xori %iota3A, %xor3A_2211 : vector<16xi32>
                %lt3A_2213 = arith.constant 0 : i32
                %lt3A_2214 = vector.broadcast %lt3A_2213 : i32 to vector<16xi32>
                %lt3A_2215 = arith.cmpi slt, %xor3A_2212, %lt3A_2214 : vector<16xi32>
                %add3A_2216 = arith.constant 16 : i32
                %add3A_2217 = vector.broadcast %add3A_2216 : i32 to vector<16xi32>
                %add3A_2218 = arith.addi %xor3A_2212, %add3A_2217 : vector<16xi32>
                %select_n3A_2219 = arith.select %lt3A_2215, %add3A_2218, %xor3A_2212 : vector<16xi1>, vector<16xi32>
                %broadcast_in_dim3A_2220 = vector.shape_cast %select_n3A_2219 : vector<16xi32> to vector<16x1xi32>
                %gather3A_2221 = vector.shape_cast %broadcast_in_dim3A_2220 : vector<16x1xi32> to vector<16xi32>
                %gather3A_2222 = tpu.dynamic_gather %select_n3A_2209[%gather3A_2221] in [0] : vector<16xf32>, vector<16xi32> -> vector<16xf32>
                %min3A_2223 = arith.minimumf %select_n3A_2209, %gather3A_2222 : vector<16xf32>
                %max3A_2224 = arith.maximumf %select_n3A_2209, %gather3A_2222 : vector<16xf32>
                %shift_right_arithmetic3A_2225 = arith.constant 2 : i32
                %shift_right_arithmetic3A_2226 = vector.broadcast %shift_right_arithmetic3A_2225 : i32 to vector<16xi32>
                %shift_right_arithmetic3A_2227 = arith.shrsi %iota3A, %shift_right_arithmetic3A_2226 : vector<16xi32>
                %shift_right_arithmetic3A_2228 = arith.constant 0 : i32
                %shift_right_arithmetic3A_2229 = vector.broadcast %shift_right_arithmetic3A_2228 : i32 to vector<16xi32>
                %shift_right_arithmetic3A_2230 = arith.shrsi %iota3A, %shift_right_arithmetic3A_2229 : vector<16xi32>
                %xor3A_2231 = arith.xori %shift_right_arithmetic3A_2227, %shift_right_arithmetic3A_2230 : vector<16xi32>
                %and3A_2232 = arith.constant 1 : i32
                %and3A_2233 = vector.broadcast %and3A_2232 : i32 to vector<16xi32>
                %and3A_2234 = arith.andi %xor3A_2231, %and3A_2233 : vector<16xi32>
                %eq3A_2235 = arith.constant 0 : i32
                %eq3A_2236 = vector.broadcast %eq3A_2235 : i32 to vector<16xi32>
                %eq3A_2237 = arith.cmpi eq, %and3A_2234, %eq3A_2236 : vector<16xi32>
                %select_n3A_2238 = arith.select %eq3A_2237, %min3A_2223, %max3A_2224 : vector<16xi1>, vector<16xf32>
                %xor3A_2239 = arith.constant 4 : i32
                %xor3A_2240 = vector.broadcast %xor3A_2239 : i32 to vector<16xi32>
                %xor3A_2241 = arith.xori %iota3A, %xor3A_2240 : vector<16xi32>
                %lt3A_2242 = arith.constant 0 : i32
                %lt3A_2243 = vector.broadcast %lt3A_2242 : i32 to vector<16xi32>
                %lt3A_2244 = arith.cmpi slt, %xor3A_2241, %lt3A_2243 : vector<16xi32>
                %add3A_2245 = arith.constant 16 : i32
                %add3A_2246 = vector.broadcast %add3A_2245 : i32 to vector<16xi32>
                %add3A_2247 = arith.addi %xor3A_2241, %add3A_2246 : vector<16xi32>
                %select_n3A_2248 = arith.select %lt3A_2244, %add3A_2247, %xor3A_2241 : vector<16xi1>, vector<16xi32>
                %broadcast_in_dim3A_2249 = vector.shape_cast %select_n3A_2248 : vector<16xi32> to vector<16x1xi32>
                %gather3A_2250 = vector.shape_cast %broadcast_in_dim3A_2249 : vector<16x1xi32> to vector<16xi32>
                %gather3A_2251 = tpu.dynamic_gather %select_n3A_2238[%gather3A_2250] in [0] : vector<16xf32>, vector<16xi32> -> vector<16xf32>
                %min3A_2252 = arith.minimumf %select_n3A_2238, %gather3A_2251 : vector<16xf32>
                %max3A_2253 = arith.maximumf %select_n3A_2238, %gather3A_2251 : vector<16xf32>
                %shift_right_arithmetic3A_2254 = arith.constant 3 : i32
                %shift_right_arithmetic3A_2255 = vector.broadcast %shift_right_arithmetic3A_2254 : i32 to vector<16xi32>
                %shift_right_arithmetic3A_2256 = arith.shrsi %iota3A, %shift_right_arithmetic3A_2255 : vector<16xi32>
                %shift_right_arithmetic3A_2257 = arith.constant 2 : i32
                %shift_right_arithmetic3A_2258 = vector.broadcast %shift_right_arithmetic3A_2257 : i32 to vector<16xi32>
                %shift_right_arithmetic3A_2259 = arith.shrsi %iota3A, %shift_right_arithmetic3A_2258 : vector<16xi32>
                %xor3A_2260 = arith.xori %shift_right_arithmetic3A_2256, %shift_right_arithmetic3A_2259 : vector<16xi32>
                %and3A_2261 = arith.constant 1 : i32
                %and3A_2262 = vector.broadcast %and3A_2261 : i32 to vector<16xi32>
                %and3A_2263 = arith.andi %xor3A_2260, %and3A_2262 : vector<16xi32>
                %eq3A_2264 = arith.constant 0 : i32
                %eq3A_2265 = vector.broadcast %eq3A_2264 : i32 to vector<16xi32>
                %eq3A_2266 = arith.cmpi eq, %and3A_2263, %eq3A_2265 : vector<16xi32>
                %select_n3A_2267 = arith.select %eq3A_2266, %min3A_2252, %max3A_2253 : vector<16xi1>, vector<16xf32>
                %xor3A_2268 = arith.constant 2 : i32
                %xor3A_2269 = vector.broadcast %xor3A_2268 : i32 to vector<16xi32>
                %xor3A_2270 = arith.xori %iota3A, %xor3A_2269 : vector<16xi32>
                %lt3A_2271 = arith.constant 0 : i32
                %lt3A_2272 = vector.broadcast %lt3A_2271 : i32 to vector<16xi32>
                %lt3A_2273 = arith.cmpi slt, %xor3A_2270, %lt3A_2272 : vector<16xi32>
                %add3A_2274 = arith.constant 16 : i32
                %add3A_2275 = vector.broadcast %add3A_2274 : i32 to vector<16xi32>
                %add3A_2276 = arith.addi %xor3A_2270, %add3A_2275 : vector<16xi32>
                %select_n3A_2277 = arith.select %lt3A_2273, %add3A_2276, %xor3A_2270 : vector<16xi1>, vector<16xi32>
                %broadcast_in_dim3A_2278 = vector.shape_cast %select_n3A_2277 : vector<16xi32> to vector<16x1xi32>
                %gather3A_2279 = vector.shape_cast %broadcast_in_dim3A_2278 : vector<16x1xi32> to vector<16xi32>
                %gather3A_2280 = tpu.dynamic_gather %select_n3A_2267[%gather3A_2279] in [0] : vector<16xf32>, vector<16xi32> -> vector<16xf32>
                %min3A_2281 = arith.minimumf %select_n3A_2267, %gather3A_2280 : vector<16xf32>
                %max3A_2282 = arith.maximumf %select_n3A_2267, %gather3A_2280 : vector<16xf32>
                %shift_right_arithmetic3A_2283 = arith.constant 3 : i32
                %shift_right_arithmetic3A_2284 = vector.broadcast %shift_right_arithmetic3A_2283 : i32 to vector<16xi32>
                %shift_right_arithmetic3A_2285 = arith.shrsi %iota3A, %shift_right_arithmetic3A_2284 : vector<16xi32>
                %shift_right_arithmetic3A_2286 = arith.constant 1 : i32
                %shift_right_arithmetic3A_2287 = vector.broadcast %shift_right_arithmetic3A_2286 : i32 to vector<16xi32>
                %shift_right_arithmetic3A_2288 = arith.shrsi %iota3A, %shift_right_arithmetic3A_2287 : vector<16xi32>
                %xor3A_2289 = arith.xori %shift_right_arithmetic3A_2285, %shift_right_arithmetic3A_2288 : vector<16xi32>
                %and3A_2290 = arith.constant 1 : i32
                %and3A_2291 = vector.broadcast %and3A_2290 : i32 to vector<16xi32>
                %and3A_2292 = arith.andi %xor3A_2289, %and3A_2291 : vector<16xi32>
                %eq3A_2293 = arith.constant 0 : i32
                %eq3A_2294 = vector.broadcast %eq3A_2293 : i32 to vector<16xi32>
                %eq3A_2295 = arith.cmpi eq, %and3A_2292, %eq3A_2294 : vector<16xi32>
                %select_n3A_2296 = arith.select %eq3A_2295, %min3A_2281, %max3A_2282 : vector<16xi1>, vector<16xf32>
                %xor3A_2297 = arith.constant 1 : i32
                %xor3A_2298 = vector.broadcast %xor3A_2297 : i32 to vector<16xi32>
                %xor3A_2299 = arith.xori %iota3A, %xor3A_2298 : vector<16xi32>
                %lt3A_2300 = arith.constant 0 : i32
                %lt3A_2301 = vector.broadcast %lt3A_2300 : i32 to vector<16xi32>
                %lt3A_2302 = arith.cmpi slt, %xor3A_2299, %lt3A_2301 : vector<16xi32>
                %add3A_2303 = arith.constant 16 : i32
                %add3A_2304 = vector.broadcast %add3A_2303 : i32 to vector<16xi32>
                %add3A_2305 = arith.addi %xor3A_2299, %add3A_2304 : vector<16xi32>
                %select_n3A_2306 = arith.select %lt3A_2302, %add3A_2305, %xor3A_2299 : vector<16xi1>, vector<16xi32>
                %broadcast_in_dim3A_2307 = vector.shape_cast %select_n3A_2306 : vector<16xi32> to vector<16x1xi32>
                %gather3A_2308 = vector.shape_cast %broadcast_in_dim3A_2307 : vector<16x1xi32> to vector<16xi32>
                %gather3A_2309 = tpu.dynamic_gather %select_n3A_2296[%gather3A_2308] in [0] : vector<16xf32>, vector<16xi32> -> vector<16xf32>
                %min3A_2310 = arith.minimumf %select_n3A_2296, %gather3A_2309 : vector<16xf32>
                %max3A_2311 = arith.maximumf %select_n3A_2296, %gather3A_2309 : vector<16xf32>
                %shift_right_arithmetic3A_2312 = arith.constant 3 : i32
                %shift_right_arithmetic3A_2313 = vector.broadcast %shift_right_arithmetic3A_2312 : i32 to vector<16xi32>
                %shift_right_arithmetic3A_2314 = arith.shrsi %iota3A, %shift_right_arithmetic3A_2313 : vector<16xi32>
                %shift_right_arithmetic3A_2315 = arith.constant 0 : i32
                %shift_right_arithmetic3A_2316 = vector.broadcast %shift_right_arithmetic3A_2315 : i32 to vector<16xi32>
                %shift_right_arithmetic3A_2317 = arith.shrsi %iota3A, %shift_right_arithmetic3A_2316 : vector<16xi32>
                %xor3A_2318 = arith.xori %shift_right_arithmetic3A_2314, %shift_right_arithmetic3A_2317 : vector<16xi32>
                %and3A_2319 = arith.constant 1 : i32
                %and3A_2320 = vector.broadcast %and3A_2319 : i32 to vector<16xi32>
                %and3A_2321 = arith.andi %xor3A_2318, %and3A_2320 : vector<16xi32>
                %eq3A_2322 = arith.constant 0 : i32
                %eq3A_2323 = vector.broadcast %eq3A_2322 : i32 to vector<16xi32>
                %eq3A_2324 = arith.cmpi eq, %and3A_2321, %eq3A_2323 : vector<16xi32>
                %select_n3A_2325 = arith.select %eq3A_2324, %min3A_2310, %max3A_2311 : vector<16xi1>, vector<16xf32>
                %xor3A_2326 = arith.constant 8 : i32
                %xor3A_2327 = vector.broadcast %xor3A_2326 : i32 to vector<16xi32>
                %xor3A_2328 = arith.xori %iota3A, %xor3A_2327 : vector<16xi32>
                %lt3A_2329 = arith.constant 0 : i32
                %lt3A_2330 = vector.broadcast %lt3A_2329 : i32 to vector<16xi32>
                %lt3A_2331 = arith.cmpi slt, %xor3A_2328, %lt3A_2330 : vector<16xi32>
                %add3A_2332 = arith.constant 16 : i32
                %add3A_2333 = vector.broadcast %add3A_2332 : i32 to vector<16xi32>
                %add3A_2334 = arith.addi %xor3A_2328, %add3A_2333 : vector<16xi32>
                %select_n3A_2335 = arith.select %lt3A_2331, %add3A_2334, %xor3A_2328 : vector<16xi1>, vector<16xi32>
                %broadcast_in_dim3A_2336 = vector.shape_cast %select_n3A_2335 : vector<16xi32> to vector<16x1xi32>
                %gather3A_2337 = vector.shape_cast %broadcast_in_dim3A_2336 : vector<16x1xi32> to vector<16xi32>
                %gather3A_2338 = tpu.dynamic_gather %select_n3A_2325[%gather3A_2337] in [0] : vector<16xf32>, vector<16xi32> -> vector<16xf32>
                %min3A_2339 = arith.minimumf %select_n3A_2325, %gather3A_2338 : vector<16xf32>
                %max3A_2340 = arith.maximumf %select_n3A_2325, %gather3A_2338 : vector<16xf32>
                %shift_right_arithmetic3A_2341 = arith.constant 4 : i32
                %shift_right_arithmetic3A_2342 = vector.broadcast %shift_right_arithmetic3A_2341 : i32 to vector<16xi32>
                %shift_right_arithmetic3A_2343 = arith.shrsi %iota3A, %shift_right_arithmetic3A_2342 : vector<16xi32>
                %shift_right_arithmetic3A_2344 = arith.constant 3 : i32
                %shift_right_arithmetic3A_2345 = vector.broadcast %shift_right_arithmetic3A_2344 : i32 to vector<16xi32>
                %shift_right_arithmetic3A_2346 = arith.shrsi %iota3A, %shift_right_arithmetic3A_2345 : vector<16xi32>
                %xor3A_2347 = arith.xori %shift_right_arithmetic3A_2343, %shift_right_arithmetic3A_2346 : vector<16xi32>
                %and3A_2348 = arith.constant 1 : i32
                %and3A_2349 = vector.broadcast %and3A_2348 : i32 to vector<16xi32>
                %and3A_2350 = arith.andi %xor3A_2347, %and3A_2349 : vector<16xi32>
                %eq3A_2351 = arith.constant 0 : i32
                %eq3A_2352 = vector.broadcast %eq3A_2351 : i32 to vector<16xi32>
                %eq3A_2353 = arith.cmpi eq, %and3A_2350, %eq3A_2352 : vector<16xi32>
                %select_n3A_2354 = arith.select %eq3A_2353, %min3A_2339, %max3A_2340 : vector<16xi1>, vector<16xf32>
                %xor3A_2355 = arith.constant 4 : i32
                %xor3A_2356 = vector.broadcast %xor3A_2355 : i32 to vector<16xi32>
                %xor3A_2357 = arith.xori %iota3A, %xor3A_2356 : vector<16xi32>
                %lt3A_2358 = arith.constant 0 : i32
                %lt3A_2359 = vector.broadcast %lt3A_2358 : i32 to vector<16xi32>
                %lt3A_2360 = arith.cmpi slt, %xor3A_2357, %lt3A_2359 : vector<16xi32>
                %add3A_2361 = arith.constant 16 : i32
                %add3A_2362 = vector.broadcast %add3A_2361 : i32 to vector<16xi32>
                %add3A_2363 = arith.addi %xor3A_2357, %add3A_2362 : vector<16xi32>
                %select_n3A_2364 = arith.select %lt3A_2360, %add3A_2363, %xor3A_2357 : vector<16xi1>, vector<16xi32>
                %broadcast_in_dim3A_2365 = vector.shape_cast %select_n3A_2364 : vector<16xi32> to vector<16x1xi32>
                %gather3A_2366 = vector.shape_cast %broadcast_in_dim3A_2365 : vector<16x1xi32> to vector<16xi32>
                %gather3A_2367 = tpu.dynamic_gather %select_n3A_2354[%gather3A_2366] in [0] : vector<16xf32>, vector<16xi32> -> vector<16xf32>
                %min3A_2368 = arith.minimumf %select_n3A_2354, %gather3A_2367 : vector<16xf32>
                %max3A_2369 = arith.maximumf %select_n3A_2354, %gather3A_2367 : vector<16xf32>
                %shift_right_arithmetic3A_2370 = arith.constant 4 : i32
                %shift_right_arithmetic3A_2371 = vector.broadcast %shift_right_arithmetic3A_2370 : i32 to vector<16xi32>
                %shift_right_arithmetic3A_2372 = arith.shrsi %iota3A, %shift_right_arithmetic3A_2371 : vector<16xi32>
                %shift_right_arithmetic3A_2373 = arith.constant 2 : i32
                %shift_right_arithmetic3A_2374 = vector.broadcast %shift_right_arithmetic3A_2373 : i32 to vector<16xi32>
                %shift_right_arithmetic3A_2375 = arith.shrsi %iota3A, %shift_right_arithmetic3A_2374 : vector<16xi32>
                %xor3A_2376 = arith.xori %shift_right_arithmetic3A_2372, %shift_right_arithmetic3A_2375 : vector<16xi32>
                %and3A_2377 = arith.constant 1 : i32
                %and3A_2378 = vector.broadcast %and3A_2377 : i32 to vector<16xi32>
                %and3A_2379 = arith.andi %xor3A_2376, %and3A_2378 : vector<16xi32>
                %eq3A_2380 = arith.constant 0 : i32
                %eq3A_2381 = vector.broadcast %eq3A_2380 : i32 to vector<16xi32>
                %eq3A_2382 = arith.cmpi eq, %and3A_2379, %eq3A_2381 : vector<16xi32>
                %select_n3A_2383 = arith.select %eq3A_2382, %min3A_2368, %max3A_2369 : vector<16xi1>, vector<16xf32>
                %xor3A_2384 = arith.constant 2 : i32
                %xor3A_2385 = vector.broadcast %xor3A_2384 : i32 to vector<16xi32>
                %xor3A_2386 = arith.xori %iota3A, %xor3A_2385 : vector<16xi32>
                %lt3A_2387 = arith.constant 0 : i32
                %lt3A_2388 = vector.broadcast %lt3A_2387 : i32 to vector<16xi32>
                %lt3A_2389 = arith.cmpi slt, %xor3A_2386, %lt3A_2388 : vector<16xi32>
                %add3A_2390 = arith.constant 16 : i32
                %add3A_2391 = vector.broadcast %add3A_2390 : i32 to vector<16xi32>
                %add3A_2392 = arith.addi %xor3A_2386, %add3A_2391 : vector<16xi32>
                %select_n3A_2393 = arith.select %lt3A_2389, %add3A_2392, %xor3A_2386 : vector<16xi1>, vector<16xi32>
                %broadcast_in_dim3A_2394 = vector.shape_cast %select_n3A_2393 : vector<16xi32> to vector<16x1xi32>
                %gather3A_2395 = vector.shape_cast %broadcast_in_dim3A_2394 : vector<16x1xi32> to vector<16xi32>
                %gather3A_2396 = tpu.dynamic_gather %select_n3A_2383[%gather3A_2395] in [0] : vector<16xf32>, vector<16xi32> -> vector<16xf32>
                %min3A_2397 = arith.minimumf %select_n3A_2383, %gather3A_2396 : vector<16xf32>
                %max3A_2398 = arith.maximumf %select_n3A_2383, %gather3A_2396 : vector<16xf32>
                %shift_right_arithmetic3A_2399 = arith.constant 4 : i32
                %shift_right_arithmetic3A_2400 = vector.broadcast %shift_right_arithmetic3A_2399 : i32 to vector<16xi32>
                %shift_right_arithmetic3A_2401 = arith.shrsi %iota3A, %shift_right_arithmetic3A_2400 : vector<16xi32>
                %shift_right_arithmetic3A_2402 = arith.constant 1 : i32
                %shift_right_arithmetic3A_2403 = vector.broadcast %shift_right_arithmetic3A_2402 : i32 to vector<16xi32>
                %shift_right_arithmetic3A_2404 = arith.shrsi %iota3A, %shift_right_arithmetic3A_2403 : vector<16xi32>
                %xor3A_2405 = arith.xori %shift_right_arithmetic3A_2401, %shift_right_arithmetic3A_2404 : vector<16xi32>
                %and3A_2406 = arith.constant 1 : i32
                %and3A_2407 = vector.broadcast %and3A_2406 : i32 to vector<16xi32>
                %and3A_2408 = arith.andi %xor3A_2405, %and3A_2407 : vector<16xi32>
                %eq3A_2409 = arith.constant 0 : i32
                %eq3A_2410 = vector.broadcast %eq3A_2409 : i32 to vector<16xi32>
                %eq3A_2411 = arith.cmpi eq, %and3A_2408, %eq3A_2410 : vector<16xi32>
                %select_n3A_2412 = arith.select %eq3A_2411, %min3A_2397, %max3A_2398 : vector<16xi1>, vector<16xf32>
                %xor3A_2413 = arith.constant 1 : i32
                %xor3A_2414 = vector.broadcast %xor3A_2413 : i32 to vector<16xi32>
                %xor3A_2415 = arith.xori %iota3A, %xor3A_2414 : vector<16xi32>
                %lt3A_2416 = arith.constant 0 : i32
                %lt3A_2417 = vector.broadcast %lt3A_2416 : i32 to vector<16xi32>
                %lt3A_2418 = arith.cmpi slt, %xor3A_2415, %lt3A_2417 : vector<16xi32>
                %add3A_2419 = arith.constant 16 : i32
                %add3A_2420 = vector.broadcast %add3A_2419 : i32 to vector<16xi32>
                %add3A_2421 = arith.addi %xor3A_2415, %add3A_2420 : vector<16xi32>
                %select_n3A_2422 = arith.select %lt3A_2418, %add3A_2421, %xor3A_2415 : vector<16xi1>, vector<16xi32>
                %broadcast_in_dim3A_2423 = vector.shape_cast %select_n3A_2422 : vector<16xi32> to vector<16x1xi32>
                %gather3A_2424 = vector.shape_cast %broadcast_in_dim3A_2423 : vector<16x1xi32> to vector<16xi32>
                %gather3A_2425 = tpu.dynamic_gather %select_n3A_2412[%gather3A_2424] in [0] : vector<16xf32>, vector<16xi32> -> vector<16xf32>
                %min3A_2426 = arith.minimumf %select_n3A_2412, %gather3A_2425 : vector<16xf32>
                %max3A_2427 = arith.maximumf %select_n3A_2412, %gather3A_2425 : vector<16xf32>
                %shift_right_arithmetic3A_2428 = arith.constant 4 : i32
                %shift_right_arithmetic3A_2429 = vector.broadcast %shift_right_arithmetic3A_2428 : i32 to vector<16xi32>
                %shift_right_arithmetic3A_2430 = arith.shrsi %iota3A, %shift_right_arithmetic3A_2429 : vector<16xi32>
                %shift_right_arithmetic3A_2431 = arith.constant 0 : i32
                %shift_right_arithmetic3A_2432 = vector.broadcast %shift_right_arithmetic3A_2431 : i32 to vector<16xi32>
                %shift_right_arithmetic3A_2433 = arith.shrsi %iota3A, %shift_right_arithmetic3A_2432 : vector<16xi32>
                %xor3A_2434 = arith.xori %shift_right_arithmetic3A_2430, %shift_right_arithmetic3A_2433 : vector<16xi32>
                %and3A_2435 = arith.constant 1 : i32
                %and3A_2436 = vector.broadcast %and3A_2435 : i32 to vector<16xi32>
                %and3A_2437 = arith.andi %xor3A_2434, %and3A_2436 : vector<16xi32>
                %eq3A_2438 = arith.constant 0 : i32
                %eq3A_2439 = vector.broadcast %eq3A_2438 : i32 to vector<16xi32>
                %eq3A_2440 = arith.cmpi eq, %and3A_2437, %eq3A_2439 : vector<16xi32>
                %select_n3A_2441 = arith.select %eq3A_2440, %min3A_2426, %max3A_2427 : vector<16xi1>, vector<16xf32>
                %rev3A = arith.constant 15 : i32
                %rev3A_2442 = vector.broadcast %rev3A : i32 to vector<16xi32>
                %rev3A_2443 = tpu.iota {dimensions = array<i32: 0>} : vector<16xi32>
                %rev3A_2444 = arith.subi %rev3A_2442, %rev3A_2443 : vector<16xi32>
                %rev3A_2445 = tpu.dynamic_gather %select_n3A_2441[%rev3A_2444] in [0] : vector<16xf32>, vector<16xi32> -> vector<16xf32>
                %get3A_2446 = arith.constant 0 : index
                %get3A_2447 = tpu.vector_load %arg6[%get3A_2446] {strides = array<i32>} : memref<16xf32, #tpu.memory_space<vmem>>, vector<16xf32>,
                %get3A_2448 = vector.shape_cast %get3A_2447 : vector<16xf32> to vector<16xf32>
                %max3A_2449 = arith.maximumf %get3A_2448, %rev3A_2445 : vector<16xf32>
                %xor3A_2450 = arith.constant 8 : i32
                %xor3A_2451 = vector.broadcast %xor3A_2450 : i32 to vector<16xi32>
                %xor3A_2452 = arith.xori %iota3A, %xor3A_2451 : vector<16xi32>
                %lt3A_2453 = arith.constant 0 : i32
                %lt3A_2454 = vector.broadcast %lt3A_2453 : i32 to vector<16xi32>
                %lt3A_2455 = arith.cmpi slt, %xor3A_2452, %lt3A_2454 : vector<16xi32>
                %add3A_2456 = arith.constant 16 : i32
                %add3A_2457 = vector.broadcast %add3A_2456 : i32 to vector<16xi32>
                %add3A_2458 = arith.addi %xor3A_2452, %add3A_2457 : vector<16xi32>
                %select_n3A_2459 = arith.select %lt3A_2455, %add3A_2458, %xor3A_2452 : vector<16xi1>, vector<16xi32>
                %broadcast_in_dim3A_2460 = vector.shape_cast %select_n3A_2459 : vector<16xi32> to vector<16x1xi32>
                %gather3A_2461 = vector.shape_cast %broadcast_in_dim3A_2460 : vector<16x1xi32> to vector<16xi32>
                %gather3A_2462 = tpu.dynamic_gather %max3A_2449[%gather3A_2461] in [0] : vector<16xf32>, vector<16xi32> -> vector<16xf32>
                %min3A_2463 = arith.minimumf %max3A_2449, %gather3A_2462 : vector<16xf32>
                %max3A_2464 = arith.maximumf %max3A_2449, %gather3A_2462 : vector<16xf32>
                %and3A_2465 = arith.constant 8 : i32
                %and3A_2466 = vector.broadcast %and3A_2465 : i32 to vector<16xi32>
                %and3A_2467 = arith.andi %iota3A, %and3A_2466 : vector<16xi32>
                %eq3A_2468 = arith.constant 0 : i32
                %eq3A_2469 = vector.broadcast %eq3A_2468 : i32 to vector<16xi32>
                %eq3A_2470 = arith.cmpi eq, %and3A_2467, %eq3A_2469 : vector<16xi32>
                %select_n3A_2471 = arith.select %eq3A_2470, %min3A_2463, %max3A_2464 : vector<16xi1>, vector<16xf32>
                %xor3A_2472 = arith.constant 4 : i32
                %xor3A_2473 = vector.broadcast %xor3A_2472 : i32 to vector<16xi32>
                %xor3A_2474 = arith.xori %iota3A, %xor3A_2473 : vector<16xi32>
                %lt3A_2475 = arith.constant 0 : i32
                %lt3A_2476 = vector.broadcast %lt3A_2475 : i32 to vector<16xi32>
                %lt3A_2477 = arith.cmpi slt, %xor3A_2474, %lt3A_2476 : vector<16xi32>
                %add3A_2478 = arith.constant 16 : i32
                %add3A_2479 = vector.broadcast %add3A_2478 : i32 to vector<16xi32>
                %add3A_2480 = arith.addi %xor3A_2474, %add3A_2479 : vector<16xi32>
                %select_n3A_2481 = arith.select %lt3A_2477, %add3A_2480, %xor3A_2474 : vector<16xi1>, vector<16xi32>
                %broadcast_in_dim3A_2482 = vector.shape_cast %select_n3A_2481 : vector<16xi32> to vector<16x1xi32>
                %gather3A_2483 = vector.shape_cast %broadcast_in_dim3A_2482 : vector<16x1xi32> to vector<16xi32>
                %gather3A_2484 = tpu.dynamic_gather %select_n3A_2471[%gather3A_2483] in [0] : vector<16xf32>, vector<16xi32> -> vector<16xf32>
                %min3A_2485 = arith.minimumf %select_n3A_2471, %gather3A_2484 : vector<16xf32>
                %max3A_2486 = arith.maximumf %select_n3A_2471, %gather3A_2484 : vector<16xf32>
                %and3A_2487 = arith.constant 4 : i32
                %and3A_2488 = vector.broadcast %and3A_2487 : i32 to vector<16xi32>
                %and3A_2489 = arith.andi %iota3A, %and3A_2488 : vector<16xi32>
                %eq3A_2490 = arith.constant 0 : i32
                %eq3A_2491 = vector.broadcast %eq3A_2490 : i32 to vector<16xi32>
                %eq3A_2492 = arith.cmpi eq, %and3A_2489, %eq3A_2491 : vector<16xi32>
                %select_n3A_2493 = arith.select %eq3A_2492, %min3A_2485, %max3A_2486 : vector<16xi1>, vector<16xf32>
                %xor3A_2494 = arith.constant 2 : i32
                %xor3A_2495 = vector.broadcast %xor3A_2494 : i32 to vector<16xi32>
                %xor3A_2496 = arith.xori %iota3A, %xor3A_2495 : vector<16xi32>
                %lt3A_2497 = arith.constant 0 : i32
                %lt3A_2498 = vector.broadcast %lt3A_2497 : i32 to vector<16xi32>
                %lt3A_2499 = arith.cmpi slt, %xor3A_2496, %lt3A_2498 : vector<16xi32>
                %add3A_2500 = arith.constant 16 : i32
                %add3A_2501 = vector.broadcast %add3A_2500 : i32 to vector<16xi32>
                %add3A_2502 = arith.addi %xor3A_2496, %add3A_2501 : vector<16xi32>
                %select_n3A_2503 = arith.select %lt3A_2499, %add3A_2502, %xor3A_2496 : vector<16xi1>, vector<16xi32>
                %broadcast_in_dim3A_2504 = vector.shape_cast %select_n3A_2503 : vector<16xi32> to vector<16x1xi32>
                %gather3A_2505 = vector.shape_cast %broadcast_in_dim3A_2504 : vector<16x1xi32> to vector<16xi32>
                %gather3A_2506 = tpu.dynamic_gather %select_n3A_2493[%gather3A_2505] in [0] : vector<16xf32>, vector<16xi32> -> vector<16xf32>
                %min3A_2507 = arith.minimumf %select_n3A_2493, %gather3A_2506 : vector<16xf32>
                %max3A_2508 = arith.maximumf %select_n3A_2493, %gather3A_2506 : vector<16xf32>
                %and3A_2509 = arith.constant 2 : i32
                %and3A_2510 = vector.broadcast %and3A_2509 : i32 to vector<16xi32>
                %and3A_2511 = arith.andi %iota3A, %and3A_2510 : vector<16xi32>
                %eq3A_2512 = arith.constant 0 : i32
                %eq3A_2513 = vector.broadcast %eq3A_2512 : i32 to vector<16xi32>
                %eq3A_2514 = arith.cmpi eq, %and3A_2511, %eq3A_2513 : vector<16xi32>
                %select_n3A_2515 = arith.select %eq3A_2514, %min3A_2507, %max3A_2508 : vector<16xi1>, vector<16xf32>
                %xor3A_2516 = arith.constant 1 : i32
                %xor3A_2517 = vector.broadcast %xor3A_2516 : i32 to vector<16xi32>
                %xor3A_2518 = arith.xori %iota3A, %xor3A_2517 : vector<16xi32>
                %lt3A_2519 = arith.constant 0 : i32
                %lt3A_2520 = vector.broadcast %lt3A_2519 : i32 to vector<16xi32>
                %lt3A_2521 = arith.cmpi slt, %xor3A_2518, %lt3A_2520 : vector<16xi32>
                %add3A_2522 = arith.constant 16 : i32
                %add3A_2523 = vector.broadcast %add3A_2522 : i32 to vector<16xi32>
                %add3A_2524 = arith.addi %xor3A_2518, %add3A_2523 : vector<16xi32>
                %select_n3A_2525 = arith.select %lt3A_2521, %add3A_2524, %xor3A_2518 : vector<16xi1>, vector<16xi32>
                %broadcast_in_dim3A_2526 = vector.shape_cast %select_n3A_2525 : vector<16xi32> to vector<16x1xi32>
                %gather3A_2527 = vector.shape_cast %broadcast_in_dim3A_2526 : vector<16x1xi32> to vector<16xi32>
                %gather3A_2528 = tpu.dynamic_gather %select_n3A_2515[%gather3A_2527] in [0] : vector<16xf32>, vector<16xi32> -> vector<16xf32>
                %min3A_2529 = arith.minimumf %select_n3A_2515, %gather3A_2528 : vector<16xf32>
                %max3A_2530 = arith.maximumf %select_n3A_2515, %gather3A_2528 : vector<16xf32>
                %and3A_2531 = arith.constant 1 : i32
                %and3A_2532 = vector.broadcast %and3A_2531 : i32 to vector<16xi32>
                %and3A_2533 = arith.andi %iota3A, %and3A_2532 : vector<16xi32>
                %eq3A_2534 = arith.constant 0 : i32
                %eq3A_2535 = vector.broadcast %eq3A_2534 : i32 to vector<16xi32>
                %eq3A_2536 = arith.cmpi eq, %and3A_2533, %eq3A_2535 : vector<16xi32>
                %select_n3A_2537 = arith.select %eq3A_2536, %min3A_2529, %max3A_2530 : vector<16xi1>, vector<16xf32>
                %swap3A_2538 = arith.constant 0 : index
                %swap3A_2539 = tpu.vector_load %arg6[%swap3A_2538] {strides = array<i32>} : memref<16xf32, #tpu.memory_space<vmem>>, vector<16xf32>,
                %swap3A_2540 = vector.shape_cast %swap3A_2539 : vector<16xf32> to vector<16xf32>
                %swap3A_2541 = vector.shape_cast %select_n3A_2537 : vector<16xf32> to vector<16xf32>
                tpu.vector_store %arg6[%swap3A_2538], %swap3A_2541 {strides = array<i32>} : memref<16xf32, #tpu.memory_space<vmem>>, vector<16xf32>,
              } else {
              }
            }
            %scan3A_2134 = arith.constant 16 : i32
          } else {
          }
        }
        %scan3A_1416 = arith.constant 16 : i32
      } else {
      }
    }
    %scan3A_335 = arith.constant 8 : i32
    %get3A = arith.constant 0 : index
    %get3A_336 = tpu.vector_load %arg6[%get3A] {strides = array<i32>} : memref<16xf32, #tpu.memory_space<vmem>>, vector<16xf32>,
    %get3A_337 = vector.shape_cast %get3A_336 : vector<16xf32> to vector<16xf32>
    %swap3A_338 = arith.constant 0 : i32
    %swap3A_339 = arith.index_cast %swap3A_338 : i32 to index
    %swap3A_340 = arith.constant 0 : index
    %swap3A_341 = tpu.vector_load %arg7[%swap3A_339, %swap3A_340] {strides = array<i32>} : memref<2x16xf32, #tpu.memory_space<vmem>>, vector<1x16xf32>,
    %swap3A_342 = vector.shape_cast %swap3A_341 : vector<1x16xf32> to vector<16xf32>
    %swap3A_343 = vector.shape_cast %get3A_337 : vector<16xf32> to vector<1x16xf32>
    tpu.vector_store %arg7[%swap3A_339, %swap3A_340], %swap3A_343 {strides = array<i32>} : memref<2x16xf32, #tpu.memory_space<vmem>>, vector<1x16xf32>,
    %dma_wait3A_344 = arith.constant 1 : i32
    %dma_wait3A_345 = arith.constant 0 : i32
    %dma_wait3A_346 = tpu.memref_slice %arg4[%dma_wait3A_344, %dma_wait3A_345] : memref<2x32768xf32, #tpu.memory_space<vmem>> -> memref<1x32768xf32, #tpu.memory_space<vmem>>
    %dma_wait3A_347 = arith.constant 0 : i32
    %dma_wait3A_348 = tpu.memref_slice %arg2[%add3A_8, %dma_wait3A_347] : memref<64x32768xf32, #tpu.memory_space<hbm>> -> memref<1x32768xf32, #tpu.memory_space<hbm>>
    %dma_wait3A_349 = arith.constant 1 : i32
    %dma_wait3A_350 = arith.constant 0 : i32
    %dma_wait3A_351 = tpu.memref_slice %arg4[%dma_wait3A_349, %dma_wait3A_350] : memref<2x32768xf32, #tpu.memory_space<vmem>> -> memref<1x32768xf32, #tpu.memory_space<vmem>>
    %dma_wait3A_352 = arith.constant 0 : i32
    %dma_wait3A_353 = tpu.memref_slice %arg2[%add3A_8, %dma_wait3A_352] : memref<64x32768xf32, #tpu.memory_space<hbm>> -> memref<1x32768xf32, #tpu.memory_space<hbm>>
    tpu.wait_dma2 semaphore(%arg9 : memref<!tpu.dma_semaphore, #tpu.memory_space<semaphore_mem>>) src(%dma_wait3A_353 : memref<1x32768xf32, #tpu.memory_space<hbm>>) dst(%dma_wait3A_351 : memref<1x32768xf32, #tpu.memory_space<vmem>>)
    %scan3A_354 = arith.constant 0 : i32
    %scan3A_355 = arith.constant 128 : i32
    %scan3A_356 = arith.addi %scan3A_354, %scan3A_355 : i32
    %scan3A_357 = arith.constant 1 : i32
    %scan3A_358 = scf.for %scan3A_677 = %scan3A_354 to %scan3A_356 step %scan3A_357 iter_args(%scan3A_678 = %broadcast_in_dim3A_28) -> (vector<16xf32>)  : i32 {
      %mul3A_679 = arith.constant 256 : i32
      %mul3A_680 = arith.muli %scan3A_677, %mul3A_679 : i32
      %add3A_681 = arith.constant 0 : i32
      %add3A_682 = arith.addi %mul3A_680, %add3A_681 : i32
      %get3A_683 = arith.constant 1 : i32
      %get3A_684 = arith.index_cast %get3A_683 : i32 to index
      %get3A_685 = arith.index_cast %add3A_682 : i32 to index
      %get3A_686 = tpu.vector_load %arg4[%get3A_684, %get3A_685] {strides = array<i32>} : memref<2x32768xf32, #tpu.memory_space<vmem>>, vector<1x16xf32>,
      %get3A_687 = vector.shape_cast %get3A_686 : vector<1x16xf32> to vector<16xf32>
      %add3A_688 = arith.constant 16 : i32
      %add3A_689 = arith.addi %mul3A_680, %add3A_688 : i32
      %get3A_690 = arith.constant 1 : i32
      %get3A_691 = arith.index_cast %get3A_690 : i32 to index
      %get3A_692 = arith.index_cast %add3A_689 : i32 to index
      %get3A_693 = tpu.vector_load %arg4[%get3A_691, %get3A_692] {strides = array<i32>} : memref<2x32768xf32, #tpu.memory_space<vmem>>, vector<1x16xf32>,
      %get3A_694 = vector.shape_cast %get3A_693 : vector<1x16xf32> to vector<16xf32>
      %add3A_695 = arith.constant 32 : i32
      %add3A_696 = arith.addi %mul3A_680, %add3A_695 : i32
      %get3A_697 = arith.constant 1 : i32
      %get3A_698 = arith.index_cast %get3A_697 : i32 to index
      %get3A_699 = arith.index_cast %add3A_696 : i32 to index
      %get3A_700 = tpu.vector_load %arg4[%get3A_698, %get3A_699] {strides = array<i32>} : memref<2x32768xf32, #tpu.memory_space<vmem>>, vector<1x16xf32>,
      %get3A_701 = vector.shape_cast %get3A_700 : vector<1x16xf32> to vector<16xf32>
      %add3A_702 = arith.constant 48 : i32
      %add3A_703 = arith.addi %mul3A_680, %add3A_702 : i32
      %get3A_704 = arith.constant 1 : i32
      %get3A_705 = arith.index_cast %get3A_704 : i32 to index
      %get3A_706 = arith.index_cast %add3A_703 : i32 to index
      %get3A_707 = tpu.vector_load %arg4[%get3A_705, %get3A_706] {strides = array<i32>} : memref<2x32768xf32, #tpu.memory_space<vmem>>, vector<1x16xf32>,
      %get3A_708 = vector.shape_cast %get3A_707 : vector<1x16xf32> to vector<16xf32>
      %add3A_709 = arith.constant 64 : i32
      %add3A_710 = arith.addi %mul3A_680, %add3A_709 : i32
      %get3A_711 = arith.constant 1 : i32
      %get3A_712 = arith.index_cast %get3A_711 : i32 to index
      %get3A_713 = arith.index_cast %add3A_710 : i32 to index
      %get3A_714 = tpu.vector_load %arg4[%get3A_712, %get3A_713] {strides = array<i32>} : memref<2x32768xf32, #tpu.memory_space<vmem>>, vector<1x16xf32>,
      %get3A_715 = vector.shape_cast %get3A_714 : vector<1x16xf32> to vector<16xf32>
      %max3A_716 = arith.maximumf %get3A_687, %get3A_715 : vector<16xf32>
      %add3A_717 = arith.constant 80 : i32
      %add3A_718 = arith.addi %mul3A_680, %add3A_717 : i32
      %get3A_719 = arith.constant 1 : i32
      %get3A_720 = arith.index_cast %get3A_719 : i32 to index
      %get3A_721 = arith.index_cast %add3A_718 : i32 to index
      %get3A_722 = tpu.vector_load %arg4[%get3A_720, %get3A_721] {strides = array<i32>} : memref<2x32768xf32, #tpu.memory_space<vmem>>, vector<1x16xf32>,
      %get3A_723 = vector.shape_cast %get3A_722 : vector<1x16xf32> to vector<16xf32>
      %max3A_724 = arith.maximumf %get3A_694, %get3A_723 : vector<16xf32>
      %add3A_725 = arith.constant 96 : i32
      %add3A_726 = arith.addi %mul3A_680, %add3A_725 : i32
      %get3A_727 = arith.constant 1 : i32
      %get3A_728 = arith.index_cast %get3A_727 : i32 to index
      %get3A_729 = arith.index_cast %add3A_726 : i32 to index
      %get3A_730 = tpu.vector_load %arg4[%get3A_728, %get3A_729] {strides = array<i32>} : memref<2x32768xf32, #tpu.memory_space<vmem>>, vector<1x16xf32>,
      %get3A_731 = vector.shape_cast %get3A_730 : vector<1x16xf32> to vector<16xf32>
      %max3A_732 = arith.maximumf %get3A_701, %get3A_731 : vector<16xf32>
      %add3A_733 = arith.constant 112 : i32
      %add3A_734 = arith.addi %mul3A_680, %add3A_733 : i32
      %get3A_735 = arith.constant 1 : i32
      %get3A_736 = arith.index_cast %get3A_735 : i32 to index
      %get3A_737 = arith.index_cast %add3A_734 : i32 to index
      %get3A_738 = tpu.vector_load %arg4[%get3A_736, %get3A_737] {strides = array<i32>} : memref<2x32768xf32, #tpu.memory_space<vmem>>, vector<1x16xf32>,
      %get3A_739 = vector.shape_cast %get3A_738 : vector<1x16xf32> to vector<16xf32>
      %max3A_740 = arith.maximumf %get3A_708, %get3A_739 : vector<16xf32>
      %add3A_741 = arith.constant 128 : i32
      %add3A_742 = arith.addi %mul3A_680, %add3A_741 : i32
      %get3A_743 = arith.constant 1 : i32
      %get3A_744 = arith.index_cast %get3A_743 : i32 to index
      %get3A_745 = arith.index_cast %add3A_742 : i32 to index
      %get3A_746 = tpu.vector_load %arg4[%get3A_744, %get3A_745] {strides = array<i32>} : memref<2x32768xf32, #tpu.memory_space<vmem>>, vector<1x16xf32>,
      %get3A_747 = vector.shape_cast %get3A_746 : vector<1x16xf32> to vector<16xf32>
      %max3A_748 = arith.maximumf %max3A_716, %get3A_747 : vector<16xf32>
      %add3A_749 = arith.constant 144 : i32
      %add3A_750 = arith.addi %mul3A_680, %add3A_749 : i32
      %get3A_751 = arith.constant 1 : i32
      %get3A_752 = arith.index_cast %get3A_751 : i32 to index
      %get3A_753 = arith.index_cast %add3A_750 : i32 to index
      %get3A_754 = tpu.vector_load %arg4[%get3A_752, %get3A_753] {strides = array<i32>} : memref<2x32768xf32, #tpu.memory_space<vmem>>, vector<1x16xf32>,
      %get3A_755 = vector.shape_cast %get3A_754 : vector<1x16xf32> to vector<16xf32>
      %max3A_756 = arith.maximumf %max3A_724, %get3A_755 : vector<16xf32>
      %add3A_757 = arith.constant 160 : i32
      %add3A_758 = arith.addi %mul3A_680, %add3A_757 : i32
      %get3A_759 = arith.constant 1 : i32
      %get3A_760 = arith.index_cast %get3A_759 : i32 to index
      %get3A_761 = arith.index_cast %add3A_758 : i32 to index
      %get3A_762 = tpu.vector_load %arg4[%get3A_760, %get3A_761] {strides = array<i32>} : memref<2x32768xf32, #tpu.memory_space<vmem>>, vector<1x16xf32>,
      %get3A_763 = vector.shape_cast %get3A_762 : vector<1x16xf32> to vector<16xf32>
      %max3A_764 = arith.maximumf %max3A_732, %get3A_763 : vector<16xf32>
      %add3A_765 = arith.constant 176 : i32
      %add3A_766 = arith.addi %mul3A_680, %add3A_765 : i32
      %get3A_767 = arith.constant 1 : i32
      %get3A_768 = arith.index_cast %get3A_767 : i32 to index
      %get3A_769 = arith.index_cast %add3A_766 : i32 to index
      %get3A_770 = tpu.vector_load %arg4[%get3A_768, %get3A_769] {strides = array<i32>} : memref<2x32768xf32, #tpu.memory_space<vmem>>, vector<1x16xf32>,
      %get3A_771 = vector.shape_cast %get3A_770 : vector<1x16xf32> to vector<16xf32>
      %max3A_772 = arith.maximumf %max3A_740, %get3A_771 : vector<16xf32>
      %add3A_773 = arith.constant 192 : i32
      %add3A_774 = arith.addi %mul3A_680, %add3A_773 : i32
      %get3A_775 = arith.constant 1 : i32
      %get3A_776 = arith.index_cast %get3A_775 : i32 to index
      %get3A_777 = arith.index_cast %add3A_774 : i32 to index
      %get3A_778 = tpu.vector_load %arg4[%get3A_776, %get3A_777] {strides = array<i32>} : memref<2x32768xf32, #tpu.memory_space<vmem>>, vector<1x16xf32>,
      %get3A_779 = vector.shape_cast %get3A_778 : vector<1x16xf32> to vector<16xf32>
      %max3A_780 = arith.maximumf %max3A_748, %get3A_779 : vector<16xf32>
      %add3A_781 = arith.constant 208 : i32
      %add3A_782 = arith.addi %mul3A_680, %add3A_781 : i32
      %get3A_783 = arith.constant 1 : i32
      %get3A_784 = arith.index_cast %get3A_783 : i32 to index
      %get3A_785 = arith.index_cast %add3A_782 : i32 to index
      %get3A_786 = tpu.vector_load %arg4[%get3A_784, %get3A_785] {strides = array<i32>} : memref<2x32768xf32, #tpu.memory_space<vmem>>, vector<1x16xf32>,
      %get3A_787 = vector.shape_cast %get3A_786 : vector<1x16xf32> to vector<16xf32>
      %max3A_788 = arith.maximumf %max3A_756, %get3A_787 : vector<16xf32>
      %add3A_789 = arith.constant 224 : i32
      %add3A_790 = arith.addi %mul3A_680, %add3A_789 : i32
      %get3A_791 = arith.constant 1 : i32
      %get3A_792 = arith.index_cast %get3A_791 : i32 to index
      %get3A_793 = arith.index_cast %add3A_790 : i32 to index
      %get3A_794 = tpu.vector_load %arg4[%get3A_792, %get3A_793] {strides = array<i32>} : memref<2x32768xf32, #tpu.memory_space<vmem>>, vector<1x16xf32>,
      %get3A_795 = vector.shape_cast %get3A_794 : vector<1x16xf32> to vector<16xf32>
      %max3A_796 = arith.maximumf %max3A_764, %get3A_795 : vector<16xf32>
      %add3A_797 = arith.constant 240 : i32
      %add3A_798 = arith.addi %mul3A_680, %add3A_797 : i32
      %get3A_799 = arith.constant 1 : i32
      %get3A_800 = arith.index_cast %get3A_799 : i32 to index
      %get3A_801 = arith.index_cast %add3A_798 : i32 to index
      %get3A_802 = tpu.vector_load %arg4[%get3A_800, %get3A_801] {strides = array<i32>} : memref<2x32768xf32, #tpu.memory_space<vmem>>, vector<1x16xf32>,
      %get3A_803 = vector.shape_cast %get3A_802 : vector<1x16xf32> to vector<16xf32>
      %max3A_804 = arith.maximumf %max3A_772, %get3A_803 : vector<16xf32>
      %max3A_805 = arith.maximumf %max3A_780, %max3A_788 : vector<16xf32>
      %max3A_806 = arith.maximumf %max3A_796, %max3A_804 : vector<16xf32>
      %max3A_807 = arith.maximumf %max3A_805, %max3A_806 : vector<16xf32>
      %mul3A_808 = arith.constant 16 : i32
      %mul3A_809 = arith.muli %scan3A_677, %mul3A_808 : i32
      %add3A_810 = arith.constant 2048 : i32
      %add3A_811 = arith.addi %add3A_810, %mul3A_809 : i32
      %swap3A_812 = arith.index_cast %add3A_811 : i32 to index
      %swap3A_813 = tpu.vector_load %arg5[%swap3A_812] {strides = array<i32>} : memref<4096xf32, #tpu.memory_space<vmem>>, vector<16xf32>,
      %swap3A_814 = vector.shape_cast %swap3A_813 : vector<16xf32> to vector<16xf32>
      %swap3A_815 = vector.shape_cast %max3A_807 : vector<16xf32> to vector<16xf32>
      tpu.vector_store %arg5[%swap3A_812], %swap3A_815 {strides = array<i32>} : memref<4096xf32, #tpu.memory_space<vmem>>, vector<16xf32>,
      %max3A_816 = arith.maximumf %scan3A_678, %max3A_807 : vector<16xf32>
      scf.yield %max3A_816 : vector<16xf32>
    }
    %scan3A_359 = arith.constant 128 : i32
    %xor3A_360 = arith.constant 1 : i32
    %xor3A_361 = vector.broadcast %xor3A_360 : i32 to vector<16xi32>
    %xor3A_362 = arith.xori %iota3A, %xor3A_361 : vector<16xi32>
    %lt3A_363 = arith.constant 0 : i32
    %lt3A_364 = vector.broadcast %lt3A_363 : i32 to vector<16xi32>
    %lt3A_365 = arith.cmpi slt, %xor3A_362, %lt3A_364 : vector<16xi32>
    %add3A_366 = arith.constant 16 : i32
    %add3A_367 = vector.broadcast %add3A_366 : i32 to vector<16xi32>
    %add3A_368 = arith.addi %xor3A_362, %add3A_367 : vector<16xi32>
    %select_n3A_369 = arith.select %lt3A_365, %add3A_368, %xor3A_362 : vector<16xi1>, vector<16xi32>
    %broadcast_in_dim3A_370 = vector.shape_cast %select_n3A_369 : vector<16xi32> to vector<16x1xi32>
    %gather3A_371 = vector.shape_cast %broadcast_in_dim3A_370 : vector<16x1xi32> to vector<16xi32>
    %gather3A_372 = tpu.dynamic_gather %scan3A_358[%gather3A_371] in [0] : vector<16xf32>, vector<16xi32> -> vector<16xf32>
    %min3A_373 = arith.minimumf %scan3A_358, %gather3A_372 : vector<16xf32>
    %max3A_374 = arith.maximumf %scan3A_358, %gather3A_372 : vector<16xf32>
    %shift_right_arithmetic3A_375 = arith.constant 1 : i32
    %shift_right_arithmetic3A_376 = vector.broadcast %shift_right_arithmetic3A_375 : i32 to vector<16xi32>
    %shift_right_arithmetic3A_377 = arith.shrsi %iota3A, %shift_right_arithmetic3A_376 : vector<16xi32>
    %shift_right_arithmetic3A_378 = arith.constant 0 : i32
    %shift_right_arithmetic3A_379 = vector.broadcast %shift_right_arithmetic3A_378 : i32 to vector<16xi32>
    %shift_right_arithmetic3A_380 = arith.shrsi %iota3A, %shift_right_arithmetic3A_379 : vector<16xi32>
    %xor3A_381 = arith.xori %shift_right_arithmetic3A_377, %shift_right_arithmetic3A_380 : vector<16xi32>
    %and3A_382 = arith.constant 1 : i32
    %and3A_383 = vector.broadcast %and3A_382 : i32 to vector<16xi32>
    %and3A_384 = arith.andi %xor3A_381, %and3A_383 : vector<16xi32>
    %eq3A_385 = arith.constant 0 : i32
    %eq3A_386 = vector.broadcast %eq3A_385 : i32 to vector<16xi32>
    %eq3A_387 = arith.cmpi eq, %and3A_384, %eq3A_386 : vector<16xi32>
    %select_n3A_388 = arith.select %eq3A_387, %min3A_373, %max3A_374 : vector<16xi1>, vector<16xf32>
    %xor3A_389 = arith.constant 2 : i32
    %xor3A_390 = vector.broadcast %xor3A_389 : i32 to vector<16xi32>
    %xor3A_391 = arith.xori %iota3A, %xor3A_390 : vector<16xi32>
    %lt3A_392 = arith.constant 0 : i32
    %lt3A_393 = vector.broadcast %lt3A_392 : i32 to vector<16xi32>
    %lt3A_394 = arith.cmpi slt, %xor3A_391, %lt3A_393 : vector<16xi32>
    %add3A_395 = arith.constant 16 : i32
    %add3A_396 = vector.broadcast %add3A_395 : i32 to vector<16xi32>
    %add3A_397 = arith.addi %xor3A_391, %add3A_396 : vector<16xi32>
    %select_n3A_398 = arith.select %lt3A_394, %add3A_397, %xor3A_391 : vector<16xi1>, vector<16xi32>
    %broadcast_in_dim3A_399 = vector.shape_cast %select_n3A_398 : vector<16xi32> to vector<16x1xi32>
    %gather3A_400 = vector.shape_cast %broadcast_in_dim3A_399 : vector<16x1xi32> to vector<16xi32>
    %gather3A_401 = tpu.dynamic_gather %select_n3A_388[%gather3A_400] in [0] : vector<16xf32>, vector<16xi32> -> vector<16xf32>
    %min3A_402 = arith.minimumf %select_n3A_388, %gather3A_401 : vector<16xf32>
    %max3A_403 = arith.maximumf %select_n3A_388, %gather3A_401 : vector<16xf32>
    %shift_right_arithmetic3A_404 = arith.constant 2 : i32
    %shift_right_arithmetic3A_405 = vector.broadcast %shift_right_arithmetic3A_404 : i32 to vector<16xi32>
    %shift_right_arithmetic3A_406 = arith.shrsi %iota3A, %shift_right_arithmetic3A_405 : vector<16xi32>
    %shift_right_arithmetic3A_407 = arith.constant 1 : i32
    %shift_right_arithmetic3A_408 = vector.broadcast %shift_right_arithmetic3A_407 : i32 to vector<16xi32>
    %shift_right_arithmetic3A_409 = arith.shrsi %iota3A, %shift_right_arithmetic3A_408 : vector<16xi32>
    %xor3A_410 = arith.xori %shift_right_arithmetic3A_406, %shift_right_arithmetic3A_409 : vector<16xi32>
    %and3A_411 = arith.constant 1 : i32
    %and3A_412 = vector.broadcast %and3A_411 : i32 to vector<16xi32>
    %and3A_413 = arith.andi %xor3A_410, %and3A_412 : vector<16xi32>
    %eq3A_414 = arith.constant 0 : i32
    %eq3A_415 = vector.broadcast %eq3A_414 : i32 to vector<16xi32>
    %eq3A_416 = arith.cmpi eq, %and3A_413, %eq3A_415 : vector<16xi32>
    %select_n3A_417 = arith.select %eq3A_416, %min3A_402, %max3A_403 : vector<16xi1>, vector<16xf32>
    %xor3A_418 = arith.constant 1 : i32
    %xor3A_419 = vector.broadcast %xor3A_418 : i32 to vector<16xi32>
    %xor3A_420 = arith.xori %iota3A, %xor3A_419 : vector<16xi32>
    %lt3A_421 = arith.constant 0 : i32
    %lt3A_422 = vector.broadcast %lt3A_421 : i32 to vector<16xi32>
    %lt3A_423 = arith.cmpi slt, %xor3A_420, %lt3A_422 : vector<16xi32>
    %add3A_424 = arith.constant 16 : i32
    %add3A_425 = vector.broadcast %add3A_424 : i32 to vector<16xi32>
    %add3A_426 = arith.addi %xor3A_420, %add3A_425 : vector<16xi32>
    %select_n3A_427 = arith.select %lt3A_423, %add3A_426, %xor3A_420 : vector<16xi1>, vector<16xi32>
    %broadcast_in_dim3A_428 = vector.shape_cast %select_n3A_427 : vector<16xi32> to vector<16x1xi32>
    %gather3A_429 = vector.shape_cast %broadcast_in_dim3A_428 : vector<16x1xi32> to vector<16xi32>
    %gather3A_430 = tpu.dynamic_gather %select_n3A_417[%gather3A_429] in [0] : vector<16xf32>, vector<16xi32> -> vector<16xf32>
    %min3A_431 = arith.minimumf %select_n3A_417, %gather3A_430 : vector<16xf32>
    %max3A_432 = arith.maximumf %select_n3A_417, %gather3A_430 : vector<16xf32>
    %shift_right_arithmetic3A_433 = arith.constant 2 : i32
    %shift_right_arithmetic3A_434 = vector.broadcast %shift_right_arithmetic3A_433 : i32 to vector<16xi32>
    %shift_right_arithmetic3A_435 = arith.shrsi %iota3A, %shift_right_arithmetic3A_434 : vector<16xi32>
    %shift_right_arithmetic3A_436 = arith.constant 0 : i32
    %shift_right_arithmetic3A_437 = vector.broadcast %shift_right_arithmetic3A_436 : i32 to vector<16xi32>
    %shift_right_arithmetic3A_438 = arith.shrsi %iota3A, %shift_right_arithmetic3A_437 : vector<16xi32>
    %xor3A_439 = arith.xori %shift_right_arithmetic3A_435, %shift_right_arithmetic3A_438 : vector<16xi32>
    %and3A_440 = arith.constant 1 : i32
    %and3A_441 = vector.broadcast %and3A_440 : i32 to vector<16xi32>
    %and3A_442 = arith.andi %xor3A_439, %and3A_441 : vector<16xi32>
    %eq3A_443 = arith.constant 0 : i32
    %eq3A_444 = vector.broadcast %eq3A_443 : i32 to vector<16xi32>
    %eq3A_445 = arith.cmpi eq, %and3A_442, %eq3A_444 : vector<16xi32>
    %select_n3A_446 = arith.select %eq3A_445, %min3A_431, %max3A_432 : vector<16xi1>, vector<16xf32>
    %xor3A_447 = arith.constant 4 : i32
    %xor3A_448 = vector.broadcast %xor3A_447 : i32 to vector<16xi32>
    %xor3A_449 = arith.xori %iota3A, %xor3A_448 : vector<16xi32>
    %lt3A_450 = arith.constant 0 : i32
    %lt3A_451 = vector.broadcast %lt3A_450 : i32 to vector<16xi32>
    %lt3A_452 = arith.cmpi slt, %xor3A_449, %lt3A_451 : vector<16xi32>
    %add3A_453 = arith.constant 16 : i32
    %add3A_454 = vector.broadcast %add3A_453 : i32 to vector<16xi32>
    %add3A_455 = arith.addi %xor3A_449, %add3A_454 : vector<16xi32>
    %select_n3A_456 = arith.select %lt3A_452, %add3A_455, %xor3A_449 : vector<16xi1>, vector<16xi32>
    %broadcast_in_dim3A_457 = vector.shape_cast %select_n3A_456 : vector<16xi32> to vector<16x1xi32>
    %gather3A_458 = vector.shape_cast %broadcast_in_dim3A_457 : vector<16x1xi32> to vector<16xi32>
    %gather3A_459 = tpu.dynamic_gather %select_n3A_446[%gather3A_458] in [0] : vector<16xf32>, vector<16xi32> -> vector<16xf32>
    %min3A_460 = arith.minimumf %select_n3A_446, %gather3A_459 : vector<16xf32>
    %max3A_461 = arith.maximumf %select_n3A_446, %gather3A_459 : vector<16xf32>
    %shift_right_arithmetic3A_462 = arith.constant 3 : i32
    %shift_right_arithmetic3A_463 = vector.broadcast %shift_right_arithmetic3A_462 : i32 to vector<16xi32>
    %shift_right_arithmetic3A_464 = arith.shrsi %iota3A, %shift_right_arithmetic3A_463 : vector<16xi32>
    %shift_right_arithmetic3A_465 = arith.constant 2 : i32
    %shift_right_arithmetic3A_466 = vector.broadcast %shift_right_arithmetic3A_465 : i32 to vector<16xi32>
    %shift_right_arithmetic3A_467 = arith.shrsi %iota3A, %shift_right_arithmetic3A_466 : vector<16xi32>
    %xor3A_468 = arith.xori %shift_right_arithmetic3A_464, %shift_right_arithmetic3A_467 : vector<16xi32>
    %and3A_469 = arith.constant 1 : i32
    %and3A_470 = vector.broadcast %and3A_469 : i32 to vector<16xi32>
    %and3A_471 = arith.andi %xor3A_468, %and3A_470 : vector<16xi32>
    %eq3A_472 = arith.constant 0 : i32
    %eq3A_473 = vector.broadcast %eq3A_472 : i32 to vector<16xi32>
    %eq3A_474 = arith.cmpi eq, %and3A_471, %eq3A_473 : vector<16xi32>
    %select_n3A_475 = arith.select %eq3A_474, %min3A_460, %max3A_461 : vector<16xi1>, vector<16xf32>
    %xor3A_476 = arith.constant 2 : i32
    %xor3A_477 = vector.broadcast %xor3A_476 : i32 to vector<16xi32>
    %xor3A_478 = arith.xori %iota3A, %xor3A_477 : vector<16xi32>
    %lt3A_479 = arith.constant 0 : i32
    %lt3A_480 = vector.broadcast %lt3A_479 : i32 to vector<16xi32>
    %lt3A_481 = arith.cmpi slt, %xor3A_478, %lt3A_480 : vector<16xi32>
    %add3A_482 = arith.constant 16 : i32
    %add3A_483 = vector.broadcast %add3A_482 : i32 to vector<16xi32>
    %add3A_484 = arith.addi %xor3A_478, %add3A_483 : vector<16xi32>
    %select_n3A_485 = arith.select %lt3A_481, %add3A_484, %xor3A_478 : vector<16xi1>, vector<16xi32>
    %broadcast_in_dim3A_486 = vector.shape_cast %select_n3A_485 : vector<16xi32> to vector<16x1xi32>
    %gather3A_487 = vector.shape_cast %broadcast_in_dim3A_486 : vector<16x1xi32> to vector<16xi32>
    %gather3A_488 = tpu.dynamic_gather %select_n3A_475[%gather3A_487] in [0] : vector<16xf32>, vector<16xi32> -> vector<16xf32>
    %min3A_489 = arith.minimumf %select_n3A_475, %gather3A_488 : vector<16xf32>
    %max3A_490 = arith.maximumf %select_n3A_475, %gather3A_488 : vector<16xf32>
    %shift_right_arithmetic3A_491 = arith.constant 3 : i32
    %shift_right_arithmetic3A_492 = vector.broadcast %shift_right_arithmetic3A_491 : i32 to vector<16xi32>
    %shift_right_arithmetic3A_493 = arith.shrsi %iota3A, %shift_right_arithmetic3A_492 : vector<16xi32>
    %shift_right_arithmetic3A_494 = arith.constant 1 : i32
    %shift_right_arithmetic3A_495 = vector.broadcast %shift_right_arithmetic3A_494 : i32 to vector<16xi32>
    %shift_right_arithmetic3A_496 = arith.shrsi %iota3A, %shift_right_arithmetic3A_495 : vector<16xi32>
    %xor3A_497 = arith.xori %shift_right_arithmetic3A_493, %shift_right_arithmetic3A_496 : vector<16xi32>
    %and3A_498 = arith.constant 1 : i32
    %and3A_499 = vector.broadcast %and3A_498 : i32 to vector<16xi32>
    %and3A_500 = arith.andi %xor3A_497, %and3A_499 : vector<16xi32>
    %eq3A_501 = arith.constant 0 : i32
    %eq3A_502 = vector.broadcast %eq3A_501 : i32 to vector<16xi32>
    %eq3A_503 = arith.cmpi eq, %and3A_500, %eq3A_502 : vector<16xi32>
    %select_n3A_504 = arith.select %eq3A_503, %min3A_489, %max3A_490 : vector<16xi1>, vector<16xf32>
    %xor3A_505 = arith.constant 1 : i32
    %xor3A_506 = vector.broadcast %xor3A_505 : i32 to vector<16xi32>
    %xor3A_507 = arith.xori %iota3A, %xor3A_506 : vector<16xi32>
    %lt3A_508 = arith.constant 0 : i32
    %lt3A_509 = vector.broadcast %lt3A_508 : i32 to vector<16xi32>
    %lt3A_510 = arith.cmpi slt, %xor3A_507, %lt3A_509 : vector<16xi32>
    %add3A_511 = arith.constant 16 : i32
    %add3A_512 = vector.broadcast %add3A_511 : i32 to vector<16xi32>
    %add3A_513 = arith.addi %xor3A_507, %add3A_512 : vector<16xi32>
    %select_n3A_514 = arith.select %lt3A_510, %add3A_513, %xor3A_507 : vector<16xi1>, vector<16xi32>
    %broadcast_in_dim3A_515 = vector.shape_cast %select_n3A_514 : vector<16xi32> to vector<16x1xi32>
    %gather3A_516 = vector.shape_cast %broadcast_in_dim3A_515 : vector<16x1xi32> to vector<16xi32>
    %gather3A_517 = tpu.dynamic_gather %select_n3A_504[%gather3A_516] in [0] : vector<16xf32>, vector<16xi32> -> vector<16xf32>
    %min3A_518 = arith.minimumf %select_n3A_504, %gather3A_517 : vector<16xf32>
    %max3A_519 = arith.maximumf %select_n3A_504, %gather3A_517 : vector<16xf32>
    %shift_right_arithmetic3A_520 = arith.constant 3 : i32
    %shift_right_arithmetic3A_521 = vector.broadcast %shift_right_arithmetic3A_520 : i32 to vector<16xi32>
    %shift_right_arithmetic3A_522 = arith.shrsi %iota3A, %shift_right_arithmetic3A_521 : vector<16xi32>
    %shift_right_arithmetic3A_523 = arith.constant 0 : i32
    %shift_right_arithmetic3A_524 = vector.broadcast %shift_right_arithmetic3A_523 : i32 to vector<16xi32>
    %shift_right_arithmetic3A_525 = arith.shrsi %iota3A, %shift_right_arithmetic3A_524 : vector<16xi32>
    %xor3A_526 = arith.xori %shift_right_arithmetic3A_522, %shift_right_arithmetic3A_525 : vector<16xi32>
    %and3A_527 = arith.constant 1 : i32
    %and3A_528 = vector.broadcast %and3A_527 : i32 to vector<16xi32>
    %and3A_529 = arith.andi %xor3A_526, %and3A_528 : vector<16xi32>
    %eq3A_530 = arith.constant 0 : i32
    %eq3A_531 = vector.broadcast %eq3A_530 : i32 to vector<16xi32>
    %eq3A_532 = arith.cmpi eq, %and3A_529, %eq3A_531 : vector<16xi32>
    %select_n3A_533 = arith.select %eq3A_532, %min3A_518, %max3A_519 : vector<16xi1>, vector<16xf32>
    %xor3A_534 = arith.constant 8 : i32
    %xor3A_535 = vector.broadcast %xor3A_534 : i32 to vector<16xi32>
    %xor3A_536 = arith.xori %iota3A, %xor3A_535 : vector<16xi32>
    %lt3A_537 = arith.constant 0 : i32
    %lt3A_538 = vector.broadcast %lt3A_537 : i32 to vector<16xi32>
    %lt3A_539 = arith.cmpi slt, %xor3A_536, %lt3A_538 : vector<16xi32>
    %add3A_540 = arith.constant 16 : i32
    %add3A_541 = vector.broadcast %add3A_540 : i32 to vector<16xi32>
    %add3A_542 = arith.addi %xor3A_536, %add3A_541 : vector<16xi32>
    %select_n3A_543 = arith.select %lt3A_539, %add3A_542, %xor3A_536 : vector<16xi1>, vector<16xi32>
    %broadcast_in_dim3A_544 = vector.shape_cast %select_n3A_543 : vector<16xi32> to vector<16x1xi32>
    %gather3A_545 = vector.shape_cast %broadcast_in_dim3A_544 : vector<16x1xi32> to vector<16xi32>
    %gather3A_546 = tpu.dynamic_gather %select_n3A_533[%gather3A_545] in [0] : vector<16xf32>, vector<16xi32> -> vector<16xf32>
    %min3A_547 = arith.minimumf %select_n3A_533, %gather3A_546 : vector<16xf32>
    %max3A_548 = arith.maximumf %select_n3A_533, %gather3A_546 : vector<16xf32>
    %shift_right_arithmetic3A_549 = arith.constant 4 : i32
    %shift_right_arithmetic3A_550 = vector.broadcast %shift_right_arithmetic3A_549 : i32 to vector<16xi32>
    %shift_right_arithmetic3A_551 = arith.shrsi %iota3A, %shift_right_arithmetic3A_550 : vector<16xi32>
    %shift_right_arithmetic3A_552 = arith.constant 3 : i32
    %shift_right_arithmetic3A_553 = vector.broadcast %shift_right_arithmetic3A_552 : i32 to vector<16xi32>
    %shift_right_arithmetic3A_554 = arith.shrsi %iota3A, %shift_right_arithmetic3A_553 : vector<16xi32>
    %xor3A_555 = arith.xori %shift_right_arithmetic3A_551, %shift_right_arithmetic3A_554 : vector<16xi32>
    %and3A_556 = arith.constant 1 : i32
    %and3A_557 = vector.broadcast %and3A_556 : i32 to vector<16xi32>
    %and3A_558 = arith.andi %xor3A_555, %and3A_557 : vector<16xi32>
    %eq3A_559 = arith.constant 0 : i32
    %eq3A_560 = vector.broadcast %eq3A_559 : i32 to vector<16xi32>
    %eq3A_561 = arith.cmpi eq, %and3A_558, %eq3A_560 : vector<16xi32>
    %select_n3A_562 = arith.select %eq3A_561, %min3A_547, %max3A_548 : vector<16xi1>, vector<16xf32>
    %xor3A_563 = arith.constant 4 : i32
    %xor3A_564 = vector.broadcast %xor3A_563 : i32 to vector<16xi32>
    %xor3A_565 = arith.xori %iota3A, %xor3A_564 : vector<16xi32>
    %lt3A_566 = arith.constant 0 : i32
    %lt3A_567 = vector.broadcast %lt3A_566 : i32 to vector<16xi32>
    %lt3A_568 = arith.cmpi slt, %xor3A_565, %lt3A_567 : vector<16xi32>
    %add3A_569 = arith.constant 16 : i32
    %add3A_570 = vector.broadcast %add3A_569 : i32 to vector<16xi32>
    %add3A_571 = arith.addi %xor3A_565, %add3A_570 : vector<16xi32>
    %select_n3A_572 = arith.select %lt3A_568, %add3A_571, %xor3A_565 : vector<16xi1>, vector<16xi32>
    %broadcast_in_dim3A_573 = vector.shape_cast %select_n3A_572 : vector<16xi32> to vector<16x1xi32>
    %gather3A_574 = vector.shape_cast %broadcast_in_dim3A_573 : vector<16x1xi32> to vector<16xi32>
    %gather3A_575 = tpu.dynamic_gather %select_n3A_562[%gather3A_574] in [0] : vector<16xf32>, vector<16xi32> -> vector<16xf32>
    %min3A_576 = arith.minimumf %select_n3A_562, %gather3A_575 : vector<16xf32>
    %max3A_577 = arith.maximumf %select_n3A_562, %gather3A_575 : vector<16xf32>
    %shift_right_arithmetic3A_578 = arith.constant 4 : i32
    %shift_right_arithmetic3A_579 = vector.broadcast %shift_right_arithmetic3A_578 : i32 to vector<16xi32>
    %shift_right_arithmetic3A_580 = arith.shrsi %iota3A, %shift_right_arithmetic3A_579 : vector<16xi32>
    %shift_right_arithmetic3A_581 = arith.constant 2 : i32
    %shift_right_arithmetic3A_582 = vector.broadcast %shift_right_arithmetic3A_581 : i32 to vector<16xi32>
    %shift_right_arithmetic3A_583 = arith.shrsi %iota3A, %shift_right_arithmetic3A_582 : vector<16xi32>
    %xor3A_584 = arith.xori %shift_right_arithmetic3A_580, %shift_right_arithmetic3A_583 : vector<16xi32>
    %and3A_585 = arith.constant 1 : i32
    %and3A_586 = vector.broadcast %and3A_585 : i32 to vector<16xi32>
    %and3A_587 = arith.andi %xor3A_584, %and3A_586 : vector<16xi32>
    %eq3A_588 = arith.constant 0 : i32
    %eq3A_589 = vector.broadcast %eq3A_588 : i32 to vector<16xi32>
    %eq3A_590 = arith.cmpi eq, %and3A_587, %eq3A_589 : vector<16xi32>
    %select_n3A_591 = arith.select %eq3A_590, %min3A_576, %max3A_577 : vector<16xi1>, vector<16xf32>
    %xor3A_592 = arith.constant 2 : i32
    %xor3A_593 = vector.broadcast %xor3A_592 : i32 to vector<16xi32>
    %xor3A_594 = arith.xori %iota3A, %xor3A_593 : vector<16xi32>
    %lt3A_595 = arith.constant 0 : i32
    %lt3A_596 = vector.broadcast %lt3A_595 : i32 to vector<16xi32>
    %lt3A_597 = arith.cmpi slt, %xor3A_594, %lt3A_596 : vector<16xi32>
    %add3A_598 = arith.constant 16 : i32
    %add3A_599 = vector.broadcast %add3A_598 : i32 to vector<16xi32>
    %add3A_600 = arith.addi %xor3A_594, %add3A_599 : vector<16xi32>
    %select_n3A_601 = arith.select %lt3A_597, %add3A_600, %xor3A_594 : vector<16xi1>, vector<16xi32>
    %broadcast_in_dim3A_602 = vector.shape_cast %select_n3A_601 : vector<16xi32> to vector<16x1xi32>
    %gather3A_603 = vector.shape_cast %broadcast_in_dim3A_602 : vector<16x1xi32> to vector<16xi32>
    %gather3A_604 = tpu.dynamic_gather %select_n3A_591[%gather3A_603] in [0] : vector<16xf32>, vector<16xi32> -> vector<16xf32>
    %min3A_605 = arith.minimumf %select_n3A_591, %gather3A_604 : vector<16xf32>
    %max3A_606 = arith.maximumf %select_n3A_591, %gather3A_604 : vector<16xf32>
    %shift_right_arithmetic3A_607 = arith.constant 4 : i32
    %shift_right_arithmetic3A_608 = vector.broadcast %shift_right_arithmetic3A_607 : i32 to vector<16xi32>
    %shift_right_arithmetic3A_609 = arith.shrsi %iota3A, %shift_right_arithmetic3A_608 : vector<16xi32>
    %shift_right_arithmetic3A_610 = arith.constant 1 : i32
    %shift_right_arithmetic3A_611 = vector.broadcast %shift_right_arithmetic3A_610 : i32 to vector<16xi32>
    %shift_right_arithmetic3A_612 = arith.shrsi %iota3A, %shift_right_arithmetic3A_611 : vector<16xi32>
    %xor3A_613 = arith.xori %shift_right_arithmetic3A_609, %shift_right_arithmetic3A_612 : vector<16xi32>
    %and3A_614 = arith.constant 1 : i32
    %and3A_615 = vector.broadcast %and3A_614 : i32 to vector<16xi32>
    %and3A_616 = arith.andi %xor3A_613, %and3A_615 : vector<16xi32>
    %eq3A_617 = arith.constant 0 : i32
    %eq3A_618 = vector.broadcast %eq3A_617 : i32 to vector<16xi32>
    %eq3A_619 = arith.cmpi eq, %and3A_616, %eq3A_618 : vector<16xi32>
    %select_n3A_620 = arith.select %eq3A_619, %min3A_605, %max3A_606 : vector<16xi1>, vector<16xf32>
    %xor3A_621 = arith.constant 1 : i32
    %xor3A_622 = vector.broadcast %xor3A_621 : i32 to vector<16xi32>
    %xor3A_623 = arith.xori %iota3A, %xor3A_622 : vector<16xi32>
    %lt3A_624 = arith.constant 0 : i32
    %lt3A_625 = vector.broadcast %lt3A_624 : i32 to vector<16xi32>
    %lt3A_626 = arith.cmpi slt, %xor3A_623, %lt3A_625 : vector<16xi32>
    %add3A_627 = arith.constant 16 : i32
    %add3A_628 = vector.broadcast %add3A_627 : i32 to vector<16xi32>
    %add3A_629 = arith.addi %xor3A_623, %add3A_628 : vector<16xi32>
    %select_n3A_630 = arith.select %lt3A_626, %add3A_629, %xor3A_623 : vector<16xi1>, vector<16xi32>
    %broadcast_in_dim3A_631 = vector.shape_cast %select_n3A_630 : vector<16xi32> to vector<16x1xi32>
    %gather3A_632 = vector.shape_cast %broadcast_in_dim3A_631 : vector<16x1xi32> to vector<16xi32>
    %gather3A_633 = tpu.dynamic_gather %select_n3A_620[%gather3A_632] in [0] : vector<16xf32>, vector<16xi32> -> vector<16xf32>
    %min3A_634 = arith.minimumf %select_n3A_620, %gather3A_633 : vector<16xf32>
    %max3A_635 = arith.maximumf %select_n3A_620, %gather3A_633 : vector<16xf32>
    %shift_right_arithmetic3A_636 = arith.constant 4 : i32
    %shift_right_arithmetic3A_637 = vector.broadcast %shift_right_arithmetic3A_636 : i32 to vector<16xi32>
    %shift_right_arithmetic3A_638 = arith.shrsi %iota3A, %shift_right_arithmetic3A_637 : vector<16xi32>
    %shift_right_arithmetic3A_639 = arith.constant 0 : i32
    %shift_right_arithmetic3A_640 = vector.broadcast %shift_right_arithmetic3A_639 : i32 to vector<16xi32>
    %shift_right_arithmetic3A_641 = arith.shrsi %iota3A, %shift_right_arithmetic3A_640 : vector<16xi32>
    %xor3A_642 = arith.xori %shift_right_arithmetic3A_638, %shift_right_arithmetic3A_641 : vector<16xi32>
    %and3A_643 = arith.constant 1 : i32
    %and3A_644 = vector.broadcast %and3A_643 : i32 to vector<16xi32>
    %and3A_645 = arith.andi %xor3A_642, %and3A_644 : vector<16xi32>
    %eq3A_646 = arith.constant 0 : i32
    %eq3A_647 = vector.broadcast %eq3A_646 : i32 to vector<16xi32>
    %eq3A_648 = arith.cmpi eq, %and3A_645, %eq3A_647 : vector<16xi32>
    %select_n3A_649 = arith.select %eq3A_648, %min3A_634, %max3A_635 : vector<16xi1>, vector<16xf32>
    %slice3A_650 = vector.extract_strided_slice %select_n3A_649 {offsets = [6], sizes = [1], strides = [1]} : vector<16xf32> to vector<1xf32>
    %slice3A_651 = vector.extract_strided_slice %slice3A_650 {offsets = [0], sizes = [1], strides = [1]} : vector<1xf32> to vector<1xf32>
    %squeeze3A_652 = vector.extract %slice3A_651[0] : f32 from vector<1xf32>
    %swap3A_653 = arith.constant 0 : index
    %swap3A_654 = tpu.vector_load %arg6[%swap3A_653] {strides = array<i32>} : memref<16xf32, #tpu.memory_space<vmem>>, vector<16xf32>,
    %swap3A_655 = vector.shape_cast %swap3A_654 : vector<16xf32> to vector<16xf32>
    %swap3A_656 = vector.shape_cast %broadcast_in_dim3A_28 : vector<16xf32> to vector<16xf32>
    tpu.vector_store %arg6[%swap3A_653], %swap3A_656 {strides = array<i32>} : memref<16xf32, #tpu.memory_space<vmem>>, vector<16xf32>,
    %shift_left3A_657 = arith.constant 1 : i32
    %shift_left3A_658 = vector.broadcast %shift_left3A_657 : i32 to vector<16xi32>
    %shift_left3A_659 = arith.shli %shift_left3A_658, %iota3A : vector<16xi32>
    %scan3A_660 = arith.constant 0 : i32
    %scan3A_661 = arith.constant 0 : i32
    %scan3A_662 = arith.constant 8 : i32
    %scan3A_663 = arith.addi %scan3A_661, %scan3A_662 : i32
    %scan3A_664 = arith.constant 1 : i32
    scf.for %scan3A_677 = %scan3A_661 to %scan3A_663 step %scan3A_664  : i32 {
      %mul3A_678 = arith.constant 4096 : i32
      %mul3A_679 = arith.muli %scan3A_677, %mul3A_678 : i32
      %mul3A_680 = arith.constant 256 : i32
      %mul3A_681 = arith.muli %scan3A_677, %mul3A_680 : i32
      %add3A_682 = arith.constant 2048 : i32
      %add3A_683 = arith.addi %add3A_682, %mul3A_681 : i32
      %add3A_684 = arith.constant 0 : i32
      %add3A_685 = arith.addi %add3A_683, %add3A_684 : i32
      %get3A_686 = arith.index_cast %add3A_685 : i32 to index
      %get3A_687 = tpu.vector_load %arg5[%get3A_686] {strides = array<i32>} : memref<4096xf32, #tpu.memory_space<vmem>>, vector<16xf32>,
      %get3A_688 = vector.shape_cast %get3A_687 : vector<16xf32> to vector<16xf32>
      %mul3A_689 = arith.constant 256 : i32
      %mul3A_690 = arith.muli %scan3A_677, %mul3A_689 : i32
      %add3A_691 = arith.constant 2048 : i32
      %add3A_692 = arith.addi %add3A_691, %mul3A_690 : i32
      %add3A_693 = arith.constant 16 : i32
      %add3A_694 = arith.addi %add3A_692, %add3A_693 : i32
      %get3A_695 = arith.index_cast %add3A_694 : i32 to index
      %get3A_696 = tpu.vector_load %arg5[%get3A_695] {strides = array<i32>} : memref<4096xf32, #tpu.memory_space<vmem>>, vector<16xf32>,
      %get3A_697 = vector.shape_cast %get3A_696 : vector<16xf32> to vector<16xf32>
      %mul3A_698 = arith.constant 256 : i32
      %mul3A_699 = arith.muli %scan3A_677, %mul3A_698 : i32
      %add3A_700 = arith.constant 2048 : i32
      %add3A_701 = arith.addi %add3A_700, %mul3A_699 : i32
      %add3A_702 = arith.constant 32 : i32
      %add3A_703 = arith.addi %add3A_701, %add3A_702 : i32
      %get3A_704 = arith.index_cast %add3A_703 : i32 to index
      %get3A_705 = tpu.vector_load %arg5[%get3A_704] {strides = array<i32>} : memref<4096xf32, #tpu.memory_space<vmem>>, vector<16xf32>,
      %get3A_706 = vector.shape_cast %get3A_705 : vector<16xf32> to vector<16xf32>
      %mul3A_707 = arith.constant 256 : i32
      %mul3A_708 = arith.muli %scan3A_677, %mul3A_707 : i32
      %add3A_709 = arith.constant 2048 : i32
      %add3A_710 = arith.addi %add3A_709, %mul3A_708 : i32
      %add3A_711 = arith.constant 48 : i32
      %add3A_712 = arith.addi %add3A_710, %add3A_711 : i32
      %get3A_713 = arith.index_cast %add3A_712 : i32 to index
      %get3A_714 = tpu.vector_load %arg5[%get3A_713] {strides = array<i32>} : memref<4096xf32, #tpu.memory_space<vmem>>, vector<16xf32>,
      %get3A_715 = vector.shape_cast %get3A_714 : vector<16xf32> to vector<16xf32>
      %mul3A_716 = arith.constant 256 : i32
      %mul3A_717 = arith.muli %scan3A_677, %mul3A_716 : i32
      %add3A_718 = arith.constant 2048 : i32
      %add3A_719 = arith.addi %add3A_718, %mul3A_717 : i32
      %add3A_720 = arith.constant 64 : i32
      %add3A_721 = arith.addi %add3A_719, %add3A_720 : i32
      %get3A_722 = arith.index_cast %add3A_721 : i32 to index
      %get3A_723 = tpu.vector_load %arg5[%get3A_722] {strides = array<i32>} : memref<4096xf32, #tpu.memory_space<vmem>>, vector<16xf32>,
      %get3A_724 = vector.shape_cast %get3A_723 : vector<16xf32> to vector<16xf32>
      %mul3A_725 = arith.constant 256 : i32
      %mul3A_726 = arith.muli %scan3A_677, %mul3A_725 : i32
      %add3A_727 = arith.constant 2048 : i32
      %add3A_728 = arith.addi %add3A_727, %mul3A_726 : i32
      %add3A_729 = arith.constant 80 : i32
      %add3A_730 = arith.addi %add3A_728, %add3A_729 : i32
      %get3A_731 = arith.index_cast %add3A_730 : i32 to index
      %get3A_732 = tpu.vector_load %arg5[%get3A_731] {strides = array<i32>} : memref<4096xf32, #tpu.memory_space<vmem>>, vector<16xf32>,
      %get3A_733 = vector.shape_cast %get3A_732 : vector<16xf32> to vector<16xf32>
      %mul3A_734 = arith.constant 256 : i32
      %mul3A_735 = arith.muli %scan3A_677, %mul3A_734 : i32
      %add3A_736 = arith.constant 2048 : i32
      %add3A_737 = arith.addi %add3A_736, %mul3A_735 : i32
      %add3A_738 = arith.constant 96 : i32
      %add3A_739 = arith.addi %add3A_737, %add3A_738 : i32
      %get3A_740 = arith.index_cast %add3A_739 : i32 to index
      %get3A_741 = tpu.vector_load %arg5[%get3A_740] {strides = array<i32>} : memref<4096xf32, #tpu.memory_space<vmem>>, vector<16xf32>,
      %get3A_742 = vector.shape_cast %get3A_741 : vector<16xf32> to vector<16xf32>
      %mul3A_743 = arith.constant 256 : i32
      %mul3A_744 = arith.muli %scan3A_677, %mul3A_743 : i32
      %add3A_745 = arith.constant 2048 : i32
      %add3A_746 = arith.addi %add3A_745, %mul3A_744 : i32
      %add3A_747 = arith.constant 112 : i32
      %add3A_748 = arith.addi %add3A_746, %add3A_747 : i32
      %get3A_749 = arith.index_cast %add3A_748 : i32 to index
      %get3A_750 = tpu.vector_load %arg5[%get3A_749] {strides = array<i32>} : memref<4096xf32, #tpu.memory_space<vmem>>, vector<16xf32>,
      %get3A_751 = vector.shape_cast %get3A_750 : vector<16xf32> to vector<16xf32>
      %mul3A_752 = arith.constant 256 : i32
      %mul3A_753 = arith.muli %scan3A_677, %mul3A_752 : i32
      %add3A_754 = arith.constant 2048 : i32
      %add3A_755 = arith.addi %add3A_754, %mul3A_753 : i32
      %add3A_756 = arith.constant 128 : i32
      %add3A_757 = arith.addi %add3A_755, %add3A_756 : i32
      %get3A_758 = arith.index_cast %add3A_757 : i32 to index
      %get3A_759 = tpu.vector_load %arg5[%get3A_758] {strides = array<i32>} : memref<4096xf32, #tpu.memory_space<vmem>>, vector<16xf32>,
      %get3A_760 = vector.shape_cast %get3A_759 : vector<16xf32> to vector<16xf32>
      %mul3A_761 = arith.constant 256 : i32
      %mul3A_762 = arith.muli %scan3A_677, %mul3A_761 : i32
      %add3A_763 = arith.constant 2048 : i32
      %add3A_764 = arith.addi %add3A_763, %mul3A_762 : i32
      %add3A_765 = arith.constant 144 : i32
      %add3A_766 = arith.addi %add3A_764, %add3A_765 : i32
      %get3A_767 = arith.index_cast %add3A_766 : i32 to index
      %get3A_768 = tpu.vector_load %arg5[%get3A_767] {strides = array<i32>} : memref<4096xf32, #tpu.memory_space<vmem>>, vector<16xf32>,
      %get3A_769 = vector.shape_cast %get3A_768 : vector<16xf32> to vector<16xf32>
      %mul3A_770 = arith.constant 256 : i32
      %mul3A_771 = arith.muli %scan3A_677, %mul3A_770 : i32
      %add3A_772 = arith.constant 2048 : i32
      %add3A_773 = arith.addi %add3A_772, %mul3A_771 : i32
      %add3A_774 = arith.constant 160 : i32
      %add3A_775 = arith.addi %add3A_773, %add3A_774 : i32
      %get3A_776 = arith.index_cast %add3A_775 : i32 to index
      %get3A_777 = tpu.vector_load %arg5[%get3A_776] {strides = array<i32>} : memref<4096xf32, #tpu.memory_space<vmem>>, vector<16xf32>,
      %get3A_778 = vector.shape_cast %get3A_777 : vector<16xf32> to vector<16xf32>
      %mul3A_779 = arith.constant 256 : i32
      %mul3A_780 = arith.muli %scan3A_677, %mul3A_779 : i32
      %add3A_781 = arith.constant 2048 : i32
      %add3A_782 = arith.addi %add3A_781, %mul3A_780 : i32
      %add3A_783 = arith.constant 176 : i32
      %add3A_784 = arith.addi %add3A_782, %add3A_783 : i32
      %get3A_785 = arith.index_cast %add3A_784 : i32 to index
      %get3A_786 = tpu.vector_load %arg5[%get3A_785] {strides = array<i32>} : memref<4096xf32, #tpu.memory_space<vmem>>, vector<16xf32>,
      %get3A_787 = vector.shape_cast %get3A_786 : vector<16xf32> to vector<16xf32>
      %mul3A_788 = arith.constant 256 : i32
      %mul3A_789 = arith.muli %scan3A_677, %mul3A_788 : i32
      %add3A_790 = arith.constant 2048 : i32
      %add3A_791 = arith.addi %add3A_790, %mul3A_789 : i32
      %add3A_792 = arith.constant 192 : i32
      %add3A_793 = arith.addi %add3A_791, %add3A_792 : i32
      %get3A_794 = arith.index_cast %add3A_793 : i32 to index
      %get3A_795 = tpu.vector_load %arg5[%get3A_794] {strides = array<i32>} : memref<4096xf32, #tpu.memory_space<vmem>>, vector<16xf32>,
      %get3A_796 = vector.shape_cast %get3A_795 : vector<16xf32> to vector<16xf32>
      %mul3A_797 = arith.constant 256 : i32
      %mul3A_798 = arith.muli %scan3A_677, %mul3A_797 : i32
      %add3A_799 = arith.constant 2048 : i32
      %add3A_800 = arith.addi %add3A_799, %mul3A_798 : i32
      %add3A_801 = arith.constant 208 : i32
      %add3A_802 = arith.addi %add3A_800, %add3A_801 : i32
      %get3A_803 = arith.index_cast %add3A_802 : i32 to index
      %get3A_804 = tpu.vector_load %arg5[%get3A_803] {strides = array<i32>} : memref<4096xf32, #tpu.memory_space<vmem>>, vector<16xf32>,
      %get3A_805 = vector.shape_cast %get3A_804 : vector<16xf32> to vector<16xf32>
      %mul3A_806 = arith.constant 256 : i32
      %mul3A_807 = arith.muli %scan3A_677, %mul3A_806 : i32
      %add3A_808 = arith.constant 2048 : i32
      %add3A_809 = arith.addi %add3A_808, %mul3A_807 : i32
      %add3A_810 = arith.constant 224 : i32
      %add3A_811 = arith.addi %add3A_809, %add3A_810 : i32
      %get3A_812 = arith.index_cast %add3A_811 : i32 to index
      %get3A_813 = tpu.vector_load %arg5[%get3A_812] {strides = array<i32>} : memref<4096xf32, #tpu.memory_space<vmem>>, vector<16xf32>,
      %get3A_814 = vector.shape_cast %get3A_813 : vector<16xf32> to vector<16xf32>
      %mul3A_815 = arith.constant 256 : i32
      %mul3A_816 = arith.muli %scan3A_677, %mul3A_815 : i32
      %add3A_817 = arith.constant 2048 : i32
      %add3A_818 = arith.addi %add3A_817, %mul3A_816 : i32
      %add3A_819 = arith.constant 240 : i32
      %add3A_820 = arith.addi %add3A_818, %add3A_819 : i32
      %get3A_821 = arith.index_cast %add3A_820 : i32 to index
      %get3A_822 = tpu.vector_load %arg5[%get3A_821] {strides = array<i32>} : memref<4096xf32, #tpu.memory_space<vmem>>, vector<16xf32>,
      %get3A_823 = vector.shape_cast %get3A_822 : vector<16xf32> to vector<16xf32>
      %xor3A_824 = arith.constant 1 : i32
      %xor3A_825 = vector.broadcast %xor3A_824 : i32 to vector<16xi32>
      %xor3A_826 = arith.xori %iota3A, %xor3A_825 : vector<16xi32>
      %lt3A_827 = arith.constant 0 : i32
      %lt3A_828 = vector.broadcast %lt3A_827 : i32 to vector<16xi32>
      %lt3A_829 = arith.cmpi slt, %xor3A_826, %lt3A_828 : vector<16xi32>
      %add3A_830 = arith.constant 16 : i32
      %add3A_831 = vector.broadcast %add3A_830 : i32 to vector<16xi32>
      %add3A_832 = arith.addi %xor3A_826, %add3A_831 : vector<16xi32>
      %select_n3A_833 = arith.select %lt3A_829, %add3A_832, %xor3A_826 : vector<16xi1>, vector<16xi32>
      %broadcast_in_dim3A_834 = vector.shape_cast %select_n3A_833 : vector<16xi32> to vector<16x1xi32>
      %gather3A_835 = vector.shape_cast %broadcast_in_dim3A_834 : vector<16x1xi32> to vector<16xi32>
      %gather3A_836 = tpu.dynamic_gather %get3A_688[%gather3A_835] in [0] : vector<16xf32>, vector<16xi32> -> vector<16xf32>
      %max3A_837 = arith.maximumf %get3A_688, %gather3A_836 : vector<16xf32>
      %xor3A_838 = arith.constant 1 : i32
      %xor3A_839 = vector.broadcast %xor3A_838 : i32 to vector<16xi32>
      %xor3A_840 = arith.xori %iota3A, %xor3A_839 : vector<16xi32>
      %lt3A_841 = arith.constant 0 : i32
      %lt3A_842 = vector.broadcast %lt3A_841 : i32 to vector<16xi32>
      %lt3A_843 = arith.cmpi slt, %xor3A_840, %lt3A_842 : vector<16xi32>
      %add3A_844 = arith.constant 16 : i32
      %add3A_845 = vector.broadcast %add3A_844 : i32 to vector<16xi32>
      %add3A_846 = arith.addi %xor3A_840, %add3A_845 : vector<16xi32>
      %select_n3A_847 = arith.select %lt3A_843, %add3A_846, %xor3A_840 : vector<16xi1>, vector<16xi32>
      %broadcast_in_dim3A_848 = vector.shape_cast %select_n3A_847 : vector<16xi32> to vector<16x1xi32>
      %gather3A_849 = vector.shape_cast %broadcast_in_dim3A_848 : vector<16x1xi32> to vector<16xi32>
      %gather3A_850 = tpu.dynamic_gather %get3A_697[%gather3A_849] in [0] : vector<16xf32>, vector<16xi32> -> vector<16xf32>
      %max3A_851 = arith.maximumf %get3A_697, %gather3A_850 : vector<16xf32>
      %and3A_852 = arith.constant 1 : i32
      %and3A_853 = vector.broadcast %and3A_852 : i32 to vector<16xi32>
      %and3A_854 = arith.andi %iota3A, %and3A_853 : vector<16xi32>
      %eq3A_855 = arith.constant 0 : i32
      %eq3A_856 = vector.broadcast %eq3A_855 : i32 to vector<16xi32>
      %eq3A_857 = arith.cmpi eq, %and3A_854, %eq3A_856 : vector<16xi32>
      %select_n3A_858 = arith.select %eq3A_857, %max3A_837, %max3A_851 : vector<16xi1>, vector<16xf32>
      %xor3A_859 = arith.constant 1 : i32
      %xor3A_860 = vector.broadcast %xor3A_859 : i32 to vector<16xi32>
      %xor3A_861 = arith.xori %iota3A, %xor3A_860 : vector<16xi32>
      %lt3A_862 = arith.constant 0 : i32
      %lt3A_863 = vector.broadcast %lt3A_862 : i32 to vector<16xi32>
      %lt3A_864 = arith.cmpi slt, %xor3A_861, %lt3A_863 : vector<16xi32>
      %add3A_865 = arith.constant 16 : i32
      %add3A_866 = vector.broadcast %add3A_865 : i32 to vector<16xi32>
      %add3A_867 = arith.addi %xor3A_861, %add3A_866 : vector<16xi32>
      %select_n3A_868 = arith.select %lt3A_864, %add3A_867, %xor3A_861 : vector<16xi1>, vector<16xi32>
      %broadcast_in_dim3A_869 = vector.shape_cast %select_n3A_868 : vector<16xi32> to vector<16x1xi32>
      %gather3A_870 = vector.shape_cast %broadcast_in_dim3A_869 : vector<16x1xi32> to vector<16xi32>
      %gather3A_871 = tpu.dynamic_gather %get3A_706[%gather3A_870] in [0] : vector<16xf32>, vector<16xi32> -> vector<16xf32>
      %max3A_872 = arith.maximumf %get3A_706, %gather3A_871 : vector<16xf32>
      %xor3A_873 = arith.constant 1 : i32
      %xor3A_874 = vector.broadcast %xor3A_873 : i32 to vector<16xi32>
      %xor3A_875 = arith.xori %iota3A, %xor3A_874 : vector<16xi32>
      %lt3A_876 = arith.constant 0 : i32
      %lt3A_877 = vector.broadcast %lt3A_876 : i32 to vector<16xi32>
      %lt3A_878 = arith.cmpi slt, %xor3A_875, %lt3A_877 : vector<16xi32>
      %add3A_879 = arith.constant 16 : i32
      %add3A_880 = vector.broadcast %add3A_879 : i32 to vector<16xi32>
      %add3A_881 = arith.addi %xor3A_875, %add3A_880 : vector<16xi32>
      %select_n3A_882 = arith.select %lt3A_878, %add3A_881, %xor3A_875 : vector<16xi1>, vector<16xi32>
      %broadcast_in_dim3A_883 = vector.shape_cast %select_n3A_882 : vector<16xi32> to vector<16x1xi32>
      %gather3A_884 = vector.shape_cast %broadcast_in_dim3A_883 : vector<16x1xi32> to vector<16xi32>
      %gather3A_885 = tpu.dynamic_gather %get3A_715[%gather3A_884] in [0] : vector<16xf32>, vector<16xi32> -> vector<16xf32>
      %max3A_886 = arith.maximumf %get3A_715, %gather3A_885 : vector<16xf32>
      %and3A_887 = arith.constant 1 : i32
      %and3A_888 = vector.broadcast %and3A_887 : i32 to vector<16xi32>
      %and3A_889 = arith.andi %iota3A, %and3A_888 : vector<16xi32>
      %eq3A_890 = arith.constant 0 : i32
      %eq3A_891 = vector.broadcast %eq3A_890 : i32 to vector<16xi32>
      %eq3A_892 = arith.cmpi eq, %and3A_889, %eq3A_891 : vector<16xi32>
      %select_n3A_893 = arith.select %eq3A_892, %max3A_872, %max3A_886 : vector<16xi1>, vector<16xf32>
      %xor3A_894 = arith.constant 1 : i32
      %xor3A_895 = vector.broadcast %xor3A_894 : i32 to vector<16xi32>
      %xor3A_896 = arith.xori %iota3A, %xor3A_895 : vector<16xi32>
      %lt3A_897 = arith.constant 0 : i32
      %lt3A_898 = vector.broadcast %lt3A_897 : i32 to vector<16xi32>
      %lt3A_899 = arith.cmpi slt, %xor3A_896, %lt3A_898 : vector<16xi32>
      %add3A_900 = arith.constant 16 : i32
      %add3A_901 = vector.broadcast %add3A_900 : i32 to vector<16xi32>
      %add3A_902 = arith.addi %xor3A_896, %add3A_901 : vector<16xi32>
      %select_n3A_903 = arith.select %lt3A_899, %add3A_902, %xor3A_896 : vector<16xi1>, vector<16xi32>
      %broadcast_in_dim3A_904 = vector.shape_cast %select_n3A_903 : vector<16xi32> to vector<16x1xi32>
      %gather3A_905 = vector.shape_cast %broadcast_in_dim3A_904 : vector<16x1xi32> to vector<16xi32>
      %gather3A_906 = tpu.dynamic_gather %get3A_724[%gather3A_905] in [0] : vector<16xf32>, vector<16xi32> -> vector<16xf32>
      %max3A_907 = arith.maximumf %get3A_724, %gather3A_906 : vector<16xf32>
      %xor3A_908 = arith.constant 1 : i32
      %xor3A_909 = vector.broadcast %xor3A_908 : i32 to vector<16xi32>
      %xor3A_910 = arith.xori %iota3A, %xor3A_909 : vector<16xi32>
      %lt3A_911 = arith.constant 0 : i32
      %lt3A_912 = vector.broadcast %lt3A_911 : i32 to vector<16xi32>
      %lt3A_913 = arith.cmpi slt, %xor3A_910, %lt3A_912 : vector<16xi32>
      %add3A_914 = arith.constant 16 : i32
      %add3A_915 = vector.broadcast %add3A_914 : i32 to vector<16xi32>
      %add3A_916 = arith.addi %xor3A_910, %add3A_915 : vector<16xi32>
      %select_n3A_917 = arith.select %lt3A_913, %add3A_916, %xor3A_910 : vector<16xi1>, vector<16xi32>
      %broadcast_in_dim3A_918 = vector.shape_cast %select_n3A_917 : vector<16xi32> to vector<16x1xi32>
      %gather3A_919 = vector.shape_cast %broadcast_in_dim3A_918 : vector<16x1xi32> to vector<16xi32>
      %gather3A_920 = tpu.dynamic_gather %get3A_733[%gather3A_919] in [0] : vector<16xf32>, vector<16xi32> -> vector<16xf32>
      %max3A_921 = arith.maximumf %get3A_733, %gather3A_920 : vector<16xf32>
      %and3A_922 = arith.constant 1 : i32
      %and3A_923 = vector.broadcast %and3A_922 : i32 to vector<16xi32>
      %and3A_924 = arith.andi %iota3A, %and3A_923 : vector<16xi32>
      %eq3A_925 = arith.constant 0 : i32
      %eq3A_926 = vector.broadcast %eq3A_925 : i32 to vector<16xi32>
      %eq3A_927 = arith.cmpi eq, %and3A_924, %eq3A_926 : vector<16xi32>
      %select_n3A_928 = arith.select %eq3A_927, %max3A_907, %max3A_921 : vector<16xi1>, vector<16xf32>
      %xor3A_929 = arith.constant 1 : i32
      %xor3A_930 = vector.broadcast %xor3A_929 : i32 to vector<16xi32>
      %xor3A_931 = arith.xori %iota3A, %xor3A_930 : vector<16xi32>
      %lt3A_932 = arith.constant 0 : i32
      %lt3A_933 = vector.broadcast %lt3A_932 : i32 to vector<16xi32>
      %lt3A_934 = arith.cmpi slt, %xor3A_931, %lt3A_933 : vector<16xi32>
      %add3A_935 = arith.constant 16 : i32
      %add3A_936 = vector.broadcast %add3A_935 : i32 to vector<16xi32>
      %add3A_937 = arith.addi %xor3A_931, %add3A_936 : vector<16xi32>
      %select_n3A_938 = arith.select %lt3A_934, %add3A_937, %xor3A_931 : vector<16xi1>, vector<16xi32>
      %broadcast_in_dim3A_939 = vector.shape_cast %select_n3A_938 : vector<16xi32> to vector<16x1xi32>
      %gather3A_940 = vector.shape_cast %broadcast_in_dim3A_939 : vector<16x1xi32> to vector<16xi32>
      %gather3A_941 = tpu.dynamic_gather %get3A_742[%gather3A_940] in [0] : vector<16xf32>, vector<16xi32> -> vector<16xf32>
      %max3A_942 = arith.maximumf %get3A_742, %gather3A_941 : vector<16xf32>
      %xor3A_943 = arith.constant 1 : i32
      %xor3A_944 = vector.broadcast %xor3A_943 : i32 to vector<16xi32>
      %xor3A_945 = arith.xori %iota3A, %xor3A_944 : vector<16xi32>
      %lt3A_946 = arith.constant 0 : i32
      %lt3A_947 = vector.broadcast %lt3A_946 : i32 to vector<16xi32>
      %lt3A_948 = arith.cmpi slt, %xor3A_945, %lt3A_947 : vector<16xi32>
      %add3A_949 = arith.constant 16 : i32
      %add3A_950 = vector.broadcast %add3A_949 : i32 to vector<16xi32>
      %add3A_951 = arith.addi %xor3A_945, %add3A_950 : vector<16xi32>
      %select_n3A_952 = arith.select %lt3A_948, %add3A_951, %xor3A_945 : vector<16xi1>, vector<16xi32>
      %broadcast_in_dim3A_953 = vector.shape_cast %select_n3A_952 : vector<16xi32> to vector<16x1xi32>
      %gather3A_954 = vector.shape_cast %broadcast_in_dim3A_953 : vector<16x1xi32> to vector<16xi32>
      %gather3A_955 = tpu.dynamic_gather %get3A_751[%gather3A_954] in [0] : vector<16xf32>, vector<16xi32> -> vector<16xf32>
      %max3A_956 = arith.maximumf %get3A_751, %gather3A_955 : vector<16xf32>
      %and3A_957 = arith.constant 1 : i32
      %and3A_958 = vector.broadcast %and3A_957 : i32 to vector<16xi32>
      %and3A_959 = arith.andi %iota3A, %and3A_958 : vector<16xi32>
      %eq3A_960 = arith.constant 0 : i32
      %eq3A_961 = vector.broadcast %eq3A_960 : i32 to vector<16xi32>
      %eq3A_962 = arith.cmpi eq, %and3A_959, %eq3A_961 : vector<16xi32>
      %select_n3A_963 = arith.select %eq3A_962, %max3A_942, %max3A_956 : vector<16xi1>, vector<16xf32>
      %xor3A_964 = arith.constant 1 : i32
      %xor3A_965 = vector.broadcast %xor3A_964 : i32 to vector<16xi32>
      %xor3A_966 = arith.xori %iota3A, %xor3A_965 : vector<16xi32>
      %lt3A_967 = arith.constant 0 : i32
      %lt3A_968 = vector.broadcast %lt3A_967 : i32 to vector<16xi32>
      %lt3A_969 = arith.cmpi slt, %xor3A_966, %lt3A_968 : vector<16xi32>
      %add3A_970 = arith.constant 16 : i32
      %add3A_971 = vector.broadcast %add3A_970 : i32 to vector<16xi32>
      %add3A_972 = arith.addi %xor3A_966, %add3A_971 : vector<16xi32>
      %select_n3A_973 = arith.select %lt3A_969, %add3A_972, %xor3A_966 : vector<16xi1>, vector<16xi32>
      %broadcast_in_dim3A_974 = vector.shape_cast %select_n3A_973 : vector<16xi32> to vector<16x1xi32>
      %gather3A_975 = vector.shape_cast %broadcast_in_dim3A_974 : vector<16x1xi32> to vector<16xi32>
      %gather3A_976 = tpu.dynamic_gather %get3A_760[%gather3A_975] in [0] : vector<16xf32>, vector<16xi32> -> vector<16xf32>
      %max3A_977 = arith.maximumf %get3A_760, %gather3A_976 : vector<16xf32>
      %xor3A_978 = arith.constant 1 : i32
      %xor3A_979 = vector.broadcast %xor3A_978 : i32 to vector<16xi32>
      %xor3A_980 = arith.xori %iota3A, %xor3A_979 : vector<16xi32>
      %lt3A_981 = arith.constant 0 : i32
      %lt3A_982 = vector.broadcast %lt3A_981 : i32 to vector<16xi32>
      %lt3A_983 = arith.cmpi slt, %xor3A_980, %lt3A_982 : vector<16xi32>
      %add3A_984 = arith.constant 16 : i32
      %add3A_985 = vector.broadcast %add3A_984 : i32 to vector<16xi32>
      %add3A_986 = arith.addi %xor3A_980, %add3A_985 : vector<16xi32>
      %select_n3A_987 = arith.select %lt3A_983, %add3A_986, %xor3A_980 : vector<16xi1>, vector<16xi32>
      %broadcast_in_dim3A_988 = vector.shape_cast %select_n3A_987 : vector<16xi32> to vector<16x1xi32>
      %gather3A_989 = vector.shape_cast %broadcast_in_dim3A_988 : vector<16x1xi32> to vector<16xi32>
      %gather3A_990 = tpu.dynamic_gather %get3A_769[%gather3A_989] in [0] : vector<16xf32>, vector<16xi32> -> vector<16xf32>
      %max3A_991 = arith.maximumf %get3A_769, %gather3A_990 : vector<16xf32>
      %and3A_992 = arith.constant 1 : i32
      %and3A_993 = vector.broadcast %and3A_992 : i32 to vector<16xi32>
      %and3A_994 = arith.andi %iota3A, %and3A_993 : vector<16xi32>
      %eq3A_995 = arith.constant 0 : i32
      %eq3A_996 = vector.broadcast %eq3A_995 : i32 to vector<16xi32>
      %eq3A_997 = arith.cmpi eq, %and3A_994, %eq3A_996 : vector<16xi32>
      %select_n3A_998 = arith.select %eq3A_997, %max3A_977, %max3A_991 : vector<16xi1>, vector<16xf32>
      %xor3A_999 = arith.constant 1 : i32
      %xor3A_1000 = vector.broadcast %xor3A_999 : i32 to vector<16xi32>
      %xor3A_1001 = arith.xori %iota3A, %xor3A_1000 : vector<16xi32>
      %lt3A_1002 = arith.constant 0 : i32
      %lt3A_1003 = vector.broadcast %lt3A_1002 : i32 to vector<16xi32>
      %lt3A_1004 = arith.cmpi slt, %xor3A_1001, %lt3A_1003 : vector<16xi32>
      %add3A_1005 = arith.constant 16 : i32
      %add3A_1006 = vector.broadcast %add3A_1005 : i32 to vector<16xi32>
      %add3A_1007 = arith.addi %xor3A_1001, %add3A_1006 : vector<16xi32>
      %select_n3A_1008 = arith.select %lt3A_1004, %add3A_1007, %xor3A_1001 : vector<16xi1>, vector<16xi32>
      %broadcast_in_dim3A_1009 = vector.shape_cast %select_n3A_1008 : vector<16xi32> to vector<16x1xi32>
      %gather3A_1010 = vector.shape_cast %broadcast_in_dim3A_1009 : vector<16x1xi32> to vector<16xi32>
      %gather3A_1011 = tpu.dynamic_gather %get3A_778[%gather3A_1010] in [0] : vector<16xf32>, vector<16xi32> -> vector<16xf32>
      %max3A_1012 = arith.maximumf %get3A_778, %gather3A_1011 : vector<16xf32>
      %xor3A_1013 = arith.constant 1 : i32
      %xor3A_1014 = vector.broadcast %xor3A_1013 : i32 to vector<16xi32>
      %xor3A_1015 = arith.xori %iota3A, %xor3A_1014 : vector<16xi32>
      %lt3A_1016 = arith.constant 0 : i32
      %lt3A_1017 = vector.broadcast %lt3A_1016 : i32 to vector<16xi32>
      %lt3A_1018 = arith.cmpi slt, %xor3A_1015, %lt3A_1017 : vector<16xi32>
      %add3A_1019 = arith.constant 16 : i32
      %add3A_1020 = vector.broadcast %add3A_1019 : i32 to vector<16xi32>
      %add3A_1021 = arith.addi %xor3A_1015, %add3A_1020 : vector<16xi32>
      %select_n3A_1022 = arith.select %lt3A_1018, %add3A_1021, %xor3A_1015 : vector<16xi1>, vector<16xi32>
      %broadcast_in_dim3A_1023 = vector.shape_cast %select_n3A_1022 : vector<16xi32> to vector<16x1xi32>
      %gather3A_1024 = vector.shape_cast %broadcast_in_dim3A_1023 : vector<16x1xi32> to vector<16xi32>
      %gather3A_1025 = tpu.dynamic_gather %get3A_787[%gather3A_1024] in [0] : vector<16xf32>, vector<16xi32> -> vector<16xf32>
      %max3A_1026 = arith.maximumf %get3A_787, %gather3A_1025 : vector<16xf32>
      %and3A_1027 = arith.constant 1 : i32
      %and3A_1028 = vector.broadcast %and3A_1027 : i32 to vector<16xi32>
      %and3A_1029 = arith.andi %iota3A, %and3A_1028 : vector<16xi32>
      %eq3A_1030 = arith.constant 0 : i32
      %eq3A_1031 = vector.broadcast %eq3A_1030 : i32 to vector<16xi32>
      %eq3A_1032 = arith.cmpi eq, %and3A_1029, %eq3A_1031 : vector<16xi32>
      %select_n3A_1033 = arith.select %eq3A_1032, %max3A_1012, %max3A_1026 : vector<16xi1>, vector<16xf32>
      %xor3A_1034 = arith.constant 1 : i32
      %xor3A_1035 = vector.broadcast %xor3A_1034 : i32 to vector<16xi32>
      %xor3A_1036 = arith.xori %iota3A, %xor3A_1035 : vector<16xi32>
      %lt3A_1037 = arith.constant 0 : i32
      %lt3A_1038 = vector.broadcast %lt3A_1037 : i32 to vector<16xi32>
      %lt3A_1039 = arith.cmpi slt, %xor3A_1036, %lt3A_1038 : vector<16xi32>
      %add3A_1040 = arith.constant 16 : i32
      %add3A_1041 = vector.broadcast %add3A_1040 : i32 to vector<16xi32>
      %add3A_1042 = arith.addi %xor3A_1036, %add3A_1041 : vector<16xi32>
      %select_n3A_1043 = arith.select %lt3A_1039, %add3A_1042, %xor3A_1036 : vector<16xi1>, vector<16xi32>
      %broadcast_in_dim3A_1044 = vector.shape_cast %select_n3A_1043 : vector<16xi32> to vector<16x1xi32>
      %gather3A_1045 = vector.shape_cast %broadcast_in_dim3A_1044 : vector<16x1xi32> to vector<16xi32>
      %gather3A_1046 = tpu.dynamic_gather %get3A_796[%gather3A_1045] in [0] : vector<16xf32>, vector<16xi32> -> vector<16xf32>
      %max3A_1047 = arith.maximumf %get3A_796, %gather3A_1046 : vector<16xf32>
      %xor3A_1048 = arith.constant 1 : i32
      %xor3A_1049 = vector.broadcast %xor3A_1048 : i32 to vector<16xi32>
      %xor3A_1050 = arith.xori %iota3A, %xor3A_1049 : vector<16xi32>
      %lt3A_1051 = arith.constant 0 : i32
      %lt3A_1052 = vector.broadcast %lt3A_1051 : i32 to vector<16xi32>
      %lt3A_1053 = arith.cmpi slt, %xor3A_1050, %lt3A_1052 : vector<16xi32>
      %add3A_1054 = arith.constant 16 : i32
      %add3A_1055 = vector.broadcast %add3A_1054 : i32 to vector<16xi32>
      %add3A_1056 = arith.addi %xor3A_1050, %add3A_1055 : vector<16xi32>
      %select_n3A_1057 = arith.select %lt3A_1053, %add3A_1056, %xor3A_1050 : vector<16xi1>, vector<16xi32>
      %broadcast_in_dim3A_1058 = vector.shape_cast %select_n3A_1057 : vector<16xi32> to vector<16x1xi32>
      %gather3A_1059 = vector.shape_cast %broadcast_in_dim3A_1058 : vector<16x1xi32> to vector<16xi32>
      %gather3A_1060 = tpu.dynamic_gather %get3A_805[%gather3A_1059] in [0] : vector<16xf32>, vector<16xi32> -> vector<16xf32>
      %max3A_1061 = arith.maximumf %get3A_805, %gather3A_1060 : vector<16xf32>
      %and3A_1062 = arith.constant 1 : i32
      %and3A_1063 = vector.broadcast %and3A_1062 : i32 to vector<16xi32>
      %and3A_1064 = arith.andi %iota3A, %and3A_1063 : vector<16xi32>
      %eq3A_1065 = arith.constant 0 : i32
      %eq3A_1066 = vector.broadcast %eq3A_1065 : i32 to vector<16xi32>
      %eq3A_1067 = arith.cmpi eq, %and3A_1064, %eq3A_1066 : vector<16xi32>
      %select_n3A_1068 = arith.select %eq3A_1067, %max3A_1047, %max3A_1061 : vector<16xi1>, vector<16xf32>
      %xor3A_1069 = arith.constant 1 : i32
      %xor3A_1070 = vector.broadcast %xor3A_1069 : i32 to vector<16xi32>
      %xor3A_1071 = arith.xori %iota3A, %xor3A_1070 : vector<16xi32>
      %lt3A_1072 = arith.constant 0 : i32
      %lt3A_1073 = vector.broadcast %lt3A_1072 : i32 to vector<16xi32>
      %lt3A_1074 = arith.cmpi slt, %xor3A_1071, %lt3A_1073 : vector<16xi32>
      %add3A_1075 = arith.constant 16 : i32
      %add3A_1076 = vector.broadcast %add3A_1075 : i32 to vector<16xi32>
      %add3A_1077 = arith.addi %xor3A_1071, %add3A_1076 : vector<16xi32>
      %select_n3A_1078 = arith.select %lt3A_1074, %add3A_1077, %xor3A_1071 : vector<16xi1>, vector<16xi32>
      %broadcast_in_dim3A_1079 = vector.shape_cast %select_n3A_1078 : vector<16xi32> to vector<16x1xi32>
      %gather3A_1080 = vector.shape_cast %broadcast_in_dim3A_1079 : vector<16x1xi32> to vector<16xi32>
      %gather3A_1081 = tpu.dynamic_gather %get3A_814[%gather3A_1080] in [0] : vector<16xf32>, vector<16xi32> -> vector<16xf32>
      %max3A_1082 = arith.maximumf %get3A_814, %gather3A_1081 : vector<16xf32>
      %xor3A_1083 = arith.constant 1 : i32
      %xor3A_1084 = vector.broadcast %xor3A_1083 : i32 to vector<16xi32>
      %xor3A_1085 = arith.xori %iota3A, %xor3A_1084 : vector<16xi32>
      %lt3A_1086 = arith.constant 0 : i32
      %lt3A_1087 = vector.broadcast %lt3A_1086 : i32 to vector<16xi32>
      %lt3A_1088 = arith.cmpi slt, %xor3A_1085, %lt3A_1087 : vector<16xi32>
      %add3A_1089 = arith.constant 16 : i32
      %add3A_1090 = vector.broadcast %add3A_1089 : i32 to vector<16xi32>
      %add3A_1091 = arith.addi %xor3A_1085, %add3A_1090 : vector<16xi32>
      %select_n3A_1092 = arith.select %lt3A_1088, %add3A_1091, %xor3A_1085 : vector<16xi1>, vector<16xi32>
      %broadcast_in_dim3A_1093 = vector.shape_cast %select_n3A_1092 : vector<16xi32> to vector<16x1xi32>
      %gather3A_1094 = vector.shape_cast %broadcast_in_dim3A_1093 : vector<16x1xi32> to vector<16xi32>
      %gather3A_1095 = tpu.dynamic_gather %get3A_823[%gather3A_1094] in [0] : vector<16xf32>, vector<16xi32> -> vector<16xf32>
      %max3A_1096 = arith.maximumf %get3A_823, %gather3A_1095 : vector<16xf32>
      %and3A_1097 = arith.constant 1 : i32
      %and3A_1098 = vector.broadcast %and3A_1097 : i32 to vector<16xi32>
      %and3A_1099 = arith.andi %iota3A, %and3A_1098 : vector<16xi32>
      %eq3A_1100 = arith.constant 0 : i32
      %eq3A_1101 = vector.broadcast %eq3A_1100 : i32 to vector<16xi32>
      %eq3A_1102 = arith.cmpi eq, %and3A_1099, %eq3A_1101 : vector<16xi32>
      %select_n3A_1103 = arith.select %eq3A_1102, %max3A_1082, %max3A_1096 : vector<16xi1>, vector<16xf32>
      %xor3A_1104 = arith.constant 2 : i32
      %xor3A_1105 = vector.broadcast %xor3A_1104 : i32 to vector<16xi32>
      %xor3A_1106 = arith.xori %iota3A, %xor3A_1105 : vector<16xi32>
      %lt3A_1107 = arith.constant 0 : i32
      %lt3A_1108 = vector.broadcast %lt3A_1107 : i32 to vector<16xi32>
      %lt3A_1109 = arith.cmpi slt, %xor3A_1106, %lt3A_1108 : vector<16xi32>
      %add3A_1110 = arith.constant 16 : i32
      %add3A_1111 = vector.broadcast %add3A_1110 : i32 to vector<16xi32>
      %add3A_1112 = arith.addi %xor3A_1106, %add3A_1111 : vector<16xi32>
      %select_n3A_1113 = arith.select %lt3A_1109, %add3A_1112, %xor3A_1106 : vector<16xi1>, vector<16xi32>
      %broadcast_in_dim3A_1114 = vector.shape_cast %select_n3A_1113 : vector<16xi32> to vector<16x1xi32>
      %gather3A_1115 = vector.shape_cast %broadcast_in_dim3A_1114 : vector<16x1xi32> to vector<16xi32>
      %gather3A_1116 = tpu.dynamic_gather %select_n3A_858[%gather3A_1115] in [0] : vector<16xf32>, vector<16xi32> -> vector<16xf32>
      %max3A_1117 = arith.maximumf %select_n3A_858, %gather3A_1116 : vector<16xf32>
      %xor3A_1118 = arith.constant 2 : i32
      %xor3A_1119 = vector.broadcast %xor3A_1118 : i32 to vector<16xi32>
      %xor3A_1120 = arith.xori %iota3A, %xor3A_1119 : vector<16xi32>
      %lt3A_1121 = arith.constant 0 : i32
      %lt3A_1122 = vector.broadcast %lt3A_1121 : i32 to vector<16xi32>
      %lt3A_1123 = arith.cmpi slt, %xor3A_1120, %lt3A_1122 : vector<16xi32>
      %add3A_1124 = arith.constant 16 : i32
      %add3A_1125 = vector.broadcast %add3A_1124 : i32 to vector<16xi32>
      %add3A_1126 = arith.addi %xor3A_1120, %add3A_1125 : vector<16xi32>
      %select_n3A_1127 = arith.select %lt3A_1123, %add3A_1126, %xor3A_1120 : vector<16xi1>, vector<16xi32>
      %broadcast_in_dim3A_1128 = vector.shape_cast %select_n3A_1127 : vector<16xi32> to vector<16x1xi32>
      %gather3A_1129 = vector.shape_cast %broadcast_in_dim3A_1128 : vector<16x1xi32> to vector<16xi32>
      %gather3A_1130 = tpu.dynamic_gather %select_n3A_893[%gather3A_1129] in [0] : vector<16xf32>, vector<16xi32> -> vector<16xf32>
      %max3A_1131 = arith.maximumf %select_n3A_893, %gather3A_1130 : vector<16xf32>
      %and3A_1132 = arith.constant 2 : i32
      %and3A_1133 = vector.broadcast %and3A_1132 : i32 to vector<16xi32>
      %and3A_1134 = arith.andi %iota3A, %and3A_1133 : vector<16xi32>
      %eq3A_1135 = arith.constant 0 : i32
      %eq3A_1136 = vector.broadcast %eq3A_1135 : i32 to vector<16xi32>
      %eq3A_1137 = arith.cmpi eq, %and3A_1134, %eq3A_1136 : vector<16xi32>
      %select_n3A_1138 = arith.select %eq3A_1137, %max3A_1117, %max3A_1131 : vector<16xi1>, vector<16xf32>
      %xor3A_1139 = arith.constant 2 : i32
      %xor3A_1140 = vector.broadcast %xor3A_1139 : i32 to vector<16xi32>
      %xor3A_1141 = arith.xori %iota3A, %xor3A_1140 : vector<16xi32>
      %lt3A_1142 = arith.constant 0 : i32
      %lt3A_1143 = vector.broadcast %lt3A_1142 : i32 to vector<16xi32>
      %lt3A_1144 = arith.cmpi slt, %xor3A_1141, %lt3A_1143 : vector<16xi32>
      %add3A_1145 = arith.constant 16 : i32
      %add3A_1146 = vector.broadcast %add3A_1145 : i32 to vector<16xi32>
      %add3A_1147 = arith.addi %xor3A_1141, %add3A_1146 : vector<16xi32>
      %select_n3A_1148 = arith.select %lt3A_1144, %add3A_1147, %xor3A_1141 : vector<16xi1>, vector<16xi32>
      %broadcast_in_dim3A_1149 = vector.shape_cast %select_n3A_1148 : vector<16xi32> to vector<16x1xi32>
      %gather3A_1150 = vector.shape_cast %broadcast_in_dim3A_1149 : vector<16x1xi32> to vector<16xi32>
      %gather3A_1151 = tpu.dynamic_gather %select_n3A_928[%gather3A_1150] in [0] : vector<16xf32>, vector<16xi32> -> vector<16xf32>
      %max3A_1152 = arith.maximumf %select_n3A_928, %gather3A_1151 : vector<16xf32>
      %xor3A_1153 = arith.constant 2 : i32
      %xor3A_1154 = vector.broadcast %xor3A_1153 : i32 to vector<16xi32>
      %xor3A_1155 = arith.xori %iota3A, %xor3A_1154 : vector<16xi32>
      %lt3A_1156 = arith.constant 0 : i32
      %lt3A_1157 = vector.broadcast %lt3A_1156 : i32 to vector<16xi32>
      %lt3A_1158 = arith.cmpi slt, %xor3A_1155, %lt3A_1157 : vector<16xi32>
      %add3A_1159 = arith.constant 16 : i32
      %add3A_1160 = vector.broadcast %add3A_1159 : i32 to vector<16xi32>
      %add3A_1161 = arith.addi %xor3A_1155, %add3A_1160 : vector<16xi32>
      %select_n3A_1162 = arith.select %lt3A_1158, %add3A_1161, %xor3A_1155 : vector<16xi1>, vector<16xi32>
      %broadcast_in_dim3A_1163 = vector.shape_cast %select_n3A_1162 : vector<16xi32> to vector<16x1xi32>
      %gather3A_1164 = vector.shape_cast %broadcast_in_dim3A_1163 : vector<16x1xi32> to vector<16xi32>
      %gather3A_1165 = tpu.dynamic_gather %select_n3A_963[%gather3A_1164] in [0] : vector<16xf32>, vector<16xi32> -> vector<16xf32>
      %max3A_1166 = arith.maximumf %select_n3A_963, %gather3A_1165 : vector<16xf32>
      %and3A_1167 = arith.constant 2 : i32
      %and3A_1168 = vector.broadcast %and3A_1167 : i32 to vector<16xi32>
      %and3A_1169 = arith.andi %iota3A, %and3A_1168 : vector<16xi32>
      %eq3A_1170 = arith.constant 0 : i32
      %eq3A_1171 = vector.broadcast %eq3A_1170 : i32 to vector<16xi32>
      %eq3A_1172 = arith.cmpi eq, %and3A_1169, %eq3A_1171 : vector<16xi32>
      %select_n3A_1173 = arith.select %eq3A_1172, %max3A_1152, %max3A_1166 : vector<16xi1>, vector<16xf32>
      %xor3A_1174 = arith.constant 2 : i32
      %xor3A_1175 = vector.broadcast %xor3A_1174 : i32 to vector<16xi32>
      %xor3A_1176 = arith.xori %iota3A, %xor3A_1175 : vector<16xi32>
      %lt3A_1177 = arith.constant 0 : i32
      %lt3A_1178 = vector.broadcast %lt3A_1177 : i32 to vector<16xi32>
      %lt3A_1179 = arith.cmpi slt, %xor3A_1176, %lt3A_1178 : vector<16xi32>
      %add3A_1180 = arith.constant 16 : i32
      %add3A_1181 = vector.broadcast %add3A_1180 : i32 to vector<16xi32>
      %add3A_1182 = arith.addi %xor3A_1176, %add3A_1181 : vector<16xi32>
      %select_n3A_1183 = arith.select %lt3A_1179, %add3A_1182, %xor3A_1176 : vector<16xi1>, vector<16xi32>
      %broadcast_in_dim3A_1184 = vector.shape_cast %select_n3A_1183 : vector<16xi32> to vector<16x1xi32>
      %gather3A_1185 = vector.shape_cast %broadcast_in_dim3A_1184 : vector<16x1xi32> to vector<16xi32>
      %gather3A_1186 = tpu.dynamic_gather %select_n3A_998[%gather3A_1185] in [0] : vector<16xf32>, vector<16xi32> -> vector<16xf32>
      %max3A_1187 = arith.maximumf %select_n3A_998, %gather3A_1186 : vector<16xf32>
      %xor3A_1188 = arith.constant 2 : i32
      %xor3A_1189 = vector.broadcast %xor3A_1188 : i32 to vector<16xi32>
      %xor3A_1190 = arith.xori %iota3A, %xor3A_1189 : vector<16xi32>
      %lt3A_1191 = arith.constant 0 : i32
      %lt3A_1192 = vector.broadcast %lt3A_1191 : i32 to vector<16xi32>
      %lt3A_1193 = arith.cmpi slt, %xor3A_1190, %lt3A_1192 : vector<16xi32>
      %add3A_1194 = arith.constant 16 : i32
      %add3A_1195 = vector.broadcast %add3A_1194 : i32 to vector<16xi32>
      %add3A_1196 = arith.addi %xor3A_1190, %add3A_1195 : vector<16xi32>
      %select_n3A_1197 = arith.select %lt3A_1193, %add3A_1196, %xor3A_1190 : vector<16xi1>, vector<16xi32>
      %broadcast_in_dim3A_1198 = vector.shape_cast %select_n3A_1197 : vector<16xi32> to vector<16x1xi32>
      %gather3A_1199 = vector.shape_cast %broadcast_in_dim3A_1198 : vector<16x1xi32> to vector<16xi32>
      %gather3A_1200 = tpu.dynamic_gather %select_n3A_1033[%gather3A_1199] in [0] : vector<16xf32>, vector<16xi32> -> vector<16xf32>
      %max3A_1201 = arith.maximumf %select_n3A_1033, %gather3A_1200 : vector<16xf32>
      %and3A_1202 = arith.constant 2 : i32
      %and3A_1203 = vector.broadcast %and3A_1202 : i32 to vector<16xi32>
      %and3A_1204 = arith.andi %iota3A, %and3A_1203 : vector<16xi32>
      %eq3A_1205 = arith.constant 0 : i32
      %eq3A_1206 = vector.broadcast %eq3A_1205 : i32 to vector<16xi32>
      %eq3A_1207 = arith.cmpi eq, %and3A_1204, %eq3A_1206 : vector<16xi32>
      %select_n3A_1208 = arith.select %eq3A_1207, %max3A_1187, %max3A_1201 : vector<16xi1>, vector<16xf32>
      %xor3A_1209 = arith.constant 2 : i32
      %xor3A_1210 = vector.broadcast %xor3A_1209 : i32 to vector<16xi32>
      %xor3A_1211 = arith.xori %iota3A, %xor3A_1210 : vector<16xi32>
      %lt3A_1212 = arith.constant 0 : i32
      %lt3A_1213 = vector.broadcast %lt3A_1212 : i32 to vector<16xi32>
      %lt3A_1214 = arith.cmpi slt, %xor3A_1211, %lt3A_1213 : vector<16xi32>
      %add3A_1215 = arith.constant 16 : i32
      %add3A_1216 = vector.broadcast %add3A_1215 : i32 to vector<16xi32>
      %add3A_1217 = arith.addi %xor3A_1211, %add3A_1216 : vector<16xi32>
      %select_n3A_1218 = arith.select %lt3A_1214, %add3A_1217, %xor3A_1211 : vector<16xi1>, vector<16xi32>
      %broadcast_in_dim3A_1219 = vector.shape_cast %select_n3A_1218 : vector<16xi32> to vector<16x1xi32>
      %gather3A_1220 = vector.shape_cast %broadcast_in_dim3A_1219 : vector<16x1xi32> to vector<16xi32>
      %gather3A_1221 = tpu.dynamic_gather %select_n3A_1068[%gather3A_1220] in [0] : vector<16xf32>, vector<16xi32> -> vector<16xf32>
      %max3A_1222 = arith.maximumf %select_n3A_1068, %gather3A_1221 : vector<16xf32>
      %xor3A_1223 = arith.constant 2 : i32
      %xor3A_1224 = vector.broadcast %xor3A_1223 : i32 to vector<16xi32>
      %xor3A_1225 = arith.xori %iota3A, %xor3A_1224 : vector<16xi32>
      %lt3A_1226 = arith.constant 0 : i32
      %lt3A_1227 = vector.broadcast %lt3A_1226 : i32 to vector<16xi32>
      %lt3A_1228 = arith.cmpi slt, %xor3A_1225, %lt3A_1227 : vector<16xi32>
      %add3A_1229 = arith.constant 16 : i32
      %add3A_1230 = vector.broadcast %add3A_1229 : i32 to vector<16xi32>
      %add3A_1231 = arith.addi %xor3A_1225, %add3A_1230 : vector<16xi32>
      %select_n3A_1232 = arith.select %lt3A_1228, %add3A_1231, %xor3A_1225 : vector<16xi1>, vector<16xi32>
      %broadcast_in_dim3A_1233 = vector.shape_cast %select_n3A_1232 : vector<16xi32> to vector<16x1xi32>
      %gather3A_1234 = vector.shape_cast %broadcast_in_dim3A_1233 : vector<16x1xi32> to vector<16xi32>
      %gather3A_1235 = tpu.dynamic_gather %select_n3A_1103[%gather3A_1234] in [0] : vector<16xf32>, vector<16xi32> -> vector<16xf32>
      %max3A_1236 = arith.maximumf %select_n3A_1103, %gather3A_1235 : vector<16xf32>
      %and3A_1237 = arith.constant 2 : i32
      %and3A_1238 = vector.broadcast %and3A_1237 : i32 to vector<16xi32>
      %and3A_1239 = arith.andi %iota3A, %and3A_1238 : vector<16xi32>
      %eq3A_1240 = arith.constant 0 : i32
      %eq3A_1241 = vector.broadcast %eq3A_1240 : i32 to vector<16xi32>
      %eq3A_1242 = arith.cmpi eq, %and3A_1239, %eq3A_1241 : vector<16xi32>
      %select_n3A_1243 = arith.select %eq3A_1242, %max3A_1222, %max3A_1236 : vector<16xi1>, vector<16xf32>
      %xor3A_1244 = arith.constant 4 : i32
      %xor3A_1245 = vector.broadcast %xor3A_1244 : i32 to vector<16xi32>
      %xor3A_1246 = arith.xori %iota3A, %xor3A_1245 : vector<16xi32>
      %lt3A_1247 = arith.constant 0 : i32
      %lt3A_1248 = vector.broadcast %lt3A_1247 : i32 to vector<16xi32>
      %lt3A_1249 = arith.cmpi slt, %xor3A_1246, %lt3A_1248 : vector<16xi32>
      %add3A_1250 = arith.constant 16 : i32
      %add3A_1251 = vector.broadcast %add3A_1250 : i32 to vector<16xi32>
      %add3A_1252 = arith.addi %xor3A_1246, %add3A_1251 : vector<16xi32>
      %select_n3A_1253 = arith.select %lt3A_1249, %add3A_1252, %xor3A_1246 : vector<16xi1>, vector<16xi32>
      %broadcast_in_dim3A_1254 = vector.shape_cast %select_n3A_1253 : vector<16xi32> to vector<16x1xi32>
      %gather3A_1255 = vector.shape_cast %broadcast_in_dim3A_1254 : vector<16x1xi32> to vector<16xi32>
      %gather3A_1256 = tpu.dynamic_gather %select_n3A_1138[%gather3A_1255] in [0] : vector<16xf32>, vector<16xi32> -> vector<16xf32>
      %max3A_1257 = arith.maximumf %select_n3A_1138, %gather3A_1256 : vector<16xf32>
      %xor3A_1258 = arith.constant 4 : i32
      %xor3A_1259 = vector.broadcast %xor3A_1258 : i32 to vector<16xi32>
      %xor3A_1260 = arith.xori %iota3A, %xor3A_1259 : vector<16xi32>
      %lt3A_1261 = arith.constant 0 : i32
      %lt3A_1262 = vector.broadcast %lt3A_1261 : i32 to vector<16xi32>
      %lt3A_1263 = arith.cmpi slt, %xor3A_1260, %lt3A_1262 : vector<16xi32>
      %add3A_1264 = arith.constant 16 : i32
      %add3A_1265 = vector.broadcast %add3A_1264 : i32 to vector<16xi32>
      %add3A_1266 = arith.addi %xor3A_1260, %add3A_1265 : vector<16xi32>
      %select_n3A_1267 = arith.select %lt3A_1263, %add3A_1266, %xor3A_1260 : vector<16xi1>, vector<16xi32>
      %broadcast_in_dim3A_1268 = vector.shape_cast %select_n3A_1267 : vector<16xi32> to vector<16x1xi32>
      %gather3A_1269 = vector.shape_cast %broadcast_in_dim3A_1268 : vector<16x1xi32> to vector<16xi32>
      %gather3A_1270 = tpu.dynamic_gather %select_n3A_1173[%gather3A_1269] in [0] : vector<16xf32>, vector<16xi32> -> vector<16xf32>
      %max3A_1271 = arith.maximumf %select_n3A_1173, %gather3A_1270 : vector<16xf32>
      %and3A_1272 = arith.constant 4 : i32
      %and3A_1273 = vector.broadcast %and3A_1272 : i32 to vector<16xi32>
      %and3A_1274 = arith.andi %iota3A, %and3A_1273 : vector<16xi32>
      %eq3A_1275 = arith.constant 0 : i32
      %eq3A_1276 = vector.broadcast %eq3A_1275 : i32 to vector<16xi32>
      %eq3A_1277 = arith.cmpi eq, %and3A_1274, %eq3A_1276 : vector<16xi32>
      %select_n3A_1278 = arith.select %eq3A_1277, %max3A_1257, %max3A_1271 : vector<16xi1>, vector<16xf32>
      %xor3A_1279 = arith.constant 4 : i32
      %xor3A_1280 = vector.broadcast %xor3A_1279 : i32 to vector<16xi32>
      %xor3A_1281 = arith.xori %iota3A, %xor3A_1280 : vector<16xi32>
      %lt3A_1282 = arith.constant 0 : i32
      %lt3A_1283 = vector.broadcast %lt3A_1282 : i32 to vector<16xi32>
      %lt3A_1284 = arith.cmpi slt, %xor3A_1281, %lt3A_1283 : vector<16xi32>
      %add3A_1285 = arith.constant 16 : i32
      %add3A_1286 = vector.broadcast %add3A_1285 : i32 to vector<16xi32>
      %add3A_1287 = arith.addi %xor3A_1281, %add3A_1286 : vector<16xi32>
      %select_n3A_1288 = arith.select %lt3A_1284, %add3A_1287, %xor3A_1281 : vector<16xi1>, vector<16xi32>
      %broadcast_in_dim3A_1289 = vector.shape_cast %select_n3A_1288 : vector<16xi32> to vector<16x1xi32>
      %gather3A_1290 = vector.shape_cast %broadcast_in_dim3A_1289 : vector<16x1xi32> to vector<16xi32>
      %gather3A_1291 = tpu.dynamic_gather %select_n3A_1208[%gather3A_1290] in [0] : vector<16xf32>, vector<16xi32> -> vector<16xf32>
      %max3A_1292 = arith.maximumf %select_n3A_1208, %gather3A_1291 : vector<16xf32>
      %xor3A_1293 = arith.constant 4 : i32
      %xor3A_1294 = vector.broadcast %xor3A_1293 : i32 to vector<16xi32>
      %xor3A_1295 = arith.xori %iota3A, %xor3A_1294 : vector<16xi32>
      %lt3A_1296 = arith.constant 0 : i32
      %lt3A_1297 = vector.broadcast %lt3A_1296 : i32 to vector<16xi32>
      %lt3A_1298 = arith.cmpi slt, %xor3A_1295, %lt3A_1297 : vector<16xi32>
      %add3A_1299 = arith.constant 16 : i32
      %add3A_1300 = vector.broadcast %add3A_1299 : i32 to vector<16xi32>
      %add3A_1301 = arith.addi %xor3A_1295, %add3A_1300 : vector<16xi32>
      %select_n3A_1302 = arith.select %lt3A_1298, %add3A_1301, %xor3A_1295 : vector<16xi1>, vector<16xi32>
      %broadcast_in_dim3A_1303 = vector.shape_cast %select_n3A_1302 : vector<16xi32> to vector<16x1xi32>
      %gather3A_1304 = vector.shape_cast %broadcast_in_dim3A_1303 : vector<16x1xi32> to vector<16xi32>
      %gather3A_1305 = tpu.dynamic_gather %select_n3A_1243[%gather3A_1304] in [0] : vector<16xf32>, vector<16xi32> -> vector<16xf32>
      %max3A_1306 = arith.maximumf %select_n3A_1243, %gather3A_1305 : vector<16xf32>
      %and3A_1307 = arith.constant 4 : i32
      %and3A_1308 = vector.broadcast %and3A_1307 : i32 to vector<16xi32>
      %and3A_1309 = arith.andi %iota3A, %and3A_1308 : vector<16xi32>
      %eq3A_1310 = arith.constant 0 : i32
      %eq3A_1311 = vector.broadcast %eq3A_1310 : i32 to vector<16xi32>
      %eq3A_1312 = arith.cmpi eq, %and3A_1309, %eq3A_1311 : vector<16xi32>
      %select_n3A_1313 = arith.select %eq3A_1312, %max3A_1292, %max3A_1306 : vector<16xi1>, vector<16xf32>
      %xor3A_1314 = arith.constant 8 : i32
      %xor3A_1315 = vector.broadcast %xor3A_1314 : i32 to vector<16xi32>
      %xor3A_1316 = arith.xori %iota3A, %xor3A_1315 : vector<16xi32>
      %lt3A_1317 = arith.constant 0 : i32
      %lt3A_1318 = vector.broadcast %lt3A_1317 : i32 to vector<16xi32>
      %lt3A_1319 = arith.cmpi slt, %xor3A_1316, %lt3A_1318 : vector<16xi32>
      %add3A_1320 = arith.constant 16 : i32
      %add3A_1321 = vector.broadcast %add3A_1320 : i32 to vector<16xi32>
      %add3A_1322 = arith.addi %xor3A_1316, %add3A_1321 : vector<16xi32>
      %select_n3A_1323 = arith.select %lt3A_1319, %add3A_1322, %xor3A_1316 : vector<16xi1>, vector<16xi32>
      %broadcast_in_dim3A_1324 = vector.shape_cast %select_n3A_1323 : vector<16xi32> to vector<16x1xi32>
      %gather3A_1325 = vector.shape_cast %broadcast_in_dim3A_1324 : vector<16x1xi32> to vector<16xi32>
      %gather3A_1326 = tpu.dynamic_gather %select_n3A_1278[%gather3A_1325] in [0] : vector<16xf32>, vector<16xi32> -> vector<16xf32>
      %max3A_1327 = arith.maximumf %select_n3A_1278, %gather3A_1326 : vector<16xf32>
      %xor3A_1328 = arith.constant 8 : i32
      %xor3A_1329 = vector.broadcast %xor3A_1328 : i32 to vector<16xi32>
      %xor3A_1330 = arith.xori %iota3A, %xor3A_1329 : vector<16xi32>
      %lt3A_1331 = arith.constant 0 : i32
      %lt3A_1332 = vector.broadcast %lt3A_1331 : i32 to vector<16xi32>
      %lt3A_1333 = arith.cmpi slt, %xor3A_1330, %lt3A_1332 : vector<16xi32>
      %add3A_1334 = arith.constant 16 : i32
      %add3A_1335 = vector.broadcast %add3A_1334 : i32 to vector<16xi32>
      %add3A_1336 = arith.addi %xor3A_1330, %add3A_1335 : vector<16xi32>
      %select_n3A_1337 = arith.select %lt3A_1333, %add3A_1336, %xor3A_1330 : vector<16xi1>, vector<16xi32>
      %broadcast_in_dim3A_1338 = vector.shape_cast %select_n3A_1337 : vector<16xi32> to vector<16x1xi32>
      %gather3A_1339 = vector.shape_cast %broadcast_in_dim3A_1338 : vector<16x1xi32> to vector<16xi32>
      %gather3A_1340 = tpu.dynamic_gather %select_n3A_1313[%gather3A_1339] in [0] : vector<16xf32>, vector<16xi32> -> vector<16xf32>
      %max3A_1341 = arith.maximumf %select_n3A_1313, %gather3A_1340 : vector<16xf32>
      %and3A_1342 = arith.constant 8 : i32
      %and3A_1343 = vector.broadcast %and3A_1342 : i32 to vector<16xi32>
      %and3A_1344 = arith.andi %iota3A, %and3A_1343 : vector<16xi32>
      %eq3A_1345 = arith.constant 0 : i32
      %eq3A_1346 = vector.broadcast %eq3A_1345 : i32 to vector<16xi32>
      %eq3A_1347 = arith.cmpi eq, %and3A_1344, %eq3A_1346 : vector<16xi32>
      %select_n3A_1348 = arith.select %eq3A_1347, %max3A_1327, %max3A_1341 : vector<16xi1>, vector<16xf32>
      %ge3A = vector.broadcast %squeeze3A_652 : f32 to vector<16xf32>
      %ge3A_1349 = arith.cmpf oge, %select_n3A_1348, %ge3A : vector<16xf32>
      %jit3A = arith.constant 0 : i32
      %broadcast_in_dim3A_1350 = vector.broadcast %jit3A : i32 to vector<16xi32>
      %select_n3A_1351 = arith.select %ge3A_1349, %shift_left3A_659, %broadcast_in_dim3A_1350 : vector<16xi1>, vector<16xi32>
      %xor3A_1352 = arith.constant 8 : i32
      %xor3A_1353 = vector.broadcast %xor3A_1352 : i32 to vector<16xi32>
      %xor3A_1354 = arith.xori %iota3A, %xor3A_1353 : vector<16xi32>
      %lt3A_1355 = arith.constant 0 : i32
      %lt3A_1356 = vector.broadcast %lt3A_1355 : i32 to vector<16xi32>
      %lt3A_1357 = arith.cmpi slt, %xor3A_1354, %lt3A_1356 : vector<16xi32>
      %add3A_1358 = arith.constant 16 : i32
      %add3A_1359 = vector.broadcast %add3A_1358 : i32 to vector<16xi32>
      %add3A_1360 = arith.addi %xor3A_1354, %add3A_1359 : vector<16xi32>
      %select_n3A_1361 = arith.select %lt3A_1357, %add3A_1360, %xor3A_1354 : vector<16xi1>, vector<16xi32>
      %broadcast_in_dim3A_1362 = vector.shape_cast %select_n3A_1361 : vector<16xi32> to vector<16x1xi32>
      %gather3A_1363 = vector.shape_cast %broadcast_in_dim3A_1362 : vector<16x1xi32> to vector<16xi32>
      %gather3A_1364 = tpu.dynamic_gather %select_n3A_1351[%gather3A_1363] in [0] : vector<16xi32>, vector<16xi32> -> vector<16xi32>
      %or3A = arith.ori %select_n3A_1351, %gather3A_1364 : vector<16xi32>
      %xor3A_1365 = arith.constant 4 : i32
      %xor3A_1366 = vector.broadcast %xor3A_1365 : i32 to vector<16xi32>
      %xor3A_1367 = arith.xori %iota3A, %xor3A_1366 : vector<16xi32>
      %lt3A_1368 = arith.constant 0 : i32
      %lt3A_1369 = vector.broadcast %lt3A_1368 : i32 to vector<16xi32>
      %lt3A_1370 = arith.cmpi slt, %xor3A_1367, %lt3A_1369 : vector<16xi32>
      %add3A_1371 = arith.constant 16 : i32
      %add3A_1372 = vector.broadcast %add3A_1371 : i32 to vector<16xi32>
      %add3A_1373 = arith.addi %xor3A_1367, %add3A_1372 : vector<16xi32>
      %select_n3A_1374 = arith.select %lt3A_1370, %add3A_1373, %xor3A_1367 : vector<16xi1>, vector<16xi32>
      %broadcast_in_dim3A_1375 = vector.shape_cast %select_n3A_1374 : vector<16xi32> to vector<16x1xi32>
      %gather3A_1376 = vector.shape_cast %broadcast_in_dim3A_1375 : vector<16x1xi32> to vector<16xi32>
      %gather3A_1377 = tpu.dynamic_gather %or3A[%gather3A_1376] in [0] : vector<16xi32>, vector<16xi32> -> vector<16xi32>
      %or3A_1378 = arith.ori %or3A, %gather3A_1377 : vector<16xi32>
      %xor3A_1379 = arith.constant 2 : i32
      %xor3A_1380 = vector.broadcast %xor3A_1379 : i32 to vector<16xi32>
      %xor3A_1381 = arith.xori %iota3A, %xor3A_1380 : vector<16xi32>
      %lt3A_1382 = arith.constant 0 : i32
      %lt3A_1383 = vector.broadcast %lt3A_1382 : i32 to vector<16xi32>
      %lt3A_1384 = arith.cmpi slt, %xor3A_1381, %lt3A_1383 : vector<16xi32>
      %add3A_1385 = arith.constant 16 : i32
      %add3A_1386 = vector.broadcast %add3A_1385 : i32 to vector<16xi32>
      %add3A_1387 = arith.addi %xor3A_1381, %add3A_1386 : vector<16xi32>
      %select_n3A_1388 = arith.select %lt3A_1384, %add3A_1387, %xor3A_1381 : vector<16xi1>, vector<16xi32>
      %broadcast_in_dim3A_1389 = vector.shape_cast %select_n3A_1388 : vector<16xi32> to vector<16x1xi32>
      %gather3A_1390 = vector.shape_cast %broadcast_in_dim3A_1389 : vector<16x1xi32> to vector<16xi32>
      %gather3A_1391 = tpu.dynamic_gather %or3A_1378[%gather3A_1390] in [0] : vector<16xi32>, vector<16xi32> -> vector<16xi32>
      %or3A_1392 = arith.ori %or3A_1378, %gather3A_1391 : vector<16xi32>
      %xor3A_1393 = arith.constant 1 : i32
      %xor3A_1394 = vector.broadcast %xor3A_1393 : i32 to vector<16xi32>
      %xor3A_1395 = arith.xori %iota3A, %xor3A_1394 : vector<16xi32>
      %lt3A_1396 = arith.constant 0 : i32
      %lt3A_1397 = vector.broadcast %lt3A_1396 : i32 to vector<16xi32>
      %lt3A_1398 = arith.cmpi slt, %xor3A_1395, %lt3A_1397 : vector<16xi32>
      %add3A_1399 = arith.constant 16 : i32
      %add3A_1400 = vector.broadcast %add3A_1399 : i32 to vector<16xi32>
      %add3A_1401 = arith.addi %xor3A_1395, %add3A_1400 : vector<16xi32>
      %select_n3A_1402 = arith.select %lt3A_1398, %add3A_1401, %xor3A_1395 : vector<16xi1>, vector<16xi32>
      %broadcast_in_dim3A_1403 = vector.shape_cast %select_n3A_1402 : vector<16xi32> to vector<16x1xi32>
      %gather3A_1404 = vector.shape_cast %broadcast_in_dim3A_1403 : vector<16x1xi32> to vector<16xi32>
      %gather3A_1405 = tpu.dynamic_gather %or3A_1392[%gather3A_1404] in [0] : vector<16xi32>, vector<16xi32> -> vector<16xi32>
      %or3A_1406 = arith.ori %or3A_1392, %gather3A_1405 : vector<16xi32>
      %slice3A_1407 = vector.extract_strided_slice %or3A_1406 {offsets = [0], sizes = [1], strides = [1]} : vector<16xi32> to vector<1xi32>
      %squeeze3A_1408 = vector.extract %slice3A_1407[0] : i32 from vector<1xi32>
      %ne3A = arith.constant 0 : i32
      %ne3A_1409 = arith.cmpi ne, %squeeze3A_1408, %ne3A : i32
      %convert_element_type3A = arith.extui %ne3A_1409 : i1 to i32
      %cond3A = arith.constant 0 : i32
      %cond3A_1410 = arith.cmpi ne, %convert_element_type3A, %cond3A : i32
      scf.if %cond3A_1410 {
        %scan3A_1411 = arith.constant 0 : i32
        %scan3A_1412 = arith.constant 0 : i32
        %scan3A_1413 = arith.constant 16 : i32
        %scan3A_1414 = arith.addi %scan3A_1412, %scan3A_1413 : i32
        %scan3A_1415 = arith.constant 1 : i32
        scf.for %scan3A_1417 = %scan3A_1412 to %scan3A_1414 step %scan3A_1415  : i32 {
          %shift_right_arithmetic3A_1418 = arith.shrsi %squeeze3A_1408, %scan3A_1417 : i32
          %and3A_1419 = arith.constant 1 : i32
          %and3A_1420 = arith.andi %shift_right_arithmetic3A_1418, %and3A_1419 : i32
          %ne3A_1421 = arith.constant 0 : i32
          %ne3A_1422 = arith.cmpi ne, %and3A_1420, %ne3A_1421 : i32
          %convert_element_type3A_1423 = arith.extui %ne3A_1422 : i1 to i32
          %cond3A_1424 = arith.constant 0 : i32
          %cond3A_1425 = arith.cmpi ne, %convert_element_type3A_1423, %cond3A_1424 : i32
          scf.if %cond3A_1425 {
            %mul3A_1426 = arith.constant 256 : i32
            %mul3A_1427 = arith.muli %scan3A_1417, %mul3A_1426 : i32
            %add3A_1428 = arith.addi %mul3A_679, %mul3A_1427 : i32
            %add3A_1429 = arith.constant 0 : i32
            %add3A_1430 = arith.addi %add3A_1428, %add3A_1429 : i32
            %get3A_1431 = arith.constant 1 : i32
            %get3A_1432 = arith.index_cast %get3A_1431 : i32 to index
            %get3A_1433 = arith.index_cast %add3A_1430 : i32 to index
            %get3A_1434 = tpu.vector_load %arg4[%get3A_1432, %get3A_1433] {strides = array<i32>} : memref<2x32768xf32, #tpu.memory_space<vmem>>, vector<1x16xf32>,
            %get3A_1435 = vector.shape_cast %get3A_1434 : vector<1x16xf32> to vector<16xf32>
            %add3A_1436 = arith.constant 16 : i32
            %add3A_1437 = arith.addi %add3A_1428, %add3A_1436 : i32
            %get3A_1438 = arith.constant 1 : i32
            %get3A_1439 = arith.index_cast %get3A_1438 : i32 to index
            %get3A_1440 = arith.index_cast %add3A_1437 : i32 to index
            %get3A_1441 = tpu.vector_load %arg4[%get3A_1439, %get3A_1440] {strides = array<i32>} : memref<2x32768xf32, #tpu.memory_space<vmem>>, vector<1x16xf32>,
            %get3A_1442 = vector.shape_cast %get3A_1441 : vector<1x16xf32> to vector<16xf32>
            %add3A_1443 = arith.constant 32 : i32
            %add3A_1444 = arith.addi %add3A_1428, %add3A_1443 : i32
            %get3A_1445 = arith.constant 1 : i32
            %get3A_1446 = arith.index_cast %get3A_1445 : i32 to index
            %get3A_1447 = arith.index_cast %add3A_1444 : i32 to index
            %get3A_1448 = tpu.vector_load %arg4[%get3A_1446, %get3A_1447] {strides = array<i32>} : memref<2x32768xf32, #tpu.memory_space<vmem>>, vector<1x16xf32>,
            %get3A_1449 = vector.shape_cast %get3A_1448 : vector<1x16xf32> to vector<16xf32>
            %add3A_1450 = arith.constant 48 : i32
            %add3A_1451 = arith.addi %add3A_1428, %add3A_1450 : i32
            %get3A_1452 = arith.constant 1 : i32
            %get3A_1453 = arith.index_cast %get3A_1452 : i32 to index
            %get3A_1454 = arith.index_cast %add3A_1451 : i32 to index
            %get3A_1455 = tpu.vector_load %arg4[%get3A_1453, %get3A_1454] {strides = array<i32>} : memref<2x32768xf32, #tpu.memory_space<vmem>>, vector<1x16xf32>,
            %get3A_1456 = vector.shape_cast %get3A_1455 : vector<1x16xf32> to vector<16xf32>
            %add3A_1457 = arith.constant 64 : i32
            %add3A_1458 = arith.addi %add3A_1428, %add3A_1457 : i32
            %get3A_1459 = arith.constant 1 : i32
            %get3A_1460 = arith.index_cast %get3A_1459 : i32 to index
            %get3A_1461 = arith.index_cast %add3A_1458 : i32 to index
            %get3A_1462 = tpu.vector_load %arg4[%get3A_1460, %get3A_1461] {strides = array<i32>} : memref<2x32768xf32, #tpu.memory_space<vmem>>, vector<1x16xf32>,
            %get3A_1463 = vector.shape_cast %get3A_1462 : vector<1x16xf32> to vector<16xf32>
            %add3A_1464 = arith.constant 80 : i32
            %add3A_1465 = arith.addi %add3A_1428, %add3A_1464 : i32
            %get3A_1466 = arith.constant 1 : i32
            %get3A_1467 = arith.index_cast %get3A_1466 : i32 to index
            %get3A_1468 = arith.index_cast %add3A_1465 : i32 to index
            %get3A_1469 = tpu.vector_load %arg4[%get3A_1467, %get3A_1468] {strides = array<i32>} : memref<2x32768xf32, #tpu.memory_space<vmem>>, vector<1x16xf32>,
            %get3A_1470 = vector.shape_cast %get3A_1469 : vector<1x16xf32> to vector<16xf32>
            %add3A_1471 = arith.constant 96 : i32
            %add3A_1472 = arith.addi %add3A_1428, %add3A_1471 : i32
            %get3A_1473 = arith.constant 1 : i32
            %get3A_1474 = arith.index_cast %get3A_1473 : i32 to index
            %get3A_1475 = arith.index_cast %add3A_1472 : i32 to index
            %get3A_1476 = tpu.vector_load %arg4[%get3A_1474, %get3A_1475] {strides = array<i32>} : memref<2x32768xf32, #tpu.memory_space<vmem>>, vector<1x16xf32>,
            %get3A_1477 = vector.shape_cast %get3A_1476 : vector<1x16xf32> to vector<16xf32>
            %add3A_1478 = arith.constant 112 : i32
            %add3A_1479 = arith.addi %add3A_1428, %add3A_1478 : i32
            %get3A_1480 = arith.constant 1 : i32
            %get3A_1481 = arith.index_cast %get3A_1480 : i32 to index
            %get3A_1482 = arith.index_cast %add3A_1479 : i32 to index
            %get3A_1483 = tpu.vector_load %arg4[%get3A_1481, %get3A_1482] {strides = array<i32>} : memref<2x32768xf32, #tpu.memory_space<vmem>>, vector<1x16xf32>,
            %get3A_1484 = vector.shape_cast %get3A_1483 : vector<1x16xf32> to vector<16xf32>
            %add3A_1485 = arith.constant 128 : i32
            %add3A_1486 = arith.addi %add3A_1428, %add3A_1485 : i32
            %get3A_1487 = arith.constant 1 : i32
            %get3A_1488 = arith.index_cast %get3A_1487 : i32 to index
            %get3A_1489 = arith.index_cast %add3A_1486 : i32 to index
            %get3A_1490 = tpu.vector_load %arg4[%get3A_1488, %get3A_1489] {strides = array<i32>} : memref<2x32768xf32, #tpu.memory_space<vmem>>, vector<1x16xf32>,
            %get3A_1491 = vector.shape_cast %get3A_1490 : vector<1x16xf32> to vector<16xf32>
            %add3A_1492 = arith.constant 144 : i32
            %add3A_1493 = arith.addi %add3A_1428, %add3A_1492 : i32
            %get3A_1494 = arith.constant 1 : i32
            %get3A_1495 = arith.index_cast %get3A_1494 : i32 to index
            %get3A_1496 = arith.index_cast %add3A_1493 : i32 to index
            %get3A_1497 = tpu.vector_load %arg4[%get3A_1495, %get3A_1496] {strides = array<i32>} : memref<2x32768xf32, #tpu.memory_space<vmem>>, vector<1x16xf32>,
            %get3A_1498 = vector.shape_cast %get3A_1497 : vector<1x16xf32> to vector<16xf32>
            %add3A_1499 = arith.constant 160 : i32
            %add3A_1500 = arith.addi %add3A_1428, %add3A_1499 : i32
            %get3A_1501 = arith.constant 1 : i32
            %get3A_1502 = arith.index_cast %get3A_1501 : i32 to index
            %get3A_1503 = arith.index_cast %add3A_1500 : i32 to index
            %get3A_1504 = tpu.vector_load %arg4[%get3A_1502, %get3A_1503] {strides = array<i32>} : memref<2x32768xf32, #tpu.memory_space<vmem>>, vector<1x16xf32>,
            %get3A_1505 = vector.shape_cast %get3A_1504 : vector<1x16xf32> to vector<16xf32>
            %add3A_1506 = arith.constant 176 : i32
            %add3A_1507 = arith.addi %add3A_1428, %add3A_1506 : i32
            %get3A_1508 = arith.constant 1 : i32
            %get3A_1509 = arith.index_cast %get3A_1508 : i32 to index
            %get3A_1510 = arith.index_cast %add3A_1507 : i32 to index
            %get3A_1511 = tpu.vector_load %arg4[%get3A_1509, %get3A_1510] {strides = array<i32>} : memref<2x32768xf32, #tpu.memory_space<vmem>>, vector<1x16xf32>,
            %get3A_1512 = vector.shape_cast %get3A_1511 : vector<1x16xf32> to vector<16xf32>
            %add3A_1513 = arith.constant 192 : i32
            %add3A_1514 = arith.addi %add3A_1428, %add3A_1513 : i32
            %get3A_1515 = arith.constant 1 : i32
            %get3A_1516 = arith.index_cast %get3A_1515 : i32 to index
            %get3A_1517 = arith.index_cast %add3A_1514 : i32 to index
            %get3A_1518 = tpu.vector_load %arg4[%get3A_1516, %get3A_1517] {strides = array<i32>} : memref<2x32768xf32, #tpu.memory_space<vmem>>, vector<1x16xf32>,
            %get3A_1519 = vector.shape_cast %get3A_1518 : vector<1x16xf32> to vector<16xf32>
            %add3A_1520 = arith.constant 208 : i32
            %add3A_1521 = arith.addi %add3A_1428, %add3A_1520 : i32
            %get3A_1522 = arith.constant 1 : i32
            %get3A_1523 = arith.index_cast %get3A_1522 : i32 to index
            %get3A_1524 = arith.index_cast %add3A_1521 : i32 to index
            %get3A_1525 = tpu.vector_load %arg4[%get3A_1523, %get3A_1524] {strides = array<i32>} : memref<2x32768xf32, #tpu.memory_space<vmem>>, vector<1x16xf32>,
            %get3A_1526 = vector.shape_cast %get3A_1525 : vector<1x16xf32> to vector<16xf32>
            %add3A_1527 = arith.constant 224 : i32
            %add3A_1528 = arith.addi %add3A_1428, %add3A_1527 : i32
            %get3A_1529 = arith.constant 1 : i32
            %get3A_1530 = arith.index_cast %get3A_1529 : i32 to index
            %get3A_1531 = arith.index_cast %add3A_1528 : i32 to index
            %get3A_1532 = tpu.vector_load %arg4[%get3A_1530, %get3A_1531] {strides = array<i32>} : memref<2x32768xf32, #tpu.memory_space<vmem>>, vector<1x16xf32>,
            %get3A_1533 = vector.shape_cast %get3A_1532 : vector<1x16xf32> to vector<16xf32>
            %add3A_1534 = arith.constant 240 : i32
            %add3A_1535 = arith.addi %add3A_1428, %add3A_1534 : i32
            %get3A_1536 = arith.constant 1 : i32
            %get3A_1537 = arith.index_cast %get3A_1536 : i32 to index
            %get3A_1538 = arith.index_cast %add3A_1535 : i32 to index
            %get3A_1539 = tpu.vector_load %arg4[%get3A_1537, %get3A_1538] {strides = array<i32>} : memref<2x32768xf32, #tpu.memory_space<vmem>>, vector<1x16xf32>,
            %get3A_1540 = vector.shape_cast %get3A_1539 : vector<1x16xf32> to vector<16xf32>
            %xor3A_1541 = arith.constant 1 : i32
            %xor3A_1542 = vector.broadcast %xor3A_1541 : i32 to vector<16xi32>
            %xor3A_1543 = arith.xori %iota3A, %xor3A_1542 : vector<16xi32>
            %lt3A_1544 = arith.constant 0 : i32
            %lt3A_1545 = vector.broadcast %lt3A_1544 : i32 to vector<16xi32>
            %lt3A_1546 = arith.cmpi slt, %xor3A_1543, %lt3A_1545 : vector<16xi32>
            %add3A_1547 = arith.constant 16 : i32
            %add3A_1548 = vector.broadcast %add3A_1547 : i32 to vector<16xi32>
            %add3A_1549 = arith.addi %xor3A_1543, %add3A_1548 : vector<16xi32>
            %select_n3A_1550 = arith.select %lt3A_1546, %add3A_1549, %xor3A_1543 : vector<16xi1>, vector<16xi32>
            %broadcast_in_dim3A_1551 = vector.shape_cast %select_n3A_1550 : vector<16xi32> to vector<16x1xi32>
            %gather3A_1552 = vector.shape_cast %broadcast_in_dim3A_1551 : vector<16x1xi32> to vector<16xi32>
            %gather3A_1553 = tpu.dynamic_gather %get3A_1435[%gather3A_1552] in [0] : vector<16xf32>, vector<16xi32> -> vector<16xf32>
            %max3A_1554 = arith.maximumf %get3A_1435, %gather3A_1553 : vector<16xf32>
            %xor3A_1555 = arith.constant 1 : i32
            %xor3A_1556 = vector.broadcast %xor3A_1555 : i32 to vector<16xi32>
            %xor3A_1557 = arith.xori %iota3A, %xor3A_1556 : vector<16xi32>
            %lt3A_1558 = arith.constant 0 : i32
            %lt3A_1559 = vector.broadcast %lt3A_1558 : i32 to vector<16xi32>
            %lt3A_1560 = arith.cmpi slt, %xor3A_1557, %lt3A_1559 : vector<16xi32>
            %add3A_1561 = arith.constant 16 : i32
            %add3A_1562 = vector.broadcast %add3A_1561 : i32 to vector<16xi32>
            %add3A_1563 = arith.addi %xor3A_1557, %add3A_1562 : vector<16xi32>
            %select_n3A_1564 = arith.select %lt3A_1560, %add3A_1563, %xor3A_1557 : vector<16xi1>, vector<16xi32>
            %broadcast_in_dim3A_1565 = vector.shape_cast %select_n3A_1564 : vector<16xi32> to vector<16x1xi32>
            %gather3A_1566 = vector.shape_cast %broadcast_in_dim3A_1565 : vector<16x1xi32> to vector<16xi32>
            %gather3A_1567 = tpu.dynamic_gather %get3A_1442[%gather3A_1566] in [0] : vector<16xf32>, vector<16xi32> -> vector<16xf32>
            %max3A_1568 = arith.maximumf %get3A_1442, %gather3A_1567 : vector<16xf32>
            %and3A_1569 = arith.constant 1 : i32
            %and3A_1570 = vector.broadcast %and3A_1569 : i32 to vector<16xi32>
            %and3A_1571 = arith.andi %iota3A, %and3A_1570 : vector<16xi32>
            %eq3A_1572 = arith.constant 0 : i32
            %eq3A_1573 = vector.broadcast %eq3A_1572 : i32 to vector<16xi32>
            %eq3A_1574 = arith.cmpi eq, %and3A_1571, %eq3A_1573 : vector<16xi32>
            %select_n3A_1575 = arith.select %eq3A_1574, %max3A_1554, %max3A_1568 : vector<16xi1>, vector<16xf32>
            %xor3A_1576 = arith.constant 1 : i32
            %xor3A_1577 = vector.broadcast %xor3A_1576 : i32 to vector<16xi32>
            %xor3A_1578 = arith.xori %iota3A, %xor3A_1577 : vector<16xi32>
            %lt3A_1579 = arith.constant 0 : i32
            %lt3A_1580 = vector.broadcast %lt3A_1579 : i32 to vector<16xi32>
            %lt3A_1581 = arith.cmpi slt, %xor3A_1578, %lt3A_1580 : vector<16xi32>
            %add3A_1582 = arith.constant 16 : i32
            %add3A_1583 = vector.broadcast %add3A_1582 : i32 to vector<16xi32>
            %add3A_1584 = arith.addi %xor3A_1578, %add3A_1583 : vector<16xi32>
            %select_n3A_1585 = arith.select %lt3A_1581, %add3A_1584, %xor3A_1578 : vector<16xi1>, vector<16xi32>
            %broadcast_in_dim3A_1586 = vector.shape_cast %select_n3A_1585 : vector<16xi32> to vector<16x1xi32>
            %gather3A_1587 = vector.shape_cast %broadcast_in_dim3A_1586 : vector<16x1xi32> to vector<16xi32>
            %gather3A_1588 = tpu.dynamic_gather %get3A_1449[%gather3A_1587] in [0] : vector<16xf32>, vector<16xi32> -> vector<16xf32>
            %max3A_1589 = arith.maximumf %get3A_1449, %gather3A_1588 : vector<16xf32>
            %xor3A_1590 = arith.constant 1 : i32
            %xor3A_1591 = vector.broadcast %xor3A_1590 : i32 to vector<16xi32>
            %xor3A_1592 = arith.xori %iota3A, %xor3A_1591 : vector<16xi32>
            %lt3A_1593 = arith.constant 0 : i32
            %lt3A_1594 = vector.broadcast %lt3A_1593 : i32 to vector<16xi32>
            %lt3A_1595 = arith.cmpi slt, %xor3A_1592, %lt3A_1594 : vector<16xi32>
            %add3A_1596 = arith.constant 16 : i32
            %add3A_1597 = vector.broadcast %add3A_1596 : i32 to vector<16xi32>
            %add3A_1598 = arith.addi %xor3A_1592, %add3A_1597 : vector<16xi32>
            %select_n3A_1599 = arith.select %lt3A_1595, %add3A_1598, %xor3A_1592 : vector<16xi1>, vector<16xi32>
            %broadcast_in_dim3A_1600 = vector.shape_cast %select_n3A_1599 : vector<16xi32> to vector<16x1xi32>
            %gather3A_1601 = vector.shape_cast %broadcast_in_dim3A_1600 : vector<16x1xi32> to vector<16xi32>
            %gather3A_1602 = tpu.dynamic_gather %get3A_1456[%gather3A_1601] in [0] : vector<16xf32>, vector<16xi32> -> vector<16xf32>
            %max3A_1603 = arith.maximumf %get3A_1456, %gather3A_1602 : vector<16xf32>
            %and3A_1604 = arith.constant 1 : i32
            %and3A_1605 = vector.broadcast %and3A_1604 : i32 to vector<16xi32>
            %and3A_1606 = arith.andi %iota3A, %and3A_1605 : vector<16xi32>
            %eq3A_1607 = arith.constant 0 : i32
            %eq3A_1608 = vector.broadcast %eq3A_1607 : i32 to vector<16xi32>
            %eq3A_1609 = arith.cmpi eq, %and3A_1606, %eq3A_1608 : vector<16xi32>
            %select_n3A_1610 = arith.select %eq3A_1609, %max3A_1589, %max3A_1603 : vector<16xi1>, vector<16xf32>
            %xor3A_1611 = arith.constant 1 : i32
            %xor3A_1612 = vector.broadcast %xor3A_1611 : i32 to vector<16xi32>
            %xor3A_1613 = arith.xori %iota3A, %xor3A_1612 : vector<16xi32>
            %lt3A_1614 = arith.constant 0 : i32
            %lt3A_1615 = vector.broadcast %lt3A_1614 : i32 to vector<16xi32>
            %lt3A_1616 = arith.cmpi slt, %xor3A_1613, %lt3A_1615 : vector<16xi32>
            %add3A_1617 = arith.constant 16 : i32
            %add3A_1618 = vector.broadcast %add3A_1617 : i32 to vector<16xi32>
            %add3A_1619 = arith.addi %xor3A_1613, %add3A_1618 : vector<16xi32>
            %select_n3A_1620 = arith.select %lt3A_1616, %add3A_1619, %xor3A_1613 : vector<16xi1>, vector<16xi32>
            %broadcast_in_dim3A_1621 = vector.shape_cast %select_n3A_1620 : vector<16xi32> to vector<16x1xi32>
            %gather3A_1622 = vector.shape_cast %broadcast_in_dim3A_1621 : vector<16x1xi32> to vector<16xi32>
            %gather3A_1623 = tpu.dynamic_gather %get3A_1463[%gather3A_1622] in [0] : vector<16xf32>, vector<16xi32> -> vector<16xf32>
            %max3A_1624 = arith.maximumf %get3A_1463, %gather3A_1623 : vector<16xf32>
            %xor3A_1625 = arith.constant 1 : i32
            %xor3A_1626 = vector.broadcast %xor3A_1625 : i32 to vector<16xi32>
            %xor3A_1627 = arith.xori %iota3A, %xor3A_1626 : vector<16xi32>
            %lt3A_1628 = arith.constant 0 : i32
            %lt3A_1629 = vector.broadcast %lt3A_1628 : i32 to vector<16xi32>
            %lt3A_1630 = arith.cmpi slt, %xor3A_1627, %lt3A_1629 : vector<16xi32>
            %add3A_1631 = arith.constant 16 : i32
            %add3A_1632 = vector.broadcast %add3A_1631 : i32 to vector<16xi32>
            %add3A_1633 = arith.addi %xor3A_1627, %add3A_1632 : vector<16xi32>
            %select_n3A_1634 = arith.select %lt3A_1630, %add3A_1633, %xor3A_1627 : vector<16xi1>, vector<16xi32>
            %broadcast_in_dim3A_1635 = vector.shape_cast %select_n3A_1634 : vector<16xi32> to vector<16x1xi32>
            %gather3A_1636 = vector.shape_cast %broadcast_in_dim3A_1635 : vector<16x1xi32> to vector<16xi32>
            %gather3A_1637 = tpu.dynamic_gather %get3A_1470[%gather3A_1636] in [0] : vector<16xf32>, vector<16xi32> -> vector<16xf32>
            %max3A_1638 = arith.maximumf %get3A_1470, %gather3A_1637 : vector<16xf32>
            %and3A_1639 = arith.constant 1 : i32
            %and3A_1640 = vector.broadcast %and3A_1639 : i32 to vector<16xi32>
            %and3A_1641 = arith.andi %iota3A, %and3A_1640 : vector<16xi32>
            %eq3A_1642 = arith.constant 0 : i32
            %eq3A_1643 = vector.broadcast %eq3A_1642 : i32 to vector<16xi32>
            %eq3A_1644 = arith.cmpi eq, %and3A_1641, %eq3A_1643 : vector<16xi32>
            %select_n3A_1645 = arith.select %eq3A_1644, %max3A_1624, %max3A_1638 : vector<16xi1>, vector<16xf32>
            %xor3A_1646 = arith.constant 1 : i32
            %xor3A_1647 = vector.broadcast %xor3A_1646 : i32 to vector<16xi32>
            %xor3A_1648 = arith.xori %iota3A, %xor3A_1647 : vector<16xi32>
            %lt3A_1649 = arith.constant 0 : i32
            %lt3A_1650 = vector.broadcast %lt3A_1649 : i32 to vector<16xi32>
            %lt3A_1651 = arith.cmpi slt, %xor3A_1648, %lt3A_1650 : vector<16xi32>
            %add3A_1652 = arith.constant 16 : i32
            %add3A_1653 = vector.broadcast %add3A_1652 : i32 to vector<16xi32>
            %add3A_1654 = arith.addi %xor3A_1648, %add3A_1653 : vector<16xi32>
            %select_n3A_1655 = arith.select %lt3A_1651, %add3A_1654, %xor3A_1648 : vector<16xi1>, vector<16xi32>
            %broadcast_in_dim3A_1656 = vector.shape_cast %select_n3A_1655 : vector<16xi32> to vector<16x1xi32>
            %gather3A_1657 = vector.shape_cast %broadcast_in_dim3A_1656 : vector<16x1xi32> to vector<16xi32>
            %gather3A_1658 = tpu.dynamic_gather %get3A_1477[%gather3A_1657] in [0] : vector<16xf32>, vector<16xi32> -> vector<16xf32>
            %max3A_1659 = arith.maximumf %get3A_1477, %gather3A_1658 : vector<16xf32>
            %xor3A_1660 = arith.constant 1 : i32
            %xor3A_1661 = vector.broadcast %xor3A_1660 : i32 to vector<16xi32>
            %xor3A_1662 = arith.xori %iota3A, %xor3A_1661 : vector<16xi32>
            %lt3A_1663 = arith.constant 0 : i32
            %lt3A_1664 = vector.broadcast %lt3A_1663 : i32 to vector<16xi32>
            %lt3A_1665 = arith.cmpi slt, %xor3A_1662, %lt3A_1664 : vector<16xi32>
            %add3A_1666 = arith.constant 16 : i32
            %add3A_1667 = vector.broadcast %add3A_1666 : i32 to vector<16xi32>
            %add3A_1668 = arith.addi %xor3A_1662, %add3A_1667 : vector<16xi32>
            %select_n3A_1669 = arith.select %lt3A_1665, %add3A_1668, %xor3A_1662 : vector<16xi1>, vector<16xi32>
            %broadcast_in_dim3A_1670 = vector.shape_cast %select_n3A_1669 : vector<16xi32> to vector<16x1xi32>
            %gather3A_1671 = vector.shape_cast %broadcast_in_dim3A_1670 : vector<16x1xi32> to vector<16xi32>
            %gather3A_1672 = tpu.dynamic_gather %get3A_1484[%gather3A_1671] in [0] : vector<16xf32>, vector<16xi32> -> vector<16xf32>
            %max3A_1673 = arith.maximumf %get3A_1484, %gather3A_1672 : vector<16xf32>
            %and3A_1674 = arith.constant 1 : i32
            %and3A_1675 = vector.broadcast %and3A_1674 : i32 to vector<16xi32>
            %and3A_1676 = arith.andi %iota3A, %and3A_1675 : vector<16xi32>
            %eq3A_1677 = arith.constant 0 : i32
            %eq3A_1678 = vector.broadcast %eq3A_1677 : i32 to vector<16xi32>
            %eq3A_1679 = arith.cmpi eq, %and3A_1676, %eq3A_1678 : vector<16xi32>
            %select_n3A_1680 = arith.select %eq3A_1679, %max3A_1659, %max3A_1673 : vector<16xi1>, vector<16xf32>
            %xor3A_1681 = arith.constant 1 : i32
            %xor3A_1682 = vector.broadcast %xor3A_1681 : i32 to vector<16xi32>
            %xor3A_1683 = arith.xori %iota3A, %xor3A_1682 : vector<16xi32>
            %lt3A_1684 = arith.constant 0 : i32
            %lt3A_1685 = vector.broadcast %lt3A_1684 : i32 to vector<16xi32>
            %lt3A_1686 = arith.cmpi slt, %xor3A_1683, %lt3A_1685 : vector<16xi32>
            %add3A_1687 = arith.constant 16 : i32
            %add3A_1688 = vector.broadcast %add3A_1687 : i32 to vector<16xi32>
            %add3A_1689 = arith.addi %xor3A_1683, %add3A_1688 : vector<16xi32>
            %select_n3A_1690 = arith.select %lt3A_1686, %add3A_1689, %xor3A_1683 : vector<16xi1>, vector<16xi32>
            %broadcast_in_dim3A_1691 = vector.shape_cast %select_n3A_1690 : vector<16xi32> to vector<16x1xi32>
            %gather3A_1692 = vector.shape_cast %broadcast_in_dim3A_1691 : vector<16x1xi32> to vector<16xi32>
            %gather3A_1693 = tpu.dynamic_gather %get3A_1491[%gather3A_1692] in [0] : vector<16xf32>, vector<16xi32> -> vector<16xf32>
            %max3A_1694 = arith.maximumf %get3A_1491, %gather3A_1693 : vector<16xf32>
            %xor3A_1695 = arith.constant 1 : i32
            %xor3A_1696 = vector.broadcast %xor3A_1695 : i32 to vector<16xi32>
            %xor3A_1697 = arith.xori %iota3A, %xor3A_1696 : vector<16xi32>
            %lt3A_1698 = arith.constant 0 : i32
            %lt3A_1699 = vector.broadcast %lt3A_1698 : i32 to vector<16xi32>
            %lt3A_1700 = arith.cmpi slt, %xor3A_1697, %lt3A_1699 : vector<16xi32>
            %add3A_1701 = arith.constant 16 : i32
            %add3A_1702 = vector.broadcast %add3A_1701 : i32 to vector<16xi32>
            %add3A_1703 = arith.addi %xor3A_1697, %add3A_1702 : vector<16xi32>
            %select_n3A_1704 = arith.select %lt3A_1700, %add3A_1703, %xor3A_1697 : vector<16xi1>, vector<16xi32>
            %broadcast_in_dim3A_1705 = vector.shape_cast %select_n3A_1704 : vector<16xi32> to vector<16x1xi32>
            %gather3A_1706 = vector.shape_cast %broadcast_in_dim3A_1705 : vector<16x1xi32> to vector<16xi32>
            %gather3A_1707 = tpu.dynamic_gather %get3A_1498[%gather3A_1706] in [0] : vector<16xf32>, vector<16xi32> -> vector<16xf32>
            %max3A_1708 = arith.maximumf %get3A_1498, %gather3A_1707 : vector<16xf32>
            %and3A_1709 = arith.constant 1 : i32
            %and3A_1710 = vector.broadcast %and3A_1709 : i32 to vector<16xi32>
            %and3A_1711 = arith.andi %iota3A, %and3A_1710 : vector<16xi32>
            %eq3A_1712 = arith.constant 0 : i32
            %eq3A_1713 = vector.broadcast %eq3A_1712 : i32 to vector<16xi32>
            %eq3A_1714 = arith.cmpi eq, %and3A_1711, %eq3A_1713 : vector<16xi32>
            %select_n3A_1715 = arith.select %eq3A_1714, %max3A_1694, %max3A_1708 : vector<16xi1>, vector<16xf32>
            %xor3A_1716 = arith.constant 1 : i32
            %xor3A_1717 = vector.broadcast %xor3A_1716 : i32 to vector<16xi32>
            %xor3A_1718 = arith.xori %iota3A, %xor3A_1717 : vector<16xi32>
            %lt3A_1719 = arith.constant 0 : i32
            %lt3A_1720 = vector.broadcast %lt3A_1719 : i32 to vector<16xi32>
            %lt3A_1721 = arith.cmpi slt, %xor3A_1718, %lt3A_1720 : vector<16xi32>
            %add3A_1722 = arith.constant 16 : i32
            %add3A_1723 = vector.broadcast %add3A_1722 : i32 to vector<16xi32>
            %add3A_1724 = arith.addi %xor3A_1718, %add3A_1723 : vector<16xi32>
            %select_n3A_1725 = arith.select %lt3A_1721, %add3A_1724, %xor3A_1718 : vector<16xi1>, vector<16xi32>
            %broadcast_in_dim3A_1726 = vector.shape_cast %select_n3A_1725 : vector<16xi32> to vector<16x1xi32>
            %gather3A_1727 = vector.shape_cast %broadcast_in_dim3A_1726 : vector<16x1xi32> to vector<16xi32>
            %gather3A_1728 = tpu.dynamic_gather %get3A_1505[%gather3A_1727] in [0] : vector<16xf32>, vector<16xi32> -> vector<16xf32>
            %max3A_1729 = arith.maximumf %get3A_1505, %gather3A_1728 : vector<16xf32>
            %xor3A_1730 = arith.constant 1 : i32
            %xor3A_1731 = vector.broadcast %xor3A_1730 : i32 to vector<16xi32>
            %xor3A_1732 = arith.xori %iota3A, %xor3A_1731 : vector<16xi32>
            %lt3A_1733 = arith.constant 0 : i32
            %lt3A_1734 = vector.broadcast %lt3A_1733 : i32 to vector<16xi32>
            %lt3A_1735 = arith.cmpi slt, %xor3A_1732, %lt3A_1734 : vector<16xi32>
            %add3A_1736 = arith.constant 16 : i32
            %add3A_1737 = vector.broadcast %add3A_1736 : i32 to vector<16xi32>
            %add3A_1738 = arith.addi %xor3A_1732, %add3A_1737 : vector<16xi32>
            %select_n3A_1739 = arith.select %lt3A_1735, %add3A_1738, %xor3A_1732 : vector<16xi1>, vector<16xi32>
            %broadcast_in_dim3A_1740 = vector.shape_cast %select_n3A_1739 : vector<16xi32> to vector<16x1xi32>
            %gather3A_1741 = vector.shape_cast %broadcast_in_dim3A_1740 : vector<16x1xi32> to vector<16xi32>
            %gather3A_1742 = tpu.dynamic_gather %get3A_1512[%gather3A_1741] in [0] : vector<16xf32>, vector<16xi32> -> vector<16xf32>
            %max3A_1743 = arith.maximumf %get3A_1512, %gather3A_1742 : vector<16xf32>
            %and3A_1744 = arith.constant 1 : i32
            %and3A_1745 = vector.broadcast %and3A_1744 : i32 to vector<16xi32>
            %and3A_1746 = arith.andi %iota3A, %and3A_1745 : vector<16xi32>
            %eq3A_1747 = arith.constant 0 : i32
            %eq3A_1748 = vector.broadcast %eq3A_1747 : i32 to vector<16xi32>
            %eq3A_1749 = arith.cmpi eq, %and3A_1746, %eq3A_1748 : vector<16xi32>
            %select_n3A_1750 = arith.select %eq3A_1749, %max3A_1729, %max3A_1743 : vector<16xi1>, vector<16xf32>
            %xor3A_1751 = arith.constant 1 : i32
            %xor3A_1752 = vector.broadcast %xor3A_1751 : i32 to vector<16xi32>
            %xor3A_1753 = arith.xori %iota3A, %xor3A_1752 : vector<16xi32>
            %lt3A_1754 = arith.constant 0 : i32
            %lt3A_1755 = vector.broadcast %lt3A_1754 : i32 to vector<16xi32>
            %lt3A_1756 = arith.cmpi slt, %xor3A_1753, %lt3A_1755 : vector<16xi32>
            %add3A_1757 = arith.constant 16 : i32
            %add3A_1758 = vector.broadcast %add3A_1757 : i32 to vector<16xi32>
            %add3A_1759 = arith.addi %xor3A_1753, %add3A_1758 : vector<16xi32>
            %select_n3A_1760 = arith.select %lt3A_1756, %add3A_1759, %xor3A_1753 : vector<16xi1>, vector<16xi32>
            %broadcast_in_dim3A_1761 = vector.shape_cast %select_n3A_1760 : vector<16xi32> to vector<16x1xi32>
            %gather3A_1762 = vector.shape_cast %broadcast_in_dim3A_1761 : vector<16x1xi32> to vector<16xi32>
            %gather3A_1763 = tpu.dynamic_gather %get3A_1519[%gather3A_1762] in [0] : vector<16xf32>, vector<16xi32> -> vector<16xf32>
            %max3A_1764 = arith.maximumf %get3A_1519, %gather3A_1763 : vector<16xf32>
            %xor3A_1765 = arith.constant 1 : i32
            %xor3A_1766 = vector.broadcast %xor3A_1765 : i32 to vector<16xi32>
            %xor3A_1767 = arith.xori %iota3A, %xor3A_1766 : vector<16xi32>
            %lt3A_1768 = arith.constant 0 : i32
            %lt3A_1769 = vector.broadcast %lt3A_1768 : i32 to vector<16xi32>
            %lt3A_1770 = arith.cmpi slt, %xor3A_1767, %lt3A_1769 : vector<16xi32>
            %add3A_1771 = arith.constant 16 : i32
            %add3A_1772 = vector.broadcast %add3A_1771 : i32 to vector<16xi32>
            %add3A_1773 = arith.addi %xor3A_1767, %add3A_1772 : vector<16xi32>
            %select_n3A_1774 = arith.select %lt3A_1770, %add3A_1773, %xor3A_1767 : vector<16xi1>, vector<16xi32>
            %broadcast_in_dim3A_1775 = vector.shape_cast %select_n3A_1774 : vector<16xi32> to vector<16x1xi32>
            %gather3A_1776 = vector.shape_cast %broadcast_in_dim3A_1775 : vector<16x1xi32> to vector<16xi32>
            %gather3A_1777 = tpu.dynamic_gather %get3A_1526[%gather3A_1776] in [0] : vector<16xf32>, vector<16xi32> -> vector<16xf32>
            %max3A_1778 = arith.maximumf %get3A_1526, %gather3A_1777 : vector<16xf32>
            %and3A_1779 = arith.constant 1 : i32
            %and3A_1780 = vector.broadcast %and3A_1779 : i32 to vector<16xi32>
            %and3A_1781 = arith.andi %iota3A, %and3A_1780 : vector<16xi32>
            %eq3A_1782 = arith.constant 0 : i32
            %eq3A_1783 = vector.broadcast %eq3A_1782 : i32 to vector<16xi32>
            %eq3A_1784 = arith.cmpi eq, %and3A_1781, %eq3A_1783 : vector<16xi32>
            %select_n3A_1785 = arith.select %eq3A_1784, %max3A_1764, %max3A_1778 : vector<16xi1>, vector<16xf32>
            %xor3A_1786 = arith.constant 1 : i32
            %xor3A_1787 = vector.broadcast %xor3A_1786 : i32 to vector<16xi32>
            %xor3A_1788 = arith.xori %iota3A, %xor3A_1787 : vector<16xi32>
            %lt3A_1789 = arith.constant 0 : i32
            %lt3A_1790 = vector.broadcast %lt3A_1789 : i32 to vector<16xi32>
            %lt3A_1791 = arith.cmpi slt, %xor3A_1788, %lt3A_1790 : vector<16xi32>
            %add3A_1792 = arith.constant 16 : i32
            %add3A_1793 = vector.broadcast %add3A_1792 : i32 to vector<16xi32>
            %add3A_1794 = arith.addi %xor3A_1788, %add3A_1793 : vector<16xi32>
            %select_n3A_1795 = arith.select %lt3A_1791, %add3A_1794, %xor3A_1788 : vector<16xi1>, vector<16xi32>
            %broadcast_in_dim3A_1796 = vector.shape_cast %select_n3A_1795 : vector<16xi32> to vector<16x1xi32>
            %gather3A_1797 = vector.shape_cast %broadcast_in_dim3A_1796 : vector<16x1xi32> to vector<16xi32>
            %gather3A_1798 = tpu.dynamic_gather %get3A_1533[%gather3A_1797] in [0] : vector<16xf32>, vector<16xi32> -> vector<16xf32>
            %max3A_1799 = arith.maximumf %get3A_1533, %gather3A_1798 : vector<16xf32>
            %xor3A_1800 = arith.constant 1 : i32
            %xor3A_1801 = vector.broadcast %xor3A_1800 : i32 to vector<16xi32>
            %xor3A_1802 = arith.xori %iota3A, %xor3A_1801 : vector<16xi32>
            %lt3A_1803 = arith.constant 0 : i32
            %lt3A_1804 = vector.broadcast %lt3A_1803 : i32 to vector<16xi32>
            %lt3A_1805 = arith.cmpi slt, %xor3A_1802, %lt3A_1804 : vector<16xi32>
            %add3A_1806 = arith.constant 16 : i32
            %add3A_1807 = vector.broadcast %add3A_1806 : i32 to vector<16xi32>
            %add3A_1808 = arith.addi %xor3A_1802, %add3A_1807 : vector<16xi32>
            %select_n3A_1809 = arith.select %lt3A_1805, %add3A_1808, %xor3A_1802 : vector<16xi1>, vector<16xi32>
            %broadcast_in_dim3A_1810 = vector.shape_cast %select_n3A_1809 : vector<16xi32> to vector<16x1xi32>
            %gather3A_1811 = vector.shape_cast %broadcast_in_dim3A_1810 : vector<16x1xi32> to vector<16xi32>
            %gather3A_1812 = tpu.dynamic_gather %get3A_1540[%gather3A_1811] in [0] : vector<16xf32>, vector<16xi32> -> vector<16xf32>
            %max3A_1813 = arith.maximumf %get3A_1540, %gather3A_1812 : vector<16xf32>
            %and3A_1814 = arith.constant 1 : i32
            %and3A_1815 = vector.broadcast %and3A_1814 : i32 to vector<16xi32>
            %and3A_1816 = arith.andi %iota3A, %and3A_1815 : vector<16xi32>
            %eq3A_1817 = arith.constant 0 : i32
            %eq3A_1818 = vector.broadcast %eq3A_1817 : i32 to vector<16xi32>
            %eq3A_1819 = arith.cmpi eq, %and3A_1816, %eq3A_1818 : vector<16xi32>
            %select_n3A_1820 = arith.select %eq3A_1819, %max3A_1799, %max3A_1813 : vector<16xi1>, vector<16xf32>
            %xor3A_1821 = arith.constant 2 : i32
            %xor3A_1822 = vector.broadcast %xor3A_1821 : i32 to vector<16xi32>
            %xor3A_1823 = arith.xori %iota3A, %xor3A_1822 : vector<16xi32>
            %lt3A_1824 = arith.constant 0 : i32
            %lt3A_1825 = vector.broadcast %lt3A_1824 : i32 to vector<16xi32>
            %lt3A_1826 = arith.cmpi slt, %xor3A_1823, %lt3A_1825 : vector<16xi32>
            %add3A_1827 = arith.constant 16 : i32
            %add3A_1828 = vector.broadcast %add3A_1827 : i32 to vector<16xi32>
            %add3A_1829 = arith.addi %xor3A_1823, %add3A_1828 : vector<16xi32>
            %select_n3A_1830 = arith.select %lt3A_1826, %add3A_1829, %xor3A_1823 : vector<16xi1>, vector<16xi32>
            %broadcast_in_dim3A_1831 = vector.shape_cast %select_n3A_1830 : vector<16xi32> to vector<16x1xi32>
            %gather3A_1832 = vector.shape_cast %broadcast_in_dim3A_1831 : vector<16x1xi32> to vector<16xi32>
            %gather3A_1833 = tpu.dynamic_gather %select_n3A_1575[%gather3A_1832] in [0] : vector<16xf32>, vector<16xi32> -> vector<16xf32>
            %max3A_1834 = arith.maximumf %select_n3A_1575, %gather3A_1833 : vector<16xf32>
            %xor3A_1835 = arith.constant 2 : i32
            %xor3A_1836 = vector.broadcast %xor3A_1835 : i32 to vector<16xi32>
            %xor3A_1837 = arith.xori %iota3A, %xor3A_1836 : vector<16xi32>
            %lt3A_1838 = arith.constant 0 : i32
            %lt3A_1839 = vector.broadcast %lt3A_1838 : i32 to vector<16xi32>
            %lt3A_1840 = arith.cmpi slt, %xor3A_1837, %lt3A_1839 : vector<16xi32>
            %add3A_1841 = arith.constant 16 : i32
            %add3A_1842 = vector.broadcast %add3A_1841 : i32 to vector<16xi32>
            %add3A_1843 = arith.addi %xor3A_1837, %add3A_1842 : vector<16xi32>
            %select_n3A_1844 = arith.select %lt3A_1840, %add3A_1843, %xor3A_1837 : vector<16xi1>, vector<16xi32>
            %broadcast_in_dim3A_1845 = vector.shape_cast %select_n3A_1844 : vector<16xi32> to vector<16x1xi32>
            %gather3A_1846 = vector.shape_cast %broadcast_in_dim3A_1845 : vector<16x1xi32> to vector<16xi32>
            %gather3A_1847 = tpu.dynamic_gather %select_n3A_1610[%gather3A_1846] in [0] : vector<16xf32>, vector<16xi32> -> vector<16xf32>
            %max3A_1848 = arith.maximumf %select_n3A_1610, %gather3A_1847 : vector<16xf32>
            %and3A_1849 = arith.constant 2 : i32
            %and3A_1850 = vector.broadcast %and3A_1849 : i32 to vector<16xi32>
            %and3A_1851 = arith.andi %iota3A, %and3A_1850 : vector<16xi32>
            %eq3A_1852 = arith.constant 0 : i32
            %eq3A_1853 = vector.broadcast %eq3A_1852 : i32 to vector<16xi32>
            %eq3A_1854 = arith.cmpi eq, %and3A_1851, %eq3A_1853 : vector<16xi32>
            %select_n3A_1855 = arith.select %eq3A_1854, %max3A_1834, %max3A_1848 : vector<16xi1>, vector<16xf32>
            %xor3A_1856 = arith.constant 2 : i32
            %xor3A_1857 = vector.broadcast %xor3A_1856 : i32 to vector<16xi32>
            %xor3A_1858 = arith.xori %iota3A, %xor3A_1857 : vector<16xi32>
            %lt3A_1859 = arith.constant 0 : i32
            %lt3A_1860 = vector.broadcast %lt3A_1859 : i32 to vector<16xi32>
            %lt3A_1861 = arith.cmpi slt, %xor3A_1858, %lt3A_1860 : vector<16xi32>
            %add3A_1862 = arith.constant 16 : i32
            %add3A_1863 = vector.broadcast %add3A_1862 : i32 to vector<16xi32>
            %add3A_1864 = arith.addi %xor3A_1858, %add3A_1863 : vector<16xi32>
            %select_n3A_1865 = arith.select %lt3A_1861, %add3A_1864, %xor3A_1858 : vector<16xi1>, vector<16xi32>
            %broadcast_in_dim3A_1866 = vector.shape_cast %select_n3A_1865 : vector<16xi32> to vector<16x1xi32>
            %gather3A_1867 = vector.shape_cast %broadcast_in_dim3A_1866 : vector<16x1xi32> to vector<16xi32>
            %gather3A_1868 = tpu.dynamic_gather %select_n3A_1645[%gather3A_1867] in [0] : vector<16xf32>, vector<16xi32> -> vector<16xf32>
            %max3A_1869 = arith.maximumf %select_n3A_1645, %gather3A_1868 : vector<16xf32>
            %xor3A_1870 = arith.constant 2 : i32
            %xor3A_1871 = vector.broadcast %xor3A_1870 : i32 to vector<16xi32>
            %xor3A_1872 = arith.xori %iota3A, %xor3A_1871 : vector<16xi32>
            %lt3A_1873 = arith.constant 0 : i32
            %lt3A_1874 = vector.broadcast %lt3A_1873 : i32 to vector<16xi32>
            %lt3A_1875 = arith.cmpi slt, %xor3A_1872, %lt3A_1874 : vector<16xi32>
            %add3A_1876 = arith.constant 16 : i32
            %add3A_1877 = vector.broadcast %add3A_1876 : i32 to vector<16xi32>
            %add3A_1878 = arith.addi %xor3A_1872, %add3A_1877 : vector<16xi32>
            %select_n3A_1879 = arith.select %lt3A_1875, %add3A_1878, %xor3A_1872 : vector<16xi1>, vector<16xi32>
            %broadcast_in_dim3A_1880 = vector.shape_cast %select_n3A_1879 : vector<16xi32> to vector<16x1xi32>
            %gather3A_1881 = vector.shape_cast %broadcast_in_dim3A_1880 : vector<16x1xi32> to vector<16xi32>
            %gather3A_1882 = tpu.dynamic_gather %select_n3A_1680[%gather3A_1881] in [0] : vector<16xf32>, vector<16xi32> -> vector<16xf32>
            %max3A_1883 = arith.maximumf %select_n3A_1680, %gather3A_1882 : vector<16xf32>
            %and3A_1884 = arith.constant 2 : i32
            %and3A_1885 = vector.broadcast %and3A_1884 : i32 to vector<16xi32>
            %and3A_1886 = arith.andi %iota3A, %and3A_1885 : vector<16xi32>
            %eq3A_1887 = arith.constant 0 : i32
            %eq3A_1888 = vector.broadcast %eq3A_1887 : i32 to vector<16xi32>
            %eq3A_1889 = arith.cmpi eq, %and3A_1886, %eq3A_1888 : vector<16xi32>
            %select_n3A_1890 = arith.select %eq3A_1889, %max3A_1869, %max3A_1883 : vector<16xi1>, vector<16xf32>
            %xor3A_1891 = arith.constant 2 : i32
            %xor3A_1892 = vector.broadcast %xor3A_1891 : i32 to vector<16xi32>
            %xor3A_1893 = arith.xori %iota3A, %xor3A_1892 : vector<16xi32>
            %lt3A_1894 = arith.constant 0 : i32
            %lt3A_1895 = vector.broadcast %lt3A_1894 : i32 to vector<16xi32>
            %lt3A_1896 = arith.cmpi slt, %xor3A_1893, %lt3A_1895 : vector<16xi32>
            %add3A_1897 = arith.constant 16 : i32
            %add3A_1898 = vector.broadcast %add3A_1897 : i32 to vector<16xi32>
            %add3A_1899 = arith.addi %xor3A_1893, %add3A_1898 : vector<16xi32>
            %select_n3A_1900 = arith.select %lt3A_1896, %add3A_1899, %xor3A_1893 : vector<16xi1>, vector<16xi32>
            %broadcast_in_dim3A_1901 = vector.shape_cast %select_n3A_1900 : vector<16xi32> to vector<16x1xi32>
            %gather3A_1902 = vector.shape_cast %broadcast_in_dim3A_1901 : vector<16x1xi32> to vector<16xi32>
            %gather3A_1903 = tpu.dynamic_gather %select_n3A_1715[%gather3A_1902] in [0] : vector<16xf32>, vector<16xi32> -> vector<16xf32>
            %max3A_1904 = arith.maximumf %select_n3A_1715, %gather3A_1903 : vector<16xf32>
            %xor3A_1905 = arith.constant 2 : i32
            %xor3A_1906 = vector.broadcast %xor3A_1905 : i32 to vector<16xi32>
            %xor3A_1907 = arith.xori %iota3A, %xor3A_1906 : vector<16xi32>
            %lt3A_1908 = arith.constant 0 : i32
            %lt3A_1909 = vector.broadcast %lt3A_1908 : i32 to vector<16xi32>
            %lt3A_1910 = arith.cmpi slt, %xor3A_1907, %lt3A_1909 : vector<16xi32>
            %add3A_1911 = arith.constant 16 : i32
            %add3A_1912 = vector.broadcast %add3A_1911 : i32 to vector<16xi32>
            %add3A_1913 = arith.addi %xor3A_1907, %add3A_1912 : vector<16xi32>
            %select_n3A_1914 = arith.select %lt3A_1910, %add3A_1913, %xor3A_1907 : vector<16xi1>, vector<16xi32>
            %broadcast_in_dim3A_1915 = vector.shape_cast %select_n3A_1914 : vector<16xi32> to vector<16x1xi32>
            %gather3A_1916 = vector.shape_cast %broadcast_in_dim3A_1915 : vector<16x1xi32> to vector<16xi32>
            %gather3A_1917 = tpu.dynamic_gather %select_n3A_1750[%gather3A_1916] in [0] : vector<16xf32>, vector<16xi32> -> vector<16xf32>
            %max3A_1918 = arith.maximumf %select_n3A_1750, %gather3A_1917 : vector<16xf32>
            %and3A_1919 = arith.constant 2 : i32
            %and3A_1920 = vector.broadcast %and3A_1919 : i32 to vector<16xi32>
            %and3A_1921 = arith.andi %iota3A, %and3A_1920 : vector<16xi32>
            %eq3A_1922 = arith.constant 0 : i32
            %eq3A_1923 = vector.broadcast %eq3A_1922 : i32 to vector<16xi32>
            %eq3A_1924 = arith.cmpi eq, %and3A_1921, %eq3A_1923 : vector<16xi32>
            %select_n3A_1925 = arith.select %eq3A_1924, %max3A_1904, %max3A_1918 : vector<16xi1>, vector<16xf32>
            %xor3A_1926 = arith.constant 2 : i32
            %xor3A_1927 = vector.broadcast %xor3A_1926 : i32 to vector<16xi32>
            %xor3A_1928 = arith.xori %iota3A, %xor3A_1927 : vector<16xi32>
            %lt3A_1929 = arith.constant 0 : i32
            %lt3A_1930 = vector.broadcast %lt3A_1929 : i32 to vector<16xi32>
            %lt3A_1931 = arith.cmpi slt, %xor3A_1928, %lt3A_1930 : vector<16xi32>
            %add3A_1932 = arith.constant 16 : i32
            %add3A_1933 = vector.broadcast %add3A_1932 : i32 to vector<16xi32>
            %add3A_1934 = arith.addi %xor3A_1928, %add3A_1933 : vector<16xi32>
            %select_n3A_1935 = arith.select %lt3A_1931, %add3A_1934, %xor3A_1928 : vector<16xi1>, vector<16xi32>
            %broadcast_in_dim3A_1936 = vector.shape_cast %select_n3A_1935 : vector<16xi32> to vector<16x1xi32>
            %gather3A_1937 = vector.shape_cast %broadcast_in_dim3A_1936 : vector<16x1xi32> to vector<16xi32>
            %gather3A_1938 = tpu.dynamic_gather %select_n3A_1785[%gather3A_1937] in [0] : vector<16xf32>, vector<16xi32> -> vector<16xf32>
            %max3A_1939 = arith.maximumf %select_n3A_1785, %gather3A_1938 : vector<16xf32>
            %xor3A_1940 = arith.constant 2 : i32
            %xor3A_1941 = vector.broadcast %xor3A_1940 : i32 to vector<16xi32>
            %xor3A_1942 = arith.xori %iota3A, %xor3A_1941 : vector<16xi32>
            %lt3A_1943 = arith.constant 0 : i32
            %lt3A_1944 = vector.broadcast %lt3A_1943 : i32 to vector<16xi32>
            %lt3A_1945 = arith.cmpi slt, %xor3A_1942, %lt3A_1944 : vector<16xi32>
            %add3A_1946 = arith.constant 16 : i32
            %add3A_1947 = vector.broadcast %add3A_1946 : i32 to vector<16xi32>
            %add3A_1948 = arith.addi %xor3A_1942, %add3A_1947 : vector<16xi32>
            %select_n3A_1949 = arith.select %lt3A_1945, %add3A_1948, %xor3A_1942 : vector<16xi1>, vector<16xi32>
            %broadcast_in_dim3A_1950 = vector.shape_cast %select_n3A_1949 : vector<16xi32> to vector<16x1xi32>
            %gather3A_1951 = vector.shape_cast %broadcast_in_dim3A_1950 : vector<16x1xi32> to vector<16xi32>
            %gather3A_1952 = tpu.dynamic_gather %select_n3A_1820[%gather3A_1951] in [0] : vector<16xf32>, vector<16xi32> -> vector<16xf32>
            %max3A_1953 = arith.maximumf %select_n3A_1820, %gather3A_1952 : vector<16xf32>
            %and3A_1954 = arith.constant 2 : i32
            %and3A_1955 = vector.broadcast %and3A_1954 : i32 to vector<16xi32>
            %and3A_1956 = arith.andi %iota3A, %and3A_1955 : vector<16xi32>
            %eq3A_1957 = arith.constant 0 : i32
            %eq3A_1958 = vector.broadcast %eq3A_1957 : i32 to vector<16xi32>
            %eq3A_1959 = arith.cmpi eq, %and3A_1956, %eq3A_1958 : vector<16xi32>
            %select_n3A_1960 = arith.select %eq3A_1959, %max3A_1939, %max3A_1953 : vector<16xi1>, vector<16xf32>
            %xor3A_1961 = arith.constant 4 : i32
            %xor3A_1962 = vector.broadcast %xor3A_1961 : i32 to vector<16xi32>
            %xor3A_1963 = arith.xori %iota3A, %xor3A_1962 : vector<16xi32>
            %lt3A_1964 = arith.constant 0 : i32
            %lt3A_1965 = vector.broadcast %lt3A_1964 : i32 to vector<16xi32>
            %lt3A_1966 = arith.cmpi slt, %xor3A_1963, %lt3A_1965 : vector<16xi32>
            %add3A_1967 = arith.constant 16 : i32
            %add3A_1968 = vector.broadcast %add3A_1967 : i32 to vector<16xi32>
            %add3A_1969 = arith.addi %xor3A_1963, %add3A_1968 : vector<16xi32>
            %select_n3A_1970 = arith.select %lt3A_1966, %add3A_1969, %xor3A_1963 : vector<16xi1>, vector<16xi32>
            %broadcast_in_dim3A_1971 = vector.shape_cast %select_n3A_1970 : vector<16xi32> to vector<16x1xi32>
            %gather3A_1972 = vector.shape_cast %broadcast_in_dim3A_1971 : vector<16x1xi32> to vector<16xi32>
            %gather3A_1973 = tpu.dynamic_gather %select_n3A_1855[%gather3A_1972] in [0] : vector<16xf32>, vector<16xi32> -> vector<16xf32>
            %max3A_1974 = arith.maximumf %select_n3A_1855, %gather3A_1973 : vector<16xf32>
            %xor3A_1975 = arith.constant 4 : i32
            %xor3A_1976 = vector.broadcast %xor3A_1975 : i32 to vector<16xi32>
            %xor3A_1977 = arith.xori %iota3A, %xor3A_1976 : vector<16xi32>
            %lt3A_1978 = arith.constant 0 : i32
            %lt3A_1979 = vector.broadcast %lt3A_1978 : i32 to vector<16xi32>
            %lt3A_1980 = arith.cmpi slt, %xor3A_1977, %lt3A_1979 : vector<16xi32>
            %add3A_1981 = arith.constant 16 : i32
            %add3A_1982 = vector.broadcast %add3A_1981 : i32 to vector<16xi32>
            %add3A_1983 = arith.addi %xor3A_1977, %add3A_1982 : vector<16xi32>
            %select_n3A_1984 = arith.select %lt3A_1980, %add3A_1983, %xor3A_1977 : vector<16xi1>, vector<16xi32>
            %broadcast_in_dim3A_1985 = vector.shape_cast %select_n3A_1984 : vector<16xi32> to vector<16x1xi32>
            %gather3A_1986 = vector.shape_cast %broadcast_in_dim3A_1985 : vector<16x1xi32> to vector<16xi32>
            %gather3A_1987 = tpu.dynamic_gather %select_n3A_1890[%gather3A_1986] in [0] : vector<16xf32>, vector<16xi32> -> vector<16xf32>
            %max3A_1988 = arith.maximumf %select_n3A_1890, %gather3A_1987 : vector<16xf32>
            %and3A_1989 = arith.constant 4 : i32
            %and3A_1990 = vector.broadcast %and3A_1989 : i32 to vector<16xi32>
            %and3A_1991 = arith.andi %iota3A, %and3A_1990 : vector<16xi32>
            %eq3A_1992 = arith.constant 0 : i32
            %eq3A_1993 = vector.broadcast %eq3A_1992 : i32 to vector<16xi32>
            %eq3A_1994 = arith.cmpi eq, %and3A_1991, %eq3A_1993 : vector<16xi32>
            %select_n3A_1995 = arith.select %eq3A_1994, %max3A_1974, %max3A_1988 : vector<16xi1>, vector<16xf32>
            %xor3A_1996 = arith.constant 4 : i32
            %xor3A_1997 = vector.broadcast %xor3A_1996 : i32 to vector<16xi32>
            %xor3A_1998 = arith.xori %iota3A, %xor3A_1997 : vector<16xi32>
            %lt3A_1999 = arith.constant 0 : i32
            %lt3A_2000 = vector.broadcast %lt3A_1999 : i32 to vector<16xi32>
            %lt3A_2001 = arith.cmpi slt, %xor3A_1998, %lt3A_2000 : vector<16xi32>
            %add3A_2002 = arith.constant 16 : i32
            %add3A_2003 = vector.broadcast %add3A_2002 : i32 to vector<16xi32>
            %add3A_2004 = arith.addi %xor3A_1998, %add3A_2003 : vector<16xi32>
            %select_n3A_2005 = arith.select %lt3A_2001, %add3A_2004, %xor3A_1998 : vector<16xi1>, vector<16xi32>
            %broadcast_in_dim3A_2006 = vector.shape_cast %select_n3A_2005 : vector<16xi32> to vector<16x1xi32>
            %gather3A_2007 = vector.shape_cast %broadcast_in_dim3A_2006 : vector<16x1xi32> to vector<16xi32>
            %gather3A_2008 = tpu.dynamic_gather %select_n3A_1925[%gather3A_2007] in [0] : vector<16xf32>, vector<16xi32> -> vector<16xf32>
            %max3A_2009 = arith.maximumf %select_n3A_1925, %gather3A_2008 : vector<16xf32>
            %xor3A_2010 = arith.constant 4 : i32
            %xor3A_2011 = vector.broadcast %xor3A_2010 : i32 to vector<16xi32>
            %xor3A_2012 = arith.xori %iota3A, %xor3A_2011 : vector<16xi32>
            %lt3A_2013 = arith.constant 0 : i32
            %lt3A_2014 = vector.broadcast %lt3A_2013 : i32 to vector<16xi32>
            %lt3A_2015 = arith.cmpi slt, %xor3A_2012, %lt3A_2014 : vector<16xi32>
            %add3A_2016 = arith.constant 16 : i32
            %add3A_2017 = vector.broadcast %add3A_2016 : i32 to vector<16xi32>
            %add3A_2018 = arith.addi %xor3A_2012, %add3A_2017 : vector<16xi32>
            %select_n3A_2019 = arith.select %lt3A_2015, %add3A_2018, %xor3A_2012 : vector<16xi1>, vector<16xi32>
            %broadcast_in_dim3A_2020 = vector.shape_cast %select_n3A_2019 : vector<16xi32> to vector<16x1xi32>
            %gather3A_2021 = vector.shape_cast %broadcast_in_dim3A_2020 : vector<16x1xi32> to vector<16xi32>
            %gather3A_2022 = tpu.dynamic_gather %select_n3A_1960[%gather3A_2021] in [0] : vector<16xf32>, vector<16xi32> -> vector<16xf32>
            %max3A_2023 = arith.maximumf %select_n3A_1960, %gather3A_2022 : vector<16xf32>
            %and3A_2024 = arith.constant 4 : i32
            %and3A_2025 = vector.broadcast %and3A_2024 : i32 to vector<16xi32>
            %and3A_2026 = arith.andi %iota3A, %and3A_2025 : vector<16xi32>
            %eq3A_2027 = arith.constant 0 : i32
            %eq3A_2028 = vector.broadcast %eq3A_2027 : i32 to vector<16xi32>
            %eq3A_2029 = arith.cmpi eq, %and3A_2026, %eq3A_2028 : vector<16xi32>
            %select_n3A_2030 = arith.select %eq3A_2029, %max3A_2009, %max3A_2023 : vector<16xi1>, vector<16xf32>
            %xor3A_2031 = arith.constant 8 : i32
            %xor3A_2032 = vector.broadcast %xor3A_2031 : i32 to vector<16xi32>
            %xor3A_2033 = arith.xori %iota3A, %xor3A_2032 : vector<16xi32>
            %lt3A_2034 = arith.constant 0 : i32
            %lt3A_2035 = vector.broadcast %lt3A_2034 : i32 to vector<16xi32>
            %lt3A_2036 = arith.cmpi slt, %xor3A_2033, %lt3A_2035 : vector<16xi32>
            %add3A_2037 = arith.constant 16 : i32
            %add3A_2038 = vector.broadcast %add3A_2037 : i32 to vector<16xi32>
            %add3A_2039 = arith.addi %xor3A_2033, %add3A_2038 : vector<16xi32>
            %select_n3A_2040 = arith.select %lt3A_2036, %add3A_2039, %xor3A_2033 : vector<16xi1>, vector<16xi32>
            %broadcast_in_dim3A_2041 = vector.shape_cast %select_n3A_2040 : vector<16xi32> to vector<16x1xi32>
            %gather3A_2042 = vector.shape_cast %broadcast_in_dim3A_2041 : vector<16x1xi32> to vector<16xi32>
            %gather3A_2043 = tpu.dynamic_gather %select_n3A_1995[%gather3A_2042] in [0] : vector<16xf32>, vector<16xi32> -> vector<16xf32>
            %max3A_2044 = arith.maximumf %select_n3A_1995, %gather3A_2043 : vector<16xf32>
            %xor3A_2045 = arith.constant 8 : i32
            %xor3A_2046 = vector.broadcast %xor3A_2045 : i32 to vector<16xi32>
            %xor3A_2047 = arith.xori %iota3A, %xor3A_2046 : vector<16xi32>
            %lt3A_2048 = arith.constant 0 : i32
            %lt3A_2049 = vector.broadcast %lt3A_2048 : i32 to vector<16xi32>
            %lt3A_2050 = arith.cmpi slt, %xor3A_2047, %lt3A_2049 : vector<16xi32>
            %add3A_2051 = arith.constant 16 : i32
            %add3A_2052 = vector.broadcast %add3A_2051 : i32 to vector<16xi32>
            %add3A_2053 = arith.addi %xor3A_2047, %add3A_2052 : vector<16xi32>
            %select_n3A_2054 = arith.select %lt3A_2050, %add3A_2053, %xor3A_2047 : vector<16xi1>, vector<16xi32>
            %broadcast_in_dim3A_2055 = vector.shape_cast %select_n3A_2054 : vector<16xi32> to vector<16x1xi32>
            %gather3A_2056 = vector.shape_cast %broadcast_in_dim3A_2055 : vector<16x1xi32> to vector<16xi32>
            %gather3A_2057 = tpu.dynamic_gather %select_n3A_2030[%gather3A_2056] in [0] : vector<16xf32>, vector<16xi32> -> vector<16xf32>
            %max3A_2058 = arith.maximumf %select_n3A_2030, %gather3A_2057 : vector<16xf32>
            %and3A_2059 = arith.constant 8 : i32
            %and3A_2060 = vector.broadcast %and3A_2059 : i32 to vector<16xi32>
            %and3A_2061 = arith.andi %iota3A, %and3A_2060 : vector<16xi32>
            %eq3A_2062 = arith.constant 0 : i32
            %eq3A_2063 = vector.broadcast %eq3A_2062 : i32 to vector<16xi32>
            %eq3A_2064 = arith.cmpi eq, %and3A_2061, %eq3A_2063 : vector<16xi32>
            %select_n3A_2065 = arith.select %eq3A_2064, %max3A_2044, %max3A_2058 : vector<16xi1>, vector<16xf32>
            %ge3A_2066 = vector.broadcast %squeeze3A_652 : f32 to vector<16xf32>
            %ge3A_2067 = arith.cmpf oge, %select_n3A_2065, %ge3A_2066 : vector<16xf32>
            %jit3A_2068 = arith.constant 0 : i32
            %broadcast_in_dim3A_2069 = vector.broadcast %jit3A_2068 : i32 to vector<16xi32>
            %select_n3A_2070 = arith.select %ge3A_2067, %shift_left3A_659, %broadcast_in_dim3A_2069 : vector<16xi1>, vector<16xi32>
            %xor3A_2071 = arith.constant 8 : i32
            %xor3A_2072 = vector.broadcast %xor3A_2071 : i32 to vector<16xi32>
            %xor3A_2073 = arith.xori %iota3A, %xor3A_2072 : vector<16xi32>
            %lt3A_2074 = arith.constant 0 : i32
            %lt3A_2075 = vector.broadcast %lt3A_2074 : i32 to vector<16xi32>
            %lt3A_2076 = arith.cmpi slt, %xor3A_2073, %lt3A_2075 : vector<16xi32>
            %add3A_2077 = arith.constant 16 : i32
            %add3A_2078 = vector.broadcast %add3A_2077 : i32 to vector<16xi32>
            %add3A_2079 = arith.addi %xor3A_2073, %add3A_2078 : vector<16xi32>
            %select_n3A_2080 = arith.select %lt3A_2076, %add3A_2079, %xor3A_2073 : vector<16xi1>, vector<16xi32>
            %broadcast_in_dim3A_2081 = vector.shape_cast %select_n3A_2080 : vector<16xi32> to vector<16x1xi32>
            %gather3A_2082 = vector.shape_cast %broadcast_in_dim3A_2081 : vector<16x1xi32> to vector<16xi32>
            %gather3A_2083 = tpu.dynamic_gather %select_n3A_2070[%gather3A_2082] in [0] : vector<16xi32>, vector<16xi32> -> vector<16xi32>
            %or3A_2084 = arith.ori %select_n3A_2070, %gather3A_2083 : vector<16xi32>
            %xor3A_2085 = arith.constant 4 : i32
            %xor3A_2086 = vector.broadcast %xor3A_2085 : i32 to vector<16xi32>
            %xor3A_2087 = arith.xori %iota3A, %xor3A_2086 : vector<16xi32>
            %lt3A_2088 = arith.constant 0 : i32
            %lt3A_2089 = vector.broadcast %lt3A_2088 : i32 to vector<16xi32>
            %lt3A_2090 = arith.cmpi slt, %xor3A_2087, %lt3A_2089 : vector<16xi32>
            %add3A_2091 = arith.constant 16 : i32
            %add3A_2092 = vector.broadcast %add3A_2091 : i32 to vector<16xi32>
            %add3A_2093 = arith.addi %xor3A_2087, %add3A_2092 : vector<16xi32>
            %select_n3A_2094 = arith.select %lt3A_2090, %add3A_2093, %xor3A_2087 : vector<16xi1>, vector<16xi32>
            %broadcast_in_dim3A_2095 = vector.shape_cast %select_n3A_2094 : vector<16xi32> to vector<16x1xi32>
            %gather3A_2096 = vector.shape_cast %broadcast_in_dim3A_2095 : vector<16x1xi32> to vector<16xi32>
            %gather3A_2097 = tpu.dynamic_gather %or3A_2084[%gather3A_2096] in [0] : vector<16xi32>, vector<16xi32> -> vector<16xi32>
            %or3A_2098 = arith.ori %or3A_2084, %gather3A_2097 : vector<16xi32>
            %xor3A_2099 = arith.constant 2 : i32
            %xor3A_2100 = vector.broadcast %xor3A_2099 : i32 to vector<16xi32>
            %xor3A_2101 = arith.xori %iota3A, %xor3A_2100 : vector<16xi32>
            %lt3A_2102 = arith.constant 0 : i32
            %lt3A_2103 = vector.broadcast %lt3A_2102 : i32 to vector<16xi32>
            %lt3A_2104 = arith.cmpi slt, %xor3A_2101, %lt3A_2103 : vector<16xi32>
            %add3A_2105 = arith.constant 16 : i32
            %add3A_2106 = vector.broadcast %add3A_2105 : i32 to vector<16xi32>
            %add3A_2107 = arith.addi %xor3A_2101, %add3A_2106 : vector<16xi32>
            %select_n3A_2108 = arith.select %lt3A_2104, %add3A_2107, %xor3A_2101 : vector<16xi1>, vector<16xi32>
            %broadcast_in_dim3A_2109 = vector.shape_cast %select_n3A_2108 : vector<16xi32> to vector<16x1xi32>
            %gather3A_2110 = vector.shape_cast %broadcast_in_dim3A_2109 : vector<16x1xi32> to vector<16xi32>
            %gather3A_2111 = tpu.dynamic_gather %or3A_2098[%gather3A_2110] in [0] : vector<16xi32>, vector<16xi32> -> vector<16xi32>
            %or3A_2112 = arith.ori %or3A_2098, %gather3A_2111 : vector<16xi32>
            %xor3A_2113 = arith.constant 1 : i32
            %xor3A_2114 = vector.broadcast %xor3A_2113 : i32 to vector<16xi32>
            %xor3A_2115 = arith.xori %iota3A, %xor3A_2114 : vector<16xi32>
            %lt3A_2116 = arith.constant 0 : i32
            %lt3A_2117 = vector.broadcast %lt3A_2116 : i32 to vector<16xi32>
            %lt3A_2118 = arith.cmpi slt, %xor3A_2115, %lt3A_2117 : vector<16xi32>
            %add3A_2119 = arith.constant 16 : i32
            %add3A_2120 = vector.broadcast %add3A_2119 : i32 to vector<16xi32>
            %add3A_2121 = arith.addi %xor3A_2115, %add3A_2120 : vector<16xi32>
            %select_n3A_2122 = arith.select %lt3A_2118, %add3A_2121, %xor3A_2115 : vector<16xi1>, vector<16xi32>
            %broadcast_in_dim3A_2123 = vector.shape_cast %select_n3A_2122 : vector<16xi32> to vector<16x1xi32>
            %gather3A_2124 = vector.shape_cast %broadcast_in_dim3A_2123 : vector<16x1xi32> to vector<16xi32>
            %gather3A_2125 = tpu.dynamic_gather %or3A_2112[%gather3A_2124] in [0] : vector<16xi32>, vector<16xi32> -> vector<16xi32>
            %or3A_2126 = arith.ori %or3A_2112, %gather3A_2125 : vector<16xi32>
            %slice3A_2127 = vector.extract_strided_slice %or3A_2126 {offsets = [0], sizes = [1], strides = [1]} : vector<16xi32> to vector<1xi32>
            %squeeze3A_2128 = vector.extract %slice3A_2127[0] : i32 from vector<1xi32>
            %scan3A_2129 = arith.constant 0 : i32
            %scan3A_2130 = arith.constant 0 : i32
            %scan3A_2131 = arith.constant 16 : i32
            %scan3A_2132 = arith.addi %scan3A_2130, %scan3A_2131 : i32
            %scan3A_2133 = arith.constant 1 : i32
            scf.for %scan3A_2135 = %scan3A_2130 to %scan3A_2132 step %scan3A_2133  : i32 {
              %shift_right_arithmetic3A_2136 = arith.shrsi %squeeze3A_2128, %scan3A_2135 : i32
              %and3A_2137 = arith.constant 1 : i32
              %and3A_2138 = arith.andi %shift_right_arithmetic3A_2136, %and3A_2137 : i32
              %ne3A_2139 = arith.constant 0 : i32
              %ne3A_2140 = arith.cmpi ne, %and3A_2138, %ne3A_2139 : i32
              %convert_element_type3A_2141 = arith.extui %ne3A_2140 : i1 to i32
              %cond3A_2142 = arith.constant 0 : i32
              %cond3A_2143 = arith.cmpi ne, %convert_element_type3A_2141, %cond3A_2142 : i32
              scf.if %cond3A_2143 {
                %mul3A_2144 = arith.constant 16 : i32
                %mul3A_2145 = arith.muli %scan3A_2135, %mul3A_2144 : i32
                %add3A_2146 = arith.addi %add3A_1428, %mul3A_2145 : i32
                %get3A_2147 = arith.constant 1 : i32
                %get3A_2148 = arith.index_cast %get3A_2147 : i32 to index
                %get3A_2149 = arith.index_cast %add3A_2146 : i32 to index
                %get3A_2150 = tpu.vector_load %arg4[%get3A_2148, %get3A_2149] {strides = array<i32>} : memref<2x32768xf32, #tpu.memory_space<vmem>>, vector<1x16xf32>,
                %get3A_2151 = vector.shape_cast %get3A_2150 : vector<1x16xf32> to vector<16xf32>
                %xor3A_2152 = arith.constant 1 : i32
                %xor3A_2153 = vector.broadcast %xor3A_2152 : i32 to vector<16xi32>
                %xor3A_2154 = arith.xori %iota3A, %xor3A_2153 : vector<16xi32>
                %lt3A_2155 = arith.constant 0 : i32
                %lt3A_2156 = vector.broadcast %lt3A_2155 : i32 to vector<16xi32>
                %lt3A_2157 = arith.cmpi slt, %xor3A_2154, %lt3A_2156 : vector<16xi32>
                %add3A_2158 = arith.constant 16 : i32
                %add3A_2159 = vector.broadcast %add3A_2158 : i32 to vector<16xi32>
                %add3A_2160 = arith.addi %xor3A_2154, %add3A_2159 : vector<16xi32>
                %select_n3A_2161 = arith.select %lt3A_2157, %add3A_2160, %xor3A_2154 : vector<16xi1>, vector<16xi32>
                %broadcast_in_dim3A_2162 = vector.shape_cast %select_n3A_2161 : vector<16xi32> to vector<16x1xi32>
                %gather3A_2163 = vector.shape_cast %broadcast_in_dim3A_2162 : vector<16x1xi32> to vector<16xi32>
                %gather3A_2164 = tpu.dynamic_gather %get3A_2151[%gather3A_2163] in [0] : vector<16xf32>, vector<16xi32> -> vector<16xf32>
                %min3A_2165 = arith.minimumf %get3A_2151, %gather3A_2164 : vector<16xf32>
                %max3A_2166 = arith.maximumf %get3A_2151, %gather3A_2164 : vector<16xf32>
                %shift_right_arithmetic3A_2167 = arith.constant 1 : i32
                %shift_right_arithmetic3A_2168 = vector.broadcast %shift_right_arithmetic3A_2167 : i32 to vector<16xi32>
                %shift_right_arithmetic3A_2169 = arith.shrsi %iota3A, %shift_right_arithmetic3A_2168 : vector<16xi32>
                %shift_right_arithmetic3A_2170 = arith.constant 0 : i32
                %shift_right_arithmetic3A_2171 = vector.broadcast %shift_right_arithmetic3A_2170 : i32 to vector<16xi32>
                %shift_right_arithmetic3A_2172 = arith.shrsi %iota3A, %shift_right_arithmetic3A_2171 : vector<16xi32>
                %xor3A_2173 = arith.xori %shift_right_arithmetic3A_2169, %shift_right_arithmetic3A_2172 : vector<16xi32>
                %and3A_2174 = arith.constant 1 : i32
                %and3A_2175 = vector.broadcast %and3A_2174 : i32 to vector<16xi32>
                %and3A_2176 = arith.andi %xor3A_2173, %and3A_2175 : vector<16xi32>
                %eq3A_2177 = arith.constant 0 : i32
                %eq3A_2178 = vector.broadcast %eq3A_2177 : i32 to vector<16xi32>
                %eq3A_2179 = arith.cmpi eq, %and3A_2176, %eq3A_2178 : vector<16xi32>
                %select_n3A_2180 = arith.select %eq3A_2179, %min3A_2165, %max3A_2166 : vector<16xi1>, vector<16xf32>
                %xor3A_2181 = arith.constant 2 : i32
                %xor3A_2182 = vector.broadcast %xor3A_2181 : i32 to vector<16xi32>
                %xor3A_2183 = arith.xori %iota3A, %xor3A_2182 : vector<16xi32>
                %lt3A_2184 = arith.constant 0 : i32
                %lt3A_2185 = vector.broadcast %lt3A_2184 : i32 to vector<16xi32>
                %lt3A_2186 = arith.cmpi slt, %xor3A_2183, %lt3A_2185 : vector<16xi32>
                %add3A_2187 = arith.constant 16 : i32
                %add3A_2188 = vector.broadcast %add3A_2187 : i32 to vector<16xi32>
                %add3A_2189 = arith.addi %xor3A_2183, %add3A_2188 : vector<16xi32>
                %select_n3A_2190 = arith.select %lt3A_2186, %add3A_2189, %xor3A_2183 : vector<16xi1>, vector<16xi32>
                %broadcast_in_dim3A_2191 = vector.shape_cast %select_n3A_2190 : vector<16xi32> to vector<16x1xi32>
                %gather3A_2192 = vector.shape_cast %broadcast_in_dim3A_2191 : vector<16x1xi32> to vector<16xi32>
                %gather3A_2193 = tpu.dynamic_gather %select_n3A_2180[%gather3A_2192] in [0] : vector<16xf32>, vector<16xi32> -> vector<16xf32>
                %min3A_2194 = arith.minimumf %select_n3A_2180, %gather3A_2193 : vector<16xf32>
                %max3A_2195 = arith.maximumf %select_n3A_2180, %gather3A_2193 : vector<16xf32>
                %shift_right_arithmetic3A_2196 = arith.constant 2 : i32
                %shift_right_arithmetic3A_2197 = vector.broadcast %shift_right_arithmetic3A_2196 : i32 to vector<16xi32>
                %shift_right_arithmetic3A_2198 = arith.shrsi %iota3A, %shift_right_arithmetic3A_2197 : vector<16xi32>
                %shift_right_arithmetic3A_2199 = arith.constant 1 : i32
                %shift_right_arithmetic3A_2200 = vector.broadcast %shift_right_arithmetic3A_2199 : i32 to vector<16xi32>
                %shift_right_arithmetic3A_2201 = arith.shrsi %iota3A, %shift_right_arithmetic3A_2200 : vector<16xi32>
                %xor3A_2202 = arith.xori %shift_right_arithmetic3A_2198, %shift_right_arithmetic3A_2201 : vector<16xi32>
                %and3A_2203 = arith.constant 1 : i32
                %and3A_2204 = vector.broadcast %and3A_2203 : i32 to vector<16xi32>
                %and3A_2205 = arith.andi %xor3A_2202, %and3A_2204 : vector<16xi32>
                %eq3A_2206 = arith.constant 0 : i32
                %eq3A_2207 = vector.broadcast %eq3A_2206 : i32 to vector<16xi32>
                %eq3A_2208 = arith.cmpi eq, %and3A_2205, %eq3A_2207 : vector<16xi32>
                %select_n3A_2209 = arith.select %eq3A_2208, %min3A_2194, %max3A_2195 : vector<16xi1>, vector<16xf32>
                %xor3A_2210 = arith.constant 1 : i32
                %xor3A_2211 = vector.broadcast %xor3A_2210 : i32 to vector<16xi32>
                %xor3A_2212 = arith.xori %iota3A, %xor3A_2211 : vector<16xi32>
                %lt3A_2213 = arith.constant 0 : i32
                %lt3A_2214 = vector.broadcast %lt3A_2213 : i32 to vector<16xi32>
                %lt3A_2215 = arith.cmpi slt, %xor3A_2212, %lt3A_2214 : vector<16xi32>
                %add3A_2216 = arith.constant 16 : i32
                %add3A_2217 = vector.broadcast %add3A_2216 : i32 to vector<16xi32>
                %add3A_2218 = arith.addi %xor3A_2212, %add3A_2217 : vector<16xi32>
                %select_n3A_2219 = arith.select %lt3A_2215, %add3A_2218, %xor3A_2212 : vector<16xi1>, vector<16xi32>
                %broadcast_in_dim3A_2220 = vector.shape_cast %select_n3A_2219 : vector<16xi32> to vector<16x1xi32>
                %gather3A_2221 = vector.shape_cast %broadcast_in_dim3A_2220 : vector<16x1xi32> to vector<16xi32>
                %gather3A_2222 = tpu.dynamic_gather %select_n3A_2209[%gather3A_2221] in [0] : vector<16xf32>, vector<16xi32> -> vector<16xf32>
                %min3A_2223 = arith.minimumf %select_n3A_2209, %gather3A_2222 : vector<16xf32>
                %max3A_2224 = arith.maximumf %select_n3A_2209, %gather3A_2222 : vector<16xf32>
                %shift_right_arithmetic3A_2225 = arith.constant 2 : i32
                %shift_right_arithmetic3A_2226 = vector.broadcast %shift_right_arithmetic3A_2225 : i32 to vector<16xi32>
                %shift_right_arithmetic3A_2227 = arith.shrsi %iota3A, %shift_right_arithmetic3A_2226 : vector<16xi32>
                %shift_right_arithmetic3A_2228 = arith.constant 0 : i32
                %shift_right_arithmetic3A_2229 = vector.broadcast %shift_right_arithmetic3A_2228 : i32 to vector<16xi32>
                %shift_right_arithmetic3A_2230 = arith.shrsi %iota3A, %shift_right_arithmetic3A_2229 : vector<16xi32>
                %xor3A_2231 = arith.xori %shift_right_arithmetic3A_2227, %shift_right_arithmetic3A_2230 : vector<16xi32>
                %and3A_2232 = arith.constant 1 : i32
                %and3A_2233 = vector.broadcast %and3A_2232 : i32 to vector<16xi32>
                %and3A_2234 = arith.andi %xor3A_2231, %and3A_2233 : vector<16xi32>
                %eq3A_2235 = arith.constant 0 : i32
                %eq3A_2236 = vector.broadcast %eq3A_2235 : i32 to vector<16xi32>
                %eq3A_2237 = arith.cmpi eq, %and3A_2234, %eq3A_2236 : vector<16xi32>
                %select_n3A_2238 = arith.select %eq3A_2237, %min3A_2223, %max3A_2224 : vector<16xi1>, vector<16xf32>
                %xor3A_2239 = arith.constant 4 : i32
                %xor3A_2240 = vector.broadcast %xor3A_2239 : i32 to vector<16xi32>
                %xor3A_2241 = arith.xori %iota3A, %xor3A_2240 : vector<16xi32>
                %lt3A_2242 = arith.constant 0 : i32
                %lt3A_2243 = vector.broadcast %lt3A_2242 : i32 to vector<16xi32>
                %lt3A_2244 = arith.cmpi slt, %xor3A_2241, %lt3A_2243 : vector<16xi32>
                %add3A_2245 = arith.constant 16 : i32
                %add3A_2246 = vector.broadcast %add3A_2245 : i32 to vector<16xi32>
                %add3A_2247 = arith.addi %xor3A_2241, %add3A_2246 : vector<16xi32>
                %select_n3A_2248 = arith.select %lt3A_2244, %add3A_2247, %xor3A_2241 : vector<16xi1>, vector<16xi32>
                %broadcast_in_dim3A_2249 = vector.shape_cast %select_n3A_2248 : vector<16xi32> to vector<16x1xi32>
                %gather3A_2250 = vector.shape_cast %broadcast_in_dim3A_2249 : vector<16x1xi32> to vector<16xi32>
                %gather3A_2251 = tpu.dynamic_gather %select_n3A_2238[%gather3A_2250] in [0] : vector<16xf32>, vector<16xi32> -> vector<16xf32>
                %min3A_2252 = arith.minimumf %select_n3A_2238, %gather3A_2251 : vector<16xf32>
                %max3A_2253 = arith.maximumf %select_n3A_2238, %gather3A_2251 : vector<16xf32>
                %shift_right_arithmetic3A_2254 = arith.constant 3 : i32
                %shift_right_arithmetic3A_2255 = vector.broadcast %shift_right_arithmetic3A_2254 : i32 to vector<16xi32>
                %shift_right_arithmetic3A_2256 = arith.shrsi %iota3A, %shift_right_arithmetic3A_2255 : vector<16xi32>
                %shift_right_arithmetic3A_2257 = arith.constant 2 : i32
                %shift_right_arithmetic3A_2258 = vector.broadcast %shift_right_arithmetic3A_2257 : i32 to vector<16xi32>
                %shift_right_arithmetic3A_2259 = arith.shrsi %iota3A, %shift_right_arithmetic3A_2258 : vector<16xi32>
                %xor3A_2260 = arith.xori %shift_right_arithmetic3A_2256, %shift_right_arithmetic3A_2259 : vector<16xi32>
                %and3A_2261 = arith.constant 1 : i32
                %and3A_2262 = vector.broadcast %and3A_2261 : i32 to vector<16xi32>
                %and3A_2263 = arith.andi %xor3A_2260, %and3A_2262 : vector<16xi32>
                %eq3A_2264 = arith.constant 0 : i32
                %eq3A_2265 = vector.broadcast %eq3A_2264 : i32 to vector<16xi32>
                %eq3A_2266 = arith.cmpi eq, %and3A_2263, %eq3A_2265 : vector<16xi32>
                %select_n3A_2267 = arith.select %eq3A_2266, %min3A_2252, %max3A_2253 : vector<16xi1>, vector<16xf32>
                %xor3A_2268 = arith.constant 2 : i32
                %xor3A_2269 = vector.broadcast %xor3A_2268 : i32 to vector<16xi32>
                %xor3A_2270 = arith.xori %iota3A, %xor3A_2269 : vector<16xi32>
                %lt3A_2271 = arith.constant 0 : i32
                %lt3A_2272 = vector.broadcast %lt3A_2271 : i32 to vector<16xi32>
                %lt3A_2273 = arith.cmpi slt, %xor3A_2270, %lt3A_2272 : vector<16xi32>
                %add3A_2274 = arith.constant 16 : i32
                %add3A_2275 = vector.broadcast %add3A_2274 : i32 to vector<16xi32>
                %add3A_2276 = arith.addi %xor3A_2270, %add3A_2275 : vector<16xi32>
                %select_n3A_2277 = arith.select %lt3A_2273, %add3A_2276, %xor3A_2270 : vector<16xi1>, vector<16xi32>
                %broadcast_in_dim3A_2278 = vector.shape_cast %select_n3A_2277 : vector<16xi32> to vector<16x1xi32>
                %gather3A_2279 = vector.shape_cast %broadcast_in_dim3A_2278 : vector<16x1xi32> to vector<16xi32>
                %gather3A_2280 = tpu.dynamic_gather %select_n3A_2267[%gather3A_2279] in [0] : vector<16xf32>, vector<16xi32> -> vector<16xf32>
                %min3A_2281 = arith.minimumf %select_n3A_2267, %gather3A_2280 : vector<16xf32>
                %max3A_2282 = arith.maximumf %select_n3A_2267, %gather3A_2280 : vector<16xf32>
                %shift_right_arithmetic3A_2283 = arith.constant 3 : i32
                %shift_right_arithmetic3A_2284 = vector.broadcast %shift_right_arithmetic3A_2283 : i32 to vector<16xi32>
                %shift_right_arithmetic3A_2285 = arith.shrsi %iota3A, %shift_right_arithmetic3A_2284 : vector<16xi32>
                %shift_right_arithmetic3A_2286 = arith.constant 1 : i32
                %shift_right_arithmetic3A_2287 = vector.broadcast %shift_right_arithmetic3A_2286 : i32 to vector<16xi32>
                %shift_right_arithmetic3A_2288 = arith.shrsi %iota3A, %shift_right_arithmetic3A_2287 : vector<16xi32>
                %xor3A_2289 = arith.xori %shift_right_arithmetic3A_2285, %shift_right_arithmetic3A_2288 : vector<16xi32>
                %and3A_2290 = arith.constant 1 : i32
                %and3A_2291 = vector.broadcast %and3A_2290 : i32 to vector<16xi32>
                %and3A_2292 = arith.andi %xor3A_2289, %and3A_2291 : vector<16xi32>
                %eq3A_2293 = arith.constant 0 : i32
                %eq3A_2294 = vector.broadcast %eq3A_2293 : i32 to vector<16xi32>
                %eq3A_2295 = arith.cmpi eq, %and3A_2292, %eq3A_2294 : vector<16xi32>
                %select_n3A_2296 = arith.select %eq3A_2295, %min3A_2281, %max3A_2282 : vector<16xi1>, vector<16xf32>
                %xor3A_2297 = arith.constant 1 : i32
                %xor3A_2298 = vector.broadcast %xor3A_2297 : i32 to vector<16xi32>
                %xor3A_2299 = arith.xori %iota3A, %xor3A_2298 : vector<16xi32>
                %lt3A_2300 = arith.constant 0 : i32
                %lt3A_2301 = vector.broadcast %lt3A_2300 : i32 to vector<16xi32>
                %lt3A_2302 = arith.cmpi slt, %xor3A_2299, %lt3A_2301 : vector<16xi32>
                %add3A_2303 = arith.constant 16 : i32
                %add3A_2304 = vector.broadcast %add3A_2303 : i32 to vector<16xi32>
                %add3A_2305 = arith.addi %xor3A_2299, %add3A_2304 : vector<16xi32>
                %select_n3A_2306 = arith.select %lt3A_2302, %add3A_2305, %xor3A_2299 : vector<16xi1>, vector<16xi32>
                %broadcast_in_dim3A_2307 = vector.shape_cast %select_n3A_2306 : vector<16xi32> to vector<16x1xi32>
                %gather3A_2308 = vector.shape_cast %broadcast_in_dim3A_2307 : vector<16x1xi32> to vector<16xi32>
                %gather3A_2309 = tpu.dynamic_gather %select_n3A_2296[%gather3A_2308] in [0] : vector<16xf32>, vector<16xi32> -> vector<16xf32>
                %min3A_2310 = arith.minimumf %select_n3A_2296, %gather3A_2309 : vector<16xf32>
                %max3A_2311 = arith.maximumf %select_n3A_2296, %gather3A_2309 : vector<16xf32>
                %shift_right_arithmetic3A_2312 = arith.constant 3 : i32
                %shift_right_arithmetic3A_2313 = vector.broadcast %shift_right_arithmetic3A_2312 : i32 to vector<16xi32>
                %shift_right_arithmetic3A_2314 = arith.shrsi %iota3A, %shift_right_arithmetic3A_2313 : vector<16xi32>
                %shift_right_arithmetic3A_2315 = arith.constant 0 : i32
                %shift_right_arithmetic3A_2316 = vector.broadcast %shift_right_arithmetic3A_2315 : i32 to vector<16xi32>
                %shift_right_arithmetic3A_2317 = arith.shrsi %iota3A, %shift_right_arithmetic3A_2316 : vector<16xi32>
                %xor3A_2318 = arith.xori %shift_right_arithmetic3A_2314, %shift_right_arithmetic3A_2317 : vector<16xi32>
                %and3A_2319 = arith.constant 1 : i32
                %and3A_2320 = vector.broadcast %and3A_2319 : i32 to vector<16xi32>
                %and3A_2321 = arith.andi %xor3A_2318, %and3A_2320 : vector<16xi32>
                %eq3A_2322 = arith.constant 0 : i32
                %eq3A_2323 = vector.broadcast %eq3A_2322 : i32 to vector<16xi32>
                %eq3A_2324 = arith.cmpi eq, %and3A_2321, %eq3A_2323 : vector<16xi32>
                %select_n3A_2325 = arith.select %eq3A_2324, %min3A_2310, %max3A_2311 : vector<16xi1>, vector<16xf32>
                %xor3A_2326 = arith.constant 8 : i32
                %xor3A_2327 = vector.broadcast %xor3A_2326 : i32 to vector<16xi32>
                %xor3A_2328 = arith.xori %iota3A, %xor3A_2327 : vector<16xi32>
                %lt3A_2329 = arith.constant 0 : i32
                %lt3A_2330 = vector.broadcast %lt3A_2329 : i32 to vector<16xi32>
                %lt3A_2331 = arith.cmpi slt, %xor3A_2328, %lt3A_2330 : vector<16xi32>
                %add3A_2332 = arith.constant 16 : i32
                %add3A_2333 = vector.broadcast %add3A_2332 : i32 to vector<16xi32>
                %add3A_2334 = arith.addi %xor3A_2328, %add3A_2333 : vector<16xi32>
                %select_n3A_2335 = arith.select %lt3A_2331, %add3A_2334, %xor3A_2328 : vector<16xi1>, vector<16xi32>
                %broadcast_in_dim3A_2336 = vector.shape_cast %select_n3A_2335 : vector<16xi32> to vector<16x1xi32>
                %gather3A_2337 = vector.shape_cast %broadcast_in_dim3A_2336 : vector<16x1xi32> to vector<16xi32>
                %gather3A_2338 = tpu.dynamic_gather %select_n3A_2325[%gather3A_2337] in [0] : vector<16xf32>, vector<16xi32> -> vector<16xf32>
                %min3A_2339 = arith.minimumf %select_n3A_2325, %gather3A_2338 : vector<16xf32>
                %max3A_2340 = arith.maximumf %select_n3A_2325, %gather3A_2338 : vector<16xf32>
                %shift_right_arithmetic3A_2341 = arith.constant 4 : i32
                %shift_right_arithmetic3A_2342 = vector.broadcast %shift_right_arithmetic3A_2341 : i32 to vector<16xi32>
                %shift_right_arithmetic3A_2343 = arith.shrsi %iota3A, %shift_right_arithmetic3A_2342 : vector<16xi32>
                %shift_right_arithmetic3A_2344 = arith.constant 3 : i32
                %shift_right_arithmetic3A_2345 = vector.broadcast %shift_right_arithmetic3A_2344 : i32 to vector<16xi32>
                %shift_right_arithmetic3A_2346 = arith.shrsi %iota3A, %shift_right_arithmetic3A_2345 : vector<16xi32>
                %xor3A_2347 = arith.xori %shift_right_arithmetic3A_2343, %shift_right_arithmetic3A_2346 : vector<16xi32>
                %and3A_2348 = arith.constant 1 : i32
                %and3A_2349 = vector.broadcast %and3A_2348 : i32 to vector<16xi32>
                %and3A_2350 = arith.andi %xor3A_2347, %and3A_2349 : vector<16xi32>
                %eq3A_2351 = arith.constant 0 : i32
                %eq3A_2352 = vector.broadcast %eq3A_2351 : i32 to vector<16xi32>
                %eq3A_2353 = arith.cmpi eq, %and3A_2350, %eq3A_2352 : vector<16xi32>
                %select_n3A_2354 = arith.select %eq3A_2353, %min3A_2339, %max3A_2340 : vector<16xi1>, vector<16xf32>
                %xor3A_2355 = arith.constant 4 : i32
                %xor3A_2356 = vector.broadcast %xor3A_2355 : i32 to vector<16xi32>
                %xor3A_2357 = arith.xori %iota3A, %xor3A_2356 : vector<16xi32>
                %lt3A_2358 = arith.constant 0 : i32
                %lt3A_2359 = vector.broadcast %lt3A_2358 : i32 to vector<16xi32>
                %lt3A_2360 = arith.cmpi slt, %xor3A_2357, %lt3A_2359 : vector<16xi32>
                %add3A_2361 = arith.constant 16 : i32
                %add3A_2362 = vector.broadcast %add3A_2361 : i32 to vector<16xi32>
                %add3A_2363 = arith.addi %xor3A_2357, %add3A_2362 : vector<16xi32>
                %select_n3A_2364 = arith.select %lt3A_2360, %add3A_2363, %xor3A_2357 : vector<16xi1>, vector<16xi32>
                %broadcast_in_dim3A_2365 = vector.shape_cast %select_n3A_2364 : vector<16xi32> to vector<16x1xi32>
                %gather3A_2366 = vector.shape_cast %broadcast_in_dim3A_2365 : vector<16x1xi32> to vector<16xi32>
                %gather3A_2367 = tpu.dynamic_gather %select_n3A_2354[%gather3A_2366] in [0] : vector<16xf32>, vector<16xi32> -> vector<16xf32>
                %min3A_2368 = arith.minimumf %select_n3A_2354, %gather3A_2367 : vector<16xf32>
                %max3A_2369 = arith.maximumf %select_n3A_2354, %gather3A_2367 : vector<16xf32>
                %shift_right_arithmetic3A_2370 = arith.constant 4 : i32
                %shift_right_arithmetic3A_2371 = vector.broadcast %shift_right_arithmetic3A_2370 : i32 to vector<16xi32>
                %shift_right_arithmetic3A_2372 = arith.shrsi %iota3A, %shift_right_arithmetic3A_2371 : vector<16xi32>
                %shift_right_arithmetic3A_2373 = arith.constant 2 : i32
                %shift_right_arithmetic3A_2374 = vector.broadcast %shift_right_arithmetic3A_2373 : i32 to vector<16xi32>
                %shift_right_arithmetic3A_2375 = arith.shrsi %iota3A, %shift_right_arithmetic3A_2374 : vector<16xi32>
                %xor3A_2376 = arith.xori %shift_right_arithmetic3A_2372, %shift_right_arithmetic3A_2375 : vector<16xi32>
                %and3A_2377 = arith.constant 1 : i32
                %and3A_2378 = vector.broadcast %and3A_2377 : i32 to vector<16xi32>
                %and3A_2379 = arith.andi %xor3A_2376, %and3A_2378 : vector<16xi32>
                %eq3A_2380 = arith.constant 0 : i32
                %eq3A_2381 = vector.broadcast %eq3A_2380 : i32 to vector<16xi32>
                %eq3A_2382 = arith.cmpi eq, %and3A_2379, %eq3A_2381 : vector<16xi32>
                %select_n3A_2383 = arith.select %eq3A_2382, %min3A_2368, %max3A_2369 : vector<16xi1>, vector<16xf32>
                %xor3A_2384 = arith.constant 2 : i32
                %xor3A_2385 = vector.broadcast %xor3A_2384 : i32 to vector<16xi32>
                %xor3A_2386 = arith.xori %iota3A, %xor3A_2385 : vector<16xi32>
                %lt3A_2387 = arith.constant 0 : i32
                %lt3A_2388 = vector.broadcast %lt3A_2387 : i32 to vector<16xi32>
                %lt3A_2389 = arith.cmpi slt, %xor3A_2386, %lt3A_2388 : vector<16xi32>
                %add3A_2390 = arith.constant 16 : i32
                %add3A_2391 = vector.broadcast %add3A_2390 : i32 to vector<16xi32>
                %add3A_2392 = arith.addi %xor3A_2386, %add3A_2391 : vector<16xi32>
                %select_n3A_2393 = arith.select %lt3A_2389, %add3A_2392, %xor3A_2386 : vector<16xi1>, vector<16xi32>
                %broadcast_in_dim3A_2394 = vector.shape_cast %select_n3A_2393 : vector<16xi32> to vector<16x1xi32>
                %gather3A_2395 = vector.shape_cast %broadcast_in_dim3A_2394 : vector<16x1xi32> to vector<16xi32>
                %gather3A_2396 = tpu.dynamic_gather %select_n3A_2383[%gather3A_2395] in [0] : vector<16xf32>, vector<16xi32> -> vector<16xf32>
                %min3A_2397 = arith.minimumf %select_n3A_2383, %gather3A_2396 : vector<16xf32>
                %max3A_2398 = arith.maximumf %select_n3A_2383, %gather3A_2396 : vector<16xf32>
                %shift_right_arithmetic3A_2399 = arith.constant 4 : i32
                %shift_right_arithmetic3A_2400 = vector.broadcast %shift_right_arithmetic3A_2399 : i32 to vector<16xi32>
                %shift_right_arithmetic3A_2401 = arith.shrsi %iota3A, %shift_right_arithmetic3A_2400 : vector<16xi32>
                %shift_right_arithmetic3A_2402 = arith.constant 1 : i32
                %shift_right_arithmetic3A_2403 = vector.broadcast %shift_right_arithmetic3A_2402 : i32 to vector<16xi32>
                %shift_right_arithmetic3A_2404 = arith.shrsi %iota3A, %shift_right_arithmetic3A_2403 : vector<16xi32>
                %xor3A_2405 = arith.xori %shift_right_arithmetic3A_2401, %shift_right_arithmetic3A_2404 : vector<16xi32>
                %and3A_2406 = arith.constant 1 : i32
                %and3A_2407 = vector.broadcast %and3A_2406 : i32 to vector<16xi32>
                %and3A_2408 = arith.andi %xor3A_2405, %and3A_2407 : vector<16xi32>
                %eq3A_2409 = arith.constant 0 : i32
                %eq3A_2410 = vector.broadcast %eq3A_2409 : i32 to vector<16xi32>
                %eq3A_2411 = arith.cmpi eq, %and3A_2408, %eq3A_2410 : vector<16xi32>
                %select_n3A_2412 = arith.select %eq3A_2411, %min3A_2397, %max3A_2398 : vector<16xi1>, vector<16xf32>
                %xor3A_2413 = arith.constant 1 : i32
                %xor3A_2414 = vector.broadcast %xor3A_2413 : i32 to vector<16xi32>
                %xor3A_2415 = arith.xori %iota3A, %xor3A_2414 : vector<16xi32>
                %lt3A_2416 = arith.constant 0 : i32
                %lt3A_2417 = vector.broadcast %lt3A_2416 : i32 to vector<16xi32>
                %lt3A_2418 = arith.cmpi slt, %xor3A_2415, %lt3A_2417 : vector<16xi32>
                %add3A_2419 = arith.constant 16 : i32
                %add3A_2420 = vector.broadcast %add3A_2419 : i32 to vector<16xi32>
                %add3A_2421 = arith.addi %xor3A_2415, %add3A_2420 : vector<16xi32>
                %select_n3A_2422 = arith.select %lt3A_2418, %add3A_2421, %xor3A_2415 : vector<16xi1>, vector<16xi32>
                %broadcast_in_dim3A_2423 = vector.shape_cast %select_n3A_2422 : vector<16xi32> to vector<16x1xi32>
                %gather3A_2424 = vector.shape_cast %broadcast_in_dim3A_2423 : vector<16x1xi32> to vector<16xi32>
                %gather3A_2425 = tpu.dynamic_gather %select_n3A_2412[%gather3A_2424] in [0] : vector<16xf32>, vector<16xi32> -> vector<16xf32>
                %min3A_2426 = arith.minimumf %select_n3A_2412, %gather3A_2425 : vector<16xf32>
                %max3A_2427 = arith.maximumf %select_n3A_2412, %gather3A_2425 : vector<16xf32>
                %shift_right_arithmetic3A_2428 = arith.constant 4 : i32
                %shift_right_arithmetic3A_2429 = vector.broadcast %shift_right_arithmetic3A_2428 : i32 to vector<16xi32>
                %shift_right_arithmetic3A_2430 = arith.shrsi %iota3A, %shift_right_arithmetic3A_2429 : vector<16xi32>
                %shift_right_arithmetic3A_2431 = arith.constant 0 : i32
                %shift_right_arithmetic3A_2432 = vector.broadcast %shift_right_arithmetic3A_2431 : i32 to vector<16xi32>
                %shift_right_arithmetic3A_2433 = arith.shrsi %iota3A, %shift_right_arithmetic3A_2432 : vector<16xi32>
                %xor3A_2434 = arith.xori %shift_right_arithmetic3A_2430, %shift_right_arithmetic3A_2433 : vector<16xi32>
                %and3A_2435 = arith.constant 1 : i32
                %and3A_2436 = vector.broadcast %and3A_2435 : i32 to vector<16xi32>
                %and3A_2437 = arith.andi %xor3A_2434, %and3A_2436 : vector<16xi32>
                %eq3A_2438 = arith.constant 0 : i32
                %eq3A_2439 = vector.broadcast %eq3A_2438 : i32 to vector<16xi32>
                %eq3A_2440 = arith.cmpi eq, %and3A_2437, %eq3A_2439 : vector<16xi32>
                %select_n3A_2441 = arith.select %eq3A_2440, %min3A_2426, %max3A_2427 : vector<16xi1>, vector<16xf32>
                %rev3A = arith.constant 15 : i32
                %rev3A_2442 = vector.broadcast %rev3A : i32 to vector<16xi32>
                %rev3A_2443 = tpu.iota {dimensions = array<i32: 0>} : vector<16xi32>
                %rev3A_2444 = arith.subi %rev3A_2442, %rev3A_2443 : vector<16xi32>
                %rev3A_2445 = tpu.dynamic_gather %select_n3A_2441[%rev3A_2444] in [0] : vector<16xf32>, vector<16xi32> -> vector<16xf32>
                %get3A_2446 = arith.constant 0 : index
                %get3A_2447 = tpu.vector_load %arg6[%get3A_2446] {strides = array<i32>} : memref<16xf32, #tpu.memory_space<vmem>>, vector<16xf32>,
                %get3A_2448 = vector.shape_cast %get3A_2447 : vector<16xf32> to vector<16xf32>
                %max3A_2449 = arith.maximumf %get3A_2448, %rev3A_2445 : vector<16xf32>
                %xor3A_2450 = arith.constant 8 : i32
                %xor3A_2451 = vector.broadcast %xor3A_2450 : i32 to vector<16xi32>
                %xor3A_2452 = arith.xori %iota3A, %xor3A_2451 : vector<16xi32>
                %lt3A_2453 = arith.constant 0 : i32
                %lt3A_2454 = vector.broadcast %lt3A_2453 : i32 to vector<16xi32>
                %lt3A_2455 = arith.cmpi slt, %xor3A_2452, %lt3A_2454 : vector<16xi32>
                %add3A_2456 = arith.constant 16 : i32
                %add3A_2457 = vector.broadcast %add3A_2456 : i32 to vector<16xi32>
                %add3A_2458 = arith.addi %xor3A_2452, %add3A_2457 : vector<16xi32>
                %select_n3A_2459 = arith.select %lt3A_2455, %add3A_2458, %xor3A_2452 : vector<16xi1>, vector<16xi32>
                %broadcast_in_dim3A_2460 = vector.shape_cast %select_n3A_2459 : vector<16xi32> to vector<16x1xi32>
                %gather3A_2461 = vector.shape_cast %broadcast_in_dim3A_2460 : vector<16x1xi32> to vector<16xi32>
                %gather3A_2462 = tpu.dynamic_gather %max3A_2449[%gather3A_2461] in [0] : vector<16xf32>, vector<16xi32> -> vector<16xf32>
                %min3A_2463 = arith.minimumf %max3A_2449, %gather3A_2462 : vector<16xf32>
                %max3A_2464 = arith.maximumf %max3A_2449, %gather3A_2462 : vector<16xf32>
                %and3A_2465 = arith.constant 8 : i32
                %and3A_2466 = vector.broadcast %and3A_2465 : i32 to vector<16xi32>
                %and3A_2467 = arith.andi %iota3A, %and3A_2466 : vector<16xi32>
                %eq3A_2468 = arith.constant 0 : i32
                %eq3A_2469 = vector.broadcast %eq3A_2468 : i32 to vector<16xi32>
                %eq3A_2470 = arith.cmpi eq, %and3A_2467, %eq3A_2469 : vector<16xi32>
                %select_n3A_2471 = arith.select %eq3A_2470, %min3A_2463, %max3A_2464 : vector<16xi1>, vector<16xf32>
                %xor3A_2472 = arith.constant 4 : i32
                %xor3A_2473 = vector.broadcast %xor3A_2472 : i32 to vector<16xi32>
                %xor3A_2474 = arith.xori %iota3A, %xor3A_2473 : vector<16xi32>
                %lt3A_2475 = arith.constant 0 : i32
                %lt3A_2476 = vector.broadcast %lt3A_2475 : i32 to vector<16xi32>
                %lt3A_2477 = arith.cmpi slt, %xor3A_2474, %lt3A_2476 : vector<16xi32>
                %add3A_2478 = arith.constant 16 : i32
                %add3A_2479 = vector.broadcast %add3A_2478 : i32 to vector<16xi32>
                %add3A_2480 = arith.addi %xor3A_2474, %add3A_2479 : vector<16xi32>
                %select_n3A_2481 = arith.select %lt3A_2477, %add3A_2480, %xor3A_2474 : vector<16xi1>, vector<16xi32>
                %broadcast_in_dim3A_2482 = vector.shape_cast %select_n3A_2481 : vector<16xi32> to vector<16x1xi32>
                %gather3A_2483 = vector.shape_cast %broadcast_in_dim3A_2482 : vector<16x1xi32> to vector<16xi32>
                %gather3A_2484 = tpu.dynamic_gather %select_n3A_2471[%gather3A_2483] in [0] : vector<16xf32>, vector<16xi32> -> vector<16xf32>
                %min3A_2485 = arith.minimumf %select_n3A_2471, %gather3A_2484 : vector<16xf32>
                %max3A_2486 = arith.maximumf %select_n3A_2471, %gather3A_2484 : vector<16xf32>
                %and3A_2487 = arith.constant 4 : i32
                %and3A_2488 = vector.broadcast %and3A_2487 : i32 to vector<16xi32>
                %and3A_2489 = arith.andi %iota3A, %and3A_2488 : vector<16xi32>
                %eq3A_2490 = arith.constant 0 : i32
                %eq3A_2491 = vector.broadcast %eq3A_2490 : i32 to vector<16xi32>
                %eq3A_2492 = arith.cmpi eq, %and3A_2489, %eq3A_2491 : vector<16xi32>
                %select_n3A_2493 = arith.select %eq3A_2492, %min3A_2485, %max3A_2486 : vector<16xi1>, vector<16xf32>
                %xor3A_2494 = arith.constant 2 : i32
                %xor3A_2495 = vector.broadcast %xor3A_2494 : i32 to vector<16xi32>
                %xor3A_2496 = arith.xori %iota3A, %xor3A_2495 : vector<16xi32>
                %lt3A_2497 = arith.constant 0 : i32
                %lt3A_2498 = vector.broadcast %lt3A_2497 : i32 to vector<16xi32>
                %lt3A_2499 = arith.cmpi slt, %xor3A_2496, %lt3A_2498 : vector<16xi32>
                %add3A_2500 = arith.constant 16 : i32
                %add3A_2501 = vector.broadcast %add3A_2500 : i32 to vector<16xi32>
                %add3A_2502 = arith.addi %xor3A_2496, %add3A_2501 : vector<16xi32>
                %select_n3A_2503 = arith.select %lt3A_2499, %add3A_2502, %xor3A_2496 : vector<16xi1>, vector<16xi32>
                %broadcast_in_dim3A_2504 = vector.shape_cast %select_n3A_2503 : vector<16xi32> to vector<16x1xi32>
                %gather3A_2505 = vector.shape_cast %broadcast_in_dim3A_2504 : vector<16x1xi32> to vector<16xi32>
                %gather3A_2506 = tpu.dynamic_gather %select_n3A_2493[%gather3A_2505] in [0] : vector<16xf32>, vector<16xi32> -> vector<16xf32>
                %min3A_2507 = arith.minimumf %select_n3A_2493, %gather3A_2506 : vector<16xf32>
                %max3A_2508 = arith.maximumf %select_n3A_2493, %gather3A_2506 : vector<16xf32>
                %and3A_2509 = arith.constant 2 : i32
                %and3A_2510 = vector.broadcast %and3A_2509 : i32 to vector<16xi32>
                %and3A_2511 = arith.andi %iota3A, %and3A_2510 : vector<16xi32>
                %eq3A_2512 = arith.constant 0 : i32
                %eq3A_2513 = vector.broadcast %eq3A_2512 : i32 to vector<16xi32>
                %eq3A_2514 = arith.cmpi eq, %and3A_2511, %eq3A_2513 : vector<16xi32>
                %select_n3A_2515 = arith.select %eq3A_2514, %min3A_2507, %max3A_2508 : vector<16xi1>, vector<16xf32>
                %xor3A_2516 = arith.constant 1 : i32
                %xor3A_2517 = vector.broadcast %xor3A_2516 : i32 to vector<16xi32>
                %xor3A_2518 = arith.xori %iota3A, %xor3A_2517 : vector<16xi32>
                %lt3A_2519 = arith.constant 0 : i32
                %lt3A_2520 = vector.broadcast %lt3A_2519 : i32 to vector<16xi32>
                %lt3A_2521 = arith.cmpi slt, %xor3A_2518, %lt3A_2520 : vector<16xi32>
                %add3A_2522 = arith.constant 16 : i32
                %add3A_2523 = vector.broadcast %add3A_2522 : i32 to vector<16xi32>
                %add3A_2524 = arith.addi %xor3A_2518, %add3A_2523 : vector<16xi32>
                %select_n3A_2525 = arith.select %lt3A_2521, %add3A_2524, %xor3A_2518 : vector<16xi1>, vector<16xi32>
                %broadcast_in_dim3A_2526 = vector.shape_cast %select_n3A_2525 : vector<16xi32> to vector<16x1xi32>
                %gather3A_2527 = vector.shape_cast %broadcast_in_dim3A_2526 : vector<16x1xi32> to vector<16xi32>
                %gather3A_2528 = tpu.dynamic_gather %select_n3A_2515[%gather3A_2527] in [0] : vector<16xf32>, vector<16xi32> -> vector<16xf32>
                %min3A_2529 = arith.minimumf %select_n3A_2515, %gather3A_2528 : vector<16xf32>
                %max3A_2530 = arith.maximumf %select_n3A_2515, %gather3A_2528 : vector<16xf32>
                %and3A_2531 = arith.constant 1 : i32
                %and3A_2532 = vector.broadcast %and3A_2531 : i32 to vector<16xi32>
                %and3A_2533 = arith.andi %iota3A, %and3A_2532 : vector<16xi32>
                %eq3A_2534 = arith.constant 0 : i32
                %eq3A_2535 = vector.broadcast %eq3A_2534 : i32 to vector<16xi32>
                %eq3A_2536 = arith.cmpi eq, %and3A_2533, %eq3A_2535 : vector<16xi32>
                %select_n3A_2537 = arith.select %eq3A_2536, %min3A_2529, %max3A_2530 : vector<16xi1>, vector<16xf32>
                %swap3A_2538 = arith.constant 0 : index
                %swap3A_2539 = tpu.vector_load %arg6[%swap3A_2538] {strides = array<i32>} : memref<16xf32, #tpu.memory_space<vmem>>, vector<16xf32>,
                %swap3A_2540 = vector.shape_cast %swap3A_2539 : vector<16xf32> to vector<16xf32>
                %swap3A_2541 = vector.shape_cast %select_n3A_2537 : vector<16xf32> to vector<16xf32>
                tpu.vector_store %arg6[%swap3A_2538], %swap3A_2541 {strides = array<i32>} : memref<16xf32, #tpu.memory_space<vmem>>, vector<16xf32>,
              } else {
              }
            }
            %scan3A_2134 = arith.constant 16 : i32
          } else {
          }
        }
        %scan3A_1416 = arith.constant 16 : i32
      } else {
      }
    }
    %scan3A_665 = arith.constant 8 : i32
    %get3A_666 = arith.constant 0 : index
    %get3A_667 = tpu.vector_load %arg6[%get3A_666] {strides = array<i32>} : memref<16xf32, #tpu.memory_space<vmem>>, vector<16xf32>,
    %get3A_668 = vector.shape_cast %get3A_667 : vector<16xf32> to vector<16xf32>
    %swap3A_669 = arith.constant 1 : i32
    %swap3A_670 = arith.index_cast %swap3A_669 : i32 to index
    %swap3A_671 = arith.constant 0 : index
    %swap3A_672 = tpu.vector_load %arg7[%swap3A_670, %swap3A_671] {strides = array<i32>} : memref<2x16xf32, #tpu.memory_space<vmem>>, vector<1x16xf32>,
    %swap3A_673 = vector.shape_cast %swap3A_672 : vector<1x16xf32> to vector<16xf32>
    %swap3A_674 = vector.shape_cast %get3A_668 : vector<16xf32> to vector<1x16xf32>
    tpu.vector_store %arg7[%swap3A_670, %swap3A_671], %swap3A_674 {strides = array<i32>} : memref<2x16xf32, #tpu.memory_space<vmem>>, vector<1x16xf32>,
    %mul3A_675 = arith.constant 2 : i32
    %mul3A_676 = arith.muli %add3A, %mul3A_675 : i32
    "tpu.region"() ({
      %run_scoped3A = tpu.sem_alloc : memref<!tpu.dma_semaphore, #tpu.memory_space<semaphore_mem>>
      %dma_start3A_677 = arith.constant 0 : i32
      %dma_start3A_678 = tpu.memref_slice %arg3[%mul3A_676, %dma_start3A_677] : memref<64x16xf32, #tpu.memory_space<hbm>> -> memref<2x16xf32, #tpu.memory_space<hbm>>
      %dma_start3A_679 = arith.constant 0 : i32
      %dma_start3A_680 = tpu.memref_slice %arg3[%mul3A_676, %dma_start3A_679] : memref<64x16xf32, #tpu.memory_space<hbm>> -> memref<2x16xf32, #tpu.memory_space<hbm>>
      tpu.enqueue_dma source(%arg7 : memref<2x16xf32, #tpu.memory_space<vmem>>) target(%dma_start3A_680 : memref<2x16xf32, #tpu.memory_space<hbm>>) target_semaphore(%run_scoped3A : memref<!tpu.dma_semaphore, #tpu.memory_space<semaphore_mem>>)
      %dma_wait3A_681 = arith.constant 0 : i32
      %dma_wait3A_682 = tpu.memref_slice %arg3[%mul3A_676, %dma_wait3A_681] : memref<64x16xf32, #tpu.memory_space<hbm>> -> memref<2x16xf32, #tpu.memory_space<hbm>>
      %dma_wait3A_683 = arith.constant 0 : i32
      %dma_wait3A_684 = tpu.memref_slice %arg3[%mul3A_676, %dma_wait3A_683] : memref<64x16xf32, #tpu.memory_space<hbm>> -> memref<2x16xf32, #tpu.memory_space<hbm>>
      tpu.wait_dma2 semaphore(%run_scoped3A : memref<!tpu.dma_semaphore, #tpu.memory_space<semaphore_mem>>) src(%arg7 : memref<2x16xf32, #tpu.memory_space<vmem>>) dst(%dma_wait3A_684 : memref<2x16xf32, #tpu.memory_space<hbm>>)
      tpu.yield
    }) : () -> ()
    return
  }
}

module attributes {stable_mosaic.version = 14 : i64} {
  func.func @_row_sums_body(%arg0: memref<64x32768xf32, #tpu.memory_space<vmem>>, %arg1: memref<64x1xf32, #tpu.memory_space<vmem>>) attributes {dimension_semantics = [], scalar_prefetch = 0 : i64, scratch_operands = 0 : i64, tpu.core_type = #tpu.core_type<tc>} {
    %get3A = arith.constant 0 : index
    %get3A_0 = arith.constant 0 : index
    %get3A_1 = vector.load %arg0[%get3A, %get3A_0] : memref<64x32768xf32, #tpu.memory_space<vmem>>, vector<64x32768xf32>
    %mul3A = arith.constant -4.000000e-01 : f32
    %mul3A_2 = vector.broadcast %mul3A : f32 to vector<64x32768xf32>
    %mul3A_3 = arith.mulf %get3A_1, %mul3A_2 : vector<64x32768xf32>
    %exp3A = math.exp %mul3A_3 : vector<64x32768xf32>
    %add3A = arith.constant 1.000000e+00 : f32
    %add3A_4 = vector.broadcast %add3A : f32 to vector<64x32768xf32>
    %add3A_5 = arith.addf %add3A_4, %exp3A : vector<64x32768xf32>
    %div3A = arith.constant 1.000000e+00 : f32
    %div3A_6 = vector.broadcast %div3A : f32 to vector<64x32768xf32>
    %div3A_7 = arith.divf %div3A_6, %add3A_5 : vector<64x32768xf32>
    %reduce_sum3A = arith.constant dense<0.000000e+00> : vector<64xf32>
    %reduce_sum3A_8 = vector.multi_reduction <add>, %div3A_7, %reduce_sum3A [1] : vector<64x32768xf32> to vector<64xf32>
    %broadcast_in_dim3A = vector.shape_cast %reduce_sum3A_8 : vector<64xf32> to vector<64x1xf32>
    %swap3A = arith.constant 0 : index
    %swap3A_9 = arith.constant 0 : index
    %swap3A_10 = vector.load %arg1[%swap3A, %swap3A_9] : memref<64x1xf32, #tpu.memory_space<vmem>>, vector<64x1xf32>
    tpu.vector_store %arg1[%swap3A, %swap3A_9], %broadcast_in_dim3A {strides = array<i32>} : memref<64x1xf32, #tpu.memory_space<vmem>>, vector<64x1xf32>,
    return
  }
}

module attributes {stable_mosaic.version = 14 : i64} {
  func.func @_loss_body(%arg0: memref<64x16xf32, #tpu.memory_space<vmem>>, %arg1: memref<64x1xf32, #tpu.memory_space<vmem>>, %arg2: memref<1x1xf32, #tpu.memory_space<vmem>>) attributes {dimension_semantics = [], scalar_prefetch = 0 : i64, scratch_operands = 0 : i64, tpu.core_type = #tpu.core_type<tc>} {
    %get3A = arith.constant 0 : index
    %get3A_0 = arith.constant 0 : index
    %get3A_1 = vector.load %arg0[%get3A, %get3A_0] : memref<64x16xf32, #tpu.memory_space<vmem>>, vector<64x16xf32>
    %slice3A = vector.extract_strided_slice %get3A_1 {offsets = [0, 6], sizes = [64, 10], strides = [1, 1]} : vector<64x16xf32> to vector<64x10xf32>
    %mul3A = arith.constant -4.000000e-01 : f32
    %mul3A_2 = vector.broadcast %mul3A : f32 to vector<64x10xf32>
    %mul3A_3 = arith.mulf %slice3A, %mul3A_2 : vector<64x10xf32>
    %exp3A = math.exp %mul3A_3 : vector<64x10xf32>
    %add3A = arith.constant 1.000000e+00 : f32
    %add3A_4 = vector.broadcast %add3A : f32 to vector<64x10xf32>
    %add3A_5 = arith.addf %add3A_4, %exp3A : vector<64x10xf32>
    %div3A = arith.constant 1.000000e+00 : f32
    %div3A_6 = vector.broadcast %div3A : f32 to vector<64x10xf32>
    %div3A_7 = arith.divf %div3A_6, %add3A_5 : vector<64x10xf32>
    %reduce_sum3A = arith.constant dense<0.000000e+00> : vector<64xf32>
    %reduce_sum3A_8 = vector.multi_reduction <add>, %div3A_7, %reduce_sum3A [1] : vector<64x10xf32> to vector<64xf32>
    %broadcast_in_dim3A = vector.shape_cast %reduce_sum3A_8 : vector<64xf32> to vector<64x1xf32>
    %get3A_9 = arith.constant 0 : index
    %get3A_10 = arith.constant 0 : index
    %get3A_11 = vector.load %arg1[%get3A_9, %get3A_10] : memref<64x1xf32, #tpu.memory_space<vmem>>, vector<64x1xf32>
    %div3A_12 = arith.divf %broadcast_in_dim3A, %get3A_11 : vector<64x1xf32>
    %add3A_13 = arith.constant 1.000000e-10 : f32
    %add3A_14 = vector.broadcast %add3A_13 : f32 to vector<64x1xf32>
    %add3A_15 = arith.addf %div3A_12, %add3A_14 : vector<64x1xf32>
    %log3A = math.log %add3A_15 : vector<64x1xf32>
    %mul3A_16 = arith.mulf %div3A_12, %log3A : vector<64x1xf32>
    %reduce_sum3A_17 = vector.shape_cast %mul3A_16 : vector<64x1xf32> to vector<1x64x1xf32>
    %reduce_sum3A_18 = arith.constant dense<0.000000e+00> : vector<1xf32>
    %reduce_sum3A_19 = vector.multi_reduction <add>, %reduce_sum3A_17, %reduce_sum3A_18 [1, 2] : vector<1x64x1xf32> to vector<1xf32>
    %reduce_sum3A_20 = vector.shape_cast %reduce_sum3A_19 : vector<1xf32> to vector<1x1x1xf32>
    %reduce_sum3A_21 = vector.extract %reduce_sum3A_20[0, 0, 0] : f32 from vector<1x1x1xf32>
    %neg3A = arith.constant 0.000000e+00 : f32
    %neg3A_22 = arith.subf %neg3A, %reduce_sum3A_21 : f32
    %div3A_23 = arith.constant 6.400000e+01 : f32
    %div3A_24 = arith.divf %neg3A_22, %div3A_23 : f32
    %reshape3A = vector.broadcast %div3A_24 : f32 to vector<1x1xf32>
    %swap3A = arith.constant 0 : index
    %swap3A_25 = arith.constant 0 : index
    %swap3A_26 = vector.load %arg2[%swap3A, %swap3A_25] : memref<1x1xf32, #tpu.memory_space<vmem>>, vector<1x1xf32>
    tpu.vector_store %arg2[%swap3A, %swap3A_25], %reshape3A {strides = array<i32>} : memref<1x1xf32, #tpu.memory_space<vmem>>, vector<1x1xf32>,
    return
  }
}

</mosaic_0001>

<sc_bundles>
// kernel: kernel.5.cloned.1.call-start
scs
__scs_entry_jumppad:
0x0: {  	(pc) =	sbr.rel $0x88, $3  }
0x1: {  	(tag) =	ssettag $0x0;
	lr =	simm.s32 $0x1  }
0x2: {  	[smem:$0x3FA0] =	sst lr;
	_ =	strace $0xD0000000  }
0x3: {  	_ = 	snop  }
0x4: {  	_ = 	snop  }
0x5: {  	_ = 	snop  }
0x6: {  	_ = 	snop  }
0x7: {  	_ = 	snop  }
__scs_overlays_trampoline_lowered:
0x8: {  	[smem:$0x3FAF] =	sst s0  }
0x9: {  	[smem:$0x3FB0] =	sst s1  }
0xa: {  	[smem:$0x3FB1] =	sst s2  }
0xb: {  	[smem:$0x3FB2] =	sst s3  }
0xc: {  	[smem:$0x3FB3] =	sst s4  }
0xd: {  	[smem:$0x3FB4] =	sst s5  }
0xe: {  	[smem:$0x3FB5] =	sst s6  }
0xf: {  	[smem:$0x3FB6] =	sst s7  }
0x10: {  	[smem:$0x3FB7] =	sst s8  }
0x11: {  	[smem:$0x3FB8] =	sst s9;
	s0 =	simm.s32 @!p0 $0x0  }
0x12: {  	s1 =	sld [smem:$0x3F9E];
	s0 =	simm.s32 @p0 $0x1  }
0x13: {  	[smem:$0x3FB9] =	sst s0;
	s0 =	simm.s32 @!p1 $0x0  }
0x14: {  	s2 =	sld [smem:$0x3F9D];
	s0 =	simm.s32 @p1 $0x1  }
0x15: {  	[smem:$0x3FBA] =	sst s0;
	s0 =	simm.s32 @!p2 $0x0  }
0x16: {  	s3 =	sld [smem:$0x3FDB];
	s0 =	simm.s32 @p2 $0x1  }
0x17: {  	s4 =	simm.s32 $0x1BF5;
	[smem:$0x3FBC] =	sst s0  }
0x18: {  	s0 =	sld [smem:$0x3F9F];
	_ =	swait.ge [sflag:s4], $0x0  }
0x19: {  	s7 =	sld [smem:$0x3FA0]  }
0x1a: {  	s8 =	sadd.s32 $0xFFFFE003, lr  }
0x1b: {  	s9 =	sadd.s32 $0xFFFFFEF7, lr;
	s5 =	simm.s32 $0xFFFFFFFF;
	p2 =	slt.u32 s8, $0xFFFFF086  }
0x1c: {  	p1 =	slt.u32 s9, $0xF7A;
	s5 =	simm.s32 @!p2 $0x0  }
0x1d: {  	s5 =	simm.s32 @p1 $0x1;
	p0 =	seq.s32 s7, s2  }
0x1e: {  	s7 =	smul.u32 @!p0 $0xF7A, s2;
	p2 =	seq.s32 @!p0 s5, $0x0  }
0x1f: {  	s9 =	smul.u32 $0xF7A, s1;
	s8 =	simm.s32 @!p0 $0x1BF5;
	p2 =	por !p2, p0  }
0x20: {  	[sflag:s8] =	ssyncset.s32 @!p0 $0xFFFFF086;
	s6 =	sadd.s32 @!p0 s3, s7;
	s7 =	simm.s32 @!p0 $0x108  }
0x21: {  	s3 =	sadd.s32 s3, s9;
	s6 =	sadd.s32 @!p0 $0x88, s6;
	s7 =	simm.s32 @p2 $0x1082  }
0x22: {  	[simem:s7], [sflag:s8] =	dma.local @!p0 [hbm:s6], $0xF7A  }
0x23: {  	s9 =	sor.u32 $0xD0000000, s2;
	s6 =	simm.s32 $0x108;
	_ =	swait.ge @!p0 [sflag:s8], $0x0  }
0x24: {  	s3 =	sadd.s32 $0x88, s3;
	s6 =	simm.s32 @!p1 $0x1082;
	[sflag:s4] =	ssyncset.s32 $0xFFFFF086  }
0x25: {  	[simem:s6], [sflag:s4] =	dma.local [hbm:s3], $0xF7A  }
0x26: {  	[smem:$0x3FA0] =	sst s1;
	(tag) =	ssettag s2;
	_ =	strace s9  }
0x27: {  	s1 =	sld [smem:$0x3FB0]  }
0x28: {  	s2 =	sld [smem:$0x3FB1]  }
0x29: {  	s4 =	sld [smem:$0x3FB3]  }
0x2a: {  	p0 =	seq.s32 s5, $0x0;
	s5 =	sld [smem:$0x3FB4]  }
0x2b: {  	s6 =	sld [smem:$0x3FB5]  }
0x2c: {  	s7 =	sld [smem:$0x3FB6]  }
0x2d: {  	s3 =	simm.s32 $0x108;
	s8 =	sld [smem:$0x3FB7]  }
0x2e: {  	s3 =	simm.s32 @!p0 $0x1082;
	s9 =	sld [smem:$0x3FB8]  }
0x2f: {  	lr =	sadd.s32 s0, s3;
	s0 =	sld [smem:$0x3FAF]  }
0x30: {  	s3 =	sld [smem:$0x3FB2]  }
0x31: {  	[smem:$0x3FBB] =	sst s10  }
0x32: {  	s10 =	sld [smem:$0x3FB9];
	_ =	sdelay $0x3  }
0x33: {  	p0 =	seq.s32 s10, $0x1;
	s10 =	sld [smem:$0x3FBB];
	_ =	sdelay $0x3  }
0x34: {  	[smem:$0x3FBB] =	sst s10  }
0x35: {  	s10 =	sld [smem:$0x3FBA];
	_ =	sdelay $0x3  }
0x36: {  	p1 =	seq.s32 s10, $0x1;
	s10 =	sld [smem:$0x3FBB];
	_ =	sdelay $0x3  }
0x37: {  	[smem:$0x3FBB] =	sst s10  }
0x38: {  	s10 =	sld [smem:$0x3FBC]  }
0x39: {  	_ = 	snop;
	(pc) =	sbr.ind lr, $3  }
0x3a: {  	_ = 	snop  }
0x3b: {  	_ = 	snop  }
0x3c: {  	p2 =	seq.s32 s10, $0x1;
	s10 =	sld [smem:$0x3FBB]  }
0x3d: {  	_ =	shalt  }
0x3e: {  	_ =	shalt  }
0x3f: {  	_ =	shalt  }
0x40: {  	_ =	shalt  }
0x41: {  	_ =	shalt  }
0x42: {  	_ =	shalt  }
0x43: {  	_ =	shalt  }
0x44: {  	_ =	shalt  }
0x45: {  	_ =	shalt  }
0x46: {  	_ =	shalt  }
0x47: {  	_ =	shalt  }
0x48: {  	_ =	shalt  }
0x49: {  	_ =	shalt  }
0x4a: {  	_ =	shalt  }
0x4b: {  	_ =	shalt  }
0x4c: {  	_ =	shalt  }
0x4d: {  	_ =	shalt  }
0x4e: {  	_ =	shalt  }
0x4f: {  	_ =	shalt  }
0x50: {  	_ =	shalt  }
0x51: {  	_ =	shalt  }
0x52: {  	_ =	shalt  }
0x53: {  	_ =	shalt  }
0x54: {  	_ =	shalt  }
0x55: {  	_ =	shalt  }
0x56: {  	_ =	shalt  }
0x57: {  	_ =	shalt  }
0x58: {  	_ =	shalt  }
0x59: {  	_ =	shalt  }
0x5a: {  	_ =	shalt  }
0x5b: {  	_ =	shalt  }
0x5c: {  	_ =	shalt  }
0x5d: {  	_ =	shalt  }
0x5e: {  	_ =	shalt  }
0x5f: {  	_ =	shalt  }
0x60: {  	_ =	shalt  }
0x61: {  	_ =	shalt  }
0x62: {  	_ =	shalt  }
0x63: {  	_ =	shalt  }
0x64: {  	_ =	shalt  }
0x65: {  	_ =	shalt  }
0x66: {  	_ =	shalt  }
0x67: {  	_ =	shalt  }
0x68: {  	_ =	shalt  }
0x69: {  	_ =	shalt  }
0x6a: {  	_ =	shalt  }
0x6b: {  	_ =	shalt  }
0x6c: {  	_ =	shalt  }
0x6d: {  	_ =	shalt  }
0x6e: {  	_ =	shalt  }
0x6f: {  	_ =	shalt  }
0x70: {  	_ =	shalt  }
0x71: {  	_ =	shalt  }
0x72: {  	_ =	shalt  }
0x73: {  	_ =	shalt  }
0x74: {  	_ =	shalt  }
0x75: {  	_ =	shalt  }
0x76: {  	_ =	shalt  }
0x77: {  	_ =	shalt  }
0x78: {  	_ =	shalt  }
0x79: {  	_ =	shalt  }
0x7a: {  	_ =	shalt  }
0x7b: {  	_ =	shalt  }
0x7c: {  	_ =	shalt  }
0x7d: {  	_ =	shalt  }
0x7e: {  	_ =	shalt  }
0x7f: {  	_ =	shalt  }
0x80: {  	_ =	shalt  }
0x81: {  	_ =	shalt  }
0x82: {  	_ =	shalt  }
0x83: {  	_ =	shalt  }
0x84: {  	_ =	shalt  }
0x85: {  	_ =	shalt  }
0x86: {  	_ =	shalt  }
0x87: {  	_ =	shalt  }
.Lfunc_end0:
.L_simem_size_0:
called_computation_lowered:
.L_overlay_start_0:
0x88: {  	s2 =	sld [smem:$0x3FD9]  }
0x89: {  	s3 =	sld [smem:$0x3FFE];
	_ =	sdelay $0x1  }
0x8a: {  	s1 =	srdreg.scid  }
0x8b: {  	s0 =	sand.u32 $0x1, s1  }
0x8c: {  	s17 =	sshll.u32 s0, $0xA;
	s2 =	sadd.s32 s3, s2  }
0x8d: {  	s2 =	sadd.s32 s2, s17  }
0x8e: {  	[smem:$0x3FC7] =	sst s2  }
0x8f: {  	_ = 	snop  }
0x90: {  	s2 =	sld [smem:$0x3FC9];
	(tm) =	ssettm $0x1  }
0x91: {  	s18 =	sld [smem:$0x3FFB];
	_ =	sdelay $0x3  }
0x92: {  	_ =	strace s18  }
0x93: {  	s3 =	sld [smem:$0x3FFC];
	_ =	sdelay $0x3  }
0x94: {  	_ =	strace s3  }
0x95: {  	s3 =	sld [smem:$0x3FFD];
	_ =	sdelay $0x3  }
0x96: {  	_ =	strace s3  }
0x97: {  	_ =	strace $0x8FFFFFFF  }
0x98: {  	s19 =	sld [smem:$0x3FDB];
	_ =	sdelay $0x1  }
0x99: {  	s4 =	simm.s32 $_scs_section_size  }
0x9a: {  	s5 =	simm.s32 $_size__tile_overlayer_lowered;
	s6 =	simm.s32 $_tile_overlayer_lowered  }
0x9b: {  	s22 =	simm.s32 $0x1BFF;
	s21 =	sshll.u32 s6, $0x1;
	s3 =	sadd.s32 s4, s19  }
0x9c: {  	s7 =	simm.s32 $0x0;
	s20 =	sshll.u32 s5, $0x1;
	s5 =	sadd.s32 s21, s3  }
0x9d: {  	[timem:s7], [sflag:s22] =	dma.local [hbm:s5], s20  }
0x9e: {  	_ =	swait.ge [sflag:s22], s20  }
0x9f: {  	s4 =	ssub.s32 $0x0, s20;
	[sflag:s22] =	ssyncset.done $0x0  }
0xa0: {  	[sflag:s22] =	ssyncadd.s32 s4;
	_ =	sdelay $0x1  }
0xa1: {  	s23 =	simm.s32 $0x1B8B  }
0xa2: {  	_ =	swait.ge [sflag:s23], $0x1  }
0xa3: {  	[sflag:s23] =	ssyncset.done $0x0  }
0xa4: {  	s25 =	simm.s32 $0x1B8E;
	s24 =	sld [smem:$0x3FFE];
	[sflag:s23] =	ssyncadd.s32 $0xFFFFFFFF  }
0xa5: {  	s26 =	simm.s32 $execute0_lowered;
	[smem:$0x3FD2] =	sst s25  }
0xa6: {  	s5 =	sshll.u32 s26, $0x1;
	_ =	strace $0x80000046;
	[dreg:$0x1] =	wrdreg $0xFFFFFFFF  }
0xa7: {  	s28 =	simm.s32 $_size_execute0_lowered;
	s3 =	sadd.s32 s3, s5;
	[dreg:$0x0] =	wrdreg $0x0  }
0xa8: {  	s5 =	sshll.u32 s28, $0x1;
	[dreg:$0x2] =	wrdreg s3  }
0xa9: {  	[dreg:$0x3] =	wrdreg s5  }
0xaa: {  	[dreg:$0x4] =	wrdreg $0xC0  }
0xab: {  	_ =	task [dreg:s7], $0x5FFFF  }
0xac: {  	[dreg:$0x1] =	wrdreg $0xFFFFFFFF  }
0xad: {  	[dreg:$0x0] =	wrdreg $0x60  }
0xae: {  	[dreg:$0x2] =	wrdreg s2  }
0xaf: {  	[dreg:$0x3] =	wrdreg s24  }
0xb0: {  	[dreg:$0x4] =	wrdreg $0x9  }
0xb1: {  	_ =	task.clear_ibuf [dreg:s7], $0x5FFFF;
	_ =	strace $0x90000046  }
0xb2: {  	s29 =	simm.s32 $0x9;
	_ =	strace $0x80000048  }
0xb3: {  	_ =	swait.ge [sflag:s29], $0x1  }
0xb4: {  	[sflag:s29] =	ssyncadd.s32 $0xFFFFFFFF  }
0xb5: {  	_ =	strace $0x90000048  }
0xb6: {  	_ =	sfence  }
0xb7: {  	s30 =	sld [smem:$0x0];
	_ =	sdelay $0x2  }
0xb8: {  	s31 =	sshll.u32 s1, $0xD;
	s1 =	sshrl.u32 s1, $0x2  }
0xb9: {  	s3 =	sand.u32 $0x4000, s31;
	s1 =	sadd.s32 s1, s30  }
0xba: {  	s0 =	sor.u32 s3, s0;
	s1 =	sshll.u32 s1, $0x11  }
0xbb: {  	s0 =	sor.u32 s1, s0  }
0xbc: {  	s0 =	sadd.s32 $0x8F2B, s0  }
0xbd: {  	[sflag:s0] =	ssyncadd.remote.s32 $0x1  }
0xbe: {  	_ =	sfence.sel $0xFFFF  }
0xbf: {  	[dreg:$0x0] =	wrdreg $0xFFFFFFFF;
	(pc) =	sbr.abs _section_cstart, $3  }
0xc0: {  	[dreg:$0x1] =	wrdreg $0xFFFFFFFF  }
0xc1: {  	_ =	task.clear_ibuf [dreg:s7], $0x2FFFF;
	_ =	strace $0x9FFFFFFF  }
0xc2: {  	(tm) =	ssettm $0x7FFFFFFF  }
0xc3: {  	_ =	shalt  }
tec
execute0_lowered:
.L_overlay_start_1:
0x0: {  	(tag) =	ssettag $0x1  }
0x1: {  	v0 =	vimm.s32 $0xEFCDAB89;
	v1 =	vimm.s32 $0x67452301;
	vm0 =	vcmask $0x130C  }
0x2: {  	vm1 =	vcmask $0x33C;
	v2 =	vimm.s32 $0xDCFE98BA;
	v3 =	vimm.s32 $0x54761032  }
0x3: {  	vm2 =	vcmask $0x231C;
	vm3 =	vcmask $0x332C;
	vm4 =	vcmask $0xB08  }
0x4: {  	vm7 =	vcmask $0x738;
	vm5 =	vcmask $0x1714;
	vm6 =	vcmask $0x2B28  }
0x5: {  	vm9 =	vcmask $0x2F28;
	vm10 =	vcmask $0x2720;
	v4 =	vimm.s32 $0x8040201  }
0x6: {  	v5 =	vimm.s32 $0x80402010;
	v6 =	vlaneseq.u32;
	v0 =	vunpack.c.l.s4.s8 v0  }
0x7: {  	v1 =	vunpack.c.l.s4.s8 v1;
	vm0 =	vmor vm1, vm0;
	v2 =	vunpack.c.l.s4.s8 v2  }
0x8: {  	v3 =	vunpack.c.l.s4.s8 v3;
	vm8 =	vmor vm1, vm4;
	v4 =	vunpack.c.0.s8.s32 v4  }
0x9: {  	vm0 =	vmor vm0, vm2;
	v0 =	vunpack.c.0.s8.s32 v0;
	v1 =	vunpack.c.0.s8.s32 v1  }
0xa: {  	v5 =	vunpack.c.0.s8.s32 v5;
	vm0 =	vmor vm0, vm3;
	vm3 =	vcmask $0x2718  }
0xb: {  	vm1 =	vmor vm7, vm3;
	vm3 =	vmor vm8, vm5;
	v0 =	vcombine.low v1, v0  }
0xc: {  	v1 =	vunpack.c.0.s8.s32 v2;
	v2 =	vunpack.c.0.s8.s32 v3;
	vm2 =	vmor vm3, vm2  }
0xd: {  	v6 =	vmul.u32 $0xFFFFFFFF, v6;
	v3 =	vimm.s32 $0x32107654;
	vm5 =	vmor vm2, vm6  }
0xe: {  	vm2 =	vcmask $0x1710;
	v3 =	vunpack.c.l.s4.s8 v3;
	v1 =	vcombine.low v2, v1  }
0xf: {  	v2 =	vimm.s32 $0xBA98FEDC;
	vm3 =	vmor vm7, vm2;
	vm7 =	vcmask $0x700  }
0x10: {  	v5 =	vand.u32 $0xFF, v5;
	v2 =	vunpack.c.l.s4.s8 v2;
	vm7 =	vmor vm7, vm2  }
0x11: {  	vm2 =	vmor vm3, vm9;
	vm9 =	vcmask $0x1310;
	v3 =	vunpack.c.0.s8.s32 v3  }
0x12: {  	vm3 =	vmor vm7, vm10;
	vm7 =	vcmask $0x3730;
	vm8 =	vmor vm8, vm9  }
0x13: {  	vm10 =	vcmask $0xF00;
	vm3 =	vmor vm3, vm7;
	vm7 =	vcmask $0x300  }
0x14: {  	v2 =	vunpack.c.0.s8.s32 v2;
	vm4 =	vmor vm7, vm4;
	vm7 =	vcmask $0x1B18  }
0x15: {  	v6 =	vadd.s32 $0xF, v6;
	v4 =	vnsel vm10, $0x8000, v4;
	vm8 =	vmor vm8, vm7  }
0x16: {  	s3 =	rddreg [dreg:$0x0];
	vm4 =	vmor vm4, vm9;
	vm9 =	vcmask $0x2F20;
	v2 =	vcombine.low v3, v2  }
0x17: {  	s4 =	rddreg [dreg:$0x1];
	s2 =	srdreg.scid;
	vm7 =	vmor vm4, vm7;
	vm4 =	vmor vm10, vm9;
	vm9 =	vcmask $0x1F10  }
0x18: {  	s0 =	stileid.u32;
	s1 =	rddreg [dreg:$0x2];
	s10 =	simm.s32 $0x3;
	v0 =	vand.u32 $0xF, v0;
	v1 =	vand.u32 $0xF, v1;
	v4 =	vsel vm9, v5, v4  }
0x19: {  	s11 =	simm.s32 $0x0;
	s5 =	sand.u32 $0x1, s2;
	s25 =	sshll.u32 s0, $0x9;
	vm9 =	vcmask $0x2320;
	v2 =	vand.u32 $0xF, v2;
	v5 =	vimm.s32 $0x76543210  }
0x1a: {  	s6 =	sshrl.u32 s0, $0x1;
	s2 =	simm.s32 $0x0;
	s9 =	sshll.u32 s0, $0x11;
	vm7 =	vmor vm7, vm9;
	v4 =	vsel vm9, $0x100, v4;
	vm9 =	vcmask $0x2724  }
0x1b: {  	s7 =	sshll.u32 s5, $0x8;
	s8 =	sand.u32 $0x200, s25;
	s26 =	sshll.u32 s6, $0xA;
	v5 =	vunpack.c.l.s4.s8 v5;
	vm10 =	vmor vm8, vm9;
	v4 =	vsel vm9, $0x200, v4  }
0x1c: {  	[smem:$0x7FF] =	sst s2;
	s28 =	sand.u32 $0x1C0000, s9;
	s5 =	ssub.s32 $0x2, s5;
	vm8 =	vcmask $0x3734;
	v3 =	vsel vm6, $0x400, v4;
	v4 =	vimm.s32 $0xFEDCBA98  }
0x1d: {  	s6 =	sshll.u32 s6, $0x12;
	s9 =	simm.s32 $0x11080;
	s7 =	sor.u32 s7, s8;
	vm7 =	vmor vm7, vm6;
	vm6 =	vcmask $0x2F2C;
	v4 =	vunpack.c.l.s4.s8 v4  }
0x1e: {  	_ =	strace $0x80000047;
	s29 =	sshrl.u32 s5, $0x1;
	s8 =	sor.u32 s26, s7;
	vm5 =	vmor vm5, vm8;
	v5 =	vunpack.c.0.s8.s32 v5;
	vm9 =	vmor vm10, vm6  }
.Ltmp0:
0x1f: {  	s6 =	sor.u32 s6, s7;
	s8 =	sshrl.u32 s8, $0x3;
	v3 =	vsel vm6, $0x800, v3;
	vm6 =	vcmask $0x3330;
	v4 =	vunpack.c.0.s8.s32 v4;
	(pc) =	sbr.rel .LBB2_1-.Ltmp0, $4  }
0x20: {  	s30 =	ssub.s32 s5, s29;
	s8 =	sadd.s32 s8, s4;
	s4 =	sor.u32 s7, s28;
	vm10 =	vmor vm7, vm6;
	v3 =	vsel vm6, $0x1000, v3;
	vm6 =	vcmask $0xF30  }
0x21: {  	s31 =	sshrl.u32 s6, $0x3;
	s6 =	smax.u32 s30, $0x1;
	s4 =	sshrl.u32 s4, $0x3;
	vm7 =	vmor vm9, vm8;
	vm9 =	vcmask $0x3B38;
	v4 =	vand.u32 $0xF, v4  }
0x22: {  	s7 =	simm.s32 $0x1;
	s5 =	sadd.s32 $0x800, s8;
	s4 =	sadd.s32 s4, s3;
	v7 =	vsel vm8, $0x2000, v3;
	vm8 =	vmor vm10, vm9;
	v3 =	vcombine.low v4, v5  }
0x23: {  	s8 =	simm.s32 $0x2;
	s3 =	sadd.s32 s3, s31;
	s4 =	sadd.s32 $0x10, s4;
	v4 =	vsel vm9, $0x4000, v7;
	vm9 =	vmmov $0xff;
	v5 =	vimm.f32 $-Inf  }
.LBB2_29:
0x24: {  	v7 =	vld [tilespmem:$0x11000];
	_ =	sdelay $0x2  }
0x25: {  	s11 =	sadd.s32 $0x1, s11  }
0x26: {  	p0 =	sne.s32 s11, s6  }
.Ltmp1:
0x27: {  	[tilespmem:$0x11100] =	vst v7;
	(pc) =	sbr.rel @!p0 .LBB2_30-.Ltmp1, $4  }
0x28: {  	[hbm4b:s5+s2] =	stream.linear.scatter [tilespmem:s9], [sflag:$0x3], $0x100, $0x38;
	[tilespmem:$0x11180] =	vst v63  }
0x29: {  	_ =	swait.ge [sflag:s10], $0x100  }
0x2a: {  	[sflag:s10] =	ssyncset.done $0x0  }
0x2b: {  	[sflag:s10] =	ssyncadd.s32 $0xFFFFFF00  }
.LBB2_1:
0x2c: {  	s12 =	simm.s32 $0x80  }
0x2d: {  	s15 =	sadd.s32 $0x0, s3;
	s13 =	simm.s32 $0x100;
	s14 =	simm.s32 $0x0  }
.LBB2_2:
0x2e: {  	[tilespmem:s14], [sflag:$0x1] =	stream.linear.gather [hbm4b:s15+s2], $0x80, $0x38;
	[tilespmem:$0x11180] =	vst v63  }
0x2f: {  	s15 =	smov.u32 s12;
	s14 =	smov.u32 s13;
	p0 =	sne.s32 s12, $0x7F80  }
.Ltmp2:
0x30: {  	s12 =	sadd.s32 $0x80, s12;
	(pc) =	sbr.rel @p0 .LBB2_2-.Ltmp2, $2  }
0x31: {  	_ =	sdelay $0x2  }
0x32: {  	s13 =	sadd.s32 $0x100, s13;
	s15 =	sadd.s32 s15, s3  }
0x33: {  	[tilespmem:s14], [sflag:$0x1] =	stream.linear.gather [hbm4b:s15+s2], $0x80, $0x38;
	[tilespmem:$0x11180] =	vst v63  }
0x34: {  	s12 =	simm.s32 $0x80  }
0x35: {  	s13 =	simm.s32 $0x80;
	s15 =	sadd.s32 $0x0, s4;
	s14 =	simm.s32 $0x180  }
.LBB2_4:
0x36: {  	[tilespmem:s12], [sflag:$0x2] =	stream.linear.gather [hbm4b:s15+s2], $0x80, $0x38;
	[tilespmem:$0x11180] =	vst v63  }
0x37: {  	s15 =	smov.u32 s13;
	s12 =	smov.u32 s14;
	p0 =	sne.s32 s13, $0x7F80  }
.Ltmp3:
0x38: {  	s13 =	sadd.s32 $0x80, s13;
	(pc) =	sbr.rel @p0 .LBB2_4-.Ltmp3, $2  }
0x39: {  	_ =	sdelay $0x2  }
0x3a: {  	s14 =	sadd.s32 $0x100, s14;
	s15 =	sadd.s32 s15, s4  }
0x3b: {  	[tilespmem:s12], [sflag:$0x2] =	stream.linear.gather [hbm4b:s15+s2], $0x80, $0x38;
	[tilespmem:$0x11180] =	vst v63  }
0x3c: {  	_ =	swait.ge [sflag:s7], $0x8000  }
0x3d: {  	[sflag:s7] =	ssyncset.done $0x0  }
0x3e: {  	s13 =	simm.s32 $0x100;
	[sflag:s7] =	ssyncadd.s32 $0xFFFF8000  }
0x3f: {  	v10 =	vld [tilespmem:s13+$0x40]  }
0x40: {  	v8 =	vld [tilespmem:s13+$0x50]  }
0x41: {  	v9 =	vld [tilespmem:s13+$0x60]  }
0x42: {  	v13 =	vld [tilespmem:s13+$0x0]  }
0x43: {  	v11 =	vld [tilespmem:s13+$0x10]  }
0x44: {  	v12 =	vld [tilespmem:s13+$0x20]  }
0x45: {  	v17 =	vld [tilespmem:s13+$0xFFFFFF40]  }
0x46: {  	v19 =	vld [tilespmem:s13+$0xFFFFFF00]  }
0x47: {  	v14 =	vld [tilespmem:s13+$0xFFFFFF10]  }
0x48: {  	v15 =	vld [tilespmem:s13+$0xFFFFFF50]  }
0x49: {  	v16 =	vld [tilespmem:s13+$0xFFFFFF20]  }
0x4a: {  	v18 =	vld [tilespmem:s13+$0xFFFFFF60]  }
0x4b: {  	v20 =	vld [tilespmem:s13+$0xFFFFFF30]  }
0x4c: {  	v7 =	vimm.f32 $-Inf;
	s12 =	simm.s32 $0x0;
	s14 =	simm.s32 $0x40;
	v21 =	vld [tilespmem:s13+$0xFFFFFF70]  }
.LBB2_6:
0x4d: {  	p0 =	sne.s32 s14, $0x1FC0;
	v22 =	vld [tilespmem:s13+$0x30]  }
0x4e: {  	v17 =	vmax.f32 v19, v17;
	v19 =	vld [tilespmem:s13+$0x70]  }
0x4f: {  	v13 =	vmax.f32 v17, v13  }
0x50: {  	v10 =	vmax.f32 v13, v10  }
0x51: {  	v13 =	vmax.f32 v14, v15;
	v14 =	vmax.f32 v16, v18;
	v15 =	vmax.f32 v20, v21  }
0x52: {  	v11 =	vmax.f32 v13, v11;
	v12 =	vmax.f32 v14, v12;
	v13 =	vmax.f32 v15, v22  }
0x53: {  	v8 =	vmax.f32 v11, v8;
	v9 =	vmax.f32 v12, v9;
	v11 =	vmax.f32 v13, v19  }
0x54: {  	v8 =	vmax.f32 v10, v8;
	v9 =	vmax.f32 v9, v11  }
0x55: {  	s15 =	sshra.s32 s12, $0x2;
	s12 =	smov.u32 s14;
	v8 =	vmax.f32 v8, v9  }
0x56: {  	s13 =	sadd.s32 $0x200, s13;
	[tilespmem:s15+$0x10000] =	vst v8;
	v7 =	vmax.f32 v7, v8  }
0x57: {  	v10 =	vld [tilespmem:s13+$0x40]  }
0x58: {  	v8 =	vld [tilespmem:s13+$0x50]  }
0x59: {  	v9 =	vld [tilespmem:s13+$0x60]  }
0x5a: {  	v13 =	vld [tilespmem:s13+$0x0]  }
0x5b: {  	v11 =	vld [tilespmem:s13+$0x10]  }
0x5c: {  	v12 =	vld [tilespmem:s13+$0x20]  }
0x5d: {  	v17 =	vld [tilespmem:s13+$0xFFFFFF40]  }
0x5e: {  	v19 =	vld [tilespmem:s13+$0xFFFFFF00]  }
0x5f: {  	v14 =	vld [tilespmem:s13+$0xFFFFFF10]  }
.Ltmp4:
0x60: {  	v15 =	vld [tilespmem:s13+$0xFFFFFF50];
	(pc) =	sbr.rel @p0 .LBB2_6-.Ltmp4, $4  }
0x61: {  	v16 =	vld [tilespmem:s13+$0xFFFFFF20]  }
0x62: {  	v18 =	vld [tilespmem:s13+$0xFFFFFF60]  }
0x63: {  	v20 =	vld [tilespmem:s13+$0xFFFFFF30]  }
0x64: {  	s14 =	sadd.s32 $0x40, s14;
	v21 =	vld [tilespmem:s13+$0xFFFFFF70]  }
0x65: {  	v22 =	vld [tilespmem:s13+$0x30]  }
0x66: {  	v47 =	vld [tilespmem:s13+$0x70]  }
0x67: {  	v17 =	vmax.f32 v19, v17  }
0x68: {  	v48 =	vmax.f32 v14, v15;
	v13 =	vmax.f32 v17, v13  }
0x69: {  	v11 =	vmax.f32 v48, v11;
	v49 =	vmax.f32 v16, v18;
	v50 =	vmax.f32 v20, v21  }
0x6a: {  	v10 =	vmax.f32 v13, v10;
	v12 =	vmax.f32 v49, v12;
	v51 =	vmax.f32 v50, v22  }
0x6b: {  	v8 =	vmax.f32 v11, v8;
	v9 =	vmax.f32 v12, v9;
	v52 =	vmax.f32 v51, v47  }
0x6c: {  	v8 =	vmax.f32 v10, v8;
	v9 =	vmax.f32 v9, v52  }
0x6d: {  	v8 =	vmax.f32 v8, v9  }
0x6e: {  	v7 =	vmax.f32 v7, v8  }
0x6f: {  	v53 =	vperm.xlane v7, v0;
	_ =	sdelay $0x1  }
0x70: {  	v54 =	vmin.f32 v7, v53;
	v7 =	vmax.f32 v7, v53  }
0x71: {  	v7 =	vsel vm0, v54, v7  }
0x72: {  	v55 =	vperm.xlane v7, v1;
	_ =	sdelay $0x1  }
0x73: {  	v10 =	vmin.f32 v7, v55;
	v7 =	vmax.f32 v7, v55  }
0x74: {  	v7 =	vsel vm1, v10, v7  }
0x75: {  	v56 =	vperm.xlane v7, v0;
	_ =	sdelay $0x1  }
0x76: {  	v10 =	vmin.f32 v7, v56;
	v7 =	vmax.f32 v7, v56  }
0x77: {  	v7 =	vsel vm5, v10, v7  }
0x78: {  	v57 =	vperm.xlane v7, v2;
	_ =	sdelay $0x1  }
0x79: {  	v10 =	vmin.f32 v7, v57;
	v7 =	vmax.f32 v7, v57  }
0x7a: {  	v7 =	vsel vm6, v10, v7  }
0x7b: {  	v58 =	vperm.xlane v7, v1;
	_ =	sdelay $0x1  }
0x7c: {  	v10 =	vmin.f32 v7, v58;
	v7 =	vmax.f32 v7, v58  }
0x7d: {  	v7 =	vsel vm2, v10, v7  }
0x7e: {  	v59 =	vperm.xlane v7, v0;
	_ =	sdelay $0x1  }
0x7f: {  	v10 =	vmin.f32 v7, v59;
	v7 =	vmax.f32 v7, v59  }
0x80: {  	v7 =	vsel vm7, v10, v7  }
0x81: {  	v60 =	vperm.xlane v7, v3;
	_ =	sdelay $0x1  }
0x82: {  	v10 =	vmin.f32 v7, v60;
	v7 =	vmax.f32 v7, v60  }
0x83: {  	v7 =	vsel vm9, v10, v7  }
0x84: {  	v61 =	vperm.xlane v7, v2;
	_ =	sdelay $0x1  }
0x85: {  	v10 =	vmin.f32 v7, v61;
	v7 =	vmax.f32 v7, v61  }
0x86: {  	v7 =	vsel vm4, v10, v7  }
0x87: {  	v62 =	vperm.xlane v7, v1;
	_ =	sdelay $0x1  }
0x88: {  	v10 =	vmin.f32 v7, v62;
	v7 =	vmax.f32 v7, v62  }
.Ltmp5:
0x89: {  	v7 =	vsel vm3, v10, v7;
	(pc) =	sbr.rel .LBB2_8-.Ltmp5, $4  }
0x8a: {  	v63 =	vperm.xlane v7, v0  }
0x8b: {  	s12 =	sshra.s32 s12, $0x2  }
0x8c: {  	[tilespmem:s12+$0x10000] =	vst v8;
	v7 =	vmin.f32 v7, v63  }
0x8d: {  	s13 =	simm.s32 $0x0;
	s12 =	simm.s32 $0x0;
	[tilespmem:$0x11000] =	vst v5;
	v7 =	vbroadcast v7, $0x6  }
.LBB2_16:
0x8e: {  	s13 =	sadd.s32 $0x1, s13  }
0x8f: {  	p0 =	sne.s32 s13, $0x8  }
.Ltmp6:
0x90: {  	_ = 	snop;
	(pc) =	sbr.rel @!p0 .LBB2_17-.Ltmp6, $2  }
0x91: {  	_ =	sdelay $0x2  }
0x92: {  	s12 =	sadd.s32 $0x2000, s12  }
.LBB2_8:
0x93: {  	s14 =	sshll.u32 s13, $0x8  }
0x94: {  	s14 =	sand.u32 $0x3FFFFF00, s14  }
0x95: {  	v8 =	vld [tilespmem:s14+$0x10000]  }
0x96: {  	v9 =	vld [tilespmem:s14+$0x10010]  }
0x97: {  	v10 =	vld [tilespmem:s14+$0x10020]  }
0x98: {  	v11 =	vld [tilespmem:s14+$0x10030]  }
0x99: {  	v12 =	vld [tilespmem:s14+$0x10040]  }
0x9a: {  	v13 =	vld [tilespmem:s14+$0x10050]  }
0x9b: {  	v14 =	vld [tilespmem:s14+$0x10060]  }
0x9c: {  	v15 =	vld [tilespmem:s14+$0x10070]  }
0x9d: {  	v16 =	vld [tilespmem:s14+$0x10080]  }
0x9e: {  	v18 =	vld [tilespmem:s14+$0x10090]  }
0x9f: {  	v20 =	vld [tilespmem:s14+$0x100A0]  }
0xa0: {  	v22 =	vld [tilespmem:s14+$0x100B0]  }
0xa1: {  	v24 =	vld [tilespmem:s14+$0x100C0]  }
0xa2: {  	v28 =	vld [tilespmem:s14+$0x100D0];
	v17 =	vperm.xlane v8, v0;
	v19 =	vperm.xlane v9, v0  }
0xa3: {  	v30 =	vld [tilespmem:s14+$0x100E0];
	v62 =	vperm.xlane v10, v0;
	v21 =	vperm.xlane v11, v0  }
0xa4: {  	v33 =	vld [tilespmem:s14+$0x100F0];
	v63 =	vperm.xlane v12, v0;
	v23 =	vperm.xlane v13, v0  }
0xa5: {  	v29 =	vperm.xlane v14, v0;
	v32 =	vperm.xlane v15, v0  }
0xa6: {  	v34 =	vperm.xlane v16, v0;
	v35 =	vperm.xlane v18, v0  }
0xa7: {  	v36 =	vperm.xlane v20, v0;
	v37 =	vperm.xlane v22, v0  }
0xa8: {  	v41 =	vperm.xlane v24, v0;
	v42 =	vperm.xlane v28, v0  }
0xa9: {  	v44 =	vperm.xlane v30, v0;
	v45 =	vperm.xlane v33, v0;
	v8 =	vmax.f32 v8, v17  }
0xaa: {  	v9 =	vmax.f32 v9, v19;
	v26 =	vmax.f32 v10, v62;
	v27 =	vmax.f32 v11, v21  }
0xab: {  	v12 =	vmax.f32 v12, v63;
	v13 =	vmax.f32 v13, v23;
	v14 =	vmax.f32 v14, v29  }
0xac: {  	v38 =	vmax.f32 v16, v34;
	v39 =	vmax.f32 v18, v35;
	v40 =	vmax.f32 v22, v37  }
0xad: {  	v43 =	vmax.f32 v24, v41;
	v11 =	vmax.f32 v28, v42;
	v48 =	vmax.f32 v30, v44  }
0xae: {  	v8 =	vsel vm8, v8, v9;
	v9 =	vsel vm8, v26, v27;
	v31 =	vsel vm8, v12, v13  }
0xaf: {  	v12 =	vmax.f32 v15, v32;
	v15 =	vmax.f32 v20, v36;
	v11 =	vsel vm8, v43, v11  }
0xb0: {  	v13 =	vmax.f32 v33, v45;
	v12 =	vsel vm8, v14, v12;
	v46 =	vperm.xlane v8, v1  }
0xb1: {  	v14 =	vsel vm8, v38, v39;
	v47 =	vperm.xlane v9, v1;
	v49 =	vperm.xlane v31, v1  }
0xb2: {  	v15 =	vsel vm8, v15, v40;
	v53 =	vperm.xlane v11, v1;
	v50 =	vperm.xlane v12, v1  }
0xb3: {  	v13 =	vsel vm8, v48, v13;
	v51 =	vperm.xlane v14, v1;
	v52 =	vperm.xlane v15, v1  }
0xb4: {  	v54 =	vperm.xlane v13, v1;
	v8 =	vmax.f32 v8, v46;
	v9 =	vmax.f32 v9, v47  }
0xb5: {  	v10 =	vmax.f32 v31, v49;
	v11 =	vmax.f32 v11, v53;
	v8 =	vsel vm3, v8, v9  }
0xb6: {  	v9 =	vmax.f32 v12, v50;
	v55 =	vmax.f32 v14, v51;
	v56 =	vmax.f32 v15, v52  }
0xb7: {  	v57 =	vmax.f32 v13, v54;
	v9 =	vsel vm3, v10, v9;
	v10 =	vsel vm3, v55, v56  }
0xb8: {  	v11 =	vsel vm3, v11, v57;
	v58 =	vperm.xlane v8, v2;
	v59 =	vperm.xlane v9, v2  }
0xb9: {  	v14 =	vperm.xlane v10, v2;
	v60 =	vperm.xlane v11, v2  }
0xba: {  	v8 =	vmax.f32 v8, v58  }
0xbb: {  	v9 =	vmax.f32 v9, v59;
	v10 =	vmax.f32 v10, v14;
	v11 =	vmax.f32 v11, v60  }
0xbc: {  	v8 =	vsel vm4, v8, v9;
	v61 =	vsel vm4, v10, v11  }
0xbd: {  	v62 =	vperm.xlane v8, v3;
	v11 =	vperm.xlane v61, v3;
	_ =	sdelay $0x1  }
0xbe: {  	v8 =	vmax.f32 v8, v62;
	v9 =	vmax.f32 v61, v11  }
0xbf: {  	v8 =	vsel vm9, v8, v9  }
0xc0: {  	vm10 =	vge.f32 v8, v7  }
0xc1: {  	v8 =	vnsel vm10, $0x0, v4  }
0xc2: {  	v63 =	vperm.xlane v8, v3;
	_ =	sdelay $0x1  }
0xc3: {  	v8 =	vor.u32 v63, v8  }
0xc4: {  	v9 =	vperm.xlane v8, v2;
	_ =	sdelay $0x1  }
0xc5: {  	v8 =	vor.u32 v9, v8  }
0xc6: {  	v9 =	vperm.xlane v8, v1;
	_ =	sdelay $0x1  }
0xc7: {  	v8 =	vor.u32 v9, v8  }
0xc8: {  	v9 =	vperm.xlane v8, v0;
	_ =	sdelay $0x1  }
0xc9: {  	v8 =	vor.u32 v9, v8  }
0xca: {  	(v2sf) =	vpush v8, $0x0;
	_ =	sdelay $0xe  }
0xcb: {  	s14 =	spop (v2sf)  }
0xcc: {  	p0 =	seq.s32 s14, $0x0  }
.Ltmp7:
0xcd: {  	_ = 	snop;
	(pc) =	sbr.rel @p0 .LBB2_16-.Ltmp7, $1  }
0xce: {  	_ =	sdelay $0x3  }
.Ltmp8:
0xcf: {  	(pc) =	sbr.rel .LBB2_10-.Ltmp8, $2  }
0xd0: {  	_ =	sdelay $0x2  }
0xd1: {  	s15 =	sshll.u32 s13, $0xC;
	s16 =	smov.u32 s12;
	s17 =	simm.s32 $0x0  }
.LBB2_15:
0xd2: {  	s17 =	sadd.s32 $0x1, s17  }
0xd3: {  	p0 =	sne.s32 s17, $0x10  }
.Ltmp9:
0xd4: {  	_ = 	snop;
	(pc) =	sbr.rel @!p0 .LBB2_16-.Ltmp9, $2  }
0xd5: {  	_ =	sdelay $0x2  }
0xd6: {  	s16 =	sadd.s32 $0x200, s16  }
.LBB2_10:
0xd7: {  	s18 =	sshrl.u32 s14, s17  }
0xd8: {  	s18 =	sand.u32 $0x1, s18  }
0xd9: {  	p0 =	seq.s32 s18, $0x0  }
.Ltmp10:
0xda: {  	_ = 	snop;
	(pc) =	sbr.rel @p0 .LBB2_15-.Ltmp10, $1  }
0xdb: {  	_ =	sdelay $0x3  }
0xdc: {  	s18 =	sshll.u32 s17, $0x8  }
0xdd: {  	s18 =	sadd.s32 s15, s18  }
0xde: {  	s18 =	sshll.u32 s18, $0x1  }
0xdf: {  	s18 =	sand.u32 $0x3FFFFFFE, s18  }
0xe0: {  	v8 =	vld [tilespmem:s18+$0x0]  }
0xe1: {  	v9 =	vld [tilespmem:s18+$0x10]  }
0xe2: {  	v10 =	vld [tilespmem:s18+$0x20]  }
0xe3: {  	v11 =	vld [tilespmem:s18+$0x30]  }
0xe4: {  	v12 =	vld [tilespmem:s18+$0x40]  }
0xe5: {  	v13 =	vld [tilespmem:s18+$0x50]  }
0xe6: {  	v14 =	vld [tilespmem:s18+$0x60]  }
0xe7: {  	v15 =	vld [tilespmem:s18+$0x70]  }
0xe8: {  	v16 =	vld [tilespmem:s18+$0x100]  }
0xe9: {  	v18 =	vld [tilespmem:s18+$0x110]  }
0xea: {  	v20 =	vld [tilespmem:s18+$0x120]  }
0xeb: {  	v22 =	vld [tilespmem:s18+$0x130]  }
0xec: {  	v24 =	vld [tilespmem:s18+$0x140]  }
0xed: {  	v28 =	vld [tilespmem:s18+$0x150];
	v17 =	vperm.xlane v8, v0;
	v19 =	vperm.xlane v9, v0  }
0xee: {  	v30 =	vld [tilespmem:s18+$0x160];
	v62 =	vperm.xlane v10, v0;
	v21 =	vperm.xlane v11, v0  }
0xef: {  	v33 =	vld [tilespmem:s18+$0x170];
	v63 =	vperm.xlane v12, v0;
	v23 =	vperm.xlane v13, v0  }
0xf0: {  	v29 =	vperm.xlane v14, v0;
	v32 =	vperm.xlane v15, v0  }
0xf1: {  	v34 =	vperm.xlane v16, v0;
	v35 =	vperm.xlane v18, v0  }
0xf2: {  	v36 =	vperm.xlane v20, v0;
	v37 =	vperm.xlane v22, v0  }
0xf3: {  	v41 =	vperm.xlane v24, v0;
	v42 =	vperm.xlane v28, v0  }
0xf4: {  	v44 =	vperm.xlane v30, v0;
	v45 =	vperm.xlane v33, v0;
	v8 =	vmax.f32 v8, v17  }
0xf5: {  	v9 =	vmax.f32 v9, v19;
	v26 =	vmax.f32 v10, v62;
	v27 =	vmax.f32 v11, v21  }
0xf6: {  	v12 =	vmax.f32 v12, v63;
	v13 =	vmax.f32 v13, v23;
	v14 =	vmax.f32 v14, v29  }
0xf7: {  	v38 =	vmax.f32 v16, v34;
	v39 =	vmax.f32 v18, v35;
	v40 =	vmax.f32 v22, v37  }
0xf8: {  	v43 =	vmax.f32 v24, v41;
	v11 =	vmax.f32 v28, v42;
	v48 =	vmax.f32 v30, v44  }
0xf9: {  	v8 =	vsel vm8, v8, v9;
	v9 =	vsel vm8, v26, v27;
	v31 =	vsel vm8, v12, v13  }
0xfa: {  	v12 =	vmax.f32 v15, v32;
	v15 =	vmax.f32 v20, v36;
	v11 =	vsel vm8, v43, v11  }
0xfb: {  	v13 =	vmax.f32 v33, v45;
	v12 =	vsel vm8, v14, v12;
	v46 =	vperm.xlane v8, v1  }
0xfc: {  	v14 =	vsel vm8, v38, v39;
	v47 =	vperm.xlane v9, v1;
	v49 =	vperm.xlane v31, v1  }
0xfd: {  	v15 =	vsel vm8, v15, v40;
	v53 =	vperm.xlane v11, v1;
	v50 =	vperm.xlane v12, v1  }
0xfe: {  	v13 =	vsel vm8, v48, v13;
	v51 =	vperm.xlane v14, v1;
	v52 =	vperm.xlane v15, v1  }
0xff: {  	v54 =	vperm.xlane v13, v1;
	v8 =	vmax.f32 v8, v46;
	v9 =	vmax.f32 v9, v47  }
0x100: {  	v10 =	vmax.f32 v31, v49;
	v11 =	vmax.f32 v11, v53;
	v8 =	vsel vm3, v8, v9  }
0x101: {  	v9 =	vmax.f32 v12, v50;
	v55 =	vmax.f32 v14, v51;
	v56 =	vmax.f32 v15, v52  }
0x102: {  	v57 =	vmax.f32 v13, v54;
	v9 =	vsel vm3, v10, v9;
	v10 =	vsel vm3, v55, v56  }
0x103: {  	v11 =	vsel vm3, v11, v57;
	v58 =	vperm.xlane v8, v2;
	v59 =	vperm.xlane v9, v2  }
0x104: {  	v14 =	vperm.xlane v10, v2;
	v60 =	vperm.xlane v11, v2  }
0x105: {  	v8 =	vmax.f32 v8, v58  }
0x106: {  	v9 =	vmax.f32 v9, v59;
	v10 =	vmax.f32 v10, v14;
	v11 =	vmax.f32 v11, v60  }
0x107: {  	v8 =	vsel vm4, v8, v9;
	v61 =	vsel vm4, v10, v11  }
0x108: {  	v62 =	vperm.xlane v8, v3;
	v11 =	vperm.xlane v61, v3;
	_ =	sdelay $0x1  }
0x109: {  	v8 =	vmax.f32 v8, v62;
	v9 =	vmax.f32 v61, v11  }
0x10a: {  	v8 =	vsel vm9, v8, v9  }
0x10b: {  	vm10 =	vge.f32 v8, v7  }
0x10c: {  	v8 =	vnsel vm10, $0x0, v4  }
0x10d: {  	v63 =	vperm.xlane v8, v3;
	_ =	sdelay $0x1  }
0x10e: {  	v8 =	vor.u32 v63, v8  }
0x10f: {  	v9 =	vperm.xlane v8, v2;
	_ =	sdelay $0x1  }
0x110: {  	v8 =	vor.u32 v9, v8  }
0x111: {  	v9 =	vperm.xlane v8, v1;
	_ =	sdelay $0x1  }
0x112: {  	v8 =	vor.u32 v9, v8  }
0x113: {  	v9 =	vperm.xlane v8, v0;
	_ =	sdelay $0x1  }
0x114: {  	v8 =	vor.u32 v9, v8  }
0x115: {  	(v2sf) =	vpush v8, $0x0;
	_ =	sdelay $0xa  }
.Ltmp11:
0x116: {  	_ = 	snop;
	(pc) =	sbr.rel .LBB2_12-.Ltmp11, $3  }
0x117: {  	_ =	sdelay $0x1  }
0x118: {  	s19 =	simm.s32 $0x0  }
0x119: {  	s20 =	smov.u32 s16;
	s21 =	simm.s32 $0x0;
	s18 =	spop (v2sf)  }
.LBB2_14:
0x11a: {  	s19 =	sadd.s32 $0x10, s19  }
0x11b: {  	p0 =	sne.s32 s19, $0x100  }
.Ltmp12:
0x11c: {  	_ = 	snop;
	(pc) =	sbr.rel @!p0 .LBB2_15-.Ltmp12, $2  }
0x11d: {  	_ =	sdelay $0x2  }
0x11e: {  	s21 =	sadd.s32 $0x1, s21;
	s20 =	sadd.s32 $0x20, s20  }
.LBB2_12:
0x11f: {  	s22 =	sshrl.u32 s18, s21  }
0x120: {  	s22 =	sand.u32 $0x1, s22  }
0x121: {  	p0 =	seq.s32 s22, $0x0  }
.Ltmp13:
0x122: {  	_ = 	snop;
	(pc) =	sbr.rel @p0 .LBB2_14-.Ltmp13, $1  }
0x123: {  	_ =	sdelay $0x3  }
0x124: {  	s22 =	sand.u32 $0x70, s19;
	s23 =	sand.u32 $0xFF00, s20  }
0x125: {  	s22 =	sor.u32 s22, s23  }
0x126: {  	v8 =	vld [tilespmem:s22+$0x0];
	_ =	sdelay $0x4  }
0x127: {  	v9 =	vperm.xlane v8, v0;
	_ =	sdelay $0x1  }
0x128: {  	v10 =	vmin.f32 v8, v9;
	v8 =	vmax.f32 v8, v9  }
0x129: {  	v8 =	vsel vm0, v10, v8  }
0x12a: {  	v50 =	vperm.xlane v8, v1;
	_ =	sdelay $0x1  }
0x12b: {  	v10 =	vmin.f32 v8, v50;
	v8 =	vmax.f32 v8, v50  }
0x12c: {  	v8 =	vsel vm1, v10, v8  }
0x12d: {  	v51 =	vperm.xlane v8, v0;
	_ =	sdelay $0x1  }
0x12e: {  	v10 =	vmin.f32 v8, v51;
	v8 =	vmax.f32 v8, v51  }
0x12f: {  	v8 =	vsel vm5, v10, v8  }
0x130: {  	v52 =	vperm.xlane v8, v2;
	_ =	sdelay $0x1  }
0x131: {  	v10 =	vmin.f32 v8, v52;
	v8 =	vmax.f32 v8, v52  }
0x132: {  	v8 =	vsel vm6, v10, v8  }
0x133: {  	v53 =	vperm.xlane v8, v1;
	_ =	sdelay $0x1  }
0x134: {  	v10 =	vmin.f32 v8, v53;
	v8 =	vmax.f32 v8, v53  }
0x135: {  	v8 =	vsel vm2, v10, v8  }
0x136: {  	v54 =	vperm.xlane v8, v0;
	_ =	sdelay $0x1  }
0x137: {  	v10 =	vmin.f32 v8, v54;
	v8 =	vmax.f32 v8, v54  }
0x138: {  	v8 =	vsel vm7, v10, v8  }
0x139: {  	v55 =	vperm.xlane v8, v3;
	_ =	sdelay $0x1  }
0x13a: {  	v10 =	vmin.f32 v8, v55;
	v8 =	vmax.f32 v8, v55  }
0x13b: {  	v8 =	vsel vm9, v10, v8  }
0x13c: {  	v56 =	vperm.xlane v8, v2;
	_ =	sdelay $0x1  }
0x13d: {  	v10 =	vmin.f32 v8, v56;
	v8 =	vmax.f32 v8, v56  }
0x13e: {  	v8 =	vsel vm4, v10, v8  }
0x13f: {  	v57 =	vperm.xlane v8, v1;
	_ =	sdelay $0x1  }
0x140: {  	v10 =	vmin.f32 v8, v57;
	v8 =	vmax.f32 v8, v57  }
0x141: {  	v8 =	vsel vm3, v10, v8  }
0x142: {  	v58 =	vperm.xlane v8, v0  }
0x143: {  	v59 =	vld [tilespmem:$0x11000]  }
0x144: {  	v11 =	vmin.f32 v8, v58;
	v8 =	vmax.f32 v8, v58  }
0x145: {  	v8 =	vsel vm8, v11, v8  }
0x146: {  	v8 =	vperm.xlane v8, v6;
	_ =	sdelay $0x1  }
0x147: {  	v8 =	vmax.f32 v59, v8  }
0x148: {  	v60 =	vperm.xlane v8, v3;
	_ =	sdelay $0x1  }
0x149: {  	v10 =	vmin.f32 v8, v60;
	v8 =	vmax.f32 v8, v60  }
0x14a: {  	v8 =	vsel vm9, v10, v8  }
0x14b: {  	v61 =	vperm.xlane v8, v2;
	_ =	sdelay $0x1  }
0x14c: {  	v10 =	vmin.f32 v8, v61;
	v8 =	vmax.f32 v8, v61  }
0x14d: {  	v8 =	vsel vm4, v10, v8  }
0x14e: {  	v62 =	vperm.xlane v8, v1;
	_ =	sdelay $0x1  }
0x14f: {  	v10 =	vmin.f32 v8, v62;
	v8 =	vmax.f32 v8, v62  }
0x150: {  	v8 =	vsel vm3, v10, v8  }
.Ltmp14:
0x151: {  	v63 =	vperm.xlane v8, v0;
	(pc) =	sbr.rel .LBB2_14-.Ltmp14, $4  }
0x152: {  	_ = 	snop  }
0x153: {  	v10 =	vmin.f32 v8, v63;
	v8 =	vmax.f32 v8, v63  }
0x154: {  	v8 =	vsel vm8, v10, v8  }
0x155: {  	[tilespmem:$0x11000] =	vst v8  }
.LBB2_17:
0x156: {  	v7 =	vld [tilespmem:$0x11000];
	_ =	sdelay $0x4  }
0x157: {  	[tilespmem:$0x11080] =	vst v7  }
0x158: {  	_ =	swait.ge [sflag:s8], $0x8000  }
0x159: {  	[sflag:s8] =	ssyncset.done $0x0  }
0x15a: {  	s13 =	simm.s32 $0x180;
	[sflag:s8] =	ssyncadd.s32 $0xFFFF8000  }
0x15b: {  	v10 =	vld [tilespmem:s13+$0x40]  }
0x15c: {  	v8 =	vld [tilespmem:s13+$0x50]  }
0x15d: {  	v9 =	vld [tilespmem:s13+$0x60]  }
0x15e: {  	v13 =	vld [tilespmem:s13+$0x0]  }
0x15f: {  	v11 =	vld [tilespmem:s13+$0x10]  }
0x160: {  	v12 =	vld [tilespmem:s13+$0x20]  }
0x161: {  	v17 =	vld [tilespmem:s13+$0xFFFFFF40]  }
0x162: {  	v19 =	vld [tilespmem:s13+$0xFFFFFF00]  }
0x163: {  	v14 =	vld [tilespmem:s13+$0xFFFFFF10]  }
0x164: {  	v15 =	vld [tilespmem:s13+$0xFFFFFF50]  }
0x165: {  	v16 =	vld [tilespmem:s13+$0xFFFFFF20]  }
0x166: {  	v18 =	vld [tilespmem:s13+$0xFFFFFF60]  }
0x167: {  	v20 =	vld [tilespmem:s13+$0xFFFFFF30]  }
0x168: {  	s12 =	simm.s32 $0x0;
	s14 =	simm.s32 $0x10;
	v7 =	vimm.f32 $-Inf;
	v21 =	vld [tilespmem:s13+$0xFFFFFF70]  }
.LBB2_18:
0x169: {  	p0 =	sne.s32 s14, $0x7F0;
	v22 =	vld [tilespmem:s13+$0x30]  }
0x16a: {  	v17 =	vmax.f32 v19, v17;
	v19 =	vld [tilespmem:s13+$0x70]  }
0x16b: {  	v13 =	vmax.f32 v17, v13  }
0x16c: {  	v10 =	vmax.f32 v13, v10  }
0x16d: {  	v13 =	vmax.f32 v14, v15;
	v14 =	vmax.f32 v16, v18;
	v15 =	vmax.f32 v20, v21  }
0x16e: {  	v11 =	vmax.f32 v13, v11;
	v12 =	vmax.f32 v14, v12;
	v13 =	vmax.f32 v15, v22  }
0x16f: {  	v8 =	vmax.f32 v11, v8;
	v9 =	vmax.f32 v12, v9;
	v11 =	vmax.f32 v13, v19  }
0x170: {  	v8 =	vmax.f32 v10, v8;
	v9 =	vmax.f32 v9, v11  }
0x171: {  	s15 =	sand.u32 $0x7F0, s12;
	s12 =	smov.u32 s14;
	v8 =	vmax.f32 v8, v9  }
0x172: {  	s13 =	sadd.s32 $0x200, s13;
	[tilespmem:s15+$0x10800] =	vst v8;
	v7 =	vmax.f32 v7, v8  }
0x173: {  	v10 =	vld [tilespmem:s13+$0x40]  }
0x174: {  	v8 =	vld [tilespmem:s13+$0x50]  }
0x175: {  	v9 =	vld [tilespmem:s13+$0x60]  }
0x176: {  	v13 =	vld [tilespmem:s13+$0x0]  }
0x177: {  	v11 =	vld [tilespmem:s13+$0x10]  }
0x178: {  	v12 =	vld [tilespmem:s13+$0x20]  }
0x179: {  	v17 =	vld [tilespmem:s13+$0xFFFFFF40]  }
0x17a: {  	v19 =	vld [tilespmem:s13+$0xFFFFFF00]  }
0x17b: {  	v14 =	vld [tilespmem:s13+$0xFFFFFF10]  }
.Ltmp15:
0x17c: {  	v15 =	vld [tilespmem:s13+$0xFFFFFF50];
	(pc) =	sbr.rel @p0 .LBB2_18-.Ltmp15, $4  }
0x17d: {  	v16 =	vld [tilespmem:s13+$0xFFFFFF20]  }
0x17e: {  	v18 =	vld [tilespmem:s13+$0xFFFFFF60]  }
0x17f: {  	v20 =	vld [tilespmem:s13+$0xFFFFFF30]  }
0x180: {  	s14 =	sadd.s32 $0x10, s14;
	v21 =	vld [tilespmem:s13+$0xFFFFFF70]  }
0x181: {  	v22 =	vld [tilespmem:s13+$0x30]  }
0x182: {  	v47 =	vld [tilespmem:s13+$0x70]  }
0x183: {  	v17 =	vmax.f32 v19, v17  }
0x184: {  	v48 =	vmax.f32 v14, v15;
	v13 =	vmax.f32 v17, v13  }
0x185: {  	v11 =	vmax.f32 v48, v11;
	v49 =	vmax.f32 v16, v18;
	v50 =	vmax.f32 v20, v21  }
0x186: {  	v10 =	vmax.f32 v13, v10;
	v12 =	vmax.f32 v49, v12;
	v51 =	vmax.f32 v50, v22  }
0x187: {  	v8 =	vmax.f32 v11, v8;
	v9 =	vmax.f32 v12, v9;
	v52 =	vmax.f32 v51, v47  }
0x188: {  	v8 =	vmax.f32 v10, v8;
	v9 =	vmax.f32 v9, v52  }
0x189: {  	v8 =	vmax.f32 v8, v9  }
0x18a: {  	v7 =	vmax.f32 v7, v8  }
0x18b: {  	v53 =	vperm.xlane v7, v0;
	_ =	sdelay $0x1  }
0x18c: {  	v54 =	vmin.f32 v7, v53;
	v7 =	vmax.f32 v7, v53  }
0x18d: {  	v7 =	vsel vm0, v54, v7  }
0x18e: {  	v55 =	vperm.xlane v7, v1;
	_ =	sdelay $0x1  }
0x18f: {  	v10 =	vmin.f32 v7, v55;
	v7 =	vmax.f32 v7, v55  }
0x190: {  	v7 =	vsel vm1, v10, v7  }
0x191: {  	v56 =	vperm.xlane v7, v0;
	_ =	sdelay $0x1  }
0x192: {  	v10 =	vmin.f32 v7, v56;
	v7 =	vmax.f32 v7, v56  }
0x193: {  	v7 =	vsel vm5, v10, v7  }
0x194: {  	v57 =	vperm.xlane v7, v2;
	_ =	sdelay $0x1  }
0x195: {  	v10 =	vmin.f32 v7, v57;
	v7 =	vmax.f32 v7, v57  }
0x196: {  	v7 =	vsel vm6, v10, v7  }
0x197: {  	v58 =	vperm.xlane v7, v1;
	_ =	sdelay $0x1  }
0x198: {  	v10 =	vmin.f32 v7, v58;
	v7 =	vmax.f32 v7, v58  }
0x199: {  	v7 =	vsel vm2, v10, v7  }
0x19a: {  	v59 =	vperm.xlane v7, v0;
	_ =	sdelay $0x1  }
0x19b: {  	v10 =	vmin.f32 v7, v59;
	v7 =	vmax.f32 v7, v59  }
0x19c: {  	v7 =	vsel vm7, v10, v7  }
0x19d: {  	v60 =	vperm.xlane v7, v3;
	_ =	sdelay $0x1  }
0x19e: {  	v10 =	vmin.f32 v7, v60;
	v7 =	vmax.f32 v7, v60  }
0x19f: {  	v7 =	vsel vm9, v10, v7  }
0x1a0: {  	v61 =	vperm.xlane v7, v2;
	_ =	sdelay $0x1  }
0x1a1: {  	v10 =	vmin.f32 v7, v61;
	v7 =	vmax.f32 v7, v61  }
0x1a2: {  	v7 =	vsel vm4, v10, v7  }
0x1a3: {  	v62 =	vperm.xlane v7, v1;
	_ =	sdelay $0x1  }
0x1a4: {  	v10 =	vmin.f32 v7, v62;
	v7 =	vmax.f32 v7, v62  }
.Ltmp16:
0x1a5: {  	v7 =	vsel vm3, v10, v7;
	(pc) =	sbr.rel .LBB2_20-.Ltmp16, $4  }
0x1a6: {  	v63 =	vperm.xlane v7, v0  }
0x1a7: {  	s12 =	sand.u32 $0x7F0, s12  }
0x1a8: {  	[tilespmem:s12+$0x10800] =	vst v8;
	v7 =	vmin.f32 v7, v63  }
0x1a9: {  	s13 =	simm.s32 $0x0;
	s12 =	simm.s32 $0x0;
	[tilespmem:$0x11000] =	vst v5;
	v7 =	vbroadcast v7, $0x6  }
.LBB2_28:
0x1aa: {  	s13 =	sadd.s32 $0x1, s13  }
0x1ab: {  	p0 =	sne.s32 s13, $0x8  }
.Ltmp17:
0x1ac: {  	_ = 	snop;
	(pc) =	sbr.rel @!p0 .LBB2_29-.Ltmp17, $2  }
0x1ad: {  	_ =	sdelay $0x2  }
0x1ae: {  	s12 =	sadd.s32 $0x2000, s12  }
.LBB2_20:
0x1af: {  	s14 =	sshll.u32 s13, $0x8  }
0x1b0: {  	s14 =	sand.u32 $0x3FFFFF00, s14  }
0x1b1: {  	v8 =	vld [tilespmem:s14+$0x10800]  }
0x1b2: {  	v9 =	vld [tilespmem:s14+$0x10810]  }
0x1b3: {  	v10 =	vld [tilespmem:s14+$0x10820]  }
0x1b4: {  	v11 =	vld [tilespmem:s14+$0x10830]  }
0x1b5: {  	v12 =	vld [tilespmem:s14+$0x10840]  }
0x1b6: {  	v13 =	vld [tilespmem:s14+$0x10850]  }
0x1b7: {  	v14 =	vld [tilespmem:s14+$0x10860]  }
0x1b8: {  	v15 =	vld [tilespmem:s14+$0x10870]  }
0x1b9: {  	v16 =	vld [tilespmem:s14+$0x10880]  }
0x1ba: {  	v18 =	vld [tilespmem:s14+$0x10890]  }
0x1bb: {  	v20 =	vld [tilespmem:s14+$0x108A0]  }
0x1bc: {  	v22 =	vld [tilespmem:s14+$0x108B0]  }
0x1bd: {  	v24 =	vld [tilespmem:s14+$0x108C0]  }
0x1be: {  	v28 =	vld [tilespmem:s14+$0x108D0];
	v17 =	vperm.xlane v8, v0;
	v19 =	vperm.xlane v9, v0  }
0x1bf: {  	v30 =	vld [tilespmem:s14+$0x108E0];
	v62 =	vperm.xlane v10, v0;
	v21 =	vperm.xlane v11, v0  }
0x1c0: {  	v33 =	vld [tilespmem:s14+$0x108F0];
	v63 =	vperm.xlane v12, v0;
	v23 =	vperm.xlane v13, v0  }
0x1c1: {  	v29 =	vperm.xlane v14, v0;
	v32 =	vperm.xlane v15, v0  }
0x1c2: {  	v34 =	vperm.xlane v16, v0;
	v35 =	vperm.xlane v18, v0  }
0x1c3: {  	v36 =	vperm.xlane v20, v0;
	v37 =	vperm.xlane v22, v0  }
0x1c4: {  	v41 =	vperm.xlane v24, v0;
	v42 =	vperm.xlane v28, v0  }
0x1c5: {  	v44 =	vperm.xlane v30, v0;
	v45 =	vperm.xlane v33, v0;
	v8 =	vmax.f32 v8, v17  }
0x1c6: {  	v9 =	vmax.f32 v9, v19;
	v26 =	vmax.f32 v10, v62;
	v27 =	vmax.f32 v11, v21  }
0x1c7: {  	v12 =	vmax.f32 v12, v63;
	v13 =	vmax.f32 v13, v23;
	v14 =	vmax.f32 v14, v29  }
0x1c8: {  	v38 =	vmax.f32 v16, v34;
	v39 =	vmax.f32 v18, v35;
	v40 =	vmax.f32 v22, v37  }
0x1c9: {  	v43 =	vmax.f32 v24, v41;
	v11 =	vmax.f32 v28, v42;
	v48 =	vmax.f32 v30, v44  }
0x1ca: {  	v8 =	vsel vm8, v8, v9;
	v9 =	vsel vm8, v26, v27;
	v31 =	vsel vm8, v12, v13  }
0x1cb: {  	v12 =	vmax.f32 v15, v32;
	v15 =	vmax.f32 v20, v36;
	v11 =	vsel vm8, v43, v11  }
0x1cc: {  	v13 =	vmax.f32 v33, v45;
	v12 =	vsel vm8, v14, v12;
	v46 =	vperm.xlane v8, v1  }
0x1cd: {  	v14 =	vsel vm8, v38, v39;
	v47 =	vperm.xlane v9, v1;
	v49 =	vperm.xlane v31, v1  }
0x1ce: {  	v15 =	vsel vm8, v15, v40;
	v53 =	vperm.xlane v11, v1;
	v50 =	vperm.xlane v12, v1  }
0x1cf: {  	v13 =	vsel vm8, v48, v13;
	v51 =	vperm.xlane v14, v1;
	v52 =	vperm.xlane v15, v1  }
0x1d0: {  	v54 =	vperm.xlane v13, v1;
	v8 =	vmax.f32 v8, v46;
	v9 =	vmax.f32 v9, v47  }
0x1d1: {  	v10 =	vmax.f32 v31, v49;
	v11 =	vmax.f32 v11, v53;
	v8 =	vsel vm3, v8, v9  }
0x1d2: {  	v9 =	vmax.f32 v12, v50;
	v55 =	vmax.f32 v14, v51;
	v56 =	vmax.f32 v15, v52  }
0x1d3: {  	v57 =	vmax.f32 v13, v54;
	v9 =	vsel vm3, v10, v9;
	v10 =	vsel vm3, v55, v56  }
0x1d4: {  	v11 =	vsel vm3, v11, v57;
	v58 =	vperm.xlane v8, v2;
	v59 =	vperm.xlane v9, v2  }
0x1d5: {  	v14 =	vperm.xlane v10, v2;
	v60 =	vperm.xlane v11, v2  }
0x1d6: {  	v8 =	vmax.f32 v8, v58  }
0x1d7: {  	v9 =	vmax.f32 v9, v59;
	v10 =	vmax.f32 v10, v14;
	v11 =	vmax.f32 v11, v60  }
0x1d8: {  	v8 =	vsel vm4, v8, v9;
	v61 =	vsel vm4, v10, v11  }
0x1d9: {  	v62 =	vperm.xlane v8, v3;
	v11 =	vperm.xlane v61, v3;
	_ =	sdelay $0x1  }
0x1da: {  	v8 =	vmax.f32 v8, v62;
	v9 =	vmax.f32 v61, v11  }
0x1db: {  	v8 =	vsel vm9, v8, v9  }
0x1dc: {  	vm10 =	vge.f32 v8, v7  }
0x1dd: {  	v8 =	vnsel vm10, $0x0, v4  }
0x1de: {  	v63 =	vperm.xlane v8, v3;
	_ =	sdelay $0x1  }
0x1df: {  	v8 =	vor.u32 v63, v8  }
0x1e0: {  	v9 =	vperm.xlane v8, v2;
	_ =	sdelay $0x1  }
0x1e1: {  	v8 =	vor.u32 v9, v8  }
0x1e2: {  	v9 =	vperm.xlane v8, v1;
	_ =	sdelay $0x1  }
0x1e3: {  	v8 =	vor.u32 v9, v8  }
0x1e4: {  	v9 =	vperm.xlane v8, v0;
	_ =	sdelay $0x1  }
0x1e5: {  	v8 =	vor.u32 v9, v8  }
0x1e6: {  	(v2sf) =	vpush v8, $0x0;
	_ =	sdelay $0xe  }
0x1e7: {  	s14 =	spop (v2sf)  }
0x1e8: {  	p0 =	seq.s32 s14, $0x0  }
.Ltmp18:
0x1e9: {  	_ = 	snop;
	(pc) =	sbr.rel @p0 .LBB2_28-.Ltmp18, $1  }
0x1ea: {  	_ =	sdelay $0x3  }
.Ltmp19:
0x1eb: {  	(pc) =	sbr.rel .LBB2_22-.Ltmp19, $2  }
0x1ec: {  	_ =	sdelay $0x2  }
0x1ed: {  	s15 =	sshll.u32 s13, $0xC;
	s16 =	smov.u32 s12;
	s17 =	simm.s32 $0x0  }
.LBB2_27:
0x1ee: {  	s17 =	sadd.s32 $0x1, s17  }
0x1ef: {  	p0 =	sne.s32 s17, $0x10  }
.Ltmp20:
0x1f0: {  	_ = 	snop;
	(pc) =	sbr.rel @!p0 .LBB2_28-.Ltmp20, $2  }
0x1f1: {  	_ =	sdelay $0x2  }
0x1f2: {  	s16 =	sadd.s32 $0x200, s16  }
.LBB2_22:
0x1f3: {  	s18 =	sshrl.u32 s14, s17  }
0x1f4: {  	s18 =	sand.u32 $0x1, s18  }
0x1f5: {  	p0 =	seq.s32 s18, $0x0  }
.Ltmp21:
0x1f6: {  	_ = 	snop;
	(pc) =	sbr.rel @p0 .LBB2_27-.Ltmp21, $1  }
0x1f7: {  	_ =	sdelay $0x3  }
0x1f8: {  	s18 =	sshll.u32 s17, $0x8  }
0x1f9: {  	s18 =	sadd.s32 s15, s18  }
0x1fa: {  	s18 =	sshll.u32 s18, $0x1  }
0x1fb: {  	s18 =	sand.u32 $0x3FFFFFFE, s18  }
0x1fc: {  	v8 =	vld [tilespmem:s18+$0x80]  }
0x1fd: {  	v9 =	vld [tilespmem:s18+$0x90]  }
0x1fe: {  	v10 =	vld [tilespmem:s18+$0xA0]  }
0x1ff: {  	v11 =	vld [tilespmem:s18+$0xB0]  }
0x200: {  	v12 =	vld [tilespmem:s18+$0xC0]  }
0x201: {  	v13 =	vld [tilespmem:s18+$0xD0]  }
0x202: {  	v14 =	vld [tilespmem:s18+$0xE0]  }
0x203: {  	v15 =	vld [tilespmem:s18+$0xF0]  }
0x204: {  	v16 =	vld [tilespmem:s18+$0x180]  }
0x205: {  	v18 =	vld [tilespmem:s18+$0x190]  }
0x206: {  	v20 =	vld [tilespmem:s18+$0x1A0]  }
0x207: {  	v22 =	vld [tilespmem:s18+$0x1B0]  }
0x208: {  	v24 =	vld [tilespmem:s18+$0x1C0]  }
0x209: {  	v28 =	vld [tilespmem:s18+$0x1D0];
	v17 =	vperm.xlane v8, v0;
	v19 =	vperm.xlane v9, v0  }
0x20a: {  	v30 =	vld [tilespmem:s18+$0x1E0];
	v62 =	vperm.xlane v10, v0;
	v21 =	vperm.xlane v11, v0  }
0x20b: {  	v33 =	vld [tilespmem:s18+$0x1F0];
	v63 =	vperm.xlane v12, v0;
	v23 =	vperm.xlane v13, v0  }
0x20c: {  	v29 =	vperm.xlane v14, v0;
	v32 =	vperm.xlane v15, v0  }
0x20d: {  	v34 =	vperm.xlane v16, v0;
	v35 =	vperm.xlane v18, v0  }
0x20e: {  	v36 =	vperm.xlane v20, v0;
	v37 =	vperm.xlane v22, v0  }
0x20f: {  	v41 =	vperm.xlane v24, v0;
	v42 =	vperm.xlane v28, v0  }
0x210: {  	v44 =	vperm.xlane v30, v0;
	v45 =	vperm.xlane v33, v0;
	v8 =	vmax.f32 v8, v17  }
0x211: {  	v9 =	vmax.f32 v9, v19;
	v26 =	vmax.f32 v10, v62;
	v27 =	vmax.f32 v11, v21  }
0x212: {  	v12 =	vmax.f32 v12, v63;
	v13 =	vmax.f32 v13, v23;
	v14 =	vmax.f32 v14, v29  }
0x213: {  	v38 =	vmax.f32 v16, v34;
	v39 =	vmax.f32 v18, v35;
	v40 =	vmax.f32 v22, v37  }
0x214: {  	v43 =	vmax.f32 v24, v41;
	v11 =	vmax.f32 v28, v42;
	v48 =	vmax.f32 v30, v44  }
0x215: {  	v8 =	vsel vm8, v8, v9;
	v9 =	vsel vm8, v26, v27;
	v31 =	vsel vm8, v12, v13  }
0x216: {  	v12 =	vmax.f32 v15, v32;
	v15 =	vmax.f32 v20, v36;
	v11 =	vsel vm8, v43, v11  }
0x217: {  	v13 =	vmax.f32 v33, v45;
	v12 =	vsel vm8, v14, v12;
	v46 =	vperm.xlane v8, v1  }
0x218: {  	v14 =	vsel vm8, v38, v39;
	v47 =	vperm.xlane v9, v1;
	v49 =	vperm.xlane v31, v1  }
0x219: {  	v15 =	vsel vm8, v15, v40;
	v53 =	vperm.xlane v11, v1;
	v50 =	vperm.xlane v12, v1  }
0x21a: {  	v13 =	vsel vm8, v48, v13;
	v51 =	vperm.xlane v14, v1;
	v52 =	vperm.xlane v15, v1  }
0x21b: {  	v54 =	vperm.xlane v13, v1;
	v8 =	vmax.f32 v8, v46;
	v9 =	vmax.f32 v9, v47  }
0x21c: {  	v10 =	vmax.f32 v31, v49;
	v11 =	vmax.f32 v11, v53;
	v8 =	vsel vm3, v8, v9  }
0x21d: {  	v9 =	vmax.f32 v12, v50;
	v55 =	vmax.f32 v14, v51;
	v56 =	vmax.f32 v15, v52  }
0x21e: {  	v57 =	vmax.f32 v13, v54;
	v9 =	vsel vm3, v10, v9;
	v10 =	vsel vm3, v55, v56  }
0x21f: {  	v11 =	vsel vm3, v11, v57;
	v58 =	vperm.xlane v8, v2;
	v59 =	vperm.xlane v9, v2  }
0x220: {  	v14 =	vperm.xlane v10, v2;
	v60 =	vperm.xlane v11, v2  }
0x221: {  	v8 =	vmax.f32 v8, v58  }
0x222: {  	v9 =	vmax.f32 v9, v59;
	v10 =	vmax.f32 v10, v14;
	v11 =	vmax.f32 v11, v60  }
0x223: {  	v8 =	vsel vm4, v8, v9;
	v61 =	vsel vm4, v10, v11  }
0x224: {  	v62 =	vperm.xlane v8, v3;
	v11 =	vperm.xlane v61, v3;
	_ =	sdelay $0x1  }
0x225: {  	v8 =	vmax.f32 v8, v62;
	v9 =	vmax.f32 v61, v11  }
0x226: {  	v8 =	vsel vm9, v8, v9  }
0x227: {  	vm10 =	vge.f32 v8, v7  }
0x228: {  	v8 =	vnsel vm10, $0x0, v4  }
0x229: {  	v63 =	vperm.xlane v8, v3;
	_ =	sdelay $0x1  }
0x22a: {  	v8 =	vor.u32 v63, v8  }
0x22b: {  	v9 =	vperm.xlane v8, v2;
	_ =	sdelay $0x1  }
0x22c: {  	v8 =	vor.u32 v9, v8  }
0x22d: {  	v9 =	vperm.xlane v8, v1;
	_ =	sdelay $0x1  }
0x22e: {  	v8 =	vor.u32 v9, v8  }
0x22f: {  	v9 =	vperm.xlane v8, v0;
	_ =	sdelay $0x1  }
0x230: {  	v8 =	vor.u32 v9, v8  }
0x231: {  	(v2sf) =	vpush v8, $0x0;
	_ =	sdelay $0xa  }
.Ltmp22:
0x232: {  	_ = 	snop;
	(pc) =	sbr.rel .LBB2_24-.Ltmp22, $3  }
0x233: {  	_ =	sdelay $0x1  }
0x234: {  	s19 =	simm.s32 $0x0  }
0x235: {  	s20 =	smov.u32 s16;
	s21 =	simm.s32 $0x0;
	s18 =	spop (v2sf)  }
.LBB2_26:
0x236: {  	s19 =	sadd.s32 $0x10, s19  }
0x237: {  	p0 =	sne.s32 s19, $0x100  }
.Ltmp23:
0x238: {  	_ = 	snop;
	(pc) =	sbr.rel @!p0 .LBB2_27-.Ltmp23, $2  }
0x239: {  	_ =	sdelay $0x2  }
0x23a: {  	s21 =	sadd.s32 $0x1, s21;
	s20 =	sadd.s32 $0x20, s20  }
.LBB2_24:
0x23b: {  	s22 =	sshrl.u32 s18, s21  }
0x23c: {  	s22 =	sand.u32 $0x1, s22  }
0x23d: {  	p0 =	seq.s32 s22, $0x0  }
.Ltmp24:
0x23e: {  	_ = 	snop;
	(pc) =	sbr.rel @p0 .LBB2_26-.Ltmp24, $1  }
0x23f: {  	_ =	sdelay $0x3  }
0x240: {  	s22 =	sand.u32 $0x70, s19;
	s23 =	sand.u32 $0xFF00, s20  }
0x241: {  	s22 =	sor.u32 s22, s23  }
0x242: {  	v8 =	vld [tilespmem:s22+$0x80];
	_ =	sdelay $0x4  }
0x243: {  	v9 =	vperm.xlane v8, v0;
	_ =	sdelay $0x1  }
0x244: {  	v10 =	vmin.f32 v8, v9;
	v8 =	vmax.f32 v8, v9  }
0x245: {  	v8 =	vsel vm0, v10, v8  }
0x246: {  	v50 =	vperm.xlane v8, v1;
	_ =	sdelay $0x1  }
0x247: {  	v10 =	vmin.f32 v8, v50;
	v8 =	vmax.f32 v8, v50  }
0x248: {  	v8 =	vsel vm1, v10, v8  }
0x249: {  	v51 =	vperm.xlane v8, v0;
	_ =	sdelay $0x1  }
0x24a: {  	v10 =	vmin.f32 v8, v51;
	v8 =	vmax.f32 v8, v51  }
0x24b: {  	v8 =	vsel vm5, v10, v8  }
0x24c: {  	v52 =	vperm.xlane v8, v2;
	_ =	sdelay $0x1  }
0x24d: {  	v10 =	vmin.f32 v8, v52;
	v8 =	vmax.f32 v8, v52  }
0x24e: {  	v8 =	vsel vm6, v10, v8  }
0x24f: {  	v53 =	vperm.xlane v8, v1;
	_ =	sdelay $0x1  }
0x250: {  	v10 =	vmin.f32 v8, v53;
	v8 =	vmax.f32 v8, v53  }
0x251: {  	v8 =	vsel vm2, v10, v8  }
0x252: {  	v54 =	vperm.xlane v8, v0;
	_ =	sdelay $0x1  }
0x253: {  	v10 =	vmin.f32 v8, v54;
	v8 =	vmax.f32 v8, v54  }
0x254: {  	v8 =	vsel vm7, v10, v8  }
0x255: {  	v55 =	vperm.xlane v8, v3;
	_ =	sdelay $0x1  }
0x256: {  	v10 =	vmin.f32 v8, v55;
	v8 =	vmax.f32 v8, v55  }
0x257: {  	v8 =	vsel vm9, v10, v8  }
0x258: {  	v56 =	vperm.xlane v8, v2;
	_ =	sdelay $0x1  }
0x259: {  	v10 =	vmin.f32 v8, v56;
	v8 =	vmax.f32 v8, v56  }
0x25a: {  	v8 =	vsel vm4, v10, v8  }
0x25b: {  	v57 =	vperm.xlane v8, v1;
	_ =	sdelay $0x1  }
0x25c: {  	v10 =	vmin.f32 v8, v57;
	v8 =	vmax.f32 v8, v57  }
0x25d: {  	v8 =	vsel vm3, v10, v8  }
0x25e: {  	v58 =	vperm.xlane v8, v0  }
0x25f: {  	v59 =	vld [tilespmem:$0x11000]  }
0x260: {  	v11 =	vmin.f32 v8, v58;
	v8 =	vmax.f32 v8, v58  }
0x261: {  	v8 =	vsel vm8, v11, v8  }
0x262: {  	v8 =	vperm.xlane v8, v6;
	_ =	sdelay $0x1  }
0x263: {  	v8 =	vmax.f32 v59, v8  }
0x264: {  	v60 =	vperm.xlane v8, v3;
	_ =	sdelay $0x1  }
0x265: {  	v10 =	vmin.f32 v8, v60;
	v8 =	vmax.f32 v8, v60  }
0x266: {  	v8 =	vsel vm9, v10, v8  }
0x267: {  	v61 =	vperm.xlane v8, v2;
	_ =	sdelay $0x1  }
0x268: {  	v10 =	vmin.f32 v8, v61;
	v8 =	vmax.f32 v8, v61  }
0x269: {  	v8 =	vsel vm4, v10, v8  }
0x26a: {  	v62 =	vperm.xlane v8, v1;
	_ =	sdelay $0x1  }
0x26b: {  	v10 =	vmin.f32 v8, v62;
	v8 =	vmax.f32 v8, v62  }
0x26c: {  	v8 =	vsel vm3, v10, v8  }
.Ltmp25:
0x26d: {  	v63 =	vperm.xlane v8, v0;
	(pc) =	sbr.rel .LBB2_26-.Ltmp25, $4  }
0x26e: {  	_ = 	snop  }
0x26f: {  	v10 =	vmin.f32 v8, v63;
	v8 =	vmax.f32 v8, v63  }
0x270: {  	v8 =	vsel vm8, v10, v8  }
0x271: {  	[tilespmem:$0x11000] =	vst v8  }
.LBB2_30:
0x272: {  	_ =	sfence.sel $0x180000  }
0x273: {  	[bflag:$0x0] =	sbarrier.arrive $0xFFFF  }
0x274: {  	p0 =	sne.s32 s0, $0x0;
	_ =	strace $0x90000047  }
0x275: {  	s0 =	sadd.s32 @!p0 $0x100000, s1;
	[bflag:$0x2] =	sbarrier.arrive $0xFFFF  }
0x276: {  	[sflag:s0] =	ssyncadd.tile.s32 @!p0 $0x1;
	_ =	shalt  }
.Lfunc_end2:
_tile_overlayer_lowered:
.L_overlay_start_2:
0x277: {  	(tag) =	ssettag $0x2  }
0x278: {  	s0 =	rddreg [dreg:$0x0];
	s2 =	stileid.u32  }
0x279: {  	s1 =	rddreg [dreg:$0x1];
	p0 =	sne.s32 s2, $0x0  }
0x27a: {  	s3 =	rddreg [dreg:$0x2];
	[bflag:$0x3] =	sbarrier.arrive $0xFFFF;
	s2 =	simm.s32 @!p0 $0x1C03  }
0x27b: {  	[timem:s3], [sflag:s2] =	dma.local @!p0 [hbm:s0], s1  }
0x27c: {  	s0 =	simm.s32 @!p0 $0x3  }
0x27d: {  	_ =	swait.ge @!p0 [sflag:s0], s1  }
0x27e: {  	s1 =	ssub.s32 @!p0 $0x0, s1;
	[sflag:s0] =	ssyncset.done @!p0 $0x0  }
0x27f: {  	[sflag:s0] =	ssyncadd.s32 @!p0 s1  }
0x280: {  	[bflag:$0x3] =	sbarrier.arrive $0xFFFF  }
0x281: {  	_ =	shalt  }

</sc_bundles>
